<compile_context>
chip_gen: v7x
topology: tpu7x:2x2x1
jax: 0.10.2.dev20260603
libtpu: 0.0.44.dev20260713+nightly
codegen_flags: <defaults>
</compile_context>

<pallas_src>
import functools

import jax
import jax.numpy as jnp
from jax import lax
from jax.experimental import pallas as pl
from jax.experimental.pallas import tpu as pltpu
from jax.experimental.pallas import tpu_sc as plsc

N = 10000
E = 320000
D = 128
G = 16

NW = 32
CHUNK = 128
NCH = 80
EP = NW * NCH * CHUNK
P = 10240
RPT = P // 16

_f32 = jnp.float32
_i32 = jnp.int32


def _mesh():
    return plsc.VectorSubcoreMesh(core_axis_name="c", subcore_axis_name="s")



def _deg_call(dstp, ones_rows, z16):
    @functools.partial(
        pl.kernel,
        out_type=jax.ShapeDtypeStruct((2, P, 8), _f32),
        mesh=_mesh(),
        compiler_params=pltpu.CompilerParams(use_tc_tiling_on_sc=False),
        scratch_types=[
            pltpu.VMEM((NCH, CHUNK), _i32),
            pltpu.VMEM((CHUNK, 8), _f32),
            pltpu.VMEM_SHARED((P, 8), _f32),
            pltpu.SemaphoreType.DMA,
            pltpu.SemaphoreType.DMA,
            pltpu.SemaphoreType.DMA,
        ],
    )
    def deg_kernel(dst_hbm, ones_hbm, z_hbm, out_hbm, dstv, onesv, acc,
                   sd, sp0, sp1):
        c = lax.axis_index("c")
        s = lax.axis_index("s")
        wid = s * 2 + c
        d0 = pltpu.async_copy(z_hbm, acc.at[pl.ds(s * RPT, RPT)], sp0)
        d1 = pltpu.async_copy(ones_hbm, onesv, sp1)
        d2 = pltpu.async_copy(dst_hbm.at[wid], dstv, sd)
        d0.wait()
        d1.wait()
        d2.wait()
        plsc.subcore_barrier()

        def ebody(j, carry):
            pltpu.async_copy(onesv, acc.at[dstv.at[j]], sd, add=True)
            return carry

        lax.fori_loop(0, NCH, ebody, 0)

        def dbody(j, carry):
            pltpu.make_async_copy(onesv, acc.at[dstv.at[0]], sd).wait()
            return carry

        lax.fori_loop(0, NCH, dbody, 0)
        plsc.subcore_barrier()
        pltpu.sync_copy(acc.at[pl.ds(s * RPT, RPT)],
                        out_hbm.at[c, pl.ds(s * RPT, RPT)])

    return deg_kernel(dstp, ones_rows, z16)



def _msg_call(srcp, dstp, hp, zrows, F, stage):
    @functools.partial(
        pl.kernel,
        out_type=jax.ShapeDtypeStruct((2, P, F), _f32),
        mesh=_mesh(),
        compiler_params=pltpu.CompilerParams(use_tc_tiling_on_sc=False),
        scratch_types=[
            pltpu.VMEM((NCH, CHUNK), _i32),
            pltpu.VMEM((NCH, CHUNK), _i32),
            pltpu.VMEM((CHUNK, F), _f32),
            pltpu.VMEM((CHUNK, F), _f32),
            pltpu.VMEM((CHUNK, F), _f32),
            pltpu.VMEM((CHUNK, F), _f32),
            pltpu.VMEM_SHARED((P, F if stage else 1), _f32),
            pltpu.VMEM_SHARED((P, F), _f32),
            pltpu.SemaphoreType.DMA,
            pltpu.SemaphoreType.DMA,
            pltpu.SemaphoreType.DMA,
            pltpu.SemaphoreType.DMA,
            pltpu.SemaphoreType.DMA,
            pltpu.SemaphoreType.DMA,
            pltpu.SemaphoreType.DMA,
            pltpu.SemaphoreType.DMA,
        ],
    )
    def msg_kernel(src_hbm, dst_hbm, h_hbm, z_hbm, out_hbm,
                   srcv, dstv, g0, g1, g2, g3, hs, acc,
                   sg0, sg1, sg2, sg3, ss0, ss1, ss2, ss3):
        c = lax.axis_index("c")
        s = lax.axis_index("s")
        wid = s * 2 + c
        gb = [g0, g1, g2, g3]
        sg = [sg0, sg1, sg2, sg3]
        ss = [ss0, ss1, ss2, ss3]
        d0 = pltpu.async_copy(z_hbm, acc.at[pl.ds(s * RPT, RPT)], sg0)
        if stage:
            d1 = pltpu.async_copy(h_hbm.at[pl.ds(s * RPT, RPT)],
                                  hs.at[pl.ds(s * RPT, RPT)], sg1)
        htab = hs if stage else h_hbm
        d2 = pltpu.async_copy(src_hbm.at[wid], srcv, sg2)
        d3 = pltpu.async_copy(dst_hbm.at[wid], dstv, sg3)
        d0.wait()
        if stage:
            d1.wait()
        d2.wait()
        d3.wait()
        plsc.subcore_barrier()

        for b in range(4):
            pltpu.async_copy(htab.at[srcv.at[b]], gb[b], sg[b])

        def body(g, carry):
            for b in range(4):
                j = g * 4 + b
                pltpu.make_async_copy(htab.at[srcv.at[j]], gb[b], sg[b]).wait()
                pltpu.async_copy(gb[b], acc.at[dstv.at[j]], ss[b], add=True)
                bp = (b + 3) & 3
                ok = jnp.logical_and(j >= 1, j <= NCH - 4)

                @pl.when(ok)
                def _():
                    pltpu.make_async_copy(gb[bp], acc.at[dstv.at[0]],
                                          ss[bp]).wait()
                    pltpu.async_copy(htab.at[srcv.at[j + 3]], gb[bp], sg[bp])

            return carry

        lax.fori_loop(0, NCH // 4, body, 0)
        for b in range(4):
            pltpu.make_async_copy(gb[b], acc.at[dstv.at[0]], ss[b]).wait()
        plsc.subcore_barrier()
        pltpu.sync_copy(acc.at[pl.ds(s * RPT, RPT)],
                        out_hbm.at[c, pl.ds(s * RPT, RPT)])

    return msg_kernel(srcp, dstp, hp, zrows)



def _tcA(deg2, x_p, W1):
    def body(deg_ref, x_ref, w_ref, dinv_ref, h_ref):
        d = deg_ref[...]
        deg = (d[0] + d[1])[:, :1]
        dinv = lax.rsqrt(deg + 1.0)
        dinv_ref[...] = dinv
        h_ref[...] = jnp.dot(x_ref[...], w_ref[...],
                             preferred_element_type=_f32) * dinv

    return pl.pallas_call(
        body,
        out_shape=[jax.ShapeDtypeStruct((P, 1), _f32),
                   jax.ShapeDtypeStruct((P, W1.shape[1]), _f32)],
    )(deg2, x_p, W1)


def _tcB(s_parts, hp, dinv, b, g, be, Wn):
    Fn = Wn.shape[1]
    npart = len(s_parts)

    def body(*refs):
        s_refs = refs[:npart]
        (hp_ref, dinv_ref, b_ref, g_ref, be_ref, w_ref, out_ref) = refs[npart:]
        dinv = dinv_ref[...]
        stot = jnp.concatenate([r[0] + r[1] for r in s_refs], axis=1)
        pre = (stot + hp_ref[...]) * dinv + b_ref[...]
        rows = lax.broadcasted_iota(_i32, (P, 1), 0)
        m = rows < N
        prem = jnp.where(m, pre, 0.0)
        mean = jnp.sum(prem, axis=0, keepdims=True) * (1.0 / N)
        d = pre - mean
        var = jnp.sum(jnp.where(m, d * d, 0.0), axis=0, keepdims=True) * (1.0 / N)
        h = jnp.maximum(g_ref[...] * d * lax.rsqrt(var + 1e-5) + be_ref[...], 0.0)
        out_ref[...] = jnp.dot(h, w_ref[...], preferred_element_type=_f32) * dinv

    return pl.pallas_call(
        body,
        out_shape=jax.ShapeDtypeStruct((P, Fn), _f32),
    )(*s_parts, hp, dinv, b, g, be, Wn)


def _tcC(s2, hp, dinv, b, g, be, batch_col, Wf1, bf1, Wf2, bf2):
    def body(s_ref, hp_ref, dinv_ref, b_ref, g_ref, be_ref, batch_ref,
             wf1_ref, bf1_ref, wf2_ref, bf2_ref, out_ref):
        dinv = dinv_ref[...]
        pre = (s_ref[0] + s_ref[1] + hp_ref[...]) * dinv + b_ref[...]
        rows = lax.broadcasted_iota(_i32, (P, 1), 0)
        m = rows < N
        prem = jnp.where(m, pre, 0.0)
        mean = jnp.sum(prem, axis=0, keepdims=True) * (1.0 / N)
        d = pre - mean
        var = jnp.sum(jnp.where(m, d * d, 0.0), axis=0, keepdims=True) * (1.0 / N)
        h = jnp.maximum(g_ref[...] * d * lax.rsqrt(var + 1e-5) + be_ref[...], 0.0)
        bcol = batch_ref[...]
        sums = []
        cnts = []
        for gi in range(G):
            sel = bcol == gi
            sums.append(jnp.sum(jnp.where(sel, h, 0.0), axis=0, keepdims=True))
            cnts.append(jnp.sum(jnp.where(sel, 1.0, 0.0), axis=0, keepdims=True))
        pooled = jnp.concatenate(sums, axis=0) / jnp.maximum(
            jnp.concatenate(cnts, axis=0), 1.0)
        o = jnp.maximum(jnp.dot(pooled, wf1_ref[...],
                                preferred_element_type=_f32) + bf1_ref[...], 0.0)
        out_ref[...] = jnp.dot(o, wf2_ref[...],
                               preferred_element_type=_f32) + bf2_ref[...]

    return pl.pallas_call(
        body,
        out_shape=jax.ShapeDtypeStruct((G, 1), _f32),
    )(s2, hp, dinv, b, g, be, batch_col, Wf1, bf1, Wf2, bf2)



def kernel(x, edge_index, batch, W1, b1, g1, be1, W2, b2, g2, be2,
           W3, b3, g3, be3, Wf1, bf1, Wf2, bf2):
    src = edge_index[0]
    dst = edge_index[1]
    pad = jnp.full((EP - E,), N, _i32)
    srcp = jnp.concatenate([src, pad]).reshape(NW, NCH, CHUNK)
    dstp = jnp.concatenate([dst, pad]).reshape(NW, NCH, CHUNK)
    x_p = jnp.zeros((P, D), _f32).at[:N].set(x)
    z16 = jnp.zeros((RPT, 8), _f32)
    z32 = jnp.zeros((RPT, 32), _f32)
    ones_rows = jnp.ones((CHUNK, 8), _f32)

    deg2 = _deg_call(dstp, ones_rows, z16)

    dinv, h1p = _tcA(deg2, x_p, W1)
    s1 = _msg_call(srcp, dstp, h1p, z32, 32, True)
    h2p = _tcB([s1], h1p, dinv, b1.reshape(1, -1), g1.reshape(1, -1),
               be1.reshape(1, -1), W2)
    s2a = _msg_call(srcp, dstp, h2p[:, :32], z32, 32, True)
    s2b = _msg_call(srcp, dstp, h2p[:, 32:], z32, 32, True)
    h3p = _tcB([s2a, s2b], h2p, dinv,
               b2.reshape(1, -1), g2.reshape(1, -1),
               be2.reshape(1, -1), W3)
    s3 = _msg_call(srcp, dstp, h3p, z32, 32, True)

    batch_col = jnp.full((P,), -1, _i32).at[:N].set(batch).reshape(P, 1)
    return _tcC(s3, h3p, dinv, b3.reshape(1, -1), g3.reshape(1, -1),
                be3.reshape(1, -1), batch_col, Wf1, bf1.reshape(1, -1),
                Wf2, bf2.reshape(1, 1))

# --- scband reference (transcript-rebuilt; emitter-appended) ---
"""Pipeline reference for scband-improved-gnn-91345364451329 (READ-ONLY COPY).

The authoritative reference and input builder live on the scoring server;
editing this copy changes nothing except your own understanding.
"""

import jax, jax.numpy as jnp
import numpy as np

N = 10000
E = 320000
D = 128
G = 16


def gcn_conv(x, edge_index, W, b):
    n = x.shape[0]
    loop = jnp.arange(n, dtype=edge_index.dtype)
    src = jnp.concatenate([edge_index[0], loop])
    dst = jnp.concatenate([edge_index[1], loop])
    deg = jax.ops.segment_sum(jnp.ones(src.shape[0], dtype=x.dtype), dst, num_segments=n)
    dinv = jnp.where(deg > 0, 1.0 / jnp.sqrt(deg), 0.0)
    norm = dinv[src] * dinv[dst]
    h = x @ W
    msg = h[src] * norm[:, None]
    out = jax.ops.segment_sum(msg, dst, num_segments=n)
    return out + b


def batch_norm(x, gamma, beta, eps=1e-5):
    mean = jnp.mean(x, axis=0)
    var = jnp.var(x, axis=0)
    return gamma * (x - mean) / jnp.sqrt(var + eps) + beta


def setup_inputs(seed: int = 0) -> dict:
    key = jax.random.key(seed)
    ks = jax.random.split(key, 24)
    x = jax.random.normal(ks[0], (N, D), dtype=jnp.float32)
    edge_index = jax.random.randint(ks[1], (2, E), 0, N, dtype=jnp.int32)
    batch = jnp.sort(jax.random.randint(ks[2], (N,), 0, G, dtype=jnp.int32))
    def lin(k, fi, fo):
        kw, kb = jax.random.split(k)
        W = jax.random.normal(kw, (fi, fo), dtype=jnp.float32) / np.sqrt(fi)
        b = jax.random.normal(kb, (fo,), dtype=jnp.float32) * 0.01
        return W, b
    W1, b1 = lin(ks[3], D, 32)
    W2, b2 = lin(ks[4], 32, 64)
    W3, b3 = lin(ks[5], 64, 32)
    Wf1, bf1 = lin(ks[6], 32, 16)
    Wf2, bf2 = lin(ks[7], 16, 1)
    g1 = jnp.ones((32,), jnp.float32); be1 = jnp.zeros((32,), jnp.float32)
    g2 = jnp.ones((64,), jnp.float32); be2 = jnp.zeros((64,), jnp.float32)
    g3 = jnp.ones((32,), jnp.float32); be3 = jnp.zeros((32,), jnp.float32)
    return {"x": x, "edge_index": edge_index, "batch": batch,
            "W1": W1, "b1": b1, "g1": g1, "be1": be1,
            "W2": W2, "b2": b2, "g2": g2, "be2": be2,
            "W3": W3, "b3": b3, "g3": g3, "be3": be3,
            "Wf1": Wf1, "bf1": bf1, "Wf2": Wf2, "bf2": bf2}


def reference(x, edge_index, batch, W1, b1, g1, be1, W2, b2, g2, be2, W3, b3, g3, be3, Wf1, bf1, Wf2, bf2):
    h = jax.nn.relu(batch_norm(gcn_conv(x, edge_index, W1, b1), g1, be1))
    h = jax.nn.relu(batch_norm(gcn_conv(h, edge_index, W2, b2), g2, be2))
    h = jax.nn.relu(batch_norm(gcn_conv(h, edge_index, W3, b3), g3, be3))
    sums = jax.ops.segment_sum(h, batch, num_segments=G)
    cnt = jax.ops.segment_sum(jnp.ones((h.shape[0],), h.dtype), batch, num_segments=G)
    pooled = sums / jnp.maximum(cnt, 1.0)[:, None]
    # dropout: identity in eval mode
    o = jax.nn.relu(pooled @ Wf1 + bf1)
    return o @ Wf2 + bf2

if __name__ == "__main__":
    import jax
    _d = setup_inputs()
    print(jax.jit(kernel)(*tuple(_d.values())))

</pallas_src>

<mosaic_0001>
#map = affine_map<(d0, d1) -> (0, 0, 0)>
#map1 = affine_map<(d0, d1) -> (0, 0)>
module attributes {stable_mosaic.version = 14 : i64} {
  func.func @deg_kernel(%arg0: i32, %arg1: i32, %arg2: memref<32x80x128xi32, #tpu.memory_space<hbm>>, %arg3: memref<128x8xf32, #tpu.memory_space<hbm>>, %arg4: memref<640x8xf32, #tpu.memory_space<hbm>>, %arg5: memref<2x10240x8xf32, #tpu.memory_space<hbm>>, %arg6: memref<80x128xi32, #tpu.memory_space<vmem>>, %arg7: memref<128x8xf32, #tpu.memory_space<vmem>>, %arg8: memref<10240x8xf32, #tpu.memory_space<vmem_shared>>, %arg9: memref<!tpu.dma_semaphore, #tpu.memory_space<semaphore_mem>>, %arg10: memref<!tpu.dma_semaphore, #tpu.memory_space<semaphore_mem>>, %arg11: memref<!tpu.dma_semaphore, #tpu.memory_space<semaphore_mem>>) attributes {dimension_semantics = [#tpu.dimension_semantics<core_parallel>, #tpu.dimension_semantics<subcore_parallel>], iteration_bounds = array<i64: 2, 16>, scalar_prefetch = 0 : i64, scratch_operands = 6 : i64, tpu.core_type = #tpu.core_type<sc_vector_subcore>, window_params = [{transform_indices = #map}, {transform_indices = #map1}, {transform_indices = #map1}, {transform_indices = #map}]} {
    %mul3A = arith.constant 2 : i32
    %mul3A_0 = arith.muli %arg1, %mul3A : i32
    %add3A = arith.addi %mul3A_0, %arg0 : i32
    %mul3A_1 = arith.constant 640 : i32
    %mul3A_2 = arith.muli %arg1, %mul3A_1 : i32
    %dma_start3A = arith.constant 0 : i32
    %dma_start3A_3 = tpu.memref_slice %arg8[%mul3A_2, %dma_start3A] : memref<10240x8xf32, #tpu.memory_space<vmem_shared>> -> memref<640x8xf32, #tpu.memory_space<vmem_shared>>
    tpu.enqueue_dma source(%arg4 : memref<640x8xf32, #tpu.memory_space<hbm>>) target(%dma_start3A_3 : memref<640x8xf32, #tpu.memory_space<vmem_shared>>) target_semaphore(%arg10 : memref<!tpu.dma_semaphore, #tpu.memory_space<semaphore_mem>>)
    tpu.enqueue_dma source(%arg3 : memref<128x8xf32, #tpu.memory_space<hbm>>) target(%arg7 : memref<128x8xf32, #tpu.memory_space<vmem>>) target_semaphore(%arg11 : memref<!tpu.dma_semaphore, #tpu.memory_space<semaphore_mem>>)
    %dma_start3A_4 = arith.constant 0 : i32
    %dma_start3A_5 = arith.constant 0 : i32
    %dma_start3A_6 = tpu.memref_slice %arg2[%add3A, %dma_start3A_4, %dma_start3A_5] : memref<32x80x128xi32, #tpu.memory_space<hbm>> -> memref<1x80x128xi32, #tpu.memory_space<hbm>>
    %dma_start3A_7 = tpu.memref_squeeze %dma_start3A_6 : memref<1x80x128xi32, #tpu.memory_space<hbm>> -> memref<80x128xi32, #tpu.memory_space<hbm>>
    %dma_start3A_8 = arith.constant 0 : i32
    %dma_start3A_9 = arith.constant 0 : i32
    %dma_start3A_10 = tpu.memref_slice %arg2[%add3A, %dma_start3A_8, %dma_start3A_9] : memref<32x80x128xi32, #tpu.memory_space<hbm>> -> memref<1x80x128xi32, #tpu.memory_space<hbm>>
    %dma_start3A_11 = tpu.memref_squeeze %dma_start3A_10 : memref<1x80x128xi32, #tpu.memory_space<hbm>> -> memref<80x128xi32, #tpu.memory_space<hbm>>
    tpu.enqueue_dma source(%dma_start3A_11 : memref<80x128xi32, #tpu.memory_space<hbm>>) target(%arg6 : memref<80x128xi32, #tpu.memory_space<vmem>>) target_semaphore(%arg9 : memref<!tpu.dma_semaphore, #tpu.memory_space<semaphore_mem>>)
    %dma_wait3A = arith.constant 0 : i32
    %dma_wait3A_12 = tpu.memref_slice %arg8[%mul3A_2, %dma_wait3A] : memref<10240x8xf32, #tpu.memory_space<vmem_shared>> -> memref<640x8xf32, #tpu.memory_space<vmem_shared>>
    tpu.wait_dma2 semaphore(%arg10 : memref<!tpu.dma_semaphore, #tpu.memory_space<semaphore_mem>>) src(%arg4 : memref<640x8xf32, #tpu.memory_space<hbm>>) dst(%dma_wait3A_12 : memref<640x8xf32, #tpu.memory_space<vmem_shared>>)
    tpu.wait_dma2 semaphore(%arg11 : memref<!tpu.dma_semaphore, #tpu.memory_space<semaphore_mem>>) src(%arg3 : memref<128x8xf32, #tpu.memory_space<hbm>>) dst(%arg7 : memref<128x8xf32, #tpu.memory_space<vmem>>)
    %dma_wait3A_13 = arith.constant 0 : i32
    %dma_wait3A_14 = arith.constant 0 : i32
    %dma_wait3A_15 = tpu.memref_slice %arg2[%add3A, %dma_wait3A_13, %dma_wait3A_14] : memref<32x80x128xi32, #tpu.memory_space<hbm>> -> memref<1x80x128xi32, #tpu.memory_space<hbm>>
    %dma_wait3A_16 = tpu.memref_squeeze %dma_wait3A_15 : memref<1x80x128xi32, #tpu.memory_space<hbm>> -> memref<80x128xi32, #tpu.memory_space<hbm>>
    %dma_wait3A_17 = arith.constant 0 : i32
    %dma_wait3A_18 = arith.constant 0 : i32
    %dma_wait3A_19 = tpu.memref_slice %arg2[%add3A, %dma_wait3A_17, %dma_wait3A_18] : memref<32x80x128xi32, #tpu.memory_space<hbm>> -> memref<1x80x128xi32, #tpu.memory_space<hbm>>
    %dma_wait3A_20 = tpu.memref_squeeze %dma_wait3A_19 : memref<1x80x128xi32, #tpu.memory_space<hbm>> -> memref<80x128xi32, #tpu.memory_space<hbm>>
    tpu.wait_dma2 semaphore(%arg9 : memref<!tpu.dma_semaphore, #tpu.memory_space<semaphore_mem>>) src(%dma_wait3A_20 : memref<80x128xi32, #tpu.memory_space<hbm>>) dst(%arg6 : memref<80x128xi32, #tpu.memory_space<vmem>>)
    %barrier3A = arith.constant 0 : index
    tpu.barrier barrier_id(%barrier3A)
    %scan3A = arith.constant 0 : i32
    %scan3A_21 = arith.constant 0 : i32
    %scan3A_22 = arith.constant 80 : i32
    %scan3A_23 = arith.addi %scan3A_21, %scan3A_22 : i32
    %scan3A_24 = arith.constant 1 : i32
    scf.for %scan3A_37 = %scan3A_21 to %scan3A_23 step %scan3A_24  : i32 {
      %dma_start3A_38 = arith.constant 0 : i32
      %dma_start3A_39 = tpu.memref_slice %arg6[%scan3A_37, %dma_start3A_38] : memref<80x128xi32, #tpu.memory_space<vmem>> -> memref<1x128xi32, #tpu.memory_space<vmem>>
      %dma_start3A_40 = tpu.memref_squeeze %dma_start3A_39 : memref<1x128xi32, #tpu.memory_space<vmem>> -> memref<128xi32, #tpu.memory_space<vmem>>
      %dma_start3A_41 = arith.constant 0 : i32
      %dma_start3A_42 = arith.constant 0 : i32
      %dma_start3A_43 = tpu.memref_slice %arg8[%dma_start3A_41, %dma_start3A_42] : memref<10240x8xf32, #tpu.memory_space<vmem_shared>> -> memref<10240x8xf32, #tpu.memory_space<vmem_shared>>
      tpu.enqueue_indirect_dma source(%arg7 : memref<128x8xf32, #tpu.memory_space<vmem>>) target(%dma_start3A_43 : memref<10240x8xf32, #tpu.memory_space<vmem_shared>>) offsets(%dma_start3A_40 : memref<128xi32, #tpu.memory_space<vmem>>) semaphore(%arg9 : memref<!tpu.dma_semaphore, #tpu.memory_space<semaphore_mem>>) {add = true}
    }
    %scan3A_25 = arith.constant 80 : i32
    %scan3A_26 = arith.constant 0 : i32
    %scan3A_27 = arith.constant 0 : i32
    %scan3A_28 = arith.constant 80 : i32
    %scan3A_29 = arith.addi %scan3A_27, %scan3A_28 : i32
    %scan3A_30 = arith.constant 1 : i32
    scf.for %scan3A_37 = %scan3A_27 to %scan3A_29 step %scan3A_30  : i32 {
      %dma_wait3A_38 = arith.constant 0 : i32
      %dma_wait3A_39 = arith.constant 0 : i32
      %dma_wait3A_40 = tpu.memref_slice %arg6[%dma_wait3A_38, %dma_wait3A_39] : memref<80x128xi32, #tpu.memory_space<vmem>> -> memref<1x128xi32, #tpu.memory_space<vmem>>
      %dma_wait3A_41 = tpu.memref_squeeze %dma_wait3A_40 : memref<1x128xi32, #tpu.memory_space<vmem>> -> memref<128xi32, #tpu.memory_space<vmem>>
      %dma_wait3A_42 = arith.constant 0 : i32
      %dma_wait3A_43 = arith.constant 0 : i32
      %dma_wait3A_44 = tpu.memref_slice %arg8[%dma_wait3A_42, %dma_wait3A_43] : memref<10240x8xf32, #tpu.memory_space<vmem_shared>> -> memref<10240x8xf32, #tpu.memory_space<vmem_shared>>
      tpu.wait_indirect_dma semaphore(%arg9 : memref<!tpu.dma_semaphore, #tpu.memory_space<semaphore_mem>>) src(%arg7 : memref<128x8xf32, #tpu.memory_space<vmem>>) dst(%dma_wait3A_44 : memref<10240x8xf32, #tpu.memory_space<vmem_shared>>)
    }
    %scan3A_31 = arith.constant 80 : i32
    %barrier3A_32 = arith.constant 0 : index
    tpu.barrier barrier_id(%barrier3A_32)
    %mul3A_33 = arith.constant 640 : i32
    %mul3A_34 = arith.muli %arg1, %mul3A_33 : i32
    %mul3A_35 = arith.constant 640 : i32
    %mul3A_36 = arith.muli %arg1, %mul3A_35 : i32
    "tpu.region"() ({
      %run_scoped3A = tpu.sem_alloc : memref<!tpu.dma_semaphore, #tpu.memory_space<semaphore_mem>>
      %dma_start3A_37 = arith.constant 0 : i32
      %dma_start3A_38 = tpu.memref_slice %arg5[%arg0, %mul3A_36, %dma_start3A_37] : memref<2x10240x8xf32, #tpu.memory_space<hbm>> -> memref<1x640x8xf32, #tpu.memory_space<hbm>>
      %dma_start3A_39 = tpu.memref_squeeze %dma_start3A_38 : memref<1x640x8xf32, #tpu.memory_space<hbm>> -> memref<640x8xf32, #tpu.memory_space<hbm>>
      %dma_start3A_40 = arith.constant 0 : i32
      %dma_start3A_41 = tpu.memref_slice %arg8[%mul3A_34, %dma_start3A_40] : memref<10240x8xf32, #tpu.memory_space<vmem_shared>> -> memref<640x8xf32, #tpu.memory_space<vmem_shared>>
      tpu.enqueue_dma source(%dma_start3A_41 : memref<640x8xf32, #tpu.memory_space<vmem_shared>>) target(%dma_start3A_39 : memref<640x8xf32, #tpu.memory_space<hbm>>) target_semaphore(%run_scoped3A : memref<!tpu.dma_semaphore, #tpu.memory_space<semaphore_mem>>)
      %dma_wait3A_42 = arith.constant 0 : i32
      %dma_wait3A_43 = tpu.memref_slice %arg5[%arg0, %mul3A_36, %dma_wait3A_42] : memref<2x10240x8xf32, #tpu.memory_space<hbm>> -> memref<1x640x8xf32, #tpu.memory_space<hbm>>
      %dma_wait3A_44 = tpu.memref_squeeze %dma_wait3A_43 : memref<1x640x8xf32, #tpu.memory_space<hbm>> -> memref<640x8xf32, #tpu.memory_space<hbm>>
      %dma_wait3A_45 = arith.constant 0 : i32
      %dma_wait3A_46 = tpu.memref_slice %arg8[%mul3A_34, %dma_wait3A_45] : memref<10240x8xf32, #tpu.memory_space<vmem_shared>> -> memref<640x8xf32, #tpu.memory_space<vmem_shared>>
      tpu.wait_dma2 semaphore(%run_scoped3A : memref<!tpu.dma_semaphore, #tpu.memory_space<semaphore_mem>>) src(%dma_wait3A_46 : memref<640x8xf32, #tpu.memory_space<vmem_shared>>) dst(%dma_wait3A_44 : memref<640x8xf32, #tpu.memory_space<hbm>>)
      tpu.yield
    }) : () -> ()
    return
  }
}

#map = affine_map<(d0, d1) -> (0, 0, 0)>
#map1 = affine_map<(d0, d1) -> (0, 0)>
module attributes {stable_mosaic.version = 14 : i64} {
  func.func @msg_kernel(%arg0: i32, %arg1: i32, %arg2: memref<32x80x128xi32, #tpu.memory_space<hbm>>, %arg3: memref<32x80x128xi32, #tpu.memory_space<hbm>>, %arg4: memref<10240x32xf32, #tpu.memory_space<hbm>>, %arg5: memref<640x32xf32, #tpu.memory_space<hbm>>, %arg6: memref<2x10240x32xf32, #tpu.memory_space<hbm>>, %arg7: memref<80x128xi32, #tpu.memory_space<vmem>>, %arg8: memref<80x128xi32, #tpu.memory_space<vmem>>, %arg9: memref<128x32xf32, #tpu.memory_space<vmem>>, %arg10: memref<128x32xf32, #tpu.memory_space<vmem>>, %arg11: memref<128x32xf32, #tpu.memory_space<vmem>>, %arg12: memref<128x32xf32, #tpu.memory_space<vmem>>, %arg13: memref<10240x32xf32, #tpu.memory_space<vmem_shared>>, %arg14: memref<10240x32xf32, #tpu.memory_space<vmem_shared>>, %arg15: memref<!tpu.dma_semaphore, #tpu.memory_space<semaphore_mem>>, %arg16: memref<!tpu.dma_semaphore, #tpu.memory_space<semaphore_mem>>, %arg17: memref<!tpu.dma_semaphore, #tpu.memory_space<semaphore_mem>>, %arg18: memref<!tpu.dma_semaphore, #tpu.memory_space<semaphore_mem>>, %arg19: memref<!tpu.dma_semaphore, #tpu.memory_space<semaphore_mem>>, %arg20: memref<!tpu.dma_semaphore, #tpu.memory_space<semaphore_mem>>, %arg21: memref<!tpu.dma_semaphore, #tpu.memory_space<semaphore_mem>>, %arg22: memref<!tpu.dma_semaphore, #tpu.memory_space<semaphore_mem>>) attributes {dimension_semantics = [#tpu.dimension_semantics<core_parallel>, #tpu.dimension_semantics<subcore_parallel>], iteration_bounds = array<i64: 2, 16>, scalar_prefetch = 0 : i64, scratch_operands = 16 : i64, tpu.core_type = #tpu.core_type<sc_vector_subcore>, window_params = [{transform_indices = #map}, {transform_indices = #map}, {transform_indices = #map1}, {transform_indices = #map1}, {transform_indices = #map}]} {
    %mul3A = arith.constant 2 : i32
    %mul3A_0 = arith.muli %arg1, %mul3A : i32
    %add3A = arith.addi %mul3A_0, %arg0 : i32
    %mul3A_1 = arith.constant 640 : i32
    %mul3A_2 = arith.muli %arg1, %mul3A_1 : i32
    %dma_start3A = arith.constant 0 : i32
    %dma_start3A_3 = tpu.memref_slice %arg14[%mul3A_2, %dma_start3A] : memref<10240x32xf32, #tpu.memory_space<vmem_shared>> -> memref<640x32xf32, #tpu.memory_space<vmem_shared>>
    tpu.enqueue_dma source(%arg5 : memref<640x32xf32, #tpu.memory_space<hbm>>) target(%dma_start3A_3 : memref<640x32xf32, #tpu.memory_space<vmem_shared>>) target_semaphore(%arg15 : memref<!tpu.dma_semaphore, #tpu.memory_space<semaphore_mem>>)
    %mul3A_4 = arith.constant 640 : i32
    %mul3A_5 = arith.muli %arg1, %mul3A_4 : i32
    %mul3A_6 = arith.constant 640 : i32
    %mul3A_7 = arith.muli %arg1, %mul3A_6 : i32
    %dma_start3A_8 = arith.constant 0 : i32
    %dma_start3A_9 = tpu.memref_slice %arg13[%mul3A_7, %dma_start3A_8] : memref<10240x32xf32, #tpu.memory_space<vmem_shared>> -> memref<640x32xf32, #tpu.memory_space<vmem_shared>>
    %dma_start3A_10 = arith.constant 0 : i32
    %dma_start3A_11 = tpu.memref_slice %arg4[%mul3A_5, %dma_start3A_10] : memref<10240x32xf32, #tpu.memory_space<hbm>> -> memref<640x32xf32, #tpu.memory_space<hbm>>
    tpu.enqueue_dma source(%dma_start3A_11 : memref<640x32xf32, #tpu.memory_space<hbm>>) target(%dma_start3A_9 : memref<640x32xf32, #tpu.memory_space<vmem_shared>>) target_semaphore(%arg16 : memref<!tpu.dma_semaphore, #tpu.memory_space<semaphore_mem>>)
    %dma_start3A_12 = arith.constant 0 : i32
    %dma_start3A_13 = arith.constant 0 : i32
    %dma_start3A_14 = tpu.memref_slice %arg2[%add3A, %dma_start3A_12, %dma_start3A_13] : memref<32x80x128xi32, #tpu.memory_space<hbm>> -> memref<1x80x128xi32, #tpu.memory_space<hbm>>
    %dma_start3A_15 = tpu.memref_squeeze %dma_start3A_14 : memref<1x80x128xi32, #tpu.memory_space<hbm>> -> memref<80x128xi32, #tpu.memory_space<hbm>>
    %dma_start3A_16 = arith.constant 0 : i32
    %dma_start3A_17 = arith.constant 0 : i32
    %dma_start3A_18 = tpu.memref_slice %arg2[%add3A, %dma_start3A_16, %dma_start3A_17] : memref<32x80x128xi32, #tpu.memory_space<hbm>> -> memref<1x80x128xi32, #tpu.memory_space<hbm>>
    %dma_start3A_19 = tpu.memref_squeeze %dma_start3A_18 : memref<1x80x128xi32, #tpu.memory_space<hbm>> -> memref<80x128xi32, #tpu.memory_space<hbm>>
    tpu.enqueue_dma source(%dma_start3A_19 : memref<80x128xi32, #tpu.memory_space<hbm>>) target(%arg7 : memref<80x128xi32, #tpu.memory_space<vmem>>) target_semaphore(%arg17 : memref<!tpu.dma_semaphore, #tpu.memory_space<semaphore_mem>>)
    %dma_start3A_20 = arith.constant 0 : i32
    %dma_start3A_21 = arith.constant 0 : i32
    %dma_start3A_22 = tpu.memref_slice %arg3[%add3A, %dma_start3A_20, %dma_start3A_21] : memref<32x80x128xi32, #tpu.memory_space<hbm>> -> memref<1x80x128xi32, #tpu.memory_space<hbm>>
    %dma_start3A_23 = tpu.memref_squeeze %dma_start3A_22 : memref<1x80x128xi32, #tpu.memory_space<hbm>> -> memref<80x128xi32, #tpu.memory_space<hbm>>
    %dma_start3A_24 = arith.constant 0 : i32
    %dma_start3A_25 = arith.constant 0 : i32
    %dma_start3A_26 = tpu.memref_slice %arg3[%add3A, %dma_start3A_24, %dma_start3A_25] : memref<32x80x128xi32, #tpu.memory_space<hbm>> -> memref<1x80x128xi32, #tpu.memory_space<hbm>>
    %dma_start3A_27 = tpu.memref_squeeze %dma_start3A_26 : memref<1x80x128xi32, #tpu.memory_space<hbm>> -> memref<80x128xi32, #tpu.memory_space<hbm>>
    tpu.enqueue_dma source(%dma_start3A_27 : memref<80x128xi32, #tpu.memory_space<hbm>>) target(%arg8 : memref<80x128xi32, #tpu.memory_space<vmem>>) target_semaphore(%arg18 : memref<!tpu.dma_semaphore, #tpu.memory_space<semaphore_mem>>)
    %dma_wait3A = arith.constant 0 : i32
    %dma_wait3A_28 = tpu.memref_slice %arg14[%mul3A_2, %dma_wait3A] : memref<10240x32xf32, #tpu.memory_space<vmem_shared>> -> memref<640x32xf32, #tpu.memory_space<vmem_shared>>
    tpu.wait_dma2 semaphore(%arg15 : memref<!tpu.dma_semaphore, #tpu.memory_space<semaphore_mem>>) src(%arg5 : memref<640x32xf32, #tpu.memory_space<hbm>>) dst(%dma_wait3A_28 : memref<640x32xf32, #tpu.memory_space<vmem_shared>>)
    %dma_wait3A_29 = arith.constant 0 : i32
    %dma_wait3A_30 = tpu.memref_slice %arg13[%mul3A_7, %dma_wait3A_29] : memref<10240x32xf32, #tpu.memory_space<vmem_shared>> -> memref<640x32xf32, #tpu.memory_space<vmem_shared>>
    %dma_wait3A_31 = arith.constant 0 : i32
    %dma_wait3A_32 = tpu.memref_slice %arg4[%mul3A_5, %dma_wait3A_31] : memref<10240x32xf32, #tpu.memory_space<hbm>> -> memref<640x32xf32, #tpu.memory_space<hbm>>
    tpu.wait_dma2 semaphore(%arg16 : memref<!tpu.dma_semaphore, #tpu.memory_space<semaphore_mem>>) src(%dma_wait3A_32 : memref<640x32xf32, #tpu.memory_space<hbm>>) dst(%dma_wait3A_30 : memref<640x32xf32, #tpu.memory_space<vmem_shared>>)
    %dma_wait3A_33 = arith.constant 0 : i32
    %dma_wait3A_34 = arith.constant 0 : i32
    %dma_wait3A_35 = tpu.memref_slice %arg2[%add3A, %dma_wait3A_33, %dma_wait3A_34] : memref<32x80x128xi32, #tpu.memory_space<hbm>> -> memref<1x80x128xi32, #tpu.memory_space<hbm>>
    %dma_wait3A_36 = tpu.memref_squeeze %dma_wait3A_35 : memref<1x80x128xi32, #tpu.memory_space<hbm>> -> memref<80x128xi32, #tpu.memory_space<hbm>>
    %dma_wait3A_37 = arith.constant 0 : i32
    %dma_wait3A_38 = arith.constant 0 : i32
    %dma_wait3A_39 = tpu.memref_slice %arg2[%add3A, %dma_wait3A_37, %dma_wait3A_38] : memref<32x80x128xi32, #tpu.memory_space<hbm>> -> memref<1x80x128xi32, #tpu.memory_space<hbm>>
    %dma_wait3A_40 = tpu.memref_squeeze %dma_wait3A_39 : memref<1x80x128xi32, #tpu.memory_space<hbm>> -> memref<80x128xi32, #tpu.memory_space<hbm>>
    tpu.wait_dma2 semaphore(%arg17 : memref<!tpu.dma_semaphore, #tpu.memory_space<semaphore_mem>>) src(%dma_wait3A_40 : memref<80x128xi32, #tpu.memory_space<hbm>>) dst(%arg7 : memref<80x128xi32, #tpu.memory_space<vmem>>)
    %dma_wait3A_41 = arith.constant 0 : i32
    %dma_wait3A_42 = arith.constant 0 : i32
    %dma_wait3A_43 = tpu.memref_slice %arg3[%add3A, %dma_wait3A_41, %dma_wait3A_42] : memref<32x80x128xi32, #tpu.memory_space<hbm>> -> memref<1x80x128xi32, #tpu.memory_space<hbm>>
    %dma_wait3A_44 = tpu.memref_squeeze %dma_wait3A_43 : memref<1x80x128xi32, #tpu.memory_space<hbm>> -> memref<80x128xi32, #tpu.memory_space<hbm>>
    %dma_wait3A_45 = arith.constant 0 : i32
    %dma_wait3A_46 = arith.constant 0 : i32
    %dma_wait3A_47 = tpu.memref_slice %arg3[%add3A, %dma_wait3A_45, %dma_wait3A_46] : memref<32x80x128xi32, #tpu.memory_space<hbm>> -> memref<1x80x128xi32, #tpu.memory_space<hbm>>
    %dma_wait3A_48 = tpu.memref_squeeze %dma_wait3A_47 : memref<1x80x128xi32, #tpu.memory_space<hbm>> -> memref<80x128xi32, #tpu.memory_space<hbm>>
    tpu.wait_dma2 semaphore(%arg18 : memref<!tpu.dma_semaphore, #tpu.memory_space<semaphore_mem>>) src(%dma_wait3A_48 : memref<80x128xi32, #tpu.memory_space<hbm>>) dst(%arg8 : memref<80x128xi32, #tpu.memory_space<vmem>>)
    %barrier3A = arith.constant 0 : index
    tpu.barrier barrier_id(%barrier3A)
    %dma_start3A_49 = arith.constant 0 : i32
    %dma_start3A_50 = arith.constant 0 : i32
    %dma_start3A_51 = tpu.memref_slice %arg7[%dma_start3A_49, %dma_start3A_50] : memref<80x128xi32, #tpu.memory_space<vmem>> -> memref<1x128xi32, #tpu.memory_space<vmem>>
    %dma_start3A_52 = tpu.memref_squeeze %dma_start3A_51 : memref<1x128xi32, #tpu.memory_space<vmem>> -> memref<128xi32, #tpu.memory_space<vmem>>
    %dma_start3A_53 = arith.constant 0 : i32
    %dma_start3A_54 = arith.constant 0 : i32
    %dma_start3A_55 = tpu.memref_slice %arg13[%dma_start3A_53, %dma_start3A_54] : memref<10240x32xf32, #tpu.memory_space<vmem_shared>> -> memref<10240x32xf32, #tpu.memory_space<vmem_shared>>
    tpu.enqueue_indirect_dma source(%dma_start3A_55 : memref<10240x32xf32, #tpu.memory_space<vmem_shared>>) target(%arg9 : memref<128x32xf32, #tpu.memory_space<vmem>>) offsets(%dma_start3A_52 : memref<128xi32, #tpu.memory_space<vmem>>) semaphore(%arg15 : memref<!tpu.dma_semaphore, #tpu.memory_space<semaphore_mem>>)
    %dma_start3A_56 = arith.constant 1 : i32
    %dma_start3A_57 = arith.constant 0 : i32
    %dma_start3A_58 = tpu.memref_slice %arg7[%dma_start3A_56, %dma_start3A_57] : memref<80x128xi32, #tpu.memory_space<vmem>> -> memref<1x128xi32, #tpu.memory_space<vmem>>
    %dma_start3A_59 = tpu.memref_squeeze %dma_start3A_58 : memref<1x128xi32, #tpu.memory_space<vmem>> -> memref<128xi32, #tpu.memory_space<vmem>>
    %dma_start3A_60 = arith.constant 0 : i32
    %dma_start3A_61 = arith.constant 0 : i32
    %dma_start3A_62 = tpu.memref_slice %arg13[%dma_start3A_60, %dma_start3A_61] : memref<10240x32xf32, #tpu.memory_space<vmem_shared>> -> memref<10240x32xf32, #tpu.memory_space<vmem_shared>>
    tpu.enqueue_indirect_dma source(%dma_start3A_62 : memref<10240x32xf32, #tpu.memory_space<vmem_shared>>) target(%arg10 : memref<128x32xf32, #tpu.memory_space<vmem>>) offsets(%dma_start3A_59 : memref<128xi32, #tpu.memory_space<vmem>>) semaphore(%arg16 : memref<!tpu.dma_semaphore, #tpu.memory_space<semaphore_mem>>)
    %dma_start3A_63 = arith.constant 2 : i32
    %dma_start3A_64 = arith.constant 0 : i32
    %dma_start3A_65 = tpu.memref_slice %arg7[%dma_start3A_63, %dma_start3A_64] : memref<80x128xi32, #tpu.memory_space<vmem>> -> memref<1x128xi32, #tpu.memory_space<vmem>>
    %dma_start3A_66 = tpu.memref_squeeze %dma_start3A_65 : memref<1x128xi32, #tpu.memory_space<vmem>> -> memref<128xi32, #tpu.memory_space<vmem>>
    %dma_start3A_67 = arith.constant 0 : i32
    %dma_start3A_68 = arith.constant 0 : i32
    %dma_start3A_69 = tpu.memref_slice %arg13[%dma_start3A_67, %dma_start3A_68] : memref<10240x32xf32, #tpu.memory_space<vmem_shared>> -> memref<10240x32xf32, #tpu.memory_space<vmem_shared>>
    tpu.enqueue_indirect_dma source(%dma_start3A_69 : memref<10240x32xf32, #tpu.memory_space<vmem_shared>>) target(%arg11 : memref<128x32xf32, #tpu.memory_space<vmem>>) offsets(%dma_start3A_66 : memref<128xi32, #tpu.memory_space<vmem>>) semaphore(%arg17 : memref<!tpu.dma_semaphore, #tpu.memory_space<semaphore_mem>>)
    %dma_start3A_70 = arith.constant 3 : i32
    %dma_start3A_71 = arith.constant 0 : i32
    %dma_start3A_72 = tpu.memref_slice %arg7[%dma_start3A_70, %dma_start3A_71] : memref<80x128xi32, #tpu.memory_space<vmem>> -> memref<1x128xi32, #tpu.memory_space<vmem>>
    %dma_start3A_73 = tpu.memref_squeeze %dma_start3A_72 : memref<1x128xi32, #tpu.memory_space<vmem>> -> memref<128xi32, #tpu.memory_space<vmem>>
    %dma_start3A_74 = arith.constant 0 : i32
    %dma_start3A_75 = arith.constant 0 : i32
    %dma_start3A_76 = tpu.memref_slice %arg13[%dma_start3A_74, %dma_start3A_75] : memref<10240x32xf32, #tpu.memory_space<vmem_shared>> -> memref<10240x32xf32, #tpu.memory_space<vmem_shared>>
    tpu.enqueue_indirect_dma source(%dma_start3A_76 : memref<10240x32xf32, #tpu.memory_space<vmem_shared>>) target(%arg12 : memref<128x32xf32, #tpu.memory_space<vmem>>) offsets(%dma_start3A_73 : memref<128xi32, #tpu.memory_space<vmem>>) semaphore(%arg18 : memref<!tpu.dma_semaphore, #tpu.memory_space<semaphore_mem>>)
    %scan3A = arith.constant 0 : i32
    %scan3A_77 = arith.constant 0 : i32
    %scan3A_78 = arith.constant 20 : i32
    %scan3A_79 = arith.addi %scan3A_77, %scan3A_78 : i32
    %scan3A_80 = arith.constant 1 : i32
    scf.for %scan3A_115 = %scan3A_77 to %scan3A_79 step %scan3A_80  : i32 {
      %mul3A_116 = arith.constant 4 : i32
      %mul3A_117 = arith.muli %scan3A_115, %mul3A_116 : i32
      %add3A_118 = arith.constant 0 : i32
      %add3A_119 = arith.addi %mul3A_117, %add3A_118 : i32
      %dma_wait3A_120 = arith.constant 0 : i32
      %dma_wait3A_121 = tpu.memref_slice %arg7[%add3A_119, %dma_wait3A_120] : memref<80x128xi32, #tpu.memory_space<vmem>> -> memref<1x128xi32, #tpu.memory_space<vmem>>
      %dma_wait3A_122 = tpu.memref_squeeze %dma_wait3A_121 : memref<1x128xi32, #tpu.memory_space<vmem>> -> memref<128xi32, #tpu.memory_space<vmem>>
      %dma_wait3A_123 = arith.constant 0 : i32
      %dma_wait3A_124 = arith.constant 0 : i32
      %dma_wait3A_125 = tpu.memref_slice %arg13[%dma_wait3A_123, %dma_wait3A_124] : memref<10240x32xf32, #tpu.memory_space<vmem_shared>> -> memref<10240x32xf32, #tpu.memory_space<vmem_shared>>
      tpu.wait_indirect_dma semaphore(%arg15 : memref<!tpu.dma_semaphore, #tpu.memory_space<semaphore_mem>>) src(%dma_wait3A_125 : memref<10240x32xf32, #tpu.memory_space<vmem_shared>>) dst(%arg9 : memref<128x32xf32, #tpu.memory_space<vmem>>)
      %dma_start3A_126 = arith.constant 0 : i32
      %dma_start3A_127 = tpu.memref_slice %arg8[%add3A_119, %dma_start3A_126] : memref<80x128xi32, #tpu.memory_space<vmem>> -> memref<1x128xi32, #tpu.memory_space<vmem>>
      %dma_start3A_128 = tpu.memref_squeeze %dma_start3A_127 : memref<1x128xi32, #tpu.memory_space<vmem>> -> memref<128xi32, #tpu.memory_space<vmem>>
      %dma_start3A_129 = arith.constant 0 : i32
      %dma_start3A_130 = arith.constant 0 : i32
      %dma_start3A_131 = tpu.memref_slice %arg14[%dma_start3A_129, %dma_start3A_130] : memref<10240x32xf32, #tpu.memory_space<vmem_shared>> -> memref<10240x32xf32, #tpu.memory_space<vmem_shared>>
      tpu.enqueue_indirect_dma source(%arg9 : memref<128x32xf32, #tpu.memory_space<vmem>>) target(%dma_start3A_131 : memref<10240x32xf32, #tpu.memory_space<vmem_shared>>) offsets(%dma_start3A_128 : memref<128xi32, #tpu.memory_space<vmem>>) semaphore(%arg19 : memref<!tpu.dma_semaphore, #tpu.memory_space<semaphore_mem>>) {add = true}
      %ge3A = arith.constant 1 : i32
      %ge3A_132 = arith.cmpi sge, %add3A_119, %ge3A : i32
      %le3A = arith.constant 76 : i32
      %le3A_133 = arith.cmpi sle, %add3A_119, %le3A : i32
      %and3A = arith.andi %ge3A_132, %le3A_133 : i1
      %convert_element_type3A = arith.extui %and3A : i1 to i32
      %cond3A = arith.constant 0 : i32
      %cond3A_134 = arith.cmpi ne, %convert_element_type3A, %cond3A : i32
      scf.if %cond3A_134 {
        %dma_wait3A_207 = arith.constant 0 : i32
        %dma_wait3A_208 = arith.constant 0 : i32
        %dma_wait3A_209 = tpu.memref_slice %arg8[%dma_wait3A_207, %dma_wait3A_208] : memref<80x128xi32, #tpu.memory_space<vmem>> -> memref<1x128xi32, #tpu.memory_space<vmem>>
        %dma_wait3A_210 = tpu.memref_squeeze %dma_wait3A_209 : memref<1x128xi32, #tpu.memory_space<vmem>> -> memref<128xi32, #tpu.memory_space<vmem>>
        %dma_wait3A_211 = arith.constant 0 : i32
        %dma_wait3A_212 = arith.constant 0 : i32
        %dma_wait3A_213 = tpu.memref_slice %arg14[%dma_wait3A_211, %dma_wait3A_212] : memref<10240x32xf32, #tpu.memory_space<vmem_shared>> -> memref<10240x32xf32, #tpu.memory_space<vmem_shared>>
        tpu.wait_indirect_dma semaphore(%arg22 : memref<!tpu.dma_semaphore, #tpu.memory_space<semaphore_mem>>) src(%arg12 : memref<128x32xf32, #tpu.memory_space<vmem>>) dst(%dma_wait3A_213 : memref<10240x32xf32, #tpu.memory_space<vmem_shared>>)
        %add3A_214 = arith.constant 3 : i32
        %add3A_215 = arith.addi %add3A_119, %add3A_214 : i32
        %dma_start3A_216 = arith.constant 0 : i32
        %dma_start3A_217 = tpu.memref_slice %arg7[%add3A_215, %dma_start3A_216] : memref<80x128xi32, #tpu.memory_space<vmem>> -> memref<1x128xi32, #tpu.memory_space<vmem>>
        %dma_start3A_218 = tpu.memref_squeeze %dma_start3A_217 : memref<1x128xi32, #tpu.memory_space<vmem>> -> memref<128xi32, #tpu.memory_space<vmem>>
        %dma_start3A_219 = arith.constant 0 : i32
        %dma_start3A_220 = arith.constant 0 : i32
        %dma_start3A_221 = tpu.memref_slice %arg13[%dma_start3A_219, %dma_start3A_220] : memref<10240x32xf32, #tpu.memory_space<vmem_shared>> -> memref<10240x32xf32, #tpu.memory_space<vmem_shared>>
        tpu.enqueue_indirect_dma source(%dma_start3A_221 : memref<10240x32xf32, #tpu.memory_space<vmem_shared>>) target(%arg12 : memref<128x32xf32, #tpu.memory_space<vmem>>) offsets(%dma_start3A_218 : memref<128xi32, #tpu.memory_space<vmem>>) semaphore(%arg18 : memref<!tpu.dma_semaphore, #tpu.memory_space<semaphore_mem>>)
      } else {
      }
      %mul3A_135 = arith.constant 4 : i32
      %mul3A_136 = arith.muli %scan3A_115, %mul3A_135 : i32
      %add3A_137 = arith.constant 1 : i32
      %add3A_138 = arith.addi %mul3A_136, %add3A_137 : i32
      %dma_wait3A_139 = arith.constant 0 : i32
      %dma_wait3A_140 = tpu.memref_slice %arg7[%add3A_138, %dma_wait3A_139] : memref<80x128xi32, #tpu.memory_space<vmem>> -> memref<1x128xi32, #tpu.memory_space<vmem>>
      %dma_wait3A_141 = tpu.memref_squeeze %dma_wait3A_140 : memref<1x128xi32, #tpu.memory_space<vmem>> -> memref<128xi32, #tpu.memory_space<vmem>>
      %dma_wait3A_142 = arith.constant 0 : i32
      %dma_wait3A_143 = arith.constant 0 : i32
      %dma_wait3A_144 = tpu.memref_slice %arg13[%dma_wait3A_142, %dma_wait3A_143] : memref<10240x32xf32, #tpu.memory_space<vmem_shared>> -> memref<10240x32xf32, #tpu.memory_space<vmem_shared>>
      tpu.wait_indirect_dma semaphore(%arg16 : memref<!tpu.dma_semaphore, #tpu.memory_space<semaphore_mem>>) src(%dma_wait3A_144 : memref<10240x32xf32, #tpu.memory_space<vmem_shared>>) dst(%arg10 : memref<128x32xf32, #tpu.memory_space<vmem>>)
      %dma_start3A_145 = arith.constant 0 : i32
      %dma_start3A_146 = tpu.memref_slice %arg8[%add3A_138, %dma_start3A_145] : memref<80x128xi32, #tpu.memory_space<vmem>> -> memref<1x128xi32, #tpu.memory_space<vmem>>
      %dma_start3A_147 = tpu.memref_squeeze %dma_start3A_146 : memref<1x128xi32, #tpu.memory_space<vmem>> -> memref<128xi32, #tpu.memory_space<vmem>>
      %dma_start3A_148 = arith.constant 0 : i32
      %dma_start3A_149 = arith.constant 0 : i32
      %dma_start3A_150 = tpu.memref_slice %arg14[%dma_start3A_148, %dma_start3A_149] : memref<10240x32xf32, #tpu.memory_space<vmem_shared>> -> memref<10240x32xf32, #tpu.memory_space<vmem_shared>>
      tpu.enqueue_indirect_dma source(%arg10 : memref<128x32xf32, #tpu.memory_space<vmem>>) target(%dma_start3A_150 : memref<10240x32xf32, #tpu.memory_space<vmem_shared>>) offsets(%dma_start3A_147 : memref<128xi32, #tpu.memory_space<vmem>>) semaphore(%arg20 : memref<!tpu.dma_semaphore, #tpu.memory_space<semaphore_mem>>) {add = true}
      %ge3A_151 = arith.constant 1 : i32
      %ge3A_152 = arith.cmpi sge, %add3A_138, %ge3A_151 : i32
      %le3A_153 = arith.constant 76 : i32
      %le3A_154 = arith.cmpi sle, %add3A_138, %le3A_153 : i32
      %and3A_155 = arith.andi %ge3A_152, %le3A_154 : i1
      %convert_element_type3A_156 = arith.extui %and3A_155 : i1 to i32
      %cond3A_157 = arith.constant 0 : i32
      %cond3A_158 = arith.cmpi ne, %convert_element_type3A_156, %cond3A_157 : i32
      scf.if %cond3A_158 {
        %dma_wait3A_207 = arith.constant 0 : i32
        %dma_wait3A_208 = arith.constant 0 : i32
        %dma_wait3A_209 = tpu.memref_slice %arg8[%dma_wait3A_207, %dma_wait3A_208] : memref<80x128xi32, #tpu.memory_space<vmem>> -> memref<1x128xi32, #tpu.memory_space<vmem>>
        %dma_wait3A_210 = tpu.memref_squeeze %dma_wait3A_209 : memref<1x128xi32, #tpu.memory_space<vmem>> -> memref<128xi32, #tpu.memory_space<vmem>>
        %dma_wait3A_211 = arith.constant 0 : i32
        %dma_wait3A_212 = arith.constant 0 : i32
        %dma_wait3A_213 = tpu.memref_slice %arg14[%dma_wait3A_211, %dma_wait3A_212] : memref<10240x32xf32, #tpu.memory_space<vmem_shared>> -> memref<10240x32xf32, #tpu.memory_space<vmem_shared>>
        tpu.wait_indirect_dma semaphore(%arg19 : memref<!tpu.dma_semaphore, #tpu.memory_space<semaphore_mem>>) src(%arg9 : memref<128x32xf32, #tpu.memory_space<vmem>>) dst(%dma_wait3A_213 : memref<10240x32xf32, #tpu.memory_space<vmem_shared>>)
        %add3A_214 = arith.constant 3 : i32
        %add3A_215 = arith.addi %add3A_138, %add3A_214 : i32
        %dma_start3A_216 = arith.constant 0 : i32
        %dma_start3A_217 = tpu.memref_slice %arg7[%add3A_215, %dma_start3A_216] : memref<80x128xi32, #tpu.memory_space<vmem>> -> memref<1x128xi32, #tpu.memory_space<vmem>>
        %dma_start3A_218 = tpu.memref_squeeze %dma_start3A_217 : memref<1x128xi32, #tpu.memory_space<vmem>> -> memref<128xi32, #tpu.memory_space<vmem>>
        %dma_start3A_219 = arith.constant 0 : i32
        %dma_start3A_220 = arith.constant 0 : i32
        %dma_start3A_221 = tpu.memref_slice %arg13[%dma_start3A_219, %dma_start3A_220] : memref<10240x32xf32, #tpu.memory_space<vmem_shared>> -> memref<10240x32xf32, #tpu.memory_space<vmem_shared>>
        tpu.enqueue_indirect_dma source(%dma_start3A_221 : memref<10240x32xf32, #tpu.memory_space<vmem_shared>>) target(%arg9 : memref<128x32xf32, #tpu.memory_space<vmem>>) offsets(%dma_start3A_218 : memref<128xi32, #tpu.memory_space<vmem>>) semaphore(%arg15 : memref<!tpu.dma_semaphore, #tpu.memory_space<semaphore_mem>>)
      } else {
      }
      %mul3A_159 = arith.constant 4 : i32
      %mul3A_160 = arith.muli %scan3A_115, %mul3A_159 : i32
      %add3A_161 = arith.constant 2 : i32
      %add3A_162 = arith.addi %mul3A_160, %add3A_161 : i32
      %dma_wait3A_163 = arith.constant 0 : i32
      %dma_wait3A_164 = tpu.memref_slice %arg7[%add3A_162, %dma_wait3A_163] : memref<80x128xi32, #tpu.memory_space<vmem>> -> memref<1x128xi32, #tpu.memory_space<vmem>>
      %dma_wait3A_165 = tpu.memref_squeeze %dma_wait3A_164 : memref<1x128xi32, #tpu.memory_space<vmem>> -> memref<128xi32, #tpu.memory_space<vmem>>
      %dma_wait3A_166 = arith.constant 0 : i32
      %dma_wait3A_167 = arith.constant 0 : i32
      %dma_wait3A_168 = tpu.memref_slice %arg13[%dma_wait3A_166, %dma_wait3A_167] : memref<10240x32xf32, #tpu.memory_space<vmem_shared>> -> memref<10240x32xf32, #tpu.memory_space<vmem_shared>>
      tpu.wait_indirect_dma semaphore(%arg17 : memref<!tpu.dma_semaphore, #tpu.memory_space<semaphore_mem>>) src(%dma_wait3A_168 : memref<10240x32xf32, #tpu.memory_space<vmem_shared>>) dst(%arg11 : memref<128x32xf32, #tpu.memory_space<vmem>>)
      %dma_start3A_169 = arith.constant 0 : i32
      %dma_start3A_170 = tpu.memref_slice %arg8[%add3A_162, %dma_start3A_169] : memref<80x128xi32, #tpu.memory_space<vmem>> -> memref<1x128xi32, #tpu.memory_space<vmem>>
      %dma_start3A_171 = tpu.memref_squeeze %dma_start3A_170 : memref<1x128xi32, #tpu.memory_space<vmem>> -> memref<128xi32, #tpu.memory_space<vmem>>
      %dma_start3A_172 = arith.constant 0 : i32
      %dma_start3A_173 = arith.constant 0 : i32
      %dma_start3A_174 = tpu.memref_slice %arg14[%dma_start3A_172, %dma_start3A_173] : memref<10240x32xf32, #tpu.memory_space<vmem_shared>> -> memref<10240x32xf32, #tpu.memory_space<vmem_shared>>
      tpu.enqueue_indirect_dma source(%arg11 : memref<128x32xf32, #tpu.memory_space<vmem>>) target(%dma_start3A_174 : memref<10240x32xf32, #tpu.memory_space<vmem_shared>>) offsets(%dma_start3A_171 : memref<128xi32, #tpu.memory_space<vmem>>) semaphore(%arg21 : memref<!tpu.dma_semaphore, #tpu.memory_space<semaphore_mem>>) {add = true}
      %ge3A_175 = arith.constant 1 : i32
      %ge3A_176 = arith.cmpi sge, %add3A_162, %ge3A_175 : i32
      %le3A_177 = arith.constant 76 : i32
      %le3A_178 = arith.cmpi sle, %add3A_162, %le3A_177 : i32
      %and3A_179 = arith.andi %ge3A_176, %le3A_178 : i1
      %convert_element_type3A_180 = arith.extui %and3A_179 : i1 to i32
      %cond3A_181 = arith.constant 0 : i32
      %cond3A_182 = arith.cmpi ne, %convert_element_type3A_180, %cond3A_181 : i32
      scf.if %cond3A_182 {
        %dma_wait3A_207 = arith.constant 0 : i32
        %dma_wait3A_208 = arith.constant 0 : i32
        %dma_wait3A_209 = tpu.memref_slice %arg8[%dma_wait3A_207, %dma_wait3A_208] : memref<80x128xi32, #tpu.memory_space<vmem>> -> memref<1x128xi32, #tpu.memory_space<vmem>>
        %dma_wait3A_210 = tpu.memref_squeeze %dma_wait3A_209 : memref<1x128xi32, #tpu.memory_space<vmem>> -> memref<128xi32, #tpu.memory_space<vmem>>
        %dma_wait3A_211 = arith.constant 0 : i32
        %dma_wait3A_212 = arith.constant 0 : i32
        %dma_wait3A_213 = tpu.memref_slice %arg14[%dma_wait3A_211, %dma_wait3A_212] : memref<10240x32xf32, #tpu.memory_space<vmem_shared>> -> memref<10240x32xf32, #tpu.memory_space<vmem_shared>>
        tpu.wait_indirect_dma semaphore(%arg20 : memref<!tpu.dma_semaphore, #tpu.memory_space<semaphore_mem>>) src(%arg10 : memref<128x32xf32, #tpu.memory_space<vmem>>) dst(%dma_wait3A_213 : memref<10240x32xf32, #tpu.memory_space<vmem_shared>>)
        %add3A_214 = arith.constant 3 : i32
        %add3A_215 = arith.addi %add3A_162, %add3A_214 : i32
        %dma_start3A_216 = arith.constant 0 : i32
        %dma_start3A_217 = tpu.memref_slice %arg7[%add3A_215, %dma_start3A_216] : memref<80x128xi32, #tpu.memory_space<vmem>> -> memref<1x128xi32, #tpu.memory_space<vmem>>
        %dma_start3A_218 = tpu.memref_squeeze %dma_start3A_217 : memref<1x128xi32, #tpu.memory_space<vmem>> -> memref<128xi32, #tpu.memory_space<vmem>>
        %dma_start3A_219 = arith.constant 0 : i32
        %dma_start3A_220 = arith.constant 0 : i32
        %dma_start3A_221 = tpu.memref_slice %arg13[%dma_start3A_219, %dma_start3A_220] : memref<10240x32xf32, #tpu.memory_space<vmem_shared>> -> memref<10240x32xf32, #tpu.memory_space<vmem_shared>>
        tpu.enqueue_indirect_dma source(%dma_start3A_221 : memref<10240x32xf32, #tpu.memory_space<vmem_shared>>) target(%arg10 : memref<128x32xf32, #tpu.memory_space<vmem>>) offsets(%dma_start3A_218 : memref<128xi32, #tpu.memory_space<vmem>>) semaphore(%arg16 : memref<!tpu.dma_semaphore, #tpu.memory_space<semaphore_mem>>)
      } else {
      }
      %mul3A_183 = arith.constant 4 : i32
      %mul3A_184 = arith.muli %scan3A_115, %mul3A_183 : i32
      %add3A_185 = arith.constant 3 : i32
      %add3A_186 = arith.addi %mul3A_184, %add3A_185 : i32
      %dma_wait3A_187 = arith.constant 0 : i32
      %dma_wait3A_188 = tpu.memref_slice %arg7[%add3A_186, %dma_wait3A_187] : memref<80x128xi32, #tpu.memory_space<vmem>> -> memref<1x128xi32, #tpu.memory_space<vmem>>
      %dma_wait3A_189 = tpu.memref_squeeze %dma_wait3A_188 : memref<1x128xi32, #tpu.memory_space<vmem>> -> memref<128xi32, #tpu.memory_space<vmem>>
      %dma_wait3A_190 = arith.constant 0 : i32
      %dma_wait3A_191 = arith.constant 0 : i32
      %dma_wait3A_192 = tpu.memref_slice %arg13[%dma_wait3A_190, %dma_wait3A_191] : memref<10240x32xf32, #tpu.memory_space<vmem_shared>> -> memref<10240x32xf32, #tpu.memory_space<vmem_shared>>
      tpu.wait_indirect_dma semaphore(%arg18 : memref<!tpu.dma_semaphore, #tpu.memory_space<semaphore_mem>>) src(%dma_wait3A_192 : memref<10240x32xf32, #tpu.memory_space<vmem_shared>>) dst(%arg12 : memref<128x32xf32, #tpu.memory_space<vmem>>)
      %dma_start3A_193 = arith.constant 0 : i32
      %dma_start3A_194 = tpu.memref_slice %arg8[%add3A_186, %dma_start3A_193] : memref<80x128xi32, #tpu.memory_space<vmem>> -> memref<1x128xi32, #tpu.memory_space<vmem>>
      %dma_start3A_195 = tpu.memref_squeeze %dma_start3A_194 : memref<1x128xi32, #tpu.memory_space<vmem>> -> memref<128xi32, #tpu.memory_space<vmem>>
      %dma_start3A_196 = arith.constant 0 : i32
      %dma_start3A_197 = arith.constant 0 : i32
      %dma_start3A_198 = tpu.memref_slice %arg14[%dma_start3A_196, %dma_start3A_197] : memref<10240x32xf32, #tpu.memory_space<vmem_shared>> -> memref<10240x32xf32, #tpu.memory_space<vmem_shared>>
      tpu.enqueue_indirect_dma source(%arg12 : memref<128x32xf32, #tpu.memory_space<vmem>>) target(%dma_start3A_198 : memref<10240x32xf32, #tpu.memory_space<vmem_shared>>) offsets(%dma_start3A_195 : memref<128xi32, #tpu.memory_space<vmem>>) semaphore(%arg22 : memref<!tpu.dma_semaphore, #tpu.memory_space<semaphore_mem>>) {add = true}
      %ge3A_199 = arith.constant 1 : i32
      %ge3A_200 = arith.cmpi sge, %add3A_186, %ge3A_199 : i32
      %le3A_201 = arith.constant 76 : i32
      %le3A_202 = arith.cmpi sle, %add3A_186, %le3A_201 : i32
      %and3A_203 = arith.andi %ge3A_200, %le3A_202 : i1
      %convert_element_type3A_204 = arith.extui %and3A_203 : i1 to i32
      %cond3A_205 = arith.constant 0 : i32
      %cond3A_206 = arith.cmpi ne, %convert_element_type3A_204, %cond3A_205 : i32
      scf.if %cond3A_206 {
        %dma_wait3A_207 = arith.constant 0 : i32
        %dma_wait3A_208 = arith.constant 0 : i32
        %dma_wait3A_209 = tpu.memref_slice %arg8[%dma_wait3A_207, %dma_wait3A_208] : memref<80x128xi32, #tpu.memory_space<vmem>> -> memref<1x128xi32, #tpu.memory_space<vmem>>
        %dma_wait3A_210 = tpu.memref_squeeze %dma_wait3A_209 : memref<1x128xi32, #tpu.memory_space<vmem>> -> memref<128xi32, #tpu.memory_space<vmem>>
        %dma_wait3A_211 = arith.constant 0 : i32
        %dma_wait3A_212 = arith.constant 0 : i32
        %dma_wait3A_213 = tpu.memref_slice %arg14[%dma_wait3A_211, %dma_wait3A_212] : memref<10240x32xf32, #tpu.memory_space<vmem_shared>> -> memref<10240x32xf32, #tpu.memory_space<vmem_shared>>
        tpu.wait_indirect_dma semaphore(%arg21 : memref<!tpu.dma_semaphore, #tpu.memory_space<semaphore_mem>>) src(%arg11 : memref<128x32xf32, #tpu.memory_space<vmem>>) dst(%dma_wait3A_213 : memref<10240x32xf32, #tpu.memory_space<vmem_shared>>)
        %add3A_214 = arith.constant 3 : i32
        %add3A_215 = arith.addi %add3A_186, %add3A_214 : i32
        %dma_start3A_216 = arith.constant 0 : i32
        %dma_start3A_217 = tpu.memref_slice %arg7[%add3A_215, %dma_start3A_216] : memref<80x128xi32, #tpu.memory_space<vmem>> -> memref<1x128xi32, #tpu.memory_space<vmem>>
        %dma_start3A_218 = tpu.memref_squeeze %dma_start3A_217 : memref<1x128xi32, #tpu.memory_space<vmem>> -> memref<128xi32, #tpu.memory_space<vmem>>
        %dma_start3A_219 = arith.constant 0 : i32
        %dma_start3A_220 = arith.constant 0 : i32
        %dma_start3A_221 = tpu.memref_slice %arg13[%dma_start3A_219, %dma_start3A_220] : memref<10240x32xf32, #tpu.memory_space<vmem_shared>> -> memref<10240x32xf32, #tpu.memory_space<vmem_shared>>
        tpu.enqueue_indirect_dma source(%dma_start3A_221 : memref<10240x32xf32, #tpu.memory_space<vmem_shared>>) target(%arg11 : memref<128x32xf32, #tpu.memory_space<vmem>>) offsets(%dma_start3A_218 : memref<128xi32, #tpu.memory_space<vmem>>) semaphore(%arg17 : memref<!tpu.dma_semaphore, #tpu.memory_space<semaphore_mem>>)
      } else {
      }
    }
    %scan3A_81 = arith.constant 20 : i32
    %dma_wait3A_82 = arith.constant 0 : i32
    %dma_wait3A_83 = arith.constant 0 : i32
    %dma_wait3A_84 = tpu.memref_slice %arg8[%dma_wait3A_82, %dma_wait3A_83] : memref<80x128xi32, #tpu.memory_space<vmem>> -> memref<1x128xi32, #tpu.memory_space<vmem>>
    %dma_wait3A_85 = tpu.memref_squeeze %dma_wait3A_84 : memref<1x128xi32, #tpu.memory_space<vmem>> -> memref<128xi32, #tpu.memory_space<vmem>>
    %dma_wait3A_86 = arith.constant 0 : i32
    %dma_wait3A_87 = arith.constant 0 : i32
    %dma_wait3A_88 = tpu.memref_slice %arg14[%dma_wait3A_86, %dma_wait3A_87] : memref<10240x32xf32, #tpu.memory_space<vmem_shared>> -> memref<10240x32xf32, #tpu.memory_space<vmem_shared>>
    tpu.wait_indirect_dma semaphore(%arg19 : memref<!tpu.dma_semaphore, #tpu.memory_space<semaphore_mem>>) src(%arg9 : memref<128x32xf32, #tpu.memory_space<vmem>>) dst(%dma_wait3A_88 : memref<10240x32xf32, #tpu.memory_space<vmem_shared>>)
    %dma_wait3A_89 = arith.constant 0 : i32
    %dma_wait3A_90 = arith.constant 0 : i32
    %dma_wait3A_91 = tpu.memref_slice %arg8[%dma_wait3A_89, %dma_wait3A_90] : memref<80x128xi32, #tpu.memory_space<vmem>> -> memref<1x128xi32, #tpu.memory_space<vmem>>
    %dma_wait3A_92 = tpu.memref_squeeze %dma_wait3A_91 : memref<1x128xi32, #tpu.memory_space<vmem>> -> memref<128xi32, #tpu.memory_space<vmem>>
    %dma_wait3A_93 = arith.constant 0 : i32
    %dma_wait3A_94 = arith.constant 0 : i32
    %dma_wait3A_95 = tpu.memref_slice %arg14[%dma_wait3A_93, %dma_wait3A_94] : memref<10240x32xf32, #tpu.memory_space<vmem_shared>> -> memref<10240x32xf32, #tpu.memory_space<vmem_shared>>
    tpu.wait_indirect_dma semaphore(%arg20 : memref<!tpu.dma_semaphore, #tpu.memory_space<semaphore_mem>>) src(%arg10 : memref<128x32xf32, #tpu.memory_space<vmem>>) dst(%dma_wait3A_95 : memref<10240x32xf32, #tpu.memory_space<vmem_shared>>)
    %dma_wait3A_96 = arith.constant 0 : i32
    %dma_wait3A_97 = arith.constant 0 : i32
    %dma_wait3A_98 = tpu.memref_slice %arg8[%dma_wait3A_96, %dma_wait3A_97] : memref<80x128xi32, #tpu.memory_space<vmem>> -> memref<1x128xi32, #tpu.memory_space<vmem>>
    %dma_wait3A_99 = tpu.memref_squeeze %dma_wait3A_98 : memref<1x128xi32, #tpu.memory_space<vmem>> -> memref<128xi32, #tpu.memory_space<vmem>>
    %dma_wait3A_100 = arith.constant 0 : i32
    %dma_wait3A_101 = arith.constant 0 : i32
    %dma_wait3A_102 = tpu.memref_slice %arg14[%dma_wait3A_100, %dma_wait3A_101] : memref<10240x32xf32, #tpu.memory_space<vmem_shared>> -> memref<10240x32xf32, #tpu.memory_space<vmem_shared>>
    tpu.wait_indirect_dma semaphore(%arg21 : memref<!tpu.dma_semaphore, #tpu.memory_space<semaphore_mem>>) src(%arg11 : memref<128x32xf32, #tpu.memory_space<vmem>>) dst(%dma_wait3A_102 : memref<10240x32xf32, #tpu.memory_space<vmem_shared>>)
    %dma_wait3A_103 = arith.constant 0 : i32
    %dma_wait3A_104 = arith.constant 0 : i32
    %dma_wait3A_105 = tpu.memref_slice %arg8[%dma_wait3A_103, %dma_wait3A_104] : memref<80x128xi32, #tpu.memory_space<vmem>> -> memref<1x128xi32, #tpu.memory_space<vmem>>
    %dma_wait3A_106 = tpu.memref_squeeze %dma_wait3A_105 : memref<1x128xi32, #tpu.memory_space<vmem>> -> memref<128xi32, #tpu.memory_space<vmem>>
    %dma_wait3A_107 = arith.constant 0 : i32
    %dma_wait3A_108 = arith.constant 0 : i32
    %dma_wait3A_109 = tpu.memref_slice %arg14[%dma_wait3A_107, %dma_wait3A_108] : memref<10240x32xf32, #tpu.memory_space<vmem_shared>> -> memref<10240x32xf32, #tpu.memory_space<vmem_shared>>
    tpu.wait_indirect_dma semaphore(%arg22 : memref<!tpu.dma_semaphore, #tpu.memory_space<semaphore_mem>>) src(%arg12 : memref<128x32xf32, #tpu.memory_space<vmem>>) dst(%dma_wait3A_109 : memref<10240x32xf32, #tpu.memory_space<vmem_shared>>)
    %barrier3A_110 = arith.constant 0 : index
    tpu.barrier barrier_id(%barrier3A_110)
    %mul3A_111 = arith.constant 640 : i32
    %mul3A_112 = arith.muli %arg1, %mul3A_111 : i32
    %mul3A_113 = arith.constant 640 : i32
    %mul3A_114 = arith.muli %arg1, %mul3A_113 : i32
    "tpu.region"() ({
      %run_scoped3A = tpu.sem_alloc : memref<!tpu.dma_semaphore, #tpu.memory_space<semaphore_mem>>
      %dma_start3A_115 = arith.constant 0 : i32
      %dma_start3A_116 = tpu.memref_slice %arg6[%arg0, %mul3A_114, %dma_start3A_115] : memref<2x10240x32xf32, #tpu.memory_space<hbm>> -> memref<1x640x32xf32, #tpu.memory_space<hbm>>
      %dma_start3A_117 = tpu.memref_squeeze %dma_start3A_116 : memref<1x640x32xf32, #tpu.memory_space<hbm>> -> memref<640x32xf32, #tpu.memory_space<hbm>>
      %dma_start3A_118 = arith.constant 0 : i32
      %dma_start3A_119 = tpu.memref_slice %arg14[%mul3A_112, %dma_start3A_118] : memref<10240x32xf32, #tpu.memory_space<vmem_shared>> -> memref<640x32xf32, #tpu.memory_space<vmem_shared>>
      tpu.enqueue_dma source(%dma_start3A_119 : memref<640x32xf32, #tpu.memory_space<vmem_shared>>) target(%dma_start3A_117 : memref<640x32xf32, #tpu.memory_space<hbm>>) target_semaphore(%run_scoped3A : memref<!tpu.dma_semaphore, #tpu.memory_space<semaphore_mem>>)
      %dma_wait3A_120 = arith.constant 0 : i32
      %dma_wait3A_121 = tpu.memref_slice %arg6[%arg0, %mul3A_114, %dma_wait3A_120] : memref<2x10240x32xf32, #tpu.memory_space<hbm>> -> memref<1x640x32xf32, #tpu.memory_space<hbm>>
      %dma_wait3A_122 = tpu.memref_squeeze %dma_wait3A_121 : memref<1x640x32xf32, #tpu.memory_space<hbm>> -> memref<640x32xf32, #tpu.memory_space<hbm>>
      %dma_wait3A_123 = arith.constant 0 : i32
      %dma_wait3A_124 = tpu.memref_slice %arg14[%mul3A_112, %dma_wait3A_123] : memref<10240x32xf32, #tpu.memory_space<vmem_shared>> -> memref<640x32xf32, #tpu.memory_space<vmem_shared>>
      tpu.wait_dma2 semaphore(%run_scoped3A : memref<!tpu.dma_semaphore, #tpu.memory_space<semaphore_mem>>) src(%dma_wait3A_124 : memref<640x32xf32, #tpu.memory_space<vmem_shared>>) dst(%dma_wait3A_122 : memref<640x32xf32, #tpu.memory_space<hbm>>)
      tpu.yield
    }) : () -> ()
    return
  }
}

#map = affine_map<(d0, d1) -> (0, 0, 0)>
#map1 = affine_map<(d0, d1) -> (0, 0)>
module attributes {stable_mosaic.version = 14 : i64} {
  func.func @msg_kernel(%arg0: i32, %arg1: i32, %arg2: memref<32x80x128xi32, #tpu.memory_space<hbm>>, %arg3: memref<32x80x128xi32, #tpu.memory_space<hbm>>, %arg4: memref<10240x32xf32, #tpu.memory_space<hbm>>, %arg5: memref<640x32xf32, #tpu.memory_space<hbm>>, %arg6: memref<2x10240x32xf32, #tpu.memory_space<hbm>>, %arg7: memref<80x128xi32, #tpu.memory_space<vmem>>, %arg8: memref<80x128xi32, #tpu.memory_space<vmem>>, %arg9: memref<128x32xf32, #tpu.memory_space<vmem>>, %arg10: memref<128x32xf32, #tpu.memory_space<vmem>>, %arg11: memref<128x32xf32, #tpu.memory_space<vmem>>, %arg12: memref<128x32xf32, #tpu.memory_space<vmem>>, %arg13: memref<10240x32xf32, #tpu.memory_space<vmem_shared>>, %arg14: memref<10240x32xf32, #tpu.memory_space<vmem_shared>>, %arg15: memref<!tpu.dma_semaphore, #tpu.memory_space<semaphore_mem>>, %arg16: memref<!tpu.dma_semaphore, #tpu.memory_space<semaphore_mem>>, %arg17: memref<!tpu.dma_semaphore, #tpu.memory_space<semaphore_mem>>, %arg18: memref<!tpu.dma_semaphore, #tpu.memory_space<semaphore_mem>>, %arg19: memref<!tpu.dma_semaphore, #tpu.memory_space<semaphore_mem>>, %arg20: memref<!tpu.dma_semaphore, #tpu.memory_space<semaphore_mem>>, %arg21: memref<!tpu.dma_semaphore, #tpu.memory_space<semaphore_mem>>, %arg22: memref<!tpu.dma_semaphore, #tpu.memory_space<semaphore_mem>>) attributes {dimension_semantics = [#tpu.dimension_semantics<core_parallel>, #tpu.dimension_semantics<subcore_parallel>], iteration_bounds = array<i64: 2, 16>, scalar_prefetch = 0 : i64, scratch_operands = 16 : i64, tpu.core_type = #tpu.core_type<sc_vector_subcore>, window_params = [{transform_indices = #map}, {transform_indices = #map}, {transform_indices = #map1}, {transform_indices = #map1}, {transform_indices = #map}]} {
    %mul3A = arith.constant 2 : i32
    %mul3A_0 = arith.muli %arg1, %mul3A : i32
    %add3A = arith.addi %mul3A_0, %arg0 : i32
    %mul3A_1 = arith.constant 640 : i32
    %mul3A_2 = arith.muli %arg1, %mul3A_1 : i32
    %dma_start3A = arith.constant 0 : i32
    %dma_start3A_3 = tpu.memref_slice %arg14[%mul3A_2, %dma_start3A] : memref<10240x32xf32, #tpu.memory_space<vmem_shared>> -> memref<640x32xf32, #tpu.memory_space<vmem_shared>>
    tpu.enqueue_dma source(%arg5 : memref<640x32xf32, #tpu.memory_space<hbm>>) target(%dma_start3A_3 : memref<640x32xf32, #tpu.memory_space<vmem_shared>>) target_semaphore(%arg15 : memref<!tpu.dma_semaphore, #tpu.memory_space<semaphore_mem>>)
    %mul3A_4 = arith.constant 640 : i32
    %mul3A_5 = arith.muli %arg1, %mul3A_4 : i32
    %mul3A_6 = arith.constant 640 : i32
    %mul3A_7 = arith.muli %arg1, %mul3A_6 : i32
    %dma_start3A_8 = arith.constant 0 : i32
    %dma_start3A_9 = tpu.memref_slice %arg13[%mul3A_7, %dma_start3A_8] : memref<10240x32xf32, #tpu.memory_space<vmem_shared>> -> memref<640x32xf32, #tpu.memory_space<vmem_shared>>
    %dma_start3A_10 = arith.constant 0 : i32
    %dma_start3A_11 = tpu.memref_slice %arg4[%mul3A_5, %dma_start3A_10] : memref<10240x32xf32, #tpu.memory_space<hbm>> -> memref<640x32xf32, #tpu.memory_space<hbm>>
    tpu.enqueue_dma source(%dma_start3A_11 : memref<640x32xf32, #tpu.memory_space<hbm>>) target(%dma_start3A_9 : memref<640x32xf32, #tpu.memory_space<vmem_shared>>) target_semaphore(%arg16 : memref<!tpu.dma_semaphore, #tpu.memory_space<semaphore_mem>>)
    %dma_start3A_12 = arith.constant 0 : i32
    %dma_start3A_13 = arith.constant 0 : i32
    %dma_start3A_14 = tpu.memref_slice %arg2[%add3A, %dma_start3A_12, %dma_start3A_13] : memref<32x80x128xi32, #tpu.memory_space<hbm>> -> memref<1x80x128xi32, #tpu.memory_space<hbm>>
    %dma_start3A_15 = tpu.memref_squeeze %dma_start3A_14 : memref<1x80x128xi32, #tpu.memory_space<hbm>> -> memref<80x128xi32, #tpu.memory_space<hbm>>
    %dma_start3A_16 = arith.constant 0 : i32
    %dma_start3A_17 = arith.constant 0 : i32
    %dma_start3A_18 = tpu.memref_slice %arg2[%add3A, %dma_start3A_16, %dma_start3A_17] : memref<32x80x128xi32, #tpu.memory_space<hbm>> -> memref<1x80x128xi32, #tpu.memory_space<hbm>>
    %dma_start3A_19 = tpu.memref_squeeze %dma_start3A_18 : memref<1x80x128xi32, #tpu.memory_space<hbm>> -> memref<80x128xi32, #tpu.memory_space<hbm>>
    tpu.enqueue_dma source(%dma_start3A_19 : memref<80x128xi32, #tpu.memory_space<hbm>>) target(%arg7 : memref<80x128xi32, #tpu.memory_space<vmem>>) target_semaphore(%arg17 : memref<!tpu.dma_semaphore, #tpu.memory_space<semaphore_mem>>)
    %dma_start3A_20 = arith.constant 0 : i32
    %dma_start3A_21 = arith.constant 0 : i32
    %dma_start3A_22 = tpu.memref_slice %arg3[%add3A, %dma_start3A_20, %dma_start3A_21] : memref<32x80x128xi32, #tpu.memory_space<hbm>> -> memref<1x80x128xi32, #tpu.memory_space<hbm>>
    %dma_start3A_23 = tpu.memref_squeeze %dma_start3A_22 : memref<1x80x128xi32, #tpu.memory_space<hbm>> -> memref<80x128xi32, #tpu.memory_space<hbm>>
    %dma_start3A_24 = arith.constant 0 : i32
    %dma_start3A_25 = arith.constant 0 : i32
    %dma_start3A_26 = tpu.memref_slice %arg3[%add3A, %dma_start3A_24, %dma_start3A_25] : memref<32x80x128xi32, #tpu.memory_space<hbm>> -> memref<1x80x128xi32, #tpu.memory_space<hbm>>
    %dma_start3A_27 = tpu.memref_squeeze %dma_start3A_26 : memref<1x80x128xi32, #tpu.memory_space<hbm>> -> memref<80x128xi32, #tpu.memory_space<hbm>>
    tpu.enqueue_dma source(%dma_start3A_27 : memref<80x128xi32, #tpu.memory_space<hbm>>) target(%arg8 : memref<80x128xi32, #tpu.memory_space<vmem>>) target_semaphore(%arg18 : memref<!tpu.dma_semaphore, #tpu.memory_space<semaphore_mem>>)
    %dma_wait3A = arith.constant 0 : i32
    %dma_wait3A_28 = tpu.memref_slice %arg14[%mul3A_2, %dma_wait3A] : memref<10240x32xf32, #tpu.memory_space<vmem_shared>> -> memref<640x32xf32, #tpu.memory_space<vmem_shared>>
    tpu.wait_dma2 semaphore(%arg15 : memref<!tpu.dma_semaphore, #tpu.memory_space<semaphore_mem>>) src(%arg5 : memref<640x32xf32, #tpu.memory_space<hbm>>) dst(%dma_wait3A_28 : memref<640x32xf32, #tpu.memory_space<vmem_shared>>)
    %dma_wait3A_29 = arith.constant 0 : i32
    %dma_wait3A_30 = tpu.memref_slice %arg13[%mul3A_7, %dma_wait3A_29] : memref<10240x32xf32, #tpu.memory_space<vmem_shared>> -> memref<640x32xf32, #tpu.memory_space<vmem_shared>>
    %dma_wait3A_31 = arith.constant 0 : i32
    %dma_wait3A_32 = tpu.memref_slice %arg4[%mul3A_5, %dma_wait3A_31] : memref<10240x32xf32, #tpu.memory_space<hbm>> -> memref<640x32xf32, #tpu.memory_space<hbm>>
    tpu.wait_dma2 semaphore(%arg16 : memref<!tpu.dma_semaphore, #tpu.memory_space<semaphore_mem>>) src(%dma_wait3A_32 : memref<640x32xf32, #tpu.memory_space<hbm>>) dst(%dma_wait3A_30 : memref<640x32xf32, #tpu.memory_space<vmem_shared>>)
    %dma_wait3A_33 = arith.constant 0 : i32
    %dma_wait3A_34 = arith.constant 0 : i32
    %dma_wait3A_35 = tpu.memref_slice %arg2[%add3A, %dma_wait3A_33, %dma_wait3A_34] : memref<32x80x128xi32, #tpu.memory_space<hbm>> -> memref<1x80x128xi32, #tpu.memory_space<hbm>>
    %dma_wait3A_36 = tpu.memref_squeeze %dma_wait3A_35 : memref<1x80x128xi32, #tpu.memory_space<hbm>> -> memref<80x128xi32, #tpu.memory_space<hbm>>
    %dma_wait3A_37 = arith.constant 0 : i32
    %dma_wait3A_38 = arith.constant 0 : i32
    %dma_wait3A_39 = tpu.memref_slice %arg2[%add3A, %dma_wait3A_37, %dma_wait3A_38] : memref<32x80x128xi32, #tpu.memory_space<hbm>> -> memref<1x80x128xi32, #tpu.memory_space<hbm>>
    %dma_wait3A_40 = tpu.memref_squeeze %dma_wait3A_39 : memref<1x80x128xi32, #tpu.memory_space<hbm>> -> memref<80x128xi32, #tpu.memory_space<hbm>>
    tpu.wait_dma2 semaphore(%arg17 : memref<!tpu.dma_semaphore, #tpu.memory_space<semaphore_mem>>) src(%dma_wait3A_40 : memref<80x128xi32, #tpu.memory_space<hbm>>) dst(%arg7 : memref<80x128xi32, #tpu.memory_space<vmem>>)
    %dma_wait3A_41 = arith.constant 0 : i32
    %dma_wait3A_42 = arith.constant 0 : i32
    %dma_wait3A_43 = tpu.memref_slice %arg3[%add3A, %dma_wait3A_41, %dma_wait3A_42] : memref<32x80x128xi32, #tpu.memory_space<hbm>> -> memref<1x80x128xi32, #tpu.memory_space<hbm>>
    %dma_wait3A_44 = tpu.memref_squeeze %dma_wait3A_43 : memref<1x80x128xi32, #tpu.memory_space<hbm>> -> memref<80x128xi32, #tpu.memory_space<hbm>>
    %dma_wait3A_45 = arith.constant 0 : i32
    %dma_wait3A_46 = arith.constant 0 : i32
    %dma_wait3A_47 = tpu.memref_slice %arg3[%add3A, %dma_wait3A_45, %dma_wait3A_46] : memref<32x80x128xi32, #tpu.memory_space<hbm>> -> memref<1x80x128xi32, #tpu.memory_space<hbm>>
    %dma_wait3A_48 = tpu.memref_squeeze %dma_wait3A_47 : memref<1x80x128xi32, #tpu.memory_space<hbm>> -> memref<80x128xi32, #tpu.memory_space<hbm>>
    tpu.wait_dma2 semaphore(%arg18 : memref<!tpu.dma_semaphore, #tpu.memory_space<semaphore_mem>>) src(%dma_wait3A_48 : memref<80x128xi32, #tpu.memory_space<hbm>>) dst(%arg8 : memref<80x128xi32, #tpu.memory_space<vmem>>)
    %barrier3A = arith.constant 0 : index
    tpu.barrier barrier_id(%barrier3A)
    %dma_start3A_49 = arith.constant 0 : i32
    %dma_start3A_50 = arith.constant 0 : i32
    %dma_start3A_51 = tpu.memref_slice %arg7[%dma_start3A_49, %dma_start3A_50] : memref<80x128xi32, #tpu.memory_space<vmem>> -> memref<1x128xi32, #tpu.memory_space<vmem>>
    %dma_start3A_52 = tpu.memref_squeeze %dma_start3A_51 : memref<1x128xi32, #tpu.memory_space<vmem>> -> memref<128xi32, #tpu.memory_space<vmem>>
    %dma_start3A_53 = arith.constant 0 : i32
    %dma_start3A_54 = arith.constant 0 : i32
    %dma_start3A_55 = tpu.memref_slice %arg13[%dma_start3A_53, %dma_start3A_54] : memref<10240x32xf32, #tpu.memory_space<vmem_shared>> -> memref<10240x32xf32, #tpu.memory_space<vmem_shared>>
    tpu.enqueue_indirect_dma source(%dma_start3A_55 : memref<10240x32xf32, #tpu.memory_space<vmem_shared>>) target(%arg9 : memref<128x32xf32, #tpu.memory_space<vmem>>) offsets(%dma_start3A_52 : memref<128xi32, #tpu.memory_space<vmem>>) semaphore(%arg15 : memref<!tpu.dma_semaphore, #tpu.memory_space<semaphore_mem>>)
    %dma_start3A_56 = arith.constant 1 : i32
    %dma_start3A_57 = arith.constant 0 : i32
    %dma_start3A_58 = tpu.memref_slice %arg7[%dma_start3A_56, %dma_start3A_57] : memref<80x128xi32, #tpu.memory_space<vmem>> -> memref<1x128xi32, #tpu.memory_space<vmem>>
    %dma_start3A_59 = tpu.memref_squeeze %dma_start3A_58 : memref<1x128xi32, #tpu.memory_space<vmem>> -> memref<128xi32, #tpu.memory_space<vmem>>
    %dma_start3A_60 = arith.constant 0 : i32
    %dma_start3A_61 = arith.constant 0 : i32
    %dma_start3A_62 = tpu.memref_slice %arg13[%dma_start3A_60, %dma_start3A_61] : memref<10240x32xf32, #tpu.memory_space<vmem_shared>> -> memref<10240x32xf32, #tpu.memory_space<vmem_shared>>
    tpu.enqueue_indirect_dma source(%dma_start3A_62 : memref<10240x32xf32, #tpu.memory_space<vmem_shared>>) target(%arg10 : memref<128x32xf32, #tpu.memory_space<vmem>>) offsets(%dma_start3A_59 : memref<128xi32, #tpu.memory_space<vmem>>) semaphore(%arg16 : memref<!tpu.dma_semaphore, #tpu.memory_space<semaphore_mem>>)
    %dma_start3A_63 = arith.constant 2 : i32
    %dma_start3A_64 = arith.constant 0 : i32
    %dma_start3A_65 = tpu.memref_slice %arg7[%dma_start3A_63, %dma_start3A_64] : memref<80x128xi32, #tpu.memory_space<vmem>> -> memref<1x128xi32, #tpu.memory_space<vmem>>
    %dma_start3A_66 = tpu.memref_squeeze %dma_start3A_65 : memref<1x128xi32, #tpu.memory_space<vmem>> -> memref<128xi32, #tpu.memory_space<vmem>>
    %dma_start3A_67 = arith.constant 0 : i32
    %dma_start3A_68 = arith.constant 0 : i32
    %dma_start3A_69 = tpu.memref_slice %arg13[%dma_start3A_67, %dma_start3A_68] : memref<10240x32xf32, #tpu.memory_space<vmem_shared>> -> memref<10240x32xf32, #tpu.memory_space<vmem_shared>>
    tpu.enqueue_indirect_dma source(%dma_start3A_69 : memref<10240x32xf32, #tpu.memory_space<vmem_shared>>) target(%arg11 : memref<128x32xf32, #tpu.memory_space<vmem>>) offsets(%dma_start3A_66 : memref<128xi32, #tpu.memory_space<vmem>>) semaphore(%arg17 : memref<!tpu.dma_semaphore, #tpu.memory_space<semaphore_mem>>)
    %dma_start3A_70 = arith.constant 3 : i32
    %dma_start3A_71 = arith.constant 0 : i32
    %dma_start3A_72 = tpu.memref_slice %arg7[%dma_start3A_70, %dma_start3A_71] : memref<80x128xi32, #tpu.memory_space<vmem>> -> memref<1x128xi32, #tpu.memory_space<vmem>>
    %dma_start3A_73 = tpu.memref_squeeze %dma_start3A_72 : memref<1x128xi32, #tpu.memory_space<vmem>> -> memref<128xi32, #tpu.memory_space<vmem>>
    %dma_start3A_74 = arith.constant 0 : i32
    %dma_start3A_75 = arith.constant 0 : i32
    %dma_start3A_76 = tpu.memref_slice %arg13[%dma_start3A_74, %dma_start3A_75] : memref<10240x32xf32, #tpu.memory_space<vmem_shared>> -> memref<10240x32xf32, #tpu.memory_space<vmem_shared>>
    tpu.enqueue_indirect_dma source(%dma_start3A_76 : memref<10240x32xf32, #tpu.memory_space<vmem_shared>>) target(%arg12 : memref<128x32xf32, #tpu.memory_space<vmem>>) offsets(%dma_start3A_73 : memref<128xi32, #tpu.memory_space<vmem>>) semaphore(%arg18 : memref<!tpu.dma_semaphore, #tpu.memory_space<semaphore_mem>>)
    %scan3A = arith.constant 0 : i32
    %scan3A_77 = arith.constant 0 : i32
    %scan3A_78 = arith.constant 20 : i32
    %scan3A_79 = arith.addi %scan3A_77, %scan3A_78 : i32
    %scan3A_80 = arith.constant 1 : i32
    scf.for %scan3A_115 = %scan3A_77 to %scan3A_79 step %scan3A_80  : i32 {
      %mul3A_116 = arith.constant 4 : i32
      %mul3A_117 = arith.muli %scan3A_115, %mul3A_116 : i32
      %add3A_118 = arith.constant 0 : i32
      %add3A_119 = arith.addi %mul3A_117, %add3A_118 : i32
      %dma_wait3A_120 = arith.constant 0 : i32
      %dma_wait3A_121 = tpu.memref_slice %arg7[%add3A_119, %dma_wait3A_120] : memref<80x128xi32, #tpu.memory_space<vmem>> -> memref<1x128xi32, #tpu.memory_space<vmem>>
      %dma_wait3A_122 = tpu.memref_squeeze %dma_wait3A_121 : memref<1x128xi32, #tpu.memory_space<vmem>> -> memref<128xi32, #tpu.memory_space<vmem>>
      %dma_wait3A_123 = arith.constant 0 : i32
      %dma_wait3A_124 = arith.constant 0 : i32
      %dma_wait3A_125 = tpu.memref_slice %arg13[%dma_wait3A_123, %dma_wait3A_124] : memref<10240x32xf32, #tpu.memory_space<vmem_shared>> -> memref<10240x32xf32, #tpu.memory_space<vmem_shared>>
      tpu.wait_indirect_dma semaphore(%arg15 : memref<!tpu.dma_semaphore, #tpu.memory_space<semaphore_mem>>) src(%dma_wait3A_125 : memref<10240x32xf32, #tpu.memory_space<vmem_shared>>) dst(%arg9 : memref<128x32xf32, #tpu.memory_space<vmem>>)
      %dma_start3A_126 = arith.constant 0 : i32
      %dma_start3A_127 = tpu.memref_slice %arg8[%add3A_119, %dma_start3A_126] : memref<80x128xi32, #tpu.memory_space<vmem>> -> memref<1x128xi32, #tpu.memory_space<vmem>>
      %dma_start3A_128 = tpu.memref_squeeze %dma_start3A_127 : memref<1x128xi32, #tpu.memory_space<vmem>> -> memref<128xi32, #tpu.memory_space<vmem>>
      %dma_start3A_129 = arith.constant 0 : i32
      %dma_start3A_130 = arith.constant 0 : i32
      %dma_start3A_131 = tpu.memref_slice %arg14[%dma_start3A_129, %dma_start3A_130] : memref<10240x32xf32, #tpu.memory_space<vmem_shared>> -> memref<10240x32xf32, #tpu.memory_space<vmem_shared>>
      tpu.enqueue_indirect_dma source(%arg9 : memref<128x32xf32, #tpu.memory_space<vmem>>) target(%dma_start3A_131 : memref<10240x32xf32, #tpu.memory_space<vmem_shared>>) offsets(%dma_start3A_128 : memref<128xi32, #tpu.memory_space<vmem>>) semaphore(%arg19 : memref<!tpu.dma_semaphore, #tpu.memory_space<semaphore_mem>>) {add = true}
      %ge3A = arith.constant 1 : i32
      %ge3A_132 = arith.cmpi sge, %add3A_119, %ge3A : i32
      %le3A = arith.constant 76 : i32
      %le3A_133 = arith.cmpi sle, %add3A_119, %le3A : i32
      %and3A = arith.andi %ge3A_132, %le3A_133 : i1
      %convert_element_type3A = arith.extui %and3A : i1 to i32
      %cond3A = arith.constant 0 : i32
      %cond3A_134 = arith.cmpi ne, %convert_element_type3A, %cond3A : i32
      scf.if %cond3A_134 {
        %dma_wait3A_207 = arith.constant 0 : i32
        %dma_wait3A_208 = arith.constant 0 : i32
        %dma_wait3A_209 = tpu.memref_slice %arg8[%dma_wait3A_207, %dma_wait3A_208] : memref<80x128xi32, #tpu.memory_space<vmem>> -> memref<1x128xi32, #tpu.memory_space<vmem>>
        %dma_wait3A_210 = tpu.memref_squeeze %dma_wait3A_209 : memref<1x128xi32, #tpu.memory_space<vmem>> -> memref<128xi32, #tpu.memory_space<vmem>>
        %dma_wait3A_211 = arith.constant 0 : i32
        %dma_wait3A_212 = arith.constant 0 : i32
        %dma_wait3A_213 = tpu.memref_slice %arg14[%dma_wait3A_211, %dma_wait3A_212] : memref<10240x32xf32, #tpu.memory_space<vmem_shared>> -> memref<10240x32xf32, #tpu.memory_space<vmem_shared>>
        tpu.wait_indirect_dma semaphore(%arg22 : memref<!tpu.dma_semaphore, #tpu.memory_space<semaphore_mem>>) src(%arg12 : memref<128x32xf32, #tpu.memory_space<vmem>>) dst(%dma_wait3A_213 : memref<10240x32xf32, #tpu.memory_space<vmem_shared>>)
        %add3A_214 = arith.constant 3 : i32
        %add3A_215 = arith.addi %add3A_119, %add3A_214 : i32
        %dma_start3A_216 = arith.constant 0 : i32
        %dma_start3A_217 = tpu.memref_slice %arg7[%add3A_215, %dma_start3A_216] : memref<80x128xi32, #tpu.memory_space<vmem>> -> memref<1x128xi32, #tpu.memory_space<vmem>>
        %dma_start3A_218 = tpu.memref_squeeze %dma_start3A_217 : memref<1x128xi32, #tpu.memory_space<vmem>> -> memref<128xi32, #tpu.memory_space<vmem>>
        %dma_start3A_219 = arith.constant 0 : i32
        %dma_start3A_220 = arith.constant 0 : i32
        %dma_start3A_221 = tpu.memref_slice %arg13[%dma_start3A_219, %dma_start3A_220] : memref<10240x32xf32, #tpu.memory_space<vmem_shared>> -> memref<10240x32xf32, #tpu.memory_space<vmem_shared>>
        tpu.enqueue_indirect_dma source(%dma_start3A_221 : memref<10240x32xf32, #tpu.memory_space<vmem_shared>>) target(%arg12 : memref<128x32xf32, #tpu.memory_space<vmem>>) offsets(%dma_start3A_218 : memref<128xi32, #tpu.memory_space<vmem>>) semaphore(%arg18 : memref<!tpu.dma_semaphore, #tpu.memory_space<semaphore_mem>>)
      } else {
      }
      %mul3A_135 = arith.constant 4 : i32
      %mul3A_136 = arith.muli %scan3A_115, %mul3A_135 : i32
      %add3A_137 = arith.constant 1 : i32
      %add3A_138 = arith.addi %mul3A_136, %add3A_137 : i32
      %dma_wait3A_139 = arith.constant 0 : i32
      %dma_wait3A_140 = tpu.memref_slice %arg7[%add3A_138, %dma_wait3A_139] : memref<80x128xi32, #tpu.memory_space<vmem>> -> memref<1x128xi32, #tpu.memory_space<vmem>>
      %dma_wait3A_141 = tpu.memref_squeeze %dma_wait3A_140 : memref<1x128xi32, #tpu.memory_space<vmem>> -> memref<128xi32, #tpu.memory_space<vmem>>
      %dma_wait3A_142 = arith.constant 0 : i32
      %dma_wait3A_143 = arith.constant 0 : i32
      %dma_wait3A_144 = tpu.memref_slice %arg13[%dma_wait3A_142, %dma_wait3A_143] : memref<10240x32xf32, #tpu.memory_space<vmem_shared>> -> memref<10240x32xf32, #tpu.memory_space<vmem_shared>>
      tpu.wait_indirect_dma semaphore(%arg16 : memref<!tpu.dma_semaphore, #tpu.memory_space<semaphore_mem>>) src(%dma_wait3A_144 : memref<10240x32xf32, #tpu.memory_space<vmem_shared>>) dst(%arg10 : memref<128x32xf32, #tpu.memory_space<vmem>>)
      %dma_start3A_145 = arith.constant 0 : i32
      %dma_start3A_146 = tpu.memref_slice %arg8[%add3A_138, %dma_start3A_145] : memref<80x128xi32, #tpu.memory_space<vmem>> -> memref<1x128xi32, #tpu.memory_space<vmem>>
      %dma_start3A_147 = tpu.memref_squeeze %dma_start3A_146 : memref<1x128xi32, #tpu.memory_space<vmem>> -> memref<128xi32, #tpu.memory_space<vmem>>
      %dma_start3A_148 = arith.constant 0 : i32
      %dma_start3A_149 = arith.constant 0 : i32
      %dma_start3A_150 = tpu.memref_slice %arg14[%dma_start3A_148, %dma_start3A_149] : memref<10240x32xf32, #tpu.memory_space<vmem_shared>> -> memref<10240x32xf32, #tpu.memory_space<vmem_shared>>
      tpu.enqueue_indirect_dma source(%arg10 : memref<128x32xf32, #tpu.memory_space<vmem>>) target(%dma_start3A_150 : memref<10240x32xf32, #tpu.memory_space<vmem_shared>>) offsets(%dma_start3A_147 : memref<128xi32, #tpu.memory_space<vmem>>) semaphore(%arg20 : memref<!tpu.dma_semaphore, #tpu.memory_space<semaphore_mem>>) {add = true}
      %ge3A_151 = arith.constant 1 : i32
      %ge3A_152 = arith.cmpi sge, %add3A_138, %ge3A_151 : i32
      %le3A_153 = arith.constant 76 : i32
      %le3A_154 = arith.cmpi sle, %add3A_138, %le3A_153 : i32
      %and3A_155 = arith.andi %ge3A_152, %le3A_154 : i1
      %convert_element_type3A_156 = arith.extui %and3A_155 : i1 to i32
      %cond3A_157 = arith.constant 0 : i32
      %cond3A_158 = arith.cmpi ne, %convert_element_type3A_156, %cond3A_157 : i32
      scf.if %cond3A_158 {
        %dma_wait3A_207 = arith.constant 0 : i32
        %dma_wait3A_208 = arith.constant 0 : i32
        %dma_wait3A_209 = tpu.memref_slice %arg8[%dma_wait3A_207, %dma_wait3A_208] : memref<80x128xi32, #tpu.memory_space<vmem>> -> memref<1x128xi32, #tpu.memory_space<vmem>>
        %dma_wait3A_210 = tpu.memref_squeeze %dma_wait3A_209 : memref<1x128xi32, #tpu.memory_space<vmem>> -> memref<128xi32, #tpu.memory_space<vmem>>
        %dma_wait3A_211 = arith.constant 0 : i32
        %dma_wait3A_212 = arith.constant 0 : i32
        %dma_wait3A_213 = tpu.memref_slice %arg14[%dma_wait3A_211, %dma_wait3A_212] : memref<10240x32xf32, #tpu.memory_space<vmem_shared>> -> memref<10240x32xf32, #tpu.memory_space<vmem_shared>>
        tpu.wait_indirect_dma semaphore(%arg19 : memref<!tpu.dma_semaphore, #tpu.memory_space<semaphore_mem>>) src(%arg9 : memref<128x32xf32, #tpu.memory_space<vmem>>) dst(%dma_wait3A_213 : memref<10240x32xf32, #tpu.memory_space<vmem_shared>>)
        %add3A_214 = arith.constant 3 : i32
        %add3A_215 = arith.addi %add3A_138, %add3A_214 : i32
        %dma_start3A_216 = arith.constant 0 : i32
        %dma_start3A_217 = tpu.memref_slice %arg7[%add3A_215, %dma_start3A_216] : memref<80x128xi32, #tpu.memory_space<vmem>> -> memref<1x128xi32, #tpu.memory_space<vmem>>
        %dma_start3A_218 = tpu.memref_squeeze %dma_start3A_217 : memref<1x128xi32, #tpu.memory_space<vmem>> -> memref<128xi32, #tpu.memory_space<vmem>>
        %dma_start3A_219 = arith.constant 0 : i32
        %dma_start3A_220 = arith.constant 0 : i32
        %dma_start3A_221 = tpu.memref_slice %arg13[%dma_start3A_219, %dma_start3A_220] : memref<10240x32xf32, #tpu.memory_space<vmem_shared>> -> memref<10240x32xf32, #tpu.memory_space<vmem_shared>>
        tpu.enqueue_indirect_dma source(%dma_start3A_221 : memref<10240x32xf32, #tpu.memory_space<vmem_shared>>) target(%arg9 : memref<128x32xf32, #tpu.memory_space<vmem>>) offsets(%dma_start3A_218 : memref<128xi32, #tpu.memory_space<vmem>>) semaphore(%arg15 : memref<!tpu.dma_semaphore, #tpu.memory_space<semaphore_mem>>)
      } else {
      }
      %mul3A_159 = arith.constant 4 : i32
      %mul3A_160 = arith.muli %scan3A_115, %mul3A_159 : i32
      %add3A_161 = arith.constant 2 : i32
      %add3A_162 = arith.addi %mul3A_160, %add3A_161 : i32
      %dma_wait3A_163 = arith.constant 0 : i32
      %dma_wait3A_164 = tpu.memref_slice %arg7[%add3A_162, %dma_wait3A_163] : memref<80x128xi32, #tpu.memory_space<vmem>> -> memref<1x128xi32, #tpu.memory_space<vmem>>
      %dma_wait3A_165 = tpu.memref_squeeze %dma_wait3A_164 : memref<1x128xi32, #tpu.memory_space<vmem>> -> memref<128xi32, #tpu.memory_space<vmem>>
      %dma_wait3A_166 = arith.constant 0 : i32
      %dma_wait3A_167 = arith.constant 0 : i32
      %dma_wait3A_168 = tpu.memref_slice %arg13[%dma_wait3A_166, %dma_wait3A_167] : memref<10240x32xf32, #tpu.memory_space<vmem_shared>> -> memref<10240x32xf32, #tpu.memory_space<vmem_shared>>
      tpu.wait_indirect_dma semaphore(%arg17 : memref<!tpu.dma_semaphore, #tpu.memory_space<semaphore_mem>>) src(%dma_wait3A_168 : memref<10240x32xf32, #tpu.memory_space<vmem_shared>>) dst(%arg11 : memref<128x32xf32, #tpu.memory_space<vmem>>)
      %dma_start3A_169 = arith.constant 0 : i32
      %dma_start3A_170 = tpu.memref_slice %arg8[%add3A_162, %dma_start3A_169] : memref<80x128xi32, #tpu.memory_space<vmem>> -> memref<1x128xi32, #tpu.memory_space<vmem>>
      %dma_start3A_171 = tpu.memref_squeeze %dma_start3A_170 : memref<1x128xi32, #tpu.memory_space<vmem>> -> memref<128xi32, #tpu.memory_space<vmem>>
      %dma_start3A_172 = arith.constant 0 : i32
      %dma_start3A_173 = arith.constant 0 : i32
      %dma_start3A_174 = tpu.memref_slice %arg14[%dma_start3A_172, %dma_start3A_173] : memref<10240x32xf32, #tpu.memory_space<vmem_shared>> -> memref<10240x32xf32, #tpu.memory_space<vmem_shared>>
      tpu.enqueue_indirect_dma source(%arg11 : memref<128x32xf32, #tpu.memory_space<vmem>>) target(%dma_start3A_174 : memref<10240x32xf32, #tpu.memory_space<vmem_shared>>) offsets(%dma_start3A_171 : memref<128xi32, #tpu.memory_space<vmem>>) semaphore(%arg21 : memref<!tpu.dma_semaphore, #tpu.memory_space<semaphore_mem>>) {add = true}
      %ge3A_175 = arith.constant 1 : i32
      %ge3A_176 = arith.cmpi sge, %add3A_162, %ge3A_175 : i32
      %le3A_177 = arith.constant 76 : i32
      %le3A_178 = arith.cmpi sle, %add3A_162, %le3A_177 : i32
      %and3A_179 = arith.andi %ge3A_176, %le3A_178 : i1
      %convert_element_type3A_180 = arith.extui %and3A_179 : i1 to i32
      %cond3A_181 = arith.constant 0 : i32
      %cond3A_182 = arith.cmpi ne, %convert_element_type3A_180, %cond3A_181 : i32
      scf.if %cond3A_182 {
        %dma_wait3A_207 = arith.constant 0 : i32
        %dma_wait3A_208 = arith.constant 0 : i32
        %dma_wait3A_209 = tpu.memref_slice %arg8[%dma_wait3A_207, %dma_wait3A_208] : memref<80x128xi32, #tpu.memory_space<vmem>> -> memref<1x128xi32, #tpu.memory_space<vmem>>
        %dma_wait3A_210 = tpu.memref_squeeze %dma_wait3A_209 : memref<1x128xi32, #tpu.memory_space<vmem>> -> memref<128xi32, #tpu.memory_space<vmem>>
        %dma_wait3A_211 = arith.constant 0 : i32
        %dma_wait3A_212 = arith.constant 0 : i32
        %dma_wait3A_213 = tpu.memref_slice %arg14[%dma_wait3A_211, %dma_wait3A_212] : memref<10240x32xf32, #tpu.memory_space<vmem_shared>> -> memref<10240x32xf32, #tpu.memory_space<vmem_shared>>
        tpu.wait_indirect_dma semaphore(%arg20 : memref<!tpu.dma_semaphore, #tpu.memory_space<semaphore_mem>>) src(%arg10 : memref<128x32xf32, #tpu.memory_space<vmem>>) dst(%dma_wait3A_213 : memref<10240x32xf32, #tpu.memory_space<vmem_shared>>)
        %add3A_214 = arith.constant 3 : i32
        %add3A_215 = arith.addi %add3A_162, %add3A_214 : i32
        %dma_start3A_216 = arith.constant 0 : i32
        %dma_start3A_217 = tpu.memref_slice %arg7[%add3A_215, %dma_start3A_216] : memref<80x128xi32, #tpu.memory_space<vmem>> -> memref<1x128xi32, #tpu.memory_space<vmem>>
        %dma_start3A_218 = tpu.memref_squeeze %dma_start3A_217 : memref<1x128xi32, #tpu.memory_space<vmem>> -> memref<128xi32, #tpu.memory_space<vmem>>
        %dma_start3A_219 = arith.constant 0 : i32
        %dma_start3A_220 = arith.constant 0 : i32
        %dma_start3A_221 = tpu.memref_slice %arg13[%dma_start3A_219, %dma_start3A_220] : memref<10240x32xf32, #tpu.memory_space<vmem_shared>> -> memref<10240x32xf32, #tpu.memory_space<vmem_shared>>
        tpu.enqueue_indirect_dma source(%dma_start3A_221 : memref<10240x32xf32, #tpu.memory_space<vmem_shared>>) target(%arg10 : memref<128x32xf32, #tpu.memory_space<vmem>>) offsets(%dma_start3A_218 : memref<128xi32, #tpu.memory_space<vmem>>) semaphore(%arg16 : memref<!tpu.dma_semaphore, #tpu.memory_space<semaphore_mem>>)
      } else {
      }
      %mul3A_183 = arith.constant 4 : i32
      %mul3A_184 = arith.muli %scan3A_115, %mul3A_183 : i32
      %add3A_185 = arith.constant 3 : i32
      %add3A_186 = arith.addi %mul3A_184, %add3A_185 : i32
      %dma_wait3A_187 = arith.constant 0 : i32
      %dma_wait3A_188 = tpu.memref_slice %arg7[%add3A_186, %dma_wait3A_187] : memref<80x128xi32, #tpu.memory_space<vmem>> -> memref<1x128xi32, #tpu.memory_space<vmem>>
      %dma_wait3A_189 = tpu.memref_squeeze %dma_wait3A_188 : memref<1x128xi32, #tpu.memory_space<vmem>> -> memref<128xi32, #tpu.memory_space<vmem>>
      %dma_wait3A_190 = arith.constant 0 : i32
      %dma_wait3A_191 = arith.constant 0 : i32
      %dma_wait3A_192 = tpu.memref_slice %arg13[%dma_wait3A_190, %dma_wait3A_191] : memref<10240x32xf32, #tpu.memory_space<vmem_shared>> -> memref<10240x32xf32, #tpu.memory_space<vmem_shared>>
      tpu.wait_indirect_dma semaphore(%arg18 : memref<!tpu.dma_semaphore, #tpu.memory_space<semaphore_mem>>) src(%dma_wait3A_192 : memref<10240x32xf32, #tpu.memory_space<vmem_shared>>) dst(%arg12 : memref<128x32xf32, #tpu.memory_space<vmem>>)
      %dma_start3A_193 = arith.constant 0 : i32
      %dma_start3A_194 = tpu.memref_slice %arg8[%add3A_186, %dma_start3A_193] : memref<80x128xi32, #tpu.memory_space<vmem>> -> memref<1x128xi32, #tpu.memory_space<vmem>>
      %dma_start3A_195 = tpu.memref_squeeze %dma_start3A_194 : memref<1x128xi32, #tpu.memory_space<vmem>> -> memref<128xi32, #tpu.memory_space<vmem>>
      %dma_start3A_196 = arith.constant 0 : i32
      %dma_start3A_197 = arith.constant 0 : i32
      %dma_start3A_198 = tpu.memref_slice %arg14[%dma_start3A_196, %dma_start3A_197] : memref<10240x32xf32, #tpu.memory_space<vmem_shared>> -> memref<10240x32xf32, #tpu.memory_space<vmem_shared>>
      tpu.enqueue_indirect_dma source(%arg12 : memref<128x32xf32, #tpu.memory_space<vmem>>) target(%dma_start3A_198 : memref<10240x32xf32, #tpu.memory_space<vmem_shared>>) offsets(%dma_start3A_195 : memref<128xi32, #tpu.memory_space<vmem>>) semaphore(%arg22 : memref<!tpu.dma_semaphore, #tpu.memory_space<semaphore_mem>>) {add = true}
      %ge3A_199 = arith.constant 1 : i32
      %ge3A_200 = arith.cmpi sge, %add3A_186, %ge3A_199 : i32
      %le3A_201 = arith.constant 76 : i32
      %le3A_202 = arith.cmpi sle, %add3A_186, %le3A_201 : i32
      %and3A_203 = arith.andi %ge3A_200, %le3A_202 : i1
      %convert_element_type3A_204 = arith.extui %and3A_203 : i1 to i32
      %cond3A_205 = arith.constant 0 : i32
      %cond3A_206 = arith.cmpi ne, %convert_element_type3A_204, %cond3A_205 : i32
      scf.if %cond3A_206 {
        %dma_wait3A_207 = arith.constant 0 : i32
        %dma_wait3A_208 = arith.constant 0 : i32
        %dma_wait3A_209 = tpu.memref_slice %arg8[%dma_wait3A_207, %dma_wait3A_208] : memref<80x128xi32, #tpu.memory_space<vmem>> -> memref<1x128xi32, #tpu.memory_space<vmem>>
        %dma_wait3A_210 = tpu.memref_squeeze %dma_wait3A_209 : memref<1x128xi32, #tpu.memory_space<vmem>> -> memref<128xi32, #tpu.memory_space<vmem>>
        %dma_wait3A_211 = arith.constant 0 : i32
        %dma_wait3A_212 = arith.constant 0 : i32
        %dma_wait3A_213 = tpu.memref_slice %arg14[%dma_wait3A_211, %dma_wait3A_212] : memref<10240x32xf32, #tpu.memory_space<vmem_shared>> -> memref<10240x32xf32, #tpu.memory_space<vmem_shared>>
        tpu.wait_indirect_dma semaphore(%arg21 : memref<!tpu.dma_semaphore, #tpu.memory_space<semaphore_mem>>) src(%arg11 : memref<128x32xf32, #tpu.memory_space<vmem>>) dst(%dma_wait3A_213 : memref<10240x32xf32, #tpu.memory_space<vmem_shared>>)
        %add3A_214 = arith.constant 3 : i32
        %add3A_215 = arith.addi %add3A_186, %add3A_214 : i32
        %dma_start3A_216 = arith.constant 0 : i32
        %dma_start3A_217 = tpu.memref_slice %arg7[%add3A_215, %dma_start3A_216] : memref<80x128xi32, #tpu.memory_space<vmem>> -> memref<1x128xi32, #tpu.memory_space<vmem>>
        %dma_start3A_218 = tpu.memref_squeeze %dma_start3A_217 : memref<1x128xi32, #tpu.memory_space<vmem>> -> memref<128xi32, #tpu.memory_space<vmem>>
        %dma_start3A_219 = arith.constant 0 : i32
        %dma_start3A_220 = arith.constant 0 : i32
        %dma_start3A_221 = tpu.memref_slice %arg13[%dma_start3A_219, %dma_start3A_220] : memref<10240x32xf32, #tpu.memory_space<vmem_shared>> -> memref<10240x32xf32, #tpu.memory_space<vmem_shared>>
        tpu.enqueue_indirect_dma source(%dma_start3A_221 : memref<10240x32xf32, #tpu.memory_space<vmem_shared>>) target(%arg11 : memref<128x32xf32, #tpu.memory_space<vmem>>) offsets(%dma_start3A_218 : memref<128xi32, #tpu.memory_space<vmem>>) semaphore(%arg17 : memref<!tpu.dma_semaphore, #tpu.memory_space<semaphore_mem>>)
      } else {
      }
    }
    %scan3A_81 = arith.constant 20 : i32
    %dma_wait3A_82 = arith.constant 0 : i32
    %dma_wait3A_83 = arith.constant 0 : i32
    %dma_wait3A_84 = tpu.memref_slice %arg8[%dma_wait3A_82, %dma_wait3A_83] : memref<80x128xi32, #tpu.memory_space<vmem>> -> memref<1x128xi32, #tpu.memory_space<vmem>>
    %dma_wait3A_85 = tpu.memref_squeeze %dma_wait3A_84 : memref<1x128xi32, #tpu.memory_space<vmem>> -> memref<128xi32, #tpu.memory_space<vmem>>
    %dma_wait3A_86 = arith.constant 0 : i32
    %dma_wait3A_87 = arith.constant 0 : i32
    %dma_wait3A_88 = tpu.memref_slice %arg14[%dma_wait3A_86, %dma_wait3A_87] : memref<10240x32xf32, #tpu.memory_space<vmem_shared>> -> memref<10240x32xf32, #tpu.memory_space<vmem_shared>>
    tpu.wait_indirect_dma semaphore(%arg19 : memref<!tpu.dma_semaphore, #tpu.memory_space<semaphore_mem>>) src(%arg9 : memref<128x32xf32, #tpu.memory_space<vmem>>) dst(%dma_wait3A_88 : memref<10240x32xf32, #tpu.memory_space<vmem_shared>>)
    %dma_wait3A_89 = arith.constant 0 : i32
    %dma_wait3A_90 = arith.constant 0 : i32
    %dma_wait3A_91 = tpu.memref_slice %arg8[%dma_wait3A_89, %dma_wait3A_90] : memref<80x128xi32, #tpu.memory_space<vmem>> -> memref<1x128xi32, #tpu.memory_space<vmem>>
    %dma_wait3A_92 = tpu.memref_squeeze %dma_wait3A_91 : memref<1x128xi32, #tpu.memory_space<vmem>> -> memref<128xi32, #tpu.memory_space<vmem>>
    %dma_wait3A_93 = arith.constant 0 : i32
    %dma_wait3A_94 = arith.constant 0 : i32
    %dma_wait3A_95 = tpu.memref_slice %arg14[%dma_wait3A_93, %dma_wait3A_94] : memref<10240x32xf32, #tpu.memory_space<vmem_shared>> -> memref<10240x32xf32, #tpu.memory_space<vmem_shared>>
    tpu.wait_indirect_dma semaphore(%arg20 : memref<!tpu.dma_semaphore, #tpu.memory_space<semaphore_mem>>) src(%arg10 : memref<128x32xf32, #tpu.memory_space<vmem>>) dst(%dma_wait3A_95 : memref<10240x32xf32, #tpu.memory_space<vmem_shared>>)
    %dma_wait3A_96 = arith.constant 0 : i32
    %dma_wait3A_97 = arith.constant 0 : i32
    %dma_wait3A_98 = tpu.memref_slice %arg8[%dma_wait3A_96, %dma_wait3A_97] : memref<80x128xi32, #tpu.memory_space<vmem>> -> memref<1x128xi32, #tpu.memory_space<vmem>>
    %dma_wait3A_99 = tpu.memref_squeeze %dma_wait3A_98 : memref<1x128xi32, #tpu.memory_space<vmem>> -> memref<128xi32, #tpu.memory_space<vmem>>
    %dma_wait3A_100 = arith.constant 0 : i32
    %dma_wait3A_101 = arith.constant 0 : i32
    %dma_wait3A_102 = tpu.memref_slice %arg14[%dma_wait3A_100, %dma_wait3A_101] : memref<10240x32xf32, #tpu.memory_space<vmem_shared>> -> memref<10240x32xf32, #tpu.memory_space<vmem_shared>>
    tpu.wait_indirect_dma semaphore(%arg21 : memref<!tpu.dma_semaphore, #tpu.memory_space<semaphore_mem>>) src(%arg11 : memref<128x32xf32, #tpu.memory_space<vmem>>) dst(%dma_wait3A_102 : memref<10240x32xf32, #tpu.memory_space<vmem_shared>>)
    %dma_wait3A_103 = arith.constant 0 : i32
    %dma_wait3A_104 = arith.constant 0 : i32
    %dma_wait3A_105 = tpu.memref_slice %arg8[%dma_wait3A_103, %dma_wait3A_104] : memref<80x128xi32, #tpu.memory_space<vmem>> -> memref<1x128xi32, #tpu.memory_space<vmem>>
    %dma_wait3A_106 = tpu.memref_squeeze %dma_wait3A_105 : memref<1x128xi32, #tpu.memory_space<vmem>> -> memref<128xi32, #tpu.memory_space<vmem>>
    %dma_wait3A_107 = arith.constant 0 : i32
    %dma_wait3A_108 = arith.constant 0 : i32
    %dma_wait3A_109 = tpu.memref_slice %arg14[%dma_wait3A_107, %dma_wait3A_108] : memref<10240x32xf32, #tpu.memory_space<vmem_shared>> -> memref<10240x32xf32, #tpu.memory_space<vmem_shared>>
    tpu.wait_indirect_dma semaphore(%arg22 : memref<!tpu.dma_semaphore, #tpu.memory_space<semaphore_mem>>) src(%arg12 : memref<128x32xf32, #tpu.memory_space<vmem>>) dst(%dma_wait3A_109 : memref<10240x32xf32, #tpu.memory_space<vmem_shared>>)
    %barrier3A_110 = arith.constant 0 : index
    tpu.barrier barrier_id(%barrier3A_110)
    %mul3A_111 = arith.constant 640 : i32
    %mul3A_112 = arith.muli %arg1, %mul3A_111 : i32
    %mul3A_113 = arith.constant 640 : i32
    %mul3A_114 = arith.muli %arg1, %mul3A_113 : i32
    "tpu.region"() ({
      %run_scoped3A = tpu.sem_alloc : memref<!tpu.dma_semaphore, #tpu.memory_space<semaphore_mem>>
      %dma_start3A_115 = arith.constant 0 : i32
      %dma_start3A_116 = tpu.memref_slice %arg6[%arg0, %mul3A_114, %dma_start3A_115] : memref<2x10240x32xf32, #tpu.memory_space<hbm>> -> memref<1x640x32xf32, #tpu.memory_space<hbm>>
      %dma_start3A_117 = tpu.memref_squeeze %dma_start3A_116 : memref<1x640x32xf32, #tpu.memory_space<hbm>> -> memref<640x32xf32, #tpu.memory_space<hbm>>
      %dma_start3A_118 = arith.constant 0 : i32
      %dma_start3A_119 = tpu.memref_slice %arg14[%mul3A_112, %dma_start3A_118] : memref<10240x32xf32, #tpu.memory_space<vmem_shared>> -> memref<640x32xf32, #tpu.memory_space<vmem_shared>>
      tpu.enqueue_dma source(%dma_start3A_119 : memref<640x32xf32, #tpu.memory_space<vmem_shared>>) target(%dma_start3A_117 : memref<640x32xf32, #tpu.memory_space<hbm>>) target_semaphore(%run_scoped3A : memref<!tpu.dma_semaphore, #tpu.memory_space<semaphore_mem>>)
      %dma_wait3A_120 = arith.constant 0 : i32
      %dma_wait3A_121 = tpu.memref_slice %arg6[%arg0, %mul3A_114, %dma_wait3A_120] : memref<2x10240x32xf32, #tpu.memory_space<hbm>> -> memref<1x640x32xf32, #tpu.memory_space<hbm>>
      %dma_wait3A_122 = tpu.memref_squeeze %dma_wait3A_121 : memref<1x640x32xf32, #tpu.memory_space<hbm>> -> memref<640x32xf32, #tpu.memory_space<hbm>>
      %dma_wait3A_123 = arith.constant 0 : i32
      %dma_wait3A_124 = tpu.memref_slice %arg14[%mul3A_112, %dma_wait3A_123] : memref<10240x32xf32, #tpu.memory_space<vmem_shared>> -> memref<640x32xf32, #tpu.memory_space<vmem_shared>>
      tpu.wait_dma2 semaphore(%run_scoped3A : memref<!tpu.dma_semaphore, #tpu.memory_space<semaphore_mem>>) src(%dma_wait3A_124 : memref<640x32xf32, #tpu.memory_space<vmem_shared>>) dst(%dma_wait3A_122 : memref<640x32xf32, #tpu.memory_space<hbm>>)
      tpu.yield
    }) : () -> ()
    return
  }
}

#map = affine_map<(d0, d1) -> (0, 0, 0)>
#map1 = affine_map<(d0, d1) -> (0, 0)>
module attributes {stable_mosaic.version = 14 : i64} {
  func.func @msg_kernel(%arg0: i32, %arg1: i32, %arg2: memref<32x80x128xi32, #tpu.memory_space<hbm>>, %arg3: memref<32x80x128xi32, #tpu.memory_space<hbm>>, %arg4: memref<10240x32xf32, #tpu.memory_space<hbm>>, %arg5: memref<640x32xf32, #tpu.memory_space<hbm>>, %arg6: memref<2x10240x32xf32, #tpu.memory_space<hbm>>, %arg7: memref<80x128xi32, #tpu.memory_space<vmem>>, %arg8: memref<80x128xi32, #tpu.memory_space<vmem>>, %arg9: memref<128x32xf32, #tpu.memory_space<vmem>>, %arg10: memref<128x32xf32, #tpu.memory_space<vmem>>, %arg11: memref<128x32xf32, #tpu.memory_space<vmem>>, %arg12: memref<128x32xf32, #tpu.memory_space<vmem>>, %arg13: memref<10240x32xf32, #tpu.memory_space<vmem_shared>>, %arg14: memref<10240x32xf32, #tpu.memory_space<vmem_shared>>, %arg15: memref<!tpu.dma_semaphore, #tpu.memory_space<semaphore_mem>>, %arg16: memref<!tpu.dma_semaphore, #tpu.memory_space<semaphore_mem>>, %arg17: memref<!tpu.dma_semaphore, #tpu.memory_space<semaphore_mem>>, %arg18: memref<!tpu.dma_semaphore, #tpu.memory_space<semaphore_mem>>, %arg19: memref<!tpu.dma_semaphore, #tpu.memory_space<semaphore_mem>>, %arg20: memref<!tpu.dma_semaphore, #tpu.memory_space<semaphore_mem>>, %arg21: memref<!tpu.dma_semaphore, #tpu.memory_space<semaphore_mem>>, %arg22: memref<!tpu.dma_semaphore, #tpu.memory_space<semaphore_mem>>) attributes {dimension_semantics = [#tpu.dimension_semantics<core_parallel>, #tpu.dimension_semantics<subcore_parallel>], iteration_bounds = array<i64: 2, 16>, scalar_prefetch = 0 : i64, scratch_operands = 16 : i64, tpu.core_type = #tpu.core_type<sc_vector_subcore>, window_params = [{transform_indices = #map}, {transform_indices = #map}, {transform_indices = #map1}, {transform_indices = #map1}, {transform_indices = #map}]} {
    %mul3A = arith.constant 2 : i32
    %mul3A_0 = arith.muli %arg1, %mul3A : i32
    %add3A = arith.addi %mul3A_0, %arg0 : i32
    %mul3A_1 = arith.constant 640 : i32
    %mul3A_2 = arith.muli %arg1, %mul3A_1 : i32
    %dma_start3A = arith.constant 0 : i32
    %dma_start3A_3 = tpu.memref_slice %arg14[%mul3A_2, %dma_start3A] : memref<10240x32xf32, #tpu.memory_space<vmem_shared>> -> memref<640x32xf32, #tpu.memory_space<vmem_shared>>
    tpu.enqueue_dma source(%arg5 : memref<640x32xf32, #tpu.memory_space<hbm>>) target(%dma_start3A_3 : memref<640x32xf32, #tpu.memory_space<vmem_shared>>) target_semaphore(%arg15 : memref<!tpu.dma_semaphore, #tpu.memory_space<semaphore_mem>>)
    %mul3A_4 = arith.constant 640 : i32
    %mul3A_5 = arith.muli %arg1, %mul3A_4 : i32
    %mul3A_6 = arith.constant 640 : i32
    %mul3A_7 = arith.muli %arg1, %mul3A_6 : i32
    %dma_start3A_8 = arith.constant 0 : i32
    %dma_start3A_9 = tpu.memref_slice %arg13[%mul3A_7, %dma_start3A_8] : memref<10240x32xf32, #tpu.memory_space<vmem_shared>> -> memref<640x32xf32, #tpu.memory_space<vmem_shared>>
    %dma_start3A_10 = arith.constant 0 : i32
    %dma_start3A_11 = tpu.memref_slice %arg4[%mul3A_5, %dma_start3A_10] : memref<10240x32xf32, #tpu.memory_space<hbm>> -> memref<640x32xf32, #tpu.memory_space<hbm>>
    tpu.enqueue_dma source(%dma_start3A_11 : memref<640x32xf32, #tpu.memory_space<hbm>>) target(%dma_start3A_9 : memref<640x32xf32, #tpu.memory_space<vmem_shared>>) target_semaphore(%arg16 : memref<!tpu.dma_semaphore, #tpu.memory_space<semaphore_mem>>)
    %dma_start3A_12 = arith.constant 0 : i32
    %dma_start3A_13 = arith.constant 0 : i32
    %dma_start3A_14 = tpu.memref_slice %arg2[%add3A, %dma_start3A_12, %dma_start3A_13] : memref<32x80x128xi32, #tpu.memory_space<hbm>> -> memref<1x80x128xi32, #tpu.memory_space<hbm>>
    %dma_start3A_15 = tpu.memref_squeeze %dma_start3A_14 : memref<1x80x128xi32, #tpu.memory_space<hbm>> -> memref<80x128xi32, #tpu.memory_space<hbm>>
    %dma_start3A_16 = arith.constant 0 : i32
    %dma_start3A_17 = arith.constant 0 : i32
    %dma_start3A_18 = tpu.memref_slice %arg2[%add3A, %dma_start3A_16, %dma_start3A_17] : memref<32x80x128xi32, #tpu.memory_space<hbm>> -> memref<1x80x128xi32, #tpu.memory_space<hbm>>
    %dma_start3A_19 = tpu.memref_squeeze %dma_start3A_18 : memref<1x80x128xi32, #tpu.memory_space<hbm>> -> memref<80x128xi32, #tpu.memory_space<hbm>>
    tpu.enqueue_dma source(%dma_start3A_19 : memref<80x128xi32, #tpu.memory_space<hbm>>) target(%arg7 : memref<80x128xi32, #tpu.memory_space<vmem>>) target_semaphore(%arg17 : memref<!tpu.dma_semaphore, #tpu.memory_space<semaphore_mem>>)
    %dma_start3A_20 = arith.constant 0 : i32
    %dma_start3A_21 = arith.constant 0 : i32
    %dma_start3A_22 = tpu.memref_slice %arg3[%add3A, %dma_start3A_20, %dma_start3A_21] : memref<32x80x128xi32, #tpu.memory_space<hbm>> -> memref<1x80x128xi32, #tpu.memory_space<hbm>>
    %dma_start3A_23 = tpu.memref_squeeze %dma_start3A_22 : memref<1x80x128xi32, #tpu.memory_space<hbm>> -> memref<80x128xi32, #tpu.memory_space<hbm>>
    %dma_start3A_24 = arith.constant 0 : i32
    %dma_start3A_25 = arith.constant 0 : i32
    %dma_start3A_26 = tpu.memref_slice %arg3[%add3A, %dma_start3A_24, %dma_start3A_25] : memref<32x80x128xi32, #tpu.memory_space<hbm>> -> memref<1x80x128xi32, #tpu.memory_space<hbm>>
    %dma_start3A_27 = tpu.memref_squeeze %dma_start3A_26 : memref<1x80x128xi32, #tpu.memory_space<hbm>> -> memref<80x128xi32, #tpu.memory_space<hbm>>
    tpu.enqueue_dma source(%dma_start3A_27 : memref<80x128xi32, #tpu.memory_space<hbm>>) target(%arg8 : memref<80x128xi32, #tpu.memory_space<vmem>>) target_semaphore(%arg18 : memref<!tpu.dma_semaphore, #tpu.memory_space<semaphore_mem>>)
    %dma_wait3A = arith.constant 0 : i32
    %dma_wait3A_28 = tpu.memref_slice %arg14[%mul3A_2, %dma_wait3A] : memref<10240x32xf32, #tpu.memory_space<vmem_shared>> -> memref<640x32xf32, #tpu.memory_space<vmem_shared>>
    tpu.wait_dma2 semaphore(%arg15 : memref<!tpu.dma_semaphore, #tpu.memory_space<semaphore_mem>>) src(%arg5 : memref<640x32xf32, #tpu.memory_space<hbm>>) dst(%dma_wait3A_28 : memref<640x32xf32, #tpu.memory_space<vmem_shared>>)
    %dma_wait3A_29 = arith.constant 0 : i32
    %dma_wait3A_30 = tpu.memref_slice %arg13[%mul3A_7, %dma_wait3A_29] : memref<10240x32xf32, #tpu.memory_space<vmem_shared>> -> memref<640x32xf32, #tpu.memory_space<vmem_shared>>
    %dma_wait3A_31 = arith.constant 0 : i32
    %dma_wait3A_32 = tpu.memref_slice %arg4[%mul3A_5, %dma_wait3A_31] : memref<10240x32xf32, #tpu.memory_space<hbm>> -> memref<640x32xf32, #tpu.memory_space<hbm>>
    tpu.wait_dma2 semaphore(%arg16 : memref<!tpu.dma_semaphore, #tpu.memory_space<semaphore_mem>>) src(%dma_wait3A_32 : memref<640x32xf32, #tpu.memory_space<hbm>>) dst(%dma_wait3A_30 : memref<640x32xf32, #tpu.memory_space<vmem_shared>>)
    %dma_wait3A_33 = arith.constant 0 : i32
    %dma_wait3A_34 = arith.constant 0 : i32
    %dma_wait3A_35 = tpu.memref_slice %arg2[%add3A, %dma_wait3A_33, %dma_wait3A_34] : memref<32x80x128xi32, #tpu.memory_space<hbm>> -> memref<1x80x128xi32, #tpu.memory_space<hbm>>
    %dma_wait3A_36 = tpu.memref_squeeze %dma_wait3A_35 : memref<1x80x128xi32, #tpu.memory_space<hbm>> -> memref<80x128xi32, #tpu.memory_space<hbm>>
    %dma_wait3A_37 = arith.constant 0 : i32
    %dma_wait3A_38 = arith.constant 0 : i32
    %dma_wait3A_39 = tpu.memref_slice %arg2[%add3A, %dma_wait3A_37, %dma_wait3A_38] : memref<32x80x128xi32, #tpu.memory_space<hbm>> -> memref<1x80x128xi32, #tpu.memory_space<hbm>>
    %dma_wait3A_40 = tpu.memref_squeeze %dma_wait3A_39 : memref<1x80x128xi32, #tpu.memory_space<hbm>> -> memref<80x128xi32, #tpu.memory_space<hbm>>
    tpu.wait_dma2 semaphore(%arg17 : memref<!tpu.dma_semaphore, #tpu.memory_space<semaphore_mem>>) src(%dma_wait3A_40 : memref<80x128xi32, #tpu.memory_space<hbm>>) dst(%arg7 : memref<80x128xi32, #tpu.memory_space<vmem>>)
    %dma_wait3A_41 = arith.constant 0 : i32
    %dma_wait3A_42 = arith.constant 0 : i32
    %dma_wait3A_43 = tpu.memref_slice %arg3[%add3A, %dma_wait3A_41, %dma_wait3A_42] : memref<32x80x128xi32, #tpu.memory_space<hbm>> -> memref<1x80x128xi32, #tpu.memory_space<hbm>>
    %dma_wait3A_44 = tpu.memref_squeeze %dma_wait3A_43 : memref<1x80x128xi32, #tpu.memory_space<hbm>> -> memref<80x128xi32, #tpu.memory_space<hbm>>
    %dma_wait3A_45 = arith.constant 0 : i32
    %dma_wait3A_46 = arith.constant 0 : i32
    %dma_wait3A_47 = tpu.memref_slice %arg3[%add3A, %dma_wait3A_45, %dma_wait3A_46] : memref<32x80x128xi32, #tpu.memory_space<hbm>> -> memref<1x80x128xi32, #tpu.memory_space<hbm>>
    %dma_wait3A_48 = tpu.memref_squeeze %dma_wait3A_47 : memref<1x80x128xi32, #tpu.memory_space<hbm>> -> memref<80x128xi32, #tpu.memory_space<hbm>>
    tpu.wait_dma2 semaphore(%arg18 : memref<!tpu.dma_semaphore, #tpu.memory_space<semaphore_mem>>) src(%dma_wait3A_48 : memref<80x128xi32, #tpu.memory_space<hbm>>) dst(%arg8 : memref<80x128xi32, #tpu.memory_space<vmem>>)
    %barrier3A = arith.constant 0 : index
    tpu.barrier barrier_id(%barrier3A)
    %dma_start3A_49 = arith.constant 0 : i32
    %dma_start3A_50 = arith.constant 0 : i32
    %dma_start3A_51 = tpu.memref_slice %arg7[%dma_start3A_49, %dma_start3A_50] : memref<80x128xi32, #tpu.memory_space<vmem>> -> memref<1x128xi32, #tpu.memory_space<vmem>>
    %dma_start3A_52 = tpu.memref_squeeze %dma_start3A_51 : memref<1x128xi32, #tpu.memory_space<vmem>> -> memref<128xi32, #tpu.memory_space<vmem>>
    %dma_start3A_53 = arith.constant 0 : i32
    %dma_start3A_54 = arith.constant 0 : i32
    %dma_start3A_55 = tpu.memref_slice %arg13[%dma_start3A_53, %dma_start3A_54] : memref<10240x32xf32, #tpu.memory_space<vmem_shared>> -> memref<10240x32xf32, #tpu.memory_space<vmem_shared>>
    tpu.enqueue_indirect_dma source(%dma_start3A_55 : memref<10240x32xf32, #tpu.memory_space<vmem_shared>>) target(%arg9 : memref<128x32xf32, #tpu.memory_space<vmem>>) offsets(%dma_start3A_52 : memref<128xi32, #tpu.memory_space<vmem>>) semaphore(%arg15 : memref<!tpu.dma_semaphore, #tpu.memory_space<semaphore_mem>>)
    %dma_start3A_56 = arith.constant 1 : i32
    %dma_start3A_57 = arith.constant 0 : i32
    %dma_start3A_58 = tpu.memref_slice %arg7[%dma_start3A_56, %dma_start3A_57] : memref<80x128xi32, #tpu.memory_space<vmem>> -> memref<1x128xi32, #tpu.memory_space<vmem>>
    %dma_start3A_59 = tpu.memref_squeeze %dma_start3A_58 : memref<1x128xi32, #tpu.memory_space<vmem>> -> memref<128xi32, #tpu.memory_space<vmem>>
    %dma_start3A_60 = arith.constant 0 : i32
    %dma_start3A_61 = arith.constant 0 : i32
    %dma_start3A_62 = tpu.memref_slice %arg13[%dma_start3A_60, %dma_start3A_61] : memref<10240x32xf32, #tpu.memory_space<vmem_shared>> -> memref<10240x32xf32, #tpu.memory_space<vmem_shared>>
    tpu.enqueue_indirect_dma source(%dma_start3A_62 : memref<10240x32xf32, #tpu.memory_space<vmem_shared>>) target(%arg10 : memref<128x32xf32, #tpu.memory_space<vmem>>) offsets(%dma_start3A_59 : memref<128xi32, #tpu.memory_space<vmem>>) semaphore(%arg16 : memref<!tpu.dma_semaphore, #tpu.memory_space<semaphore_mem>>)
    %dma_start3A_63 = arith.constant 2 : i32
    %dma_start3A_64 = arith.constant 0 : i32
    %dma_start3A_65 = tpu.memref_slice %arg7[%dma_start3A_63, %dma_start3A_64] : memref<80x128xi32, #tpu.memory_space<vmem>> -> memref<1x128xi32, #tpu.memory_space<vmem>>
    %dma_start3A_66 = tpu.memref_squeeze %dma_start3A_65 : memref<1x128xi32, #tpu.memory_space<vmem>> -> memref<128xi32, #tpu.memory_space<vmem>>
    %dma_start3A_67 = arith.constant 0 : i32
    %dma_start3A_68 = arith.constant 0 : i32
    %dma_start3A_69 = tpu.memref_slice %arg13[%dma_start3A_67, %dma_start3A_68] : memref<10240x32xf32, #tpu.memory_space<vmem_shared>> -> memref<10240x32xf32, #tpu.memory_space<vmem_shared>>
    tpu.enqueue_indirect_dma source(%dma_start3A_69 : memref<10240x32xf32, #tpu.memory_space<vmem_shared>>) target(%arg11 : memref<128x32xf32, #tpu.memory_space<vmem>>) offsets(%dma_start3A_66 : memref<128xi32, #tpu.memory_space<vmem>>) semaphore(%arg17 : memref<!tpu.dma_semaphore, #tpu.memory_space<semaphore_mem>>)
    %dma_start3A_70 = arith.constant 3 : i32
    %dma_start3A_71 = arith.constant 0 : i32
    %dma_start3A_72 = tpu.memref_slice %arg7[%dma_start3A_70, %dma_start3A_71] : memref<80x128xi32, #tpu.memory_space<vmem>> -> memref<1x128xi32, #tpu.memory_space<vmem>>
    %dma_start3A_73 = tpu.memref_squeeze %dma_start3A_72 : memref<1x128xi32, #tpu.memory_space<vmem>> -> memref<128xi32, #tpu.memory_space<vmem>>
    %dma_start3A_74 = arith.constant 0 : i32
    %dma_start3A_75 = arith.constant 0 : i32
    %dma_start3A_76 = tpu.memref_slice %arg13[%dma_start3A_74, %dma_start3A_75] : memref<10240x32xf32, #tpu.memory_space<vmem_shared>> -> memref<10240x32xf32, #tpu.memory_space<vmem_shared>>
    tpu.enqueue_indirect_dma source(%dma_start3A_76 : memref<10240x32xf32, #tpu.memory_space<vmem_shared>>) target(%arg12 : memref<128x32xf32, #tpu.memory_space<vmem>>) offsets(%dma_start3A_73 : memref<128xi32, #tpu.memory_space<vmem>>) semaphore(%arg18 : memref<!tpu.dma_semaphore, #tpu.memory_space<semaphore_mem>>)
    %scan3A = arith.constant 0 : i32
    %scan3A_77 = arith.constant 0 : i32
    %scan3A_78 = arith.constant 20 : i32
    %scan3A_79 = arith.addi %scan3A_77, %scan3A_78 : i32
    %scan3A_80 = arith.constant 1 : i32
    scf.for %scan3A_115 = %scan3A_77 to %scan3A_79 step %scan3A_80  : i32 {
      %mul3A_116 = arith.constant 4 : i32
      %mul3A_117 = arith.muli %scan3A_115, %mul3A_116 : i32
      %add3A_118 = arith.constant 0 : i32
      %add3A_119 = arith.addi %mul3A_117, %add3A_118 : i32
      %dma_wait3A_120 = arith.constant 0 : i32
      %dma_wait3A_121 = tpu.memref_slice %arg7[%add3A_119, %dma_wait3A_120] : memref<80x128xi32, #tpu.memory_space<vmem>> -> memref<1x128xi32, #tpu.memory_space<vmem>>
      %dma_wait3A_122 = tpu.memref_squeeze %dma_wait3A_121 : memref<1x128xi32, #tpu.memory_space<vmem>> -> memref<128xi32, #tpu.memory_space<vmem>>
      %dma_wait3A_123 = arith.constant 0 : i32
      %dma_wait3A_124 = arith.constant 0 : i32
      %dma_wait3A_125 = tpu.memref_slice %arg13[%dma_wait3A_123, %dma_wait3A_124] : memref<10240x32xf32, #tpu.memory_space<vmem_shared>> -> memref<10240x32xf32, #tpu.memory_space<vmem_shared>>
      tpu.wait_indirect_dma semaphore(%arg15 : memref<!tpu.dma_semaphore, #tpu.memory_space<semaphore_mem>>) src(%dma_wait3A_125 : memref<10240x32xf32, #tpu.memory_space<vmem_shared>>) dst(%arg9 : memref<128x32xf32, #tpu.memory_space<vmem>>)
      %dma_start3A_126 = arith.constant 0 : i32
      %dma_start3A_127 = tpu.memref_slice %arg8[%add3A_119, %dma_start3A_126] : memref<80x128xi32, #tpu.memory_space<vmem>> -> memref<1x128xi32, #tpu.memory_space<vmem>>
      %dma_start3A_128 = tpu.memref_squeeze %dma_start3A_127 : memref<1x128xi32, #tpu.memory_space<vmem>> -> memref<128xi32, #tpu.memory_space<vmem>>
      %dma_start3A_129 = arith.constant 0 : i32
      %dma_start3A_130 = arith.constant 0 : i32
      %dma_start3A_131 = tpu.memref_slice %arg14[%dma_start3A_129, %dma_start3A_130] : memref<10240x32xf32, #tpu.memory_space<vmem_shared>> -> memref<10240x32xf32, #tpu.memory_space<vmem_shared>>
      tpu.enqueue_indirect_dma source(%arg9 : memref<128x32xf32, #tpu.memory_space<vmem>>) target(%dma_start3A_131 : memref<10240x32xf32, #tpu.memory_space<vmem_shared>>) offsets(%dma_start3A_128 : memref<128xi32, #tpu.memory_space<vmem>>) semaphore(%arg19 : memref<!tpu.dma_semaphore, #tpu.memory_space<semaphore_mem>>) {add = true}
      %ge3A = arith.constant 1 : i32
      %ge3A_132 = arith.cmpi sge, %add3A_119, %ge3A : i32
      %le3A = arith.constant 76 : i32
      %le3A_133 = arith.cmpi sle, %add3A_119, %le3A : i32
      %and3A = arith.andi %ge3A_132, %le3A_133 : i1
      %convert_element_type3A = arith.extui %and3A : i1 to i32
      %cond3A = arith.constant 0 : i32
      %cond3A_134 = arith.cmpi ne, %convert_element_type3A, %cond3A : i32
      scf.if %cond3A_134 {
        %dma_wait3A_207 = arith.constant 0 : i32
        %dma_wait3A_208 = arith.constant 0 : i32
        %dma_wait3A_209 = tpu.memref_slice %arg8[%dma_wait3A_207, %dma_wait3A_208] : memref<80x128xi32, #tpu.memory_space<vmem>> -> memref<1x128xi32, #tpu.memory_space<vmem>>
        %dma_wait3A_210 = tpu.memref_squeeze %dma_wait3A_209 : memref<1x128xi32, #tpu.memory_space<vmem>> -> memref<128xi32, #tpu.memory_space<vmem>>
        %dma_wait3A_211 = arith.constant 0 : i32
        %dma_wait3A_212 = arith.constant 0 : i32
        %dma_wait3A_213 = tpu.memref_slice %arg14[%dma_wait3A_211, %dma_wait3A_212] : memref<10240x32xf32, #tpu.memory_space<vmem_shared>> -> memref<10240x32xf32, #tpu.memory_space<vmem_shared>>
        tpu.wait_indirect_dma semaphore(%arg22 : memref<!tpu.dma_semaphore, #tpu.memory_space<semaphore_mem>>) src(%arg12 : memref<128x32xf32, #tpu.memory_space<vmem>>) dst(%dma_wait3A_213 : memref<10240x32xf32, #tpu.memory_space<vmem_shared>>)
        %add3A_214 = arith.constant 3 : i32
        %add3A_215 = arith.addi %add3A_119, %add3A_214 : i32
        %dma_start3A_216 = arith.constant 0 : i32
        %dma_start3A_217 = tpu.memref_slice %arg7[%add3A_215, %dma_start3A_216] : memref<80x128xi32, #tpu.memory_space<vmem>> -> memref<1x128xi32, #tpu.memory_space<vmem>>
        %dma_start3A_218 = tpu.memref_squeeze %dma_start3A_217 : memref<1x128xi32, #tpu.memory_space<vmem>> -> memref<128xi32, #tpu.memory_space<vmem>>
        %dma_start3A_219 = arith.constant 0 : i32
        %dma_start3A_220 = arith.constant 0 : i32
        %dma_start3A_221 = tpu.memref_slice %arg13[%dma_start3A_219, %dma_start3A_220] : memref<10240x32xf32, #tpu.memory_space<vmem_shared>> -> memref<10240x32xf32, #tpu.memory_space<vmem_shared>>
        tpu.enqueue_indirect_dma source(%dma_start3A_221 : memref<10240x32xf32, #tpu.memory_space<vmem_shared>>) target(%arg12 : memref<128x32xf32, #tpu.memory_space<vmem>>) offsets(%dma_start3A_218 : memref<128xi32, #tpu.memory_space<vmem>>) semaphore(%arg18 : memref<!tpu.dma_semaphore, #tpu.memory_space<semaphore_mem>>)
      } else {
      }
      %mul3A_135 = arith.constant 4 : i32
      %mul3A_136 = arith.muli %scan3A_115, %mul3A_135 : i32
      %add3A_137 = arith.constant 1 : i32
      %add3A_138 = arith.addi %mul3A_136, %add3A_137 : i32
      %dma_wait3A_139 = arith.constant 0 : i32
      %dma_wait3A_140 = tpu.memref_slice %arg7[%add3A_138, %dma_wait3A_139] : memref<80x128xi32, #tpu.memory_space<vmem>> -> memref<1x128xi32, #tpu.memory_space<vmem>>
      %dma_wait3A_141 = tpu.memref_squeeze %dma_wait3A_140 : memref<1x128xi32, #tpu.memory_space<vmem>> -> memref<128xi32, #tpu.memory_space<vmem>>
      %dma_wait3A_142 = arith.constant 0 : i32
      %dma_wait3A_143 = arith.constant 0 : i32
      %dma_wait3A_144 = tpu.memref_slice %arg13[%dma_wait3A_142, %dma_wait3A_143] : memref<10240x32xf32, #tpu.memory_space<vmem_shared>> -> memref<10240x32xf32, #tpu.memory_space<vmem_shared>>
      tpu.wait_indirect_dma semaphore(%arg16 : memref<!tpu.dma_semaphore, #tpu.memory_space<semaphore_mem>>) src(%dma_wait3A_144 : memref<10240x32xf32, #tpu.memory_space<vmem_shared>>) dst(%arg10 : memref<128x32xf32, #tpu.memory_space<vmem>>)
      %dma_start3A_145 = arith.constant 0 : i32
      %dma_start3A_146 = tpu.memref_slice %arg8[%add3A_138, %dma_start3A_145] : memref<80x128xi32, #tpu.memory_space<vmem>> -> memref<1x128xi32, #tpu.memory_space<vmem>>
      %dma_start3A_147 = tpu.memref_squeeze %dma_start3A_146 : memref<1x128xi32, #tpu.memory_space<vmem>> -> memref<128xi32, #tpu.memory_space<vmem>>
      %dma_start3A_148 = arith.constant 0 : i32
      %dma_start3A_149 = arith.constant 0 : i32
      %dma_start3A_150 = tpu.memref_slice %arg14[%dma_start3A_148, %dma_start3A_149] : memref<10240x32xf32, #tpu.memory_space<vmem_shared>> -> memref<10240x32xf32, #tpu.memory_space<vmem_shared>>
      tpu.enqueue_indirect_dma source(%arg10 : memref<128x32xf32, #tpu.memory_space<vmem>>) target(%dma_start3A_150 : memref<10240x32xf32, #tpu.memory_space<vmem_shared>>) offsets(%dma_start3A_147 : memref<128xi32, #tpu.memory_space<vmem>>) semaphore(%arg20 : memref<!tpu.dma_semaphore, #tpu.memory_space<semaphore_mem>>) {add = true}
      %ge3A_151 = arith.constant 1 : i32
      %ge3A_152 = arith.cmpi sge, %add3A_138, %ge3A_151 : i32
      %le3A_153 = arith.constant 76 : i32
      %le3A_154 = arith.cmpi sle, %add3A_138, %le3A_153 : i32
      %and3A_155 = arith.andi %ge3A_152, %le3A_154 : i1
      %convert_element_type3A_156 = arith.extui %and3A_155 : i1 to i32
      %cond3A_157 = arith.constant 0 : i32
      %cond3A_158 = arith.cmpi ne, %convert_element_type3A_156, %cond3A_157 : i32
      scf.if %cond3A_158 {
        %dma_wait3A_207 = arith.constant 0 : i32
        %dma_wait3A_208 = arith.constant 0 : i32
        %dma_wait3A_209 = tpu.memref_slice %arg8[%dma_wait3A_207, %dma_wait3A_208] : memref<80x128xi32, #tpu.memory_space<vmem>> -> memref<1x128xi32, #tpu.memory_space<vmem>>
        %dma_wait3A_210 = tpu.memref_squeeze %dma_wait3A_209 : memref<1x128xi32, #tpu.memory_space<vmem>> -> memref<128xi32, #tpu.memory_space<vmem>>
        %dma_wait3A_211 = arith.constant 0 : i32
        %dma_wait3A_212 = arith.constant 0 : i32
        %dma_wait3A_213 = tpu.memref_slice %arg14[%dma_wait3A_211, %dma_wait3A_212] : memref<10240x32xf32, #tpu.memory_space<vmem_shared>> -> memref<10240x32xf32, #tpu.memory_space<vmem_shared>>
        tpu.wait_indirect_dma semaphore(%arg19 : memref<!tpu.dma_semaphore, #tpu.memory_space<semaphore_mem>>) src(%arg9 : memref<128x32xf32, #tpu.memory_space<vmem>>) dst(%dma_wait3A_213 : memref<10240x32xf32, #tpu.memory_space<vmem_shared>>)
        %add3A_214 = arith.constant 3 : i32
        %add3A_215 = arith.addi %add3A_138, %add3A_214 : i32
        %dma_start3A_216 = arith.constant 0 : i32
        %dma_start3A_217 = tpu.memref_slice %arg7[%add3A_215, %dma_start3A_216] : memref<80x128xi32, #tpu.memory_space<vmem>> -> memref<1x128xi32, #tpu.memory_space<vmem>>
        %dma_start3A_218 = tpu.memref_squeeze %dma_start3A_217 : memref<1x128xi32, #tpu.memory_space<vmem>> -> memref<128xi32, #tpu.memory_space<vmem>>
        %dma_start3A_219 = arith.constant 0 : i32
        %dma_start3A_220 = arith.constant 0 : i32
        %dma_start3A_221 = tpu.memref_slice %arg13[%dma_start3A_219, %dma_start3A_220] : memref<10240x32xf32, #tpu.memory_space<vmem_shared>> -> memref<10240x32xf32, #tpu.memory_space<vmem_shared>>
        tpu.enqueue_indirect_dma source(%dma_start3A_221 : memref<10240x32xf32, #tpu.memory_space<vmem_shared>>) target(%arg9 : memref<128x32xf32, #tpu.memory_space<vmem>>) offsets(%dma_start3A_218 : memref<128xi32, #tpu.memory_space<vmem>>) semaphore(%arg15 : memref<!tpu.dma_semaphore, #tpu.memory_space<semaphore_mem>>)
      } else {
      }
      %mul3A_159 = arith.constant 4 : i32
      %mul3A_160 = arith.muli %scan3A_115, %mul3A_159 : i32
      %add3A_161 = arith.constant 2 : i32
      %add3A_162 = arith.addi %mul3A_160, %add3A_161 : i32
      %dma_wait3A_163 = arith.constant 0 : i32
      %dma_wait3A_164 = tpu.memref_slice %arg7[%add3A_162, %dma_wait3A_163] : memref<80x128xi32, #tpu.memory_space<vmem>> -> memref<1x128xi32, #tpu.memory_space<vmem>>
      %dma_wait3A_165 = tpu.memref_squeeze %dma_wait3A_164 : memref<1x128xi32, #tpu.memory_space<vmem>> -> memref<128xi32, #tpu.memory_space<vmem>>
      %dma_wait3A_166 = arith.constant 0 : i32
      %dma_wait3A_167 = arith.constant 0 : i32
      %dma_wait3A_168 = tpu.memref_slice %arg13[%dma_wait3A_166, %dma_wait3A_167] : memref<10240x32xf32, #tpu.memory_space<vmem_shared>> -> memref<10240x32xf32, #tpu.memory_space<vmem_shared>>
      tpu.wait_indirect_dma semaphore(%arg17 : memref<!tpu.dma_semaphore, #tpu.memory_space<semaphore_mem>>) src(%dma_wait3A_168 : memref<10240x32xf32, #tpu.memory_space<vmem_shared>>) dst(%arg11 : memref<128x32xf32, #tpu.memory_space<vmem>>)
      %dma_start3A_169 = arith.constant 0 : i32
      %dma_start3A_170 = tpu.memref_slice %arg8[%add3A_162, %dma_start3A_169] : memref<80x128xi32, #tpu.memory_space<vmem>> -> memref<1x128xi32, #tpu.memory_space<vmem>>
      %dma_start3A_171 = tpu.memref_squeeze %dma_start3A_170 : memref<1x128xi32, #tpu.memory_space<vmem>> -> memref<128xi32, #tpu.memory_space<vmem>>
      %dma_start3A_172 = arith.constant 0 : i32
      %dma_start3A_173 = arith.constant 0 : i32
      %dma_start3A_174 = tpu.memref_slice %arg14[%dma_start3A_172, %dma_start3A_173] : memref<10240x32xf32, #tpu.memory_space<vmem_shared>> -> memref<10240x32xf32, #tpu.memory_space<vmem_shared>>
      tpu.enqueue_indirect_dma source(%arg11 : memref<128x32xf32, #tpu.memory_space<vmem>>) target(%dma_start3A_174 : memref<10240x32xf32, #tpu.memory_space<vmem_shared>>) offsets(%dma_start3A_171 : memref<128xi32, #tpu.memory_space<vmem>>) semaphore(%arg21 : memref<!tpu.dma_semaphore, #tpu.memory_space<semaphore_mem>>) {add = true}
      %ge3A_175 = arith.constant 1 : i32
      %ge3A_176 = arith.cmpi sge, %add3A_162, %ge3A_175 : i32
      %le3A_177 = arith.constant 76 : i32
      %le3A_178 = arith.cmpi sle, %add3A_162, %le3A_177 : i32
      %and3A_179 = arith.andi %ge3A_176, %le3A_178 : i1
      %convert_element_type3A_180 = arith.extui %and3A_179 : i1 to i32
      %cond3A_181 = arith.constant 0 : i32
      %cond3A_182 = arith.cmpi ne, %convert_element_type3A_180, %cond3A_181 : i32
      scf.if %cond3A_182 {
        %dma_wait3A_207 = arith.constant 0 : i32
        %dma_wait3A_208 = arith.constant 0 : i32
        %dma_wait3A_209 = tpu.memref_slice %arg8[%dma_wait3A_207, %dma_wait3A_208] : memref<80x128xi32, #tpu.memory_space<vmem>> -> memref<1x128xi32, #tpu.memory_space<vmem>>
        %dma_wait3A_210 = tpu.memref_squeeze %dma_wait3A_209 : memref<1x128xi32, #tpu.memory_space<vmem>> -> memref<128xi32, #tpu.memory_space<vmem>>
        %dma_wait3A_211 = arith.constant 0 : i32
        %dma_wait3A_212 = arith.constant 0 : i32
        %dma_wait3A_213 = tpu.memref_slice %arg14[%dma_wait3A_211, %dma_wait3A_212] : memref<10240x32xf32, #tpu.memory_space<vmem_shared>> -> memref<10240x32xf32, #tpu.memory_space<vmem_shared>>
        tpu.wait_indirect_dma semaphore(%arg20 : memref<!tpu.dma_semaphore, #tpu.memory_space<semaphore_mem>>) src(%arg10 : memref<128x32xf32, #tpu.memory_space<vmem>>) dst(%dma_wait3A_213 : memref<10240x32xf32, #tpu.memory_space<vmem_shared>>)
        %add3A_214 = arith.constant 3 : i32
        %add3A_215 = arith.addi %add3A_162, %add3A_214 : i32
        %dma_start3A_216 = arith.constant 0 : i32
        %dma_start3A_217 = tpu.memref_slice %arg7[%add3A_215, %dma_start3A_216] : memref<80x128xi32, #tpu.memory_space<vmem>> -> memref<1x128xi32, #tpu.memory_space<vmem>>
        %dma_start3A_218 = tpu.memref_squeeze %dma_start3A_217 : memref<1x128xi32, #tpu.memory_space<vmem>> -> memref<128xi32, #tpu.memory_space<vmem>>
        %dma_start3A_219 = arith.constant 0 : i32
        %dma_start3A_220 = arith.constant 0 : i32
        %dma_start3A_221 = tpu.memref_slice %arg13[%dma_start3A_219, %dma_start3A_220] : memref<10240x32xf32, #tpu.memory_space<vmem_shared>> -> memref<10240x32xf32, #tpu.memory_space<vmem_shared>>
        tpu.enqueue_indirect_dma source(%dma_start3A_221 : memref<10240x32xf32, #tpu.memory_space<vmem_shared>>) target(%arg10 : memref<128x32xf32, #tpu.memory_space<vmem>>) offsets(%dma_start3A_218 : memref<128xi32, #tpu.memory_space<vmem>>) semaphore(%arg16 : memref<!tpu.dma_semaphore, #tpu.memory_space<semaphore_mem>>)
      } else {
      }
      %mul3A_183 = arith.constant 4 : i32
      %mul3A_184 = arith.muli %scan3A_115, %mul3A_183 : i32
      %add3A_185 = arith.constant 3 : i32
      %add3A_186 = arith.addi %mul3A_184, %add3A_185 : i32
      %dma_wait3A_187 = arith.constant 0 : i32
      %dma_wait3A_188 = tpu.memref_slice %arg7[%add3A_186, %dma_wait3A_187] : memref<80x128xi32, #tpu.memory_space<vmem>> -> memref<1x128xi32, #tpu.memory_space<vmem>>
      %dma_wait3A_189 = tpu.memref_squeeze %dma_wait3A_188 : memref<1x128xi32, #tpu.memory_space<vmem>> -> memref<128xi32, #tpu.memory_space<vmem>>
      %dma_wait3A_190 = arith.constant 0 : i32
      %dma_wait3A_191 = arith.constant 0 : i32
      %dma_wait3A_192 = tpu.memref_slice %arg13[%dma_wait3A_190, %dma_wait3A_191] : memref<10240x32xf32, #tpu.memory_space<vmem_shared>> -> memref<10240x32xf32, #tpu.memory_space<vmem_shared>>
      tpu.wait_indirect_dma semaphore(%arg18 : memref<!tpu.dma_semaphore, #tpu.memory_space<semaphore_mem>>) src(%dma_wait3A_192 : memref<10240x32xf32, #tpu.memory_space<vmem_shared>>) dst(%arg12 : memref<128x32xf32, #tpu.memory_space<vmem>>)
      %dma_start3A_193 = arith.constant 0 : i32
      %dma_start3A_194 = tpu.memref_slice %arg8[%add3A_186, %dma_start3A_193] : memref<80x128xi32, #tpu.memory_space<vmem>> -> memref<1x128xi32, #tpu.memory_space<vmem>>
      %dma_start3A_195 = tpu.memref_squeeze %dma_start3A_194 : memref<1x128xi32, #tpu.memory_space<vmem>> -> memref<128xi32, #tpu.memory_space<vmem>>
      %dma_start3A_196 = arith.constant 0 : i32
      %dma_start3A_197 = arith.constant 0 : i32
      %dma_start3A_198 = tpu.memref_slice %arg14[%dma_start3A_196, %dma_start3A_197] : memref<10240x32xf32, #tpu.memory_space<vmem_shared>> -> memref<10240x32xf32, #tpu.memory_space<vmem_shared>>
      tpu.enqueue_indirect_dma source(%arg12 : memref<128x32xf32, #tpu.memory_space<vmem>>) target(%dma_start3A_198 : memref<10240x32xf32, #tpu.memory_space<vmem_shared>>) offsets(%dma_start3A_195 : memref<128xi32, #tpu.memory_space<vmem>>) semaphore(%arg22 : memref<!tpu.dma_semaphore, #tpu.memory_space<semaphore_mem>>) {add = true}
      %ge3A_199 = arith.constant 1 : i32
      %ge3A_200 = arith.cmpi sge, %add3A_186, %ge3A_199 : i32
      %le3A_201 = arith.constant 76 : i32
      %le3A_202 = arith.cmpi sle, %add3A_186, %le3A_201 : i32
      %and3A_203 = arith.andi %ge3A_200, %le3A_202 : i1
      %convert_element_type3A_204 = arith.extui %and3A_203 : i1 to i32
      %cond3A_205 = arith.constant 0 : i32
      %cond3A_206 = arith.cmpi ne, %convert_element_type3A_204, %cond3A_205 : i32
      scf.if %cond3A_206 {
        %dma_wait3A_207 = arith.constant 0 : i32
        %dma_wait3A_208 = arith.constant 0 : i32
        %dma_wait3A_209 = tpu.memref_slice %arg8[%dma_wait3A_207, %dma_wait3A_208] : memref<80x128xi32, #tpu.memory_space<vmem>> -> memref<1x128xi32, #tpu.memory_space<vmem>>
        %dma_wait3A_210 = tpu.memref_squeeze %dma_wait3A_209 : memref<1x128xi32, #tpu.memory_space<vmem>> -> memref<128xi32, #tpu.memory_space<vmem>>
        %dma_wait3A_211 = arith.constant 0 : i32
        %dma_wait3A_212 = arith.constant 0 : i32
        %dma_wait3A_213 = tpu.memref_slice %arg14[%dma_wait3A_211, %dma_wait3A_212] : memref<10240x32xf32, #tpu.memory_space<vmem_shared>> -> memref<10240x32xf32, #tpu.memory_space<vmem_shared>>
        tpu.wait_indirect_dma semaphore(%arg21 : memref<!tpu.dma_semaphore, #tpu.memory_space<semaphore_mem>>) src(%arg11 : memref<128x32xf32, #tpu.memory_space<vmem>>) dst(%dma_wait3A_213 : memref<10240x32xf32, #tpu.memory_space<vmem_shared>>)
        %add3A_214 = arith.constant 3 : i32
        %add3A_215 = arith.addi %add3A_186, %add3A_214 : i32
        %dma_start3A_216 = arith.constant 0 : i32
        %dma_start3A_217 = tpu.memref_slice %arg7[%add3A_215, %dma_start3A_216] : memref<80x128xi32, #tpu.memory_space<vmem>> -> memref<1x128xi32, #tpu.memory_space<vmem>>
        %dma_start3A_218 = tpu.memref_squeeze %dma_start3A_217 : memref<1x128xi32, #tpu.memory_space<vmem>> -> memref<128xi32, #tpu.memory_space<vmem>>
        %dma_start3A_219 = arith.constant 0 : i32
        %dma_start3A_220 = arith.constant 0 : i32
        %dma_start3A_221 = tpu.memref_slice %arg13[%dma_start3A_219, %dma_start3A_220] : memref<10240x32xf32, #tpu.memory_space<vmem_shared>> -> memref<10240x32xf32, #tpu.memory_space<vmem_shared>>
        tpu.enqueue_indirect_dma source(%dma_start3A_221 : memref<10240x32xf32, #tpu.memory_space<vmem_shared>>) target(%arg11 : memref<128x32xf32, #tpu.memory_space<vmem>>) offsets(%dma_start3A_218 : memref<128xi32, #tpu.memory_space<vmem>>) semaphore(%arg17 : memref<!tpu.dma_semaphore, #tpu.memory_space<semaphore_mem>>)
      } else {
      }
    }
    %scan3A_81 = arith.constant 20 : i32
    %dma_wait3A_82 = arith.constant 0 : i32
    %dma_wait3A_83 = arith.constant 0 : i32
    %dma_wait3A_84 = tpu.memref_slice %arg8[%dma_wait3A_82, %dma_wait3A_83] : memref<80x128xi32, #tpu.memory_space<vmem>> -> memref<1x128xi32, #tpu.memory_space<vmem>>
    %dma_wait3A_85 = tpu.memref_squeeze %dma_wait3A_84 : memref<1x128xi32, #tpu.memory_space<vmem>> -> memref<128xi32, #tpu.memory_space<vmem>>
    %dma_wait3A_86 = arith.constant 0 : i32
    %dma_wait3A_87 = arith.constant 0 : i32
    %dma_wait3A_88 = tpu.memref_slice %arg14[%dma_wait3A_86, %dma_wait3A_87] : memref<10240x32xf32, #tpu.memory_space<vmem_shared>> -> memref<10240x32xf32, #tpu.memory_space<vmem_shared>>
    tpu.wait_indirect_dma semaphore(%arg19 : memref<!tpu.dma_semaphore, #tpu.memory_space<semaphore_mem>>) src(%arg9 : memref<128x32xf32, #tpu.memory_space<vmem>>) dst(%dma_wait3A_88 : memref<10240x32xf32, #tpu.memory_space<vmem_shared>>)
    %dma_wait3A_89 = arith.constant 0 : i32
    %dma_wait3A_90 = arith.constant 0 : i32
    %dma_wait3A_91 = tpu.memref_slice %arg8[%dma_wait3A_89, %dma_wait3A_90] : memref<80x128xi32, #tpu.memory_space<vmem>> -> memref<1x128xi32, #tpu.memory_space<vmem>>
    %dma_wait3A_92 = tpu.memref_squeeze %dma_wait3A_91 : memref<1x128xi32, #tpu.memory_space<vmem>> -> memref<128xi32, #tpu.memory_space<vmem>>
    %dma_wait3A_93 = arith.constant 0 : i32
    %dma_wait3A_94 = arith.constant 0 : i32
    %dma_wait3A_95 = tpu.memref_slice %arg14[%dma_wait3A_93, %dma_wait3A_94] : memref<10240x32xf32, #tpu.memory_space<vmem_shared>> -> memref<10240x32xf32, #tpu.memory_space<vmem_shared>>
    tpu.wait_indirect_dma semaphore(%arg20 : memref<!tpu.dma_semaphore, #tpu.memory_space<semaphore_mem>>) src(%arg10 : memref<128x32xf32, #tpu.memory_space<vmem>>) dst(%dma_wait3A_95 : memref<10240x32xf32, #tpu.memory_space<vmem_shared>>)
    %dma_wait3A_96 = arith.constant 0 : i32
    %dma_wait3A_97 = arith.constant 0 : i32
    %dma_wait3A_98 = tpu.memref_slice %arg8[%dma_wait3A_96, %dma_wait3A_97] : memref<80x128xi32, #tpu.memory_space<vmem>> -> memref<1x128xi32, #tpu.memory_space<vmem>>
    %dma_wait3A_99 = tpu.memref_squeeze %dma_wait3A_98 : memref<1x128xi32, #tpu.memory_space<vmem>> -> memref<128xi32, #tpu.memory_space<vmem>>
    %dma_wait3A_100 = arith.constant 0 : i32
    %dma_wait3A_101 = arith.constant 0 : i32
    %dma_wait3A_102 = tpu.memref_slice %arg14[%dma_wait3A_100, %dma_wait3A_101] : memref<10240x32xf32, #tpu.memory_space<vmem_shared>> -> memref<10240x32xf32, #tpu.memory_space<vmem_shared>>
    tpu.wait_indirect_dma semaphore(%arg21 : memref<!tpu.dma_semaphore, #tpu.memory_space<semaphore_mem>>) src(%arg11 : memref<128x32xf32, #tpu.memory_space<vmem>>) dst(%dma_wait3A_102 : memref<10240x32xf32, #tpu.memory_space<vmem_shared>>)
    %dma_wait3A_103 = arith.constant 0 : i32
    %dma_wait3A_104 = arith.constant 0 : i32
    %dma_wait3A_105 = tpu.memref_slice %arg8[%dma_wait3A_103, %dma_wait3A_104] : memref<80x128xi32, #tpu.memory_space<vmem>> -> memref<1x128xi32, #tpu.memory_space<vmem>>
    %dma_wait3A_106 = tpu.memref_squeeze %dma_wait3A_105 : memref<1x128xi32, #tpu.memory_space<vmem>> -> memref<128xi32, #tpu.memory_space<vmem>>
    %dma_wait3A_107 = arith.constant 0 : i32
    %dma_wait3A_108 = arith.constant 0 : i32
    %dma_wait3A_109 = tpu.memref_slice %arg14[%dma_wait3A_107, %dma_wait3A_108] : memref<10240x32xf32, #tpu.memory_space<vmem_shared>> -> memref<10240x32xf32, #tpu.memory_space<vmem_shared>>
    tpu.wait_indirect_dma semaphore(%arg22 : memref<!tpu.dma_semaphore, #tpu.memory_space<semaphore_mem>>) src(%arg12 : memref<128x32xf32, #tpu.memory_space<vmem>>) dst(%dma_wait3A_109 : memref<10240x32xf32, #tpu.memory_space<vmem_shared>>)
    %barrier3A_110 = arith.constant 0 : index
    tpu.barrier barrier_id(%barrier3A_110)
    %mul3A_111 = arith.constant 640 : i32
    %mul3A_112 = arith.muli %arg1, %mul3A_111 : i32
    %mul3A_113 = arith.constant 640 : i32
    %mul3A_114 = arith.muli %arg1, %mul3A_113 : i32
    "tpu.region"() ({
      %run_scoped3A = tpu.sem_alloc : memref<!tpu.dma_semaphore, #tpu.memory_space<semaphore_mem>>
      %dma_start3A_115 = arith.constant 0 : i32
      %dma_start3A_116 = tpu.memref_slice %arg6[%arg0, %mul3A_114, %dma_start3A_115] : memref<2x10240x32xf32, #tpu.memory_space<hbm>> -> memref<1x640x32xf32, #tpu.memory_space<hbm>>
      %dma_start3A_117 = tpu.memref_squeeze %dma_start3A_116 : memref<1x640x32xf32, #tpu.memory_space<hbm>> -> memref<640x32xf32, #tpu.memory_space<hbm>>
      %dma_start3A_118 = arith.constant 0 : i32
      %dma_start3A_119 = tpu.memref_slice %arg14[%mul3A_112, %dma_start3A_118] : memref<10240x32xf32, #tpu.memory_space<vmem_shared>> -> memref<640x32xf32, #tpu.memory_space<vmem_shared>>
      tpu.enqueue_dma source(%dma_start3A_119 : memref<640x32xf32, #tpu.memory_space<vmem_shared>>) target(%dma_start3A_117 : memref<640x32xf32, #tpu.memory_space<hbm>>) target_semaphore(%run_scoped3A : memref<!tpu.dma_semaphore, #tpu.memory_space<semaphore_mem>>)
      %dma_wait3A_120 = arith.constant 0 : i32
      %dma_wait3A_121 = tpu.memref_slice %arg6[%arg0, %mul3A_114, %dma_wait3A_120] : memref<2x10240x32xf32, #tpu.memory_space<hbm>> -> memref<1x640x32xf32, #tpu.memory_space<hbm>>
      %dma_wait3A_122 = tpu.memref_squeeze %dma_wait3A_121 : memref<1x640x32xf32, #tpu.memory_space<hbm>> -> memref<640x32xf32, #tpu.memory_space<hbm>>
      %dma_wait3A_123 = arith.constant 0 : i32
      %dma_wait3A_124 = tpu.memref_slice %arg14[%mul3A_112, %dma_wait3A_123] : memref<10240x32xf32, #tpu.memory_space<vmem_shared>> -> memref<640x32xf32, #tpu.memory_space<vmem_shared>>
      tpu.wait_dma2 semaphore(%run_scoped3A : memref<!tpu.dma_semaphore, #tpu.memory_space<semaphore_mem>>) src(%dma_wait3A_124 : memref<640x32xf32, #tpu.memory_space<vmem_shared>>) dst(%dma_wait3A_122 : memref<640x32xf32, #tpu.memory_space<hbm>>)
      tpu.yield
    }) : () -> ()
    return
  }
}

#map = affine_map<(d0, d1) -> (0, 0, 0)>
#map1 = affine_map<(d0, d1) -> (0, 0)>
module attributes {stable_mosaic.version = 14 : i64} {
  func.func @msg_kernel(%arg0: i32, %arg1: i32, %arg2: memref<32x80x128xi32, #tpu.memory_space<hbm>>, %arg3: memref<32x80x128xi32, #tpu.memory_space<hbm>>, %arg4: memref<10240x32xf32, #tpu.memory_space<hbm>>, %arg5: memref<640x32xf32, #tpu.memory_space<hbm>>, %arg6: memref<2x10240x32xf32, #tpu.memory_space<hbm>>, %arg7: memref<80x128xi32, #tpu.memory_space<vmem>>, %arg8: memref<80x128xi32, #tpu.memory_space<vmem>>, %arg9: memref<128x32xf32, #tpu.memory_space<vmem>>, %arg10: memref<128x32xf32, #tpu.memory_space<vmem>>, %arg11: memref<128x32xf32, #tpu.memory_space<vmem>>, %arg12: memref<128x32xf32, #tpu.memory_space<vmem>>, %arg13: memref<10240x32xf32, #tpu.memory_space<vmem_shared>>, %arg14: memref<10240x32xf32, #tpu.memory_space<vmem_shared>>, %arg15: memref<!tpu.dma_semaphore, #tpu.memory_space<semaphore_mem>>, %arg16: memref<!tpu.dma_semaphore, #tpu.memory_space<semaphore_mem>>, %arg17: memref<!tpu.dma_semaphore, #tpu.memory_space<semaphore_mem>>, %arg18: memref<!tpu.dma_semaphore, #tpu.memory_space<semaphore_mem>>, %arg19: memref<!tpu.dma_semaphore, #tpu.memory_space<semaphore_mem>>, %arg20: memref<!tpu.dma_semaphore, #tpu.memory_space<semaphore_mem>>, %arg21: memref<!tpu.dma_semaphore, #tpu.memory_space<semaphore_mem>>, %arg22: memref<!tpu.dma_semaphore, #tpu.memory_space<semaphore_mem>>) attributes {dimension_semantics = [#tpu.dimension_semantics<core_parallel>, #tpu.dimension_semantics<subcore_parallel>], iteration_bounds = array<i64: 2, 16>, scalar_prefetch = 0 : i64, scratch_operands = 16 : i64, tpu.core_type = #tpu.core_type<sc_vector_subcore>, window_params = [{transform_indices = #map}, {transform_indices = #map}, {transform_indices = #map1}, {transform_indices = #map1}, {transform_indices = #map}]} {
    %mul3A = arith.constant 2 : i32
    %mul3A_0 = arith.muli %arg1, %mul3A : i32
    %add3A = arith.addi %mul3A_0, %arg0 : i32
    %mul3A_1 = arith.constant 640 : i32
    %mul3A_2 = arith.muli %arg1, %mul3A_1 : i32
    %dma_start3A = arith.constant 0 : i32
    %dma_start3A_3 = tpu.memref_slice %arg14[%mul3A_2, %dma_start3A] : memref<10240x32xf32, #tpu.memory_space<vmem_shared>> -> memref<640x32xf32, #tpu.memory_space<vmem_shared>>
    tpu.enqueue_dma source(%arg5 : memref<640x32xf32, #tpu.memory_space<hbm>>) target(%dma_start3A_3 : memref<640x32xf32, #tpu.memory_space<vmem_shared>>) target_semaphore(%arg15 : memref<!tpu.dma_semaphore, #tpu.memory_space<semaphore_mem>>)
    %mul3A_4 = arith.constant 640 : i32
    %mul3A_5 = arith.muli %arg1, %mul3A_4 : i32
    %mul3A_6 = arith.constant 640 : i32
    %mul3A_7 = arith.muli %arg1, %mul3A_6 : i32
    %dma_start3A_8 = arith.constant 0 : i32
    %dma_start3A_9 = tpu.memref_slice %arg13[%mul3A_7, %dma_start3A_8] : memref<10240x32xf32, #tpu.memory_space<vmem_shared>> -> memref<640x32xf32, #tpu.memory_space<vmem_shared>>
    %dma_start3A_10 = arith.constant 0 : i32
    %dma_start3A_11 = tpu.memref_slice %arg4[%mul3A_5, %dma_start3A_10] : memref<10240x32xf32, #tpu.memory_space<hbm>> -> memref<640x32xf32, #tpu.memory_space<hbm>>
    tpu.enqueue_dma source(%dma_start3A_11 : memref<640x32xf32, #tpu.memory_space<hbm>>) target(%dma_start3A_9 : memref<640x32xf32, #tpu.memory_space<vmem_shared>>) target_semaphore(%arg16 : memref<!tpu.dma_semaphore, #tpu.memory_space<semaphore_mem>>)
    %dma_start3A_12 = arith.constant 0 : i32
    %dma_start3A_13 = arith.constant 0 : i32
    %dma_start3A_14 = tpu.memref_slice %arg2[%add3A, %dma_start3A_12, %dma_start3A_13] : memref<32x80x128xi32, #tpu.memory_space<hbm>> -> memref<1x80x128xi32, #tpu.memory_space<hbm>>
    %dma_start3A_15 = tpu.memref_squeeze %dma_start3A_14 : memref<1x80x128xi32, #tpu.memory_space<hbm>> -> memref<80x128xi32, #tpu.memory_space<hbm>>
    %dma_start3A_16 = arith.constant 0 : i32
    %dma_start3A_17 = arith.constant 0 : i32
    %dma_start3A_18 = tpu.memref_slice %arg2[%add3A, %dma_start3A_16, %dma_start3A_17] : memref<32x80x128xi32, #tpu.memory_space<hbm>> -> memref<1x80x128xi32, #tpu.memory_space<hbm>>
    %dma_start3A_19 = tpu.memref_squeeze %dma_start3A_18 : memref<1x80x128xi32, #tpu.memory_space<hbm>> -> memref<80x128xi32, #tpu.memory_space<hbm>>
    tpu.enqueue_dma source(%dma_start3A_19 : memref<80x128xi32, #tpu.memory_space<hbm>>) target(%arg7 : memref<80x128xi32, #tpu.memory_space<vmem>>) target_semaphore(%arg17 : memref<!tpu.dma_semaphore, #tpu.memory_space<semaphore_mem>>)
    %dma_start3A_20 = arith.constant 0 : i32
    %dma_start3A_21 = arith.constant 0 : i32
    %dma_start3A_22 = tpu.memref_slice %arg3[%add3A, %dma_start3A_20, %dma_start3A_21] : memref<32x80x128xi32, #tpu.memory_space<hbm>> -> memref<1x80x128xi32, #tpu.memory_space<hbm>>
    %dma_start3A_23 = tpu.memref_squeeze %dma_start3A_22 : memref<1x80x128xi32, #tpu.memory_space<hbm>> -> memref<80x128xi32, #tpu.memory_space<hbm>>
    %dma_start3A_24 = arith.constant 0 : i32
    %dma_start3A_25 = arith.constant 0 : i32
    %dma_start3A_26 = tpu.memref_slice %arg3[%add3A, %dma_start3A_24, %dma_start3A_25] : memref<32x80x128xi32, #tpu.memory_space<hbm>> -> memref<1x80x128xi32, #tpu.memory_space<hbm>>
    %dma_start3A_27 = tpu.memref_squeeze %dma_start3A_26 : memref<1x80x128xi32, #tpu.memory_space<hbm>> -> memref<80x128xi32, #tpu.memory_space<hbm>>
    tpu.enqueue_dma source(%dma_start3A_27 : memref<80x128xi32, #tpu.memory_space<hbm>>) target(%arg8 : memref<80x128xi32, #tpu.memory_space<vmem>>) target_semaphore(%arg18 : memref<!tpu.dma_semaphore, #tpu.memory_space<semaphore_mem>>)
    %dma_wait3A = arith.constant 0 : i32
    %dma_wait3A_28 = tpu.memref_slice %arg14[%mul3A_2, %dma_wait3A] : memref<10240x32xf32, #tpu.memory_space<vmem_shared>> -> memref<640x32xf32, #tpu.memory_space<vmem_shared>>
    tpu.wait_dma2 semaphore(%arg15 : memref<!tpu.dma_semaphore, #tpu.memory_space<semaphore_mem>>) src(%arg5 : memref<640x32xf32, #tpu.memory_space<hbm>>) dst(%dma_wait3A_28 : memref<640x32xf32, #tpu.memory_space<vmem_shared>>)
    %dma_wait3A_29 = arith.constant 0 : i32
    %dma_wait3A_30 = tpu.memref_slice %arg13[%mul3A_7, %dma_wait3A_29] : memref<10240x32xf32, #tpu.memory_space<vmem_shared>> -> memref<640x32xf32, #tpu.memory_space<vmem_shared>>
    %dma_wait3A_31 = arith.constant 0 : i32
    %dma_wait3A_32 = tpu.memref_slice %arg4[%mul3A_5, %dma_wait3A_31] : memref<10240x32xf32, #tpu.memory_space<hbm>> -> memref<640x32xf32, #tpu.memory_space<hbm>>
    tpu.wait_dma2 semaphore(%arg16 : memref<!tpu.dma_semaphore, #tpu.memory_space<semaphore_mem>>) src(%dma_wait3A_32 : memref<640x32xf32, #tpu.memory_space<hbm>>) dst(%dma_wait3A_30 : memref<640x32xf32, #tpu.memory_space<vmem_shared>>)
    %dma_wait3A_33 = arith.constant 0 : i32
    %dma_wait3A_34 = arith.constant 0 : i32
    %dma_wait3A_35 = tpu.memref_slice %arg2[%add3A, %dma_wait3A_33, %dma_wait3A_34] : memref<32x80x128xi32, #tpu.memory_space<hbm>> -> memref<1x80x128xi32, #tpu.memory_space<hbm>>
    %dma_wait3A_36 = tpu.memref_squeeze %dma_wait3A_35 : memref<1x80x128xi32, #tpu.memory_space<hbm>> -> memref<80x128xi32, #tpu.memory_space<hbm>>
    %dma_wait3A_37 = arith.constant 0 : i32
    %dma_wait3A_38 = arith.constant 0 : i32
    %dma_wait3A_39 = tpu.memref_slice %arg2[%add3A, %dma_wait3A_37, %dma_wait3A_38] : memref<32x80x128xi32, #tpu.memory_space<hbm>> -> memref<1x80x128xi32, #tpu.memory_space<hbm>>
    %dma_wait3A_40 = tpu.memref_squeeze %dma_wait3A_39 : memref<1x80x128xi32, #tpu.memory_space<hbm>> -> memref<80x128xi32, #tpu.memory_space<hbm>>
    tpu.wait_dma2 semaphore(%arg17 : memref<!tpu.dma_semaphore, #tpu.memory_space<semaphore_mem>>) src(%dma_wait3A_40 : memref<80x128xi32, #tpu.memory_space<hbm>>) dst(%arg7 : memref<80x128xi32, #tpu.memory_space<vmem>>)
    %dma_wait3A_41 = arith.constant 0 : i32
    %dma_wait3A_42 = arith.constant 0 : i32
    %dma_wait3A_43 = tpu.memref_slice %arg3[%add3A, %dma_wait3A_41, %dma_wait3A_42] : memref<32x80x128xi32, #tpu.memory_space<hbm>> -> memref<1x80x128xi32, #tpu.memory_space<hbm>>
    %dma_wait3A_44 = tpu.memref_squeeze %dma_wait3A_43 : memref<1x80x128xi32, #tpu.memory_space<hbm>> -> memref<80x128xi32, #tpu.memory_space<hbm>>
    %dma_wait3A_45 = arith.constant 0 : i32
    %dma_wait3A_46 = arith.constant 0 : i32
    %dma_wait3A_47 = tpu.memref_slice %arg3[%add3A, %dma_wait3A_45, %dma_wait3A_46] : memref<32x80x128xi32, #tpu.memory_space<hbm>> -> memref<1x80x128xi32, #tpu.memory_space<hbm>>
    %dma_wait3A_48 = tpu.memref_squeeze %dma_wait3A_47 : memref<1x80x128xi32, #tpu.memory_space<hbm>> -> memref<80x128xi32, #tpu.memory_space<hbm>>
    tpu.wait_dma2 semaphore(%arg18 : memref<!tpu.dma_semaphore, #tpu.memory_space<semaphore_mem>>) src(%dma_wait3A_48 : memref<80x128xi32, #tpu.memory_space<hbm>>) dst(%arg8 : memref<80x128xi32, #tpu.memory_space<vmem>>)
    %barrier3A = arith.constant 0 : index
    tpu.barrier barrier_id(%barrier3A)
    %dma_start3A_49 = arith.constant 0 : i32
    %dma_start3A_50 = arith.constant 0 : i32
    %dma_start3A_51 = tpu.memref_slice %arg7[%dma_start3A_49, %dma_start3A_50] : memref<80x128xi32, #tpu.memory_space<vmem>> -> memref<1x128xi32, #tpu.memory_space<vmem>>
    %dma_start3A_52 = tpu.memref_squeeze %dma_start3A_51 : memref<1x128xi32, #tpu.memory_space<vmem>> -> memref<128xi32, #tpu.memory_space<vmem>>
    %dma_start3A_53 = arith.constant 0 : i32
    %dma_start3A_54 = arith.constant 0 : i32
    %dma_start3A_55 = tpu.memref_slice %arg13[%dma_start3A_53, %dma_start3A_54] : memref<10240x32xf32, #tpu.memory_space<vmem_shared>> -> memref<10240x32xf32, #tpu.memory_space<vmem_shared>>
    tpu.enqueue_indirect_dma source(%dma_start3A_55 : memref<10240x32xf32, #tpu.memory_space<vmem_shared>>) target(%arg9 : memref<128x32xf32, #tpu.memory_space<vmem>>) offsets(%dma_start3A_52 : memref<128xi32, #tpu.memory_space<vmem>>) semaphore(%arg15 : memref<!tpu.dma_semaphore, #tpu.memory_space<semaphore_mem>>)
    %dma_start3A_56 = arith.constant 1 : i32
    %dma_start3A_57 = arith.constant 0 : i32
    %dma_start3A_58 = tpu.memref_slice %arg7[%dma_start3A_56, %dma_start3A_57] : memref<80x128xi32, #tpu.memory_space<vmem>> -> memref<1x128xi32, #tpu.memory_space<vmem>>
    %dma_start3A_59 = tpu.memref_squeeze %dma_start3A_58 : memref<1x128xi32, #tpu.memory_space<vmem>> -> memref<128xi32, #tpu.memory_space<vmem>>
    %dma_start3A_60 = arith.constant 0 : i32
    %dma_start3A_61 = arith.constant 0 : i32
    %dma_start3A_62 = tpu.memref_slice %arg13[%dma_start3A_60, %dma_start3A_61] : memref<10240x32xf32, #tpu.memory_space<vmem_shared>> -> memref<10240x32xf32, #tpu.memory_space<vmem_shared>>
    tpu.enqueue_indirect_dma source(%dma_start3A_62 : memref<10240x32xf32, #tpu.memory_space<vmem_shared>>) target(%arg10 : memref<128x32xf32, #tpu.memory_space<vmem>>) offsets(%dma_start3A_59 : memref<128xi32, #tpu.memory_space<vmem>>) semaphore(%arg16 : memref<!tpu.dma_semaphore, #tpu.memory_space<semaphore_mem>>)
    %dma_start3A_63 = arith.constant 2 : i32
    %dma_start3A_64 = arith.constant 0 : i32
    %dma_start3A_65 = tpu.memref_slice %arg7[%dma_start3A_63, %dma_start3A_64] : memref<80x128xi32, #tpu.memory_space<vmem>> -> memref<1x128xi32, #tpu.memory_space<vmem>>
    %dma_start3A_66 = tpu.memref_squeeze %dma_start3A_65 : memref<1x128xi32, #tpu.memory_space<vmem>> -> memref<128xi32, #tpu.memory_space<vmem>>
    %dma_start3A_67 = arith.constant 0 : i32
    %dma_start3A_68 = arith.constant 0 : i32
    %dma_start3A_69 = tpu.memref_slice %arg13[%dma_start3A_67, %dma_start3A_68] : memref<10240x32xf32, #tpu.memory_space<vmem_shared>> -> memref<10240x32xf32, #tpu.memory_space<vmem_shared>>
    tpu.enqueue_indirect_dma source(%dma_start3A_69 : memref<10240x32xf32, #tpu.memory_space<vmem_shared>>) target(%arg11 : memref<128x32xf32, #tpu.memory_space<vmem>>) offsets(%dma_start3A_66 : memref<128xi32, #tpu.memory_space<vmem>>) semaphore(%arg17 : memref<!tpu.dma_semaphore, #tpu.memory_space<semaphore_mem>>)
    %dma_start3A_70 = arith.constant 3 : i32
    %dma_start3A_71 = arith.constant 0 : i32
    %dma_start3A_72 = tpu.memref_slice %arg7[%dma_start3A_70, %dma_start3A_71] : memref<80x128xi32, #tpu.memory_space<vmem>> -> memref<1x128xi32, #tpu.memory_space<vmem>>
    %dma_start3A_73 = tpu.memref_squeeze %dma_start3A_72 : memref<1x128xi32, #tpu.memory_space<vmem>> -> memref<128xi32, #tpu.memory_space<vmem>>
    %dma_start3A_74 = arith.constant 0 : i32
    %dma_start3A_75 = arith.constant 0 : i32
    %dma_start3A_76 = tpu.memref_slice %arg13[%dma_start3A_74, %dma_start3A_75] : memref<10240x32xf32, #tpu.memory_space<vmem_shared>> -> memref<10240x32xf32, #tpu.memory_space<vmem_shared>>
    tpu.enqueue_indirect_dma source(%dma_start3A_76 : memref<10240x32xf32, #tpu.memory_space<vmem_shared>>) target(%arg12 : memref<128x32xf32, #tpu.memory_space<vmem>>) offsets(%dma_start3A_73 : memref<128xi32, #tpu.memory_space<vmem>>) semaphore(%arg18 : memref<!tpu.dma_semaphore, #tpu.memory_space<semaphore_mem>>)
    %scan3A = arith.constant 0 : i32
    %scan3A_77 = arith.constant 0 : i32
    %scan3A_78 = arith.constant 20 : i32
    %scan3A_79 = arith.addi %scan3A_77, %scan3A_78 : i32
    %scan3A_80 = arith.constant 1 : i32
    scf.for %scan3A_115 = %scan3A_77 to %scan3A_79 step %scan3A_80  : i32 {
      %mul3A_116 = arith.constant 4 : i32
      %mul3A_117 = arith.muli %scan3A_115, %mul3A_116 : i32
      %add3A_118 = arith.constant 0 : i32
      %add3A_119 = arith.addi %mul3A_117, %add3A_118 : i32
      %dma_wait3A_120 = arith.constant 0 : i32
      %dma_wait3A_121 = tpu.memref_slice %arg7[%add3A_119, %dma_wait3A_120] : memref<80x128xi32, #tpu.memory_space<vmem>> -> memref<1x128xi32, #tpu.memory_space<vmem>>
      %dma_wait3A_122 = tpu.memref_squeeze %dma_wait3A_121 : memref<1x128xi32, #tpu.memory_space<vmem>> -> memref<128xi32, #tpu.memory_space<vmem>>
      %dma_wait3A_123 = arith.constant 0 : i32
      %dma_wait3A_124 = arith.constant 0 : i32
      %dma_wait3A_125 = tpu.memref_slice %arg13[%dma_wait3A_123, %dma_wait3A_124] : memref<10240x32xf32, #tpu.memory_space<vmem_shared>> -> memref<10240x32xf32, #tpu.memory_space<vmem_shared>>
      tpu.wait_indirect_dma semaphore(%arg15 : memref<!tpu.dma_semaphore, #tpu.memory_space<semaphore_mem>>) src(%dma_wait3A_125 : memref<10240x32xf32, #tpu.memory_space<vmem_shared>>) dst(%arg9 : memref<128x32xf32, #tpu.memory_space<vmem>>)
      %dma_start3A_126 = arith.constant 0 : i32
      %dma_start3A_127 = tpu.memref_slice %arg8[%add3A_119, %dma_start3A_126] : memref<80x128xi32, #tpu.memory_space<vmem>> -> memref<1x128xi32, #tpu.memory_space<vmem>>
      %dma_start3A_128 = tpu.memref_squeeze %dma_start3A_127 : memref<1x128xi32, #tpu.memory_space<vmem>> -> memref<128xi32, #tpu.memory_space<vmem>>
      %dma_start3A_129 = arith.constant 0 : i32
      %dma_start3A_130 = arith.constant 0 : i32
      %dma_start3A_131 = tpu.memref_slice %arg14[%dma_start3A_129, %dma_start3A_130] : memref<10240x32xf32, #tpu.memory_space<vmem_shared>> -> memref<10240x32xf32, #tpu.memory_space<vmem_shared>>
      tpu.enqueue_indirect_dma source(%arg9 : memref<128x32xf32, #tpu.memory_space<vmem>>) target(%dma_start3A_131 : memref<10240x32xf32, #tpu.memory_space<vmem_shared>>) offsets(%dma_start3A_128 : memref<128xi32, #tpu.memory_space<vmem>>) semaphore(%arg19 : memref<!tpu.dma_semaphore, #tpu.memory_space<semaphore_mem>>) {add = true}
      %ge3A = arith.constant 1 : i32
      %ge3A_132 = arith.cmpi sge, %add3A_119, %ge3A : i32
      %le3A = arith.constant 76 : i32
      %le3A_133 = arith.cmpi sle, %add3A_119, %le3A : i32
      %and3A = arith.andi %ge3A_132, %le3A_133 : i1
      %convert_element_type3A = arith.extui %and3A : i1 to i32
      %cond3A = arith.constant 0 : i32
      %cond3A_134 = arith.cmpi ne, %convert_element_type3A, %cond3A : i32
      scf.if %cond3A_134 {
        %dma_wait3A_207 = arith.constant 0 : i32
        %dma_wait3A_208 = arith.constant 0 : i32
        %dma_wait3A_209 = tpu.memref_slice %arg8[%dma_wait3A_207, %dma_wait3A_208] : memref<80x128xi32, #tpu.memory_space<vmem>> -> memref<1x128xi32, #tpu.memory_space<vmem>>
        %dma_wait3A_210 = tpu.memref_squeeze %dma_wait3A_209 : memref<1x128xi32, #tpu.memory_space<vmem>> -> memref<128xi32, #tpu.memory_space<vmem>>
        %dma_wait3A_211 = arith.constant 0 : i32
        %dma_wait3A_212 = arith.constant 0 : i32
        %dma_wait3A_213 = tpu.memref_slice %arg14[%dma_wait3A_211, %dma_wait3A_212] : memref<10240x32xf32, #tpu.memory_space<vmem_shared>> -> memref<10240x32xf32, #tpu.memory_space<vmem_shared>>
        tpu.wait_indirect_dma semaphore(%arg22 : memref<!tpu.dma_semaphore, #tpu.memory_space<semaphore_mem>>) src(%arg12 : memref<128x32xf32, #tpu.memory_space<vmem>>) dst(%dma_wait3A_213 : memref<10240x32xf32, #tpu.memory_space<vmem_shared>>)
        %add3A_214 = arith.constant 3 : i32
        %add3A_215 = arith.addi %add3A_119, %add3A_214 : i32
        %dma_start3A_216 = arith.constant 0 : i32
        %dma_start3A_217 = tpu.memref_slice %arg7[%add3A_215, %dma_start3A_216] : memref<80x128xi32, #tpu.memory_space<vmem>> -> memref<1x128xi32, #tpu.memory_space<vmem>>
        %dma_start3A_218 = tpu.memref_squeeze %dma_start3A_217 : memref<1x128xi32, #tpu.memory_space<vmem>> -> memref<128xi32, #tpu.memory_space<vmem>>
        %dma_start3A_219 = arith.constant 0 : i32
        %dma_start3A_220 = arith.constant 0 : i32
        %dma_start3A_221 = tpu.memref_slice %arg13[%dma_start3A_219, %dma_start3A_220] : memref<10240x32xf32, #tpu.memory_space<vmem_shared>> -> memref<10240x32xf32, #tpu.memory_space<vmem_shared>>
        tpu.enqueue_indirect_dma source(%dma_start3A_221 : memref<10240x32xf32, #tpu.memory_space<vmem_shared>>) target(%arg12 : memref<128x32xf32, #tpu.memory_space<vmem>>) offsets(%dma_start3A_218 : memref<128xi32, #tpu.memory_space<vmem>>) semaphore(%arg18 : memref<!tpu.dma_semaphore, #tpu.memory_space<semaphore_mem>>)
      } else {
      }
      %mul3A_135 = arith.constant 4 : i32
      %mul3A_136 = arith.muli %scan3A_115, %mul3A_135 : i32
      %add3A_137 = arith.constant 1 : i32
      %add3A_138 = arith.addi %mul3A_136, %add3A_137 : i32
      %dma_wait3A_139 = arith.constant 0 : i32
      %dma_wait3A_140 = tpu.memref_slice %arg7[%add3A_138, %dma_wait3A_139] : memref<80x128xi32, #tpu.memory_space<vmem>> -> memref<1x128xi32, #tpu.memory_space<vmem>>
      %dma_wait3A_141 = tpu.memref_squeeze %dma_wait3A_140 : memref<1x128xi32, #tpu.memory_space<vmem>> -> memref<128xi32, #tpu.memory_space<vmem>>
      %dma_wait3A_142 = arith.constant 0 : i32
      %dma_wait3A_143 = arith.constant 0 : i32
      %dma_wait3A_144 = tpu.memref_slice %arg13[%dma_wait3A_142, %dma_wait3A_143] : memref<10240x32xf32, #tpu.memory_space<vmem_shared>> -> memref<10240x32xf32, #tpu.memory_space<vmem_shared>>
      tpu.wait_indirect_dma semaphore(%arg16 : memref<!tpu.dma_semaphore, #tpu.memory_space<semaphore_mem>>) src(%dma_wait3A_144 : memref<10240x32xf32, #tpu.memory_space<vmem_shared>>) dst(%arg10 : memref<128x32xf32, #tpu.memory_space<vmem>>)
      %dma_start3A_145 = arith.constant 0 : i32
      %dma_start3A_146 = tpu.memref_slice %arg8[%add3A_138, %dma_start3A_145] : memref<80x128xi32, #tpu.memory_space<vmem>> -> memref<1x128xi32, #tpu.memory_space<vmem>>
      %dma_start3A_147 = tpu.memref_squeeze %dma_start3A_146 : memref<1x128xi32, #tpu.memory_space<vmem>> -> memref<128xi32, #tpu.memory_space<vmem>>
      %dma_start3A_148 = arith.constant 0 : i32
      %dma_start3A_149 = arith.constant 0 : i32
      %dma_start3A_150 = tpu.memref_slice %arg14[%dma_start3A_148, %dma_start3A_149] : memref<10240x32xf32, #tpu.memory_space<vmem_shared>> -> memref<10240x32xf32, #tpu.memory_space<vmem_shared>>
      tpu.enqueue_indirect_dma source(%arg10 : memref<128x32xf32, #tpu.memory_space<vmem>>) target(%dma_start3A_150 : memref<10240x32xf32, #tpu.memory_space<vmem_shared>>) offsets(%dma_start3A_147 : memref<128xi32, #tpu.memory_space<vmem>>) semaphore(%arg20 : memref<!tpu.dma_semaphore, #tpu.memory_space<semaphore_mem>>) {add = true}
      %ge3A_151 = arith.constant 1 : i32
      %ge3A_152 = arith.cmpi sge, %add3A_138, %ge3A_151 : i32
      %le3A_153 = arith.constant 76 : i32
      %le3A_154 = arith.cmpi sle, %add3A_138, %le3A_153 : i32
      %and3A_155 = arith.andi %ge3A_152, %le3A_154 : i1
      %convert_element_type3A_156 = arith.extui %and3A_155 : i1 to i32
      %cond3A_157 = arith.constant 0 : i32
      %cond3A_158 = arith.cmpi ne, %convert_element_type3A_156, %cond3A_157 : i32
      scf.if %cond3A_158 {
        %dma_wait3A_207 = arith.constant 0 : i32
        %dma_wait3A_208 = arith.constant 0 : i32
        %dma_wait3A_209 = tpu.memref_slice %arg8[%dma_wait3A_207, %dma_wait3A_208] : memref<80x128xi32, #tpu.memory_space<vmem>> -> memref<1x128xi32, #tpu.memory_space<vmem>>
        %dma_wait3A_210 = tpu.memref_squeeze %dma_wait3A_209 : memref<1x128xi32, #tpu.memory_space<vmem>> -> memref<128xi32, #tpu.memory_space<vmem>>
        %dma_wait3A_211 = arith.constant 0 : i32
        %dma_wait3A_212 = arith.constant 0 : i32
        %dma_wait3A_213 = tpu.memref_slice %arg14[%dma_wait3A_211, %dma_wait3A_212] : memref<10240x32xf32, #tpu.memory_space<vmem_shared>> -> memref<10240x32xf32, #tpu.memory_space<vmem_shared>>
        tpu.wait_indirect_dma semaphore(%arg19 : memref<!tpu.dma_semaphore, #tpu.memory_space<semaphore_mem>>) src(%arg9 : memref<128x32xf32, #tpu.memory_space<vmem>>) dst(%dma_wait3A_213 : memref<10240x32xf32, #tpu.memory_space<vmem_shared>>)
        %add3A_214 = arith.constant 3 : i32
        %add3A_215 = arith.addi %add3A_138, %add3A_214 : i32
        %dma_start3A_216 = arith.constant 0 : i32
        %dma_start3A_217 = tpu.memref_slice %arg7[%add3A_215, %dma_start3A_216] : memref<80x128xi32, #tpu.memory_space<vmem>> -> memref<1x128xi32, #tpu.memory_space<vmem>>
        %dma_start3A_218 = tpu.memref_squeeze %dma_start3A_217 : memref<1x128xi32, #tpu.memory_space<vmem>> -> memref<128xi32, #tpu.memory_space<vmem>>
        %dma_start3A_219 = arith.constant 0 : i32
        %dma_start3A_220 = arith.constant 0 : i32
        %dma_start3A_221 = tpu.memref_slice %arg13[%dma_start3A_219, %dma_start3A_220] : memref<10240x32xf32, #tpu.memory_space<vmem_shared>> -> memref<10240x32xf32, #tpu.memory_space<vmem_shared>>
        tpu.enqueue_indirect_dma source(%dma_start3A_221 : memref<10240x32xf32, #tpu.memory_space<vmem_shared>>) target(%arg9 : memref<128x32xf32, #tpu.memory_space<vmem>>) offsets(%dma_start3A_218 : memref<128xi32, #tpu.memory_space<vmem>>) semaphore(%arg15 : memref<!tpu.dma_semaphore, #tpu.memory_space<semaphore_mem>>)
      } else {
      }
      %mul3A_159 = arith.constant 4 : i32
      %mul3A_160 = arith.muli %scan3A_115, %mul3A_159 : i32
      %add3A_161 = arith.constant 2 : i32
      %add3A_162 = arith.addi %mul3A_160, %add3A_161 : i32
      %dma_wait3A_163 = arith.constant 0 : i32
      %dma_wait3A_164 = tpu.memref_slice %arg7[%add3A_162, %dma_wait3A_163] : memref<80x128xi32, #tpu.memory_space<vmem>> -> memref<1x128xi32, #tpu.memory_space<vmem>>
      %dma_wait3A_165 = tpu.memref_squeeze %dma_wait3A_164 : memref<1x128xi32, #tpu.memory_space<vmem>> -> memref<128xi32, #tpu.memory_space<vmem>>
      %dma_wait3A_166 = arith.constant 0 : i32
      %dma_wait3A_167 = arith.constant 0 : i32
      %dma_wait3A_168 = tpu.memref_slice %arg13[%dma_wait3A_166, %dma_wait3A_167] : memref<10240x32xf32, #tpu.memory_space<vmem_shared>> -> memref<10240x32xf32, #tpu.memory_space<vmem_shared>>
      tpu.wait_indirect_dma semaphore(%arg17 : memref<!tpu.dma_semaphore, #tpu.memory_space<semaphore_mem>>) src(%dma_wait3A_168 : memref<10240x32xf32, #tpu.memory_space<vmem_shared>>) dst(%arg11 : memref<128x32xf32, #tpu.memory_space<vmem>>)
      %dma_start3A_169 = arith.constant 0 : i32
      %dma_start3A_170 = tpu.memref_slice %arg8[%add3A_162, %dma_start3A_169] : memref<80x128xi32, #tpu.memory_space<vmem>> -> memref<1x128xi32, #tpu.memory_space<vmem>>
      %dma_start3A_171 = tpu.memref_squeeze %dma_start3A_170 : memref<1x128xi32, #tpu.memory_space<vmem>> -> memref<128xi32, #tpu.memory_space<vmem>>
      %dma_start3A_172 = arith.constant 0 : i32
      %dma_start3A_173 = arith.constant 0 : i32
      %dma_start3A_174 = tpu.memref_slice %arg14[%dma_start3A_172, %dma_start3A_173] : memref<10240x32xf32, #tpu.memory_space<vmem_shared>> -> memref<10240x32xf32, #tpu.memory_space<vmem_shared>>
      tpu.enqueue_indirect_dma source(%arg11 : memref<128x32xf32, #tpu.memory_space<vmem>>) target(%dma_start3A_174 : memref<10240x32xf32, #tpu.memory_space<vmem_shared>>) offsets(%dma_start3A_171 : memref<128xi32, #tpu.memory_space<vmem>>) semaphore(%arg21 : memref<!tpu.dma_semaphore, #tpu.memory_space<semaphore_mem>>) {add = true}
      %ge3A_175 = arith.constant 1 : i32
      %ge3A_176 = arith.cmpi sge, %add3A_162, %ge3A_175 : i32
      %le3A_177 = arith.constant 76 : i32
      %le3A_178 = arith.cmpi sle, %add3A_162, %le3A_177 : i32
      %and3A_179 = arith.andi %ge3A_176, %le3A_178 : i1
      %convert_element_type3A_180 = arith.extui %and3A_179 : i1 to i32
      %cond3A_181 = arith.constant 0 : i32
      %cond3A_182 = arith.cmpi ne, %convert_element_type3A_180, %cond3A_181 : i32
      scf.if %cond3A_182 {
        %dma_wait3A_207 = arith.constant 0 : i32
        %dma_wait3A_208 = arith.constant 0 : i32
        %dma_wait3A_209 = tpu.memref_slice %arg8[%dma_wait3A_207, %dma_wait3A_208] : memref<80x128xi32, #tpu.memory_space<vmem>> -> memref<1x128xi32, #tpu.memory_space<vmem>>
        %dma_wait3A_210 = tpu.memref_squeeze %dma_wait3A_209 : memref<1x128xi32, #tpu.memory_space<vmem>> -> memref<128xi32, #tpu.memory_space<vmem>>
        %dma_wait3A_211 = arith.constant 0 : i32
        %dma_wait3A_212 = arith.constant 0 : i32
        %dma_wait3A_213 = tpu.memref_slice %arg14[%dma_wait3A_211, %dma_wait3A_212] : memref<10240x32xf32, #tpu.memory_space<vmem_shared>> -> memref<10240x32xf32, #tpu.memory_space<vmem_shared>>
        tpu.wait_indirect_dma semaphore(%arg20 : memref<!tpu.dma_semaphore, #tpu.memory_space<semaphore_mem>>) src(%arg10 : memref<128x32xf32, #tpu.memory_space<vmem>>) dst(%dma_wait3A_213 : memref<10240x32xf32, #tpu.memory_space<vmem_shared>>)
        %add3A_214 = arith.constant 3 : i32
        %add3A_215 = arith.addi %add3A_162, %add3A_214 : i32
        %dma_start3A_216 = arith.constant 0 : i32
        %dma_start3A_217 = tpu.memref_slice %arg7[%add3A_215, %dma_start3A_216] : memref<80x128xi32, #tpu.memory_space<vmem>> -> memref<1x128xi32, #tpu.memory_space<vmem>>
        %dma_start3A_218 = tpu.memref_squeeze %dma_start3A_217 : memref<1x128xi32, #tpu.memory_space<vmem>> -> memref<128xi32, #tpu.memory_space<vmem>>
        %dma_start3A_219 = arith.constant 0 : i32
        %dma_start3A_220 = arith.constant 0 : i32
        %dma_start3A_221 = tpu.memref_slice %arg13[%dma_start3A_219, %dma_start3A_220] : memref<10240x32xf32, #tpu.memory_space<vmem_shared>> -> memref<10240x32xf32, #tpu.memory_space<vmem_shared>>
        tpu.enqueue_indirect_dma source(%dma_start3A_221 : memref<10240x32xf32, #tpu.memory_space<vmem_shared>>) target(%arg10 : memref<128x32xf32, #tpu.memory_space<vmem>>) offsets(%dma_start3A_218 : memref<128xi32, #tpu.memory_space<vmem>>) semaphore(%arg16 : memref<!tpu.dma_semaphore, #tpu.memory_space<semaphore_mem>>)
      } else {
      }
      %mul3A_183 = arith.constant 4 : i32
      %mul3A_184 = arith.muli %scan3A_115, %mul3A_183 : i32
      %add3A_185 = arith.constant 3 : i32
      %add3A_186 = arith.addi %mul3A_184, %add3A_185 : i32
      %dma_wait3A_187 = arith.constant 0 : i32
      %dma_wait3A_188 = tpu.memref_slice %arg7[%add3A_186, %dma_wait3A_187] : memref<80x128xi32, #tpu.memory_space<vmem>> -> memref<1x128xi32, #tpu.memory_space<vmem>>
      %dma_wait3A_189 = tpu.memref_squeeze %dma_wait3A_188 : memref<1x128xi32, #tpu.memory_space<vmem>> -> memref<128xi32, #tpu.memory_space<vmem>>
      %dma_wait3A_190 = arith.constant 0 : i32
      %dma_wait3A_191 = arith.constant 0 : i32
      %dma_wait3A_192 = tpu.memref_slice %arg13[%dma_wait3A_190, %dma_wait3A_191] : memref<10240x32xf32, #tpu.memory_space<vmem_shared>> -> memref<10240x32xf32, #tpu.memory_space<vmem_shared>>
      tpu.wait_indirect_dma semaphore(%arg18 : memref<!tpu.dma_semaphore, #tpu.memory_space<semaphore_mem>>) src(%dma_wait3A_192 : memref<10240x32xf32, #tpu.memory_space<vmem_shared>>) dst(%arg12 : memref<128x32xf32, #tpu.memory_space<vmem>>)
      %dma_start3A_193 = arith.constant 0 : i32
      %dma_start3A_194 = tpu.memref_slice %arg8[%add3A_186, %dma_start3A_193] : memref<80x128xi32, #tpu.memory_space<vmem>> -> memref<1x128xi32, #tpu.memory_space<vmem>>
      %dma_start3A_195 = tpu.memref_squeeze %dma_start3A_194 : memref<1x128xi32, #tpu.memory_space<vmem>> -> memref<128xi32, #tpu.memory_space<vmem>>
      %dma_start3A_196 = arith.constant 0 : i32
      %dma_start3A_197 = arith.constant 0 : i32
      %dma_start3A_198 = tpu.memref_slice %arg14[%dma_start3A_196, %dma_start3A_197] : memref<10240x32xf32, #tpu.memory_space<vmem_shared>> -> memref<10240x32xf32, #tpu.memory_space<vmem_shared>>
      tpu.enqueue_indirect_dma source(%arg12 : memref<128x32xf32, #tpu.memory_space<vmem>>) target(%dma_start3A_198 : memref<10240x32xf32, #tpu.memory_space<vmem_shared>>) offsets(%dma_start3A_195 : memref<128xi32, #tpu.memory_space<vmem>>) semaphore(%arg22 : memref<!tpu.dma_semaphore, #tpu.memory_space<semaphore_mem>>) {add = true}
      %ge3A_199 = arith.constant 1 : i32
      %ge3A_200 = arith.cmpi sge, %add3A_186, %ge3A_199 : i32
      %le3A_201 = arith.constant 76 : i32
      %le3A_202 = arith.cmpi sle, %add3A_186, %le3A_201 : i32
      %and3A_203 = arith.andi %ge3A_200, %le3A_202 : i1
      %convert_element_type3A_204 = arith.extui %and3A_203 : i1 to i32
      %cond3A_205 = arith.constant 0 : i32
      %cond3A_206 = arith.cmpi ne, %convert_element_type3A_204, %cond3A_205 : i32
      scf.if %cond3A_206 {
        %dma_wait3A_207 = arith.constant 0 : i32
        %dma_wait3A_208 = arith.constant 0 : i32
        %dma_wait3A_209 = tpu.memref_slice %arg8[%dma_wait3A_207, %dma_wait3A_208] : memref<80x128xi32, #tpu.memory_space<vmem>> -> memref<1x128xi32, #tpu.memory_space<vmem>>
        %dma_wait3A_210 = tpu.memref_squeeze %dma_wait3A_209 : memref<1x128xi32, #tpu.memory_space<vmem>> -> memref<128xi32, #tpu.memory_space<vmem>>
        %dma_wait3A_211 = arith.constant 0 : i32
        %dma_wait3A_212 = arith.constant 0 : i32
        %dma_wait3A_213 = tpu.memref_slice %arg14[%dma_wait3A_211, %dma_wait3A_212] : memref<10240x32xf32, #tpu.memory_space<vmem_shared>> -> memref<10240x32xf32, #tpu.memory_space<vmem_shared>>
        tpu.wait_indirect_dma semaphore(%arg21 : memref<!tpu.dma_semaphore, #tpu.memory_space<semaphore_mem>>) src(%arg11 : memref<128x32xf32, #tpu.memory_space<vmem>>) dst(%dma_wait3A_213 : memref<10240x32xf32, #tpu.memory_space<vmem_shared>>)
        %add3A_214 = arith.constant 3 : i32
        %add3A_215 = arith.addi %add3A_186, %add3A_214 : i32
        %dma_start3A_216 = arith.constant 0 : i32
        %dma_start3A_217 = tpu.memref_slice %arg7[%add3A_215, %dma_start3A_216] : memref<80x128xi32, #tpu.memory_space<vmem>> -> memref<1x128xi32, #tpu.memory_space<vmem>>
        %dma_start3A_218 = tpu.memref_squeeze %dma_start3A_217 : memref<1x128xi32, #tpu.memory_space<vmem>> -> memref<128xi32, #tpu.memory_space<vmem>>
        %dma_start3A_219 = arith.constant 0 : i32
        %dma_start3A_220 = arith.constant 0 : i32
        %dma_start3A_221 = tpu.memref_slice %arg13[%dma_start3A_219, %dma_start3A_220] : memref<10240x32xf32, #tpu.memory_space<vmem_shared>> -> memref<10240x32xf32, #tpu.memory_space<vmem_shared>>
        tpu.enqueue_indirect_dma source(%dma_start3A_221 : memref<10240x32xf32, #tpu.memory_space<vmem_shared>>) target(%arg11 : memref<128x32xf32, #tpu.memory_space<vmem>>) offsets(%dma_start3A_218 : memref<128xi32, #tpu.memory_space<vmem>>) semaphore(%arg17 : memref<!tpu.dma_semaphore, #tpu.memory_space<semaphore_mem>>)
      } else {
      }
    }
    %scan3A_81 = arith.constant 20 : i32
    %dma_wait3A_82 = arith.constant 0 : i32
    %dma_wait3A_83 = arith.constant 0 : i32
    %dma_wait3A_84 = tpu.memref_slice %arg8[%dma_wait3A_82, %dma_wait3A_83] : memref<80x128xi32, #tpu.memory_space<vmem>> -> memref<1x128xi32, #tpu.memory_space<vmem>>
    %dma_wait3A_85 = tpu.memref_squeeze %dma_wait3A_84 : memref<1x128xi32, #tpu.memory_space<vmem>> -> memref<128xi32, #tpu.memory_space<vmem>>
    %dma_wait3A_86 = arith.constant 0 : i32
    %dma_wait3A_87 = arith.constant 0 : i32
    %dma_wait3A_88 = tpu.memref_slice %arg14[%dma_wait3A_86, %dma_wait3A_87] : memref<10240x32xf32, #tpu.memory_space<vmem_shared>> -> memref<10240x32xf32, #tpu.memory_space<vmem_shared>>
    tpu.wait_indirect_dma semaphore(%arg19 : memref<!tpu.dma_semaphore, #tpu.memory_space<semaphore_mem>>) src(%arg9 : memref<128x32xf32, #tpu.memory_space<vmem>>) dst(%dma_wait3A_88 : memref<10240x32xf32, #tpu.memory_space<vmem_shared>>)
    %dma_wait3A_89 = arith.constant 0 : i32
    %dma_wait3A_90 = arith.constant 0 : i32
    %dma_wait3A_91 = tpu.memref_slice %arg8[%dma_wait3A_89, %dma_wait3A_90] : memref<80x128xi32, #tpu.memory_space<vmem>> -> memref<1x128xi32, #tpu.memory_space<vmem>>
    %dma_wait3A_92 = tpu.memref_squeeze %dma_wait3A_91 : memref<1x128xi32, #tpu.memory_space<vmem>> -> memref<128xi32, #tpu.memory_space<vmem>>
    %dma_wait3A_93 = arith.constant 0 : i32
    %dma_wait3A_94 = arith.constant 0 : i32
    %dma_wait3A_95 = tpu.memref_slice %arg14[%dma_wait3A_93, %dma_wait3A_94] : memref<10240x32xf32, #tpu.memory_space<vmem_shared>> -> memref<10240x32xf32, #tpu.memory_space<vmem_shared>>
    tpu.wait_indirect_dma semaphore(%arg20 : memref<!tpu.dma_semaphore, #tpu.memory_space<semaphore_mem>>) src(%arg10 : memref<128x32xf32, #tpu.memory_space<vmem>>) dst(%dma_wait3A_95 : memref<10240x32xf32, #tpu.memory_space<vmem_shared>>)
    %dma_wait3A_96 = arith.constant 0 : i32
    %dma_wait3A_97 = arith.constant 0 : i32
    %dma_wait3A_98 = tpu.memref_slice %arg8[%dma_wait3A_96, %dma_wait3A_97] : memref<80x128xi32, #tpu.memory_space<vmem>> -> memref<1x128xi32, #tpu.memory_space<vmem>>
    %dma_wait3A_99 = tpu.memref_squeeze %dma_wait3A_98 : memref<1x128xi32, #tpu.memory_space<vmem>> -> memref<128xi32, #tpu.memory_space<vmem>>
    %dma_wait3A_100 = arith.constant 0 : i32
    %dma_wait3A_101 = arith.constant 0 : i32
    %dma_wait3A_102 = tpu.memref_slice %arg14[%dma_wait3A_100, %dma_wait3A_101] : memref<10240x32xf32, #tpu.memory_space<vmem_shared>> -> memref<10240x32xf32, #tpu.memory_space<vmem_shared>>
    tpu.wait_indirect_dma semaphore(%arg21 : memref<!tpu.dma_semaphore, #tpu.memory_space<semaphore_mem>>) src(%arg11 : memref<128x32xf32, #tpu.memory_space<vmem>>) dst(%dma_wait3A_102 : memref<10240x32xf32, #tpu.memory_space<vmem_shared>>)
    %dma_wait3A_103 = arith.constant 0 : i32
    %dma_wait3A_104 = arith.constant 0 : i32
    %dma_wait3A_105 = tpu.memref_slice %arg8[%dma_wait3A_103, %dma_wait3A_104] : memref<80x128xi32, #tpu.memory_space<vmem>> -> memref<1x128xi32, #tpu.memory_space<vmem>>
    %dma_wait3A_106 = tpu.memref_squeeze %dma_wait3A_105 : memref<1x128xi32, #tpu.memory_space<vmem>> -> memref<128xi32, #tpu.memory_space<vmem>>
    %dma_wait3A_107 = arith.constant 0 : i32
    %dma_wait3A_108 = arith.constant 0 : i32
    %dma_wait3A_109 = tpu.memref_slice %arg14[%dma_wait3A_107, %dma_wait3A_108] : memref<10240x32xf32, #tpu.memory_space<vmem_shared>> -> memref<10240x32xf32, #tpu.memory_space<vmem_shared>>
    tpu.wait_indirect_dma semaphore(%arg22 : memref<!tpu.dma_semaphore, #tpu.memory_space<semaphore_mem>>) src(%arg12 : memref<128x32xf32, #tpu.memory_space<vmem>>) dst(%dma_wait3A_109 : memref<10240x32xf32, #tpu.memory_space<vmem_shared>>)
    %barrier3A_110 = arith.constant 0 : index
    tpu.barrier barrier_id(%barrier3A_110)
    %mul3A_111 = arith.constant 640 : i32
    %mul3A_112 = arith.muli %arg1, %mul3A_111 : i32
    %mul3A_113 = arith.constant 640 : i32
    %mul3A_114 = arith.muli %arg1, %mul3A_113 : i32
    "tpu.region"() ({
      %run_scoped3A = tpu.sem_alloc : memref<!tpu.dma_semaphore, #tpu.memory_space<semaphore_mem>>
      %dma_start3A_115 = arith.constant 0 : i32
      %dma_start3A_116 = tpu.memref_slice %arg6[%arg0, %mul3A_114, %dma_start3A_115] : memref<2x10240x32xf32, #tpu.memory_space<hbm>> -> memref<1x640x32xf32, #tpu.memory_space<hbm>>
      %dma_start3A_117 = tpu.memref_squeeze %dma_start3A_116 : memref<1x640x32xf32, #tpu.memory_space<hbm>> -> memref<640x32xf32, #tpu.memory_space<hbm>>
      %dma_start3A_118 = arith.constant 0 : i32
      %dma_start3A_119 = tpu.memref_slice %arg14[%mul3A_112, %dma_start3A_118] : memref<10240x32xf32, #tpu.memory_space<vmem_shared>> -> memref<640x32xf32, #tpu.memory_space<vmem_shared>>
      tpu.enqueue_dma source(%dma_start3A_119 : memref<640x32xf32, #tpu.memory_space<vmem_shared>>) target(%dma_start3A_117 : memref<640x32xf32, #tpu.memory_space<hbm>>) target_semaphore(%run_scoped3A : memref<!tpu.dma_semaphore, #tpu.memory_space<semaphore_mem>>)
      %dma_wait3A_120 = arith.constant 0 : i32
      %dma_wait3A_121 = tpu.memref_slice %arg6[%arg0, %mul3A_114, %dma_wait3A_120] : memref<2x10240x32xf32, #tpu.memory_space<hbm>> -> memref<1x640x32xf32, #tpu.memory_space<hbm>>
      %dma_wait3A_122 = tpu.memref_squeeze %dma_wait3A_121 : memref<1x640x32xf32, #tpu.memory_space<hbm>> -> memref<640x32xf32, #tpu.memory_space<hbm>>
      %dma_wait3A_123 = arith.constant 0 : i32
      %dma_wait3A_124 = tpu.memref_slice %arg14[%mul3A_112, %dma_wait3A_123] : memref<10240x32xf32, #tpu.memory_space<vmem_shared>> -> memref<640x32xf32, #tpu.memory_space<vmem_shared>>
      tpu.wait_dma2 semaphore(%run_scoped3A : memref<!tpu.dma_semaphore, #tpu.memory_space<semaphore_mem>>) src(%dma_wait3A_124 : memref<640x32xf32, #tpu.memory_space<vmem_shared>>) dst(%dma_wait3A_122 : memref<640x32xf32, #tpu.memory_space<hbm>>)
      tpu.yield
    }) : () -> ()
    return
  }
}

module attributes {stable_mosaic.version = 14 : i64} {
  func.func @body(%arg0: memref<2x10240x8xf32, #tpu.memory_space<vmem>>, %arg1: memref<10240x128xf32, #tpu.memory_space<vmem>>, %arg2: memref<128x32xf32, #tpu.memory_space<vmem>>, %arg3: memref<10240x1xf32, #tpu.memory_space<vmem>>, %arg4: memref<10240x32xf32, #tpu.memory_space<vmem>>) attributes {dimension_semantics = [], scalar_prefetch = 0 : i64, scratch_operands = 0 : i64, tpu.core_type = #tpu.core_type<tc>} {
    %get3A = arith.constant 0 : index
    %get3A_0 = arith.constant 0 : index
    %get3A_1 = arith.constant 0 : index
    %get3A_2 = vector.load %arg0[%get3A, %get3A_0, %get3A_1] : memref<2x10240x8xf32, #tpu.memory_space<vmem>>, vector<2x10240x8xf32>
    %slice3A = vector.extract_strided_slice %get3A_2 {offsets = [0, 0, 0], sizes = [1, 10240, 8], strides = [1, 1, 1]} : vector<2x10240x8xf32> to vector<1x10240x8xf32>
    %squeeze3A = vector.shape_cast %slice3A : vector<1x10240x8xf32> to vector<10240x8xf32>
    %slice3A_3 = vector.extract_strided_slice %get3A_2 {offsets = [1, 0, 0], sizes = [1, 10240, 8], strides = [1, 1, 1]} : vector<2x10240x8xf32> to vector<1x10240x8xf32>
    %squeeze3A_4 = vector.shape_cast %slice3A_3 : vector<1x10240x8xf32> to vector<10240x8xf32>
    %add3A = arith.addf %squeeze3A, %squeeze3A_4 : vector<10240x8xf32>
    %slice3A_5 = vector.extract_strided_slice %add3A {offsets = [0, 0], sizes = [10240, 1], strides = [1, 1]} : vector<10240x8xf32> to vector<10240x1xf32>
    %add3A_6 = arith.constant 1.000000e+00 : f32
    %add3A_7 = vector.broadcast %add3A_6 : f32 to vector<10240x1xf32>
    %add3A_8 = arith.addf %slice3A_5, %add3A_7 : vector<10240x1xf32>
    %rsqrt3A = math.rsqrt %add3A_8 : vector<10240x1xf32>
    %swap3A = arith.constant 0 : index
    %swap3A_9 = arith.constant 0 : index
    %swap3A_10 = vector.load %arg3[%swap3A, %swap3A_9] : memref<10240x1xf32, #tpu.memory_space<vmem>>, vector<10240x1xf32>
    tpu.vector_store %arg3[%swap3A, %swap3A_9], %rsqrt3A {strides = array<i32>} : memref<10240x1xf32, #tpu.memory_space<vmem>>, vector<10240x1xf32>,
    %get3A_11 = arith.constant 0 : index
    %get3A_12 = arith.constant 0 : index
    %get3A_13 = vector.load %arg1[%get3A_11, %get3A_12] : memref<10240x128xf32, #tpu.memory_space<vmem>>, vector<10240x128xf32>
    %get3A_14 = arith.constant 0 : index
    %get3A_15 = arith.constant 0 : index
    %get3A_16 = vector.load %arg2[%get3A_14, %get3A_15] : memref<128x32xf32, #tpu.memory_space<vmem>>, vector<128x32xf32>
    %dot_general3A = arith.constant dense<0.000000e+00> : vector<10240x32xf32>
    %dot_general3A_17 = tpu.matmul %get3A_13, %get3A_16, %dot_general3A {dimension_numbers = #tpu.dot_dimension_numbers<[1], [0], [0], [1], [0, 0, 1, 1], [], []>, transpose_lhs_hint = false} : vector<10240x128xf32>, vector<128x32xf32>, vector<10240x32xf32> -> vector<10240x32xf32>
    %mul3A = vector.broadcast %rsqrt3A : vector<10240x1xf32> to vector<10240x32xf32>
    %mul3A_18 = arith.mulf %dot_general3A_17, %mul3A : vector<10240x32xf32>
    %swap3A_19 = arith.constant 0 : index
    %swap3A_20 = arith.constant 0 : index
    %swap3A_21 = vector.load %arg4[%swap3A_19, %swap3A_20] : memref<10240x32xf32, #tpu.memory_space<vmem>>, vector<10240x32xf32>
    tpu.vector_store %arg4[%swap3A_19, %swap3A_20], %mul3A_18 {strides = array<i32>} : memref<10240x32xf32, #tpu.memory_space<vmem>>, vector<10240x32xf32>,
    return
  }
}

module attributes {stable_mosaic.version = 14 : i64} {
  func.func @body(%arg0: memref<2x10240x32xf32, #tpu.memory_space<vmem>>, %arg1: memref<10240x32xf32, #tpu.memory_space<vmem>>, %arg2: memref<10240x1xf32, #tpu.memory_space<vmem>>, %arg3: memref<1x32xf32, #tpu.memory_space<vmem>>, %arg4: memref<1x32xf32, #tpu.memory_space<vmem>>, %arg5: memref<1x32xf32, #tpu.memory_space<vmem>>, %arg6: memref<32x64xf32, #tpu.memory_space<vmem>>, %arg7: memref<10240x64xf32, #tpu.memory_space<vmem>>) attributes {dimension_semantics = [], scalar_prefetch = 0 : i64, scratch_operands = 0 : i64, tpu.core_type = #tpu.core_type<tc>} {
    %get3A = arith.constant 0 : index
    %get3A_0 = arith.constant 0 : index
    %get3A_1 = vector.load %arg2[%get3A, %get3A_0] : memref<10240x1xf32, #tpu.memory_space<vmem>>, vector<10240x1xf32>
    %get3A_2 = arith.constant 0 : index
    %get3A_3 = arith.constant 0 : index
    %get3A_4 = arith.constant 0 : index
    %get3A_5 = vector.load %arg0[%get3A_2, %get3A_3, %get3A_4] : memref<2x10240x32xf32, #tpu.memory_space<vmem>>, vector<1x10240x32xf32>
    %get3A_6 = vector.shape_cast %get3A_5 : vector<1x10240x32xf32> to vector<10240x32xf32>
    %get3A_7 = arith.constant 1 : index
    %get3A_8 = arith.constant 0 : index
    %get3A_9 = arith.constant 0 : index
    %get3A_10 = vector.load %arg0[%get3A_7, %get3A_8, %get3A_9] : memref<2x10240x32xf32, #tpu.memory_space<vmem>>, vector<1x10240x32xf32>
    %get3A_11 = vector.shape_cast %get3A_10 : vector<1x10240x32xf32> to vector<10240x32xf32>
    %add3A = arith.addf %get3A_6, %get3A_11 : vector<10240x32xf32>
    %get3A_12 = arith.constant 0 : index
    %get3A_13 = arith.constant 0 : index
    %get3A_14 = vector.load %arg1[%get3A_12, %get3A_13] : memref<10240x32xf32, #tpu.memory_space<vmem>>, vector<10240x32xf32>
    %add3A_15 = arith.addf %add3A, %get3A_14 : vector<10240x32xf32>
    %mul3A = vector.broadcast %get3A_1 : vector<10240x1xf32> to vector<10240x32xf32>
    %mul3A_16 = arith.mulf %add3A_15, %mul3A : vector<10240x32xf32>
    %get3A_17 = arith.constant 0 : index
    %get3A_18 = arith.constant 0 : index
    %get3A_19 = vector.load %arg3[%get3A_17, %get3A_18] : memref<1x32xf32, #tpu.memory_space<vmem>>, vector<1x32xf32>
    %add3A_20 = vector.broadcast %get3A_19 : vector<1x32xf32> to vector<10240x32xf32>
    %add3A_21 = arith.addf %mul3A_16, %add3A_20 : vector<10240x32xf32>
    %iota3A = tpu.iota {dimensions = array<i32: 0>} : vector<10240x1xi32>
    %lt3A = arith.constant 10000 : i32
    %lt3A_22 = vector.broadcast %lt3A : i32 to vector<10240x1xi32>
    %lt3A_23 = arith.cmpi slt, %iota3A, %lt3A_22 : vector<10240x1xi32>
    %jit3A = arith.constant 0.000000e+00 : f32
    %broadcast_in_dim3A = vector.shape_cast %lt3A_23 : vector<10240x1xi1> to vector<10240x1xi1>
    %broadcast_in_dim3A_24 = vector.broadcast %broadcast_in_dim3A : vector<10240x1xi1> to vector<10240x32xi1>
    %broadcast_in_dim3A_25 = vector.broadcast %jit3A : f32 to vector<10240x32xf32>
    %select_n3A = arith.select %broadcast_in_dim3A_24, %add3A_21, %broadcast_in_dim3A_25 : vector<10240x32xi1>, vector<10240x32xf32>
    %reduce_sum3A = arith.constant dense<0.000000e+00> : vector<32xf32>
    %reduce_sum3A_26 = vector.multi_reduction <add>, %select_n3A, %reduce_sum3A [0] : vector<10240x32xf32> to vector<32xf32>
    %broadcast_in_dim3A_27 = vector.shape_cast %reduce_sum3A_26 : vector<32xf32> to vector<1x32xf32>
    %mul3A_28 = arith.constant 9.99999974E-5 : f32
    %mul3A_29 = vector.broadcast %mul3A_28 : f32 to vector<1x32xf32>
    %mul3A_30 = arith.mulf %broadcast_in_dim3A_27, %mul3A_29 : vector<1x32xf32>
    %sub3A = vector.broadcast %mul3A_30 : vector<1x32xf32> to vector<10240x32xf32>
    %sub3A_31 = arith.subf %add3A_21, %sub3A : vector<10240x32xf32>
    %mul3A_32 = arith.mulf %sub3A_31, %sub3A_31 : vector<10240x32xf32>
    %jit3A_33 = arith.constant 0.000000e+00 : f32
    %broadcast_in_dim3A_34 = vector.shape_cast %lt3A_23 : vector<10240x1xi1> to vector<10240x1xi1>
    %broadcast_in_dim3A_35 = vector.broadcast %broadcast_in_dim3A_34 : vector<10240x1xi1> to vector<10240x32xi1>
    %broadcast_in_dim3A_36 = vector.broadcast %jit3A_33 : f32 to vector<10240x32xf32>
    %select_n3A_37 = arith.select %broadcast_in_dim3A_35, %mul3A_32, %broadcast_in_dim3A_36 : vector<10240x32xi1>, vector<10240x32xf32>
    %reduce_sum3A_38 = arith.constant dense<0.000000e+00> : vector<32xf32>
    %reduce_sum3A_39 = vector.multi_reduction <add>, %select_n3A_37, %reduce_sum3A_38 [0] : vector<10240x32xf32> to vector<32xf32>
    %broadcast_in_dim3A_40 = vector.shape_cast %reduce_sum3A_39 : vector<32xf32> to vector<1x32xf32>
    %mul3A_41 = arith.constant 9.99999974E-5 : f32
    %mul3A_42 = vector.broadcast %mul3A_41 : f32 to vector<1x32xf32>
    %mul3A_43 = arith.mulf %broadcast_in_dim3A_40, %mul3A_42 : vector<1x32xf32>
    %get3A_44 = arith.constant 0 : index
    %get3A_45 = arith.constant 0 : index
    %get3A_46 = vector.load %arg4[%get3A_44, %get3A_45] : memref<1x32xf32, #tpu.memory_space<vmem>>, vector<1x32xf32>
    %mul3A_47 = vector.broadcast %get3A_46 : vector<1x32xf32> to vector<10240x32xf32>
    %mul3A_48 = arith.mulf %mul3A_47, %sub3A_31 : vector<10240x32xf32>
    %add3A_49 = arith.constant 9.99999974E-6 : f32
    %add3A_50 = vector.broadcast %add3A_49 : f32 to vector<1x32xf32>
    %add3A_51 = arith.addf %mul3A_43, %add3A_50 : vector<1x32xf32>
    %rsqrt3A = math.rsqrt %add3A_51 : vector<1x32xf32>
    %mul3A_52 = vector.broadcast %rsqrt3A : vector<1x32xf32> to vector<10240x32xf32>
    %mul3A_53 = arith.mulf %mul3A_48, %mul3A_52 : vector<10240x32xf32>
    %get3A_54 = arith.constant 0 : index
    %get3A_55 = arith.constant 0 : index
    %get3A_56 = vector.load %arg5[%get3A_54, %get3A_55] : memref<1x32xf32, #tpu.memory_space<vmem>>, vector<1x32xf32>
    %add3A_57 = vector.broadcast %get3A_56 : vector<1x32xf32> to vector<10240x32xf32>
    %add3A_58 = arith.addf %mul3A_53, %add3A_57 : vector<10240x32xf32>
    %max3A = arith.constant 0.000000e+00 : f32
    %max3A_59 = vector.broadcast %max3A : f32 to vector<10240x32xf32>
    %max3A_60 = arith.maximumf %add3A_58, %max3A_59 : vector<10240x32xf32>
    %get3A_61 = arith.constant 0 : index
    %get3A_62 = arith.constant 0 : index
    %get3A_63 = vector.load %arg6[%get3A_61, %get3A_62] : memref<32x64xf32, #tpu.memory_space<vmem>>, vector<32x64xf32>
    %dot_general3A = arith.constant dense<0.000000e+00> : vector<10240x64xf32>
    %dot_general3A_64 = tpu.matmul %max3A_60, %get3A_63, %dot_general3A {dimension_numbers = #tpu.dot_dimension_numbers<[1], [0], [0], [1], [0, 0, 1, 1], [], []>, transpose_lhs_hint = false} : vector<10240x32xf32>, vector<32x64xf32>, vector<10240x64xf32> -> vector<10240x64xf32>
    %mul3A_65 = vector.broadcast %get3A_1 : vector<10240x1xf32> to vector<10240x64xf32>
    %mul3A_66 = arith.mulf %dot_general3A_64, %mul3A_65 : vector<10240x64xf32>
    %swap3A = arith.constant 0 : index
    %swap3A_67 = arith.constant 0 : index
    %swap3A_68 = vector.load %arg7[%swap3A, %swap3A_67] : memref<10240x64xf32, #tpu.memory_space<vmem>>, vector<10240x64xf32>
    tpu.vector_store %arg7[%swap3A, %swap3A_67], %mul3A_66 {strides = array<i32>} : memref<10240x64xf32, #tpu.memory_space<vmem>>, vector<10240x64xf32>,
    return
  }
}

module attributes {stable_mosaic.version = 14 : i64} {
  func.func @body(%arg0: memref<2x10240x32xf32, #tpu.memory_space<vmem>>, %arg1: memref<2x10240x32xf32, #tpu.memory_space<vmem>>, %arg2: memref<10240x64xf32, #tpu.memory_space<vmem>>, %arg3: memref<10240x1xf32, #tpu.memory_space<vmem>>, %arg4: memref<1x64xf32, #tpu.memory_space<vmem>>, %arg5: memref<1x64xf32, #tpu.memory_space<vmem>>, %arg6: memref<1x64xf32, #tpu.memory_space<vmem>>, %arg7: memref<64x32xf32, #tpu.memory_space<vmem>>, %arg8: memref<10240x32xf32, #tpu.memory_space<vmem>>) attributes {dimension_semantics = [], scalar_prefetch = 0 : i64, scratch_operands = 0 : i64, tpu.core_type = #tpu.core_type<tc>} {
    %get3A = arith.constant 0 : index
    %get3A_0 = arith.constant 0 : index
    %get3A_1 = vector.load %arg3[%get3A, %get3A_0] : memref<10240x1xf32, #tpu.memory_space<vmem>>, vector<10240x1xf32>
    %get3A_2 = arith.constant 0 : index
    %get3A_3 = arith.constant 0 : index
    %get3A_4 = arith.constant 0 : index
    %get3A_5 = vector.load %arg0[%get3A_2, %get3A_3, %get3A_4] : memref<2x10240x32xf32, #tpu.memory_space<vmem>>, vector<1x10240x32xf32>
    %get3A_6 = vector.shape_cast %get3A_5 : vector<1x10240x32xf32> to vector<10240x32xf32>
    %get3A_7 = arith.constant 1 : index
    %get3A_8 = arith.constant 0 : index
    %get3A_9 = arith.constant 0 : index
    %get3A_10 = vector.load %arg0[%get3A_7, %get3A_8, %get3A_9] : memref<2x10240x32xf32, #tpu.memory_space<vmem>>, vector<1x10240x32xf32>
    %get3A_11 = vector.shape_cast %get3A_10 : vector<1x10240x32xf32> to vector<10240x32xf32>
    %add3A = arith.addf %get3A_6, %get3A_11 : vector<10240x32xf32>
    %get3A_12 = arith.constant 0 : index
    %get3A_13 = arith.constant 0 : index
    %get3A_14 = arith.constant 0 : index
    %get3A_15 = vector.load %arg1[%get3A_12, %get3A_13, %get3A_14] : memref<2x10240x32xf32, #tpu.memory_space<vmem>>, vector<1x10240x32xf32>
    %get3A_16 = vector.shape_cast %get3A_15 : vector<1x10240x32xf32> to vector<10240x32xf32>
    %get3A_17 = arith.constant 1 : index
    %get3A_18 = arith.constant 0 : index
    %get3A_19 = arith.constant 0 : index
    %get3A_20 = vector.load %arg1[%get3A_17, %get3A_18, %get3A_19] : memref<2x10240x32xf32, #tpu.memory_space<vmem>>, vector<1x10240x32xf32>
    %get3A_21 = vector.shape_cast %get3A_20 : vector<1x10240x32xf32> to vector<10240x32xf32>
    %add3A_22 = arith.addf %get3A_16, %get3A_21 : vector<10240x32xf32>
    %concatenate3A = tpu.concatenate %add3A, %add3A_22 in 1 : vector<10240x32xf32>, vector<10240x32xf32> -> vector<10240x64xf32>
    %get3A_23 = arith.constant 0 : index
    %get3A_24 = arith.constant 0 : index
    %get3A_25 = vector.load %arg2[%get3A_23, %get3A_24] : memref<10240x64xf32, #tpu.memory_space<vmem>>, vector<10240x64xf32>
    %add3A_26 = arith.addf %concatenate3A, %get3A_25 : vector<10240x64xf32>
    %mul3A = vector.broadcast %get3A_1 : vector<10240x1xf32> to vector<10240x64xf32>
    %mul3A_27 = arith.mulf %add3A_26, %mul3A : vector<10240x64xf32>
    %get3A_28 = arith.constant 0 : index
    %get3A_29 = arith.constant 0 : index
    %get3A_30 = vector.load %arg4[%get3A_28, %get3A_29] : memref<1x64xf32, #tpu.memory_space<vmem>>, vector<1x64xf32>
    %add3A_31 = vector.broadcast %get3A_30 : vector<1x64xf32> to vector<10240x64xf32>
    %add3A_32 = arith.addf %mul3A_27, %add3A_31 : vector<10240x64xf32>
    %iota3A = tpu.iota {dimensions = array<i32: 0>} : vector<10240x1xi32>
    %lt3A = arith.constant 10000 : i32
    %lt3A_33 = vector.broadcast %lt3A : i32 to vector<10240x1xi32>
    %lt3A_34 = arith.cmpi slt, %iota3A, %lt3A_33 : vector<10240x1xi32>
    %jit3A = arith.constant 0.000000e+00 : f32
    %broadcast_in_dim3A = vector.shape_cast %lt3A_34 : vector<10240x1xi1> to vector<10240x1xi1>
    %broadcast_in_dim3A_35 = vector.broadcast %broadcast_in_dim3A : vector<10240x1xi1> to vector<10240x64xi1>
    %broadcast_in_dim3A_36 = vector.broadcast %jit3A : f32 to vector<10240x64xf32>
    %select_n3A = arith.select %broadcast_in_dim3A_35, %add3A_32, %broadcast_in_dim3A_36 : vector<10240x64xi1>, vector<10240x64xf32>
    %reduce_sum3A = arith.constant dense<0.000000e+00> : vector<64xf32>
    %reduce_sum3A_37 = vector.multi_reduction <add>, %select_n3A, %reduce_sum3A [0] : vector<10240x64xf32> to vector<64xf32>
    %broadcast_in_dim3A_38 = vector.shape_cast %reduce_sum3A_37 : vector<64xf32> to vector<1x64xf32>
    %mul3A_39 = arith.constant 9.99999974E-5 : f32
    %mul3A_40 = vector.broadcast %mul3A_39 : f32 to vector<1x64xf32>
    %mul3A_41 = arith.mulf %broadcast_in_dim3A_38, %mul3A_40 : vector<1x64xf32>
    %sub3A = vector.broadcast %mul3A_41 : vector<1x64xf32> to vector<10240x64xf32>
    %sub3A_42 = arith.subf %add3A_32, %sub3A : vector<10240x64xf32>
    %mul3A_43 = arith.mulf %sub3A_42, %sub3A_42 : vector<10240x64xf32>
    %jit3A_44 = arith.constant 0.000000e+00 : f32
    %broadcast_in_dim3A_45 = vector.shape_cast %lt3A_34 : vector<10240x1xi1> to vector<10240x1xi1>
    %broadcast_in_dim3A_46 = vector.broadcast %broadcast_in_dim3A_45 : vector<10240x1xi1> to vector<10240x64xi1>
    %broadcast_in_dim3A_47 = vector.broadcast %jit3A_44 : f32 to vector<10240x64xf32>
    %select_n3A_48 = arith.select %broadcast_in_dim3A_46, %mul3A_43, %broadcast_in_dim3A_47 : vector<10240x64xi1>, vector<10240x64xf32>
    %reduce_sum3A_49 = arith.constant dense<0.000000e+00> : vector<64xf32>
    %reduce_sum3A_50 = vector.multi_reduction <add>, %select_n3A_48, %reduce_sum3A_49 [0] : vector<10240x64xf32> to vector<64xf32>
    %broadcast_in_dim3A_51 = vector.shape_cast %reduce_sum3A_50 : vector<64xf32> to vector<1x64xf32>
    %mul3A_52 = arith.constant 9.99999974E-5 : f32
    %mul3A_53 = vector.broadcast %mul3A_52 : f32 to vector<1x64xf32>
    %mul3A_54 = arith.mulf %broadcast_in_dim3A_51, %mul3A_53 : vector<1x64xf32>
    %get3A_55 = arith.constant 0 : index
    %get3A_56 = arith.constant 0 : index
    %get3A_57 = vector.load %arg5[%get3A_55, %get3A_56] : memref<1x64xf32, #tpu.memory_space<vmem>>, vector<1x64xf32>
    %mul3A_58 = vector.broadcast %get3A_57 : vector<1x64xf32> to vector<10240x64xf32>
    %mul3A_59 = arith.mulf %mul3A_58, %sub3A_42 : vector<10240x64xf32>
    %add3A_60 = arith.constant 9.99999974E-6 : f32
    %add3A_61 = vector.broadcast %add3A_60 : f32 to vector<1x64xf32>
    %add3A_62 = arith.addf %mul3A_54, %add3A_61 : vector<1x64xf32>
    %rsqrt3A = math.rsqrt %add3A_62 : vector<1x64xf32>
    %mul3A_63 = vector.broadcast %rsqrt3A : vector<1x64xf32> to vector<10240x64xf32>
    %mul3A_64 = arith.mulf %mul3A_59, %mul3A_63 : vector<10240x64xf32>
    %get3A_65 = arith.constant 0 : index
    %get3A_66 = arith.constant 0 : index
    %get3A_67 = vector.load %arg6[%get3A_65, %get3A_66] : memref<1x64xf32, #tpu.memory_space<vmem>>, vector<1x64xf32>
    %add3A_68 = vector.broadcast %get3A_67 : vector<1x64xf32> to vector<10240x64xf32>
    %add3A_69 = arith.addf %mul3A_64, %add3A_68 : vector<10240x64xf32>
    %max3A = arith.constant 0.000000e+00 : f32
    %max3A_70 = vector.broadcast %max3A : f32 to vector<10240x64xf32>
    %max3A_71 = arith.maximumf %add3A_69, %max3A_70 : vector<10240x64xf32>
    %get3A_72 = arith.constant 0 : index
    %get3A_73 = arith.constant 0 : index
    %get3A_74 = vector.load %arg7[%get3A_72, %get3A_73] : memref<64x32xf32, #tpu.memory_space<vmem>>, vector<64x32xf32>
    %dot_general3A = arith.constant dense<0.000000e+00> : vector<10240x32xf32>
    %dot_general3A_75 = tpu.matmul %max3A_71, %get3A_74, %dot_general3A {dimension_numbers = #tpu.dot_dimension_numbers<[1], [0], [0], [1], [0, 0, 1, 1], [], []>, transpose_lhs_hint = false} : vector<10240x64xf32>, vector<64x32xf32>, vector<10240x32xf32> -> vector<10240x32xf32>
    %mul3A_76 = vector.broadcast %get3A_1 : vector<10240x1xf32> to vector<10240x32xf32>
    %mul3A_77 = arith.mulf %dot_general3A_75, %mul3A_76 : vector<10240x32xf32>
    %swap3A = arith.constant 0 : index
    %swap3A_78 = arith.constant 0 : index
    %swap3A_79 = vector.load %arg8[%swap3A, %swap3A_78] : memref<10240x32xf32, #tpu.memory_space<vmem>>, vector<10240x32xf32>
    tpu.vector_store %arg8[%swap3A, %swap3A_78], %mul3A_77 {strides = array<i32>} : memref<10240x32xf32, #tpu.memory_space<vmem>>, vector<10240x32xf32>,
    return
  }
}

module attributes {stable_mosaic.version = 14 : i64} {
  func.func @body(%arg0: memref<2x10240x32xf32, #tpu.memory_space<vmem>>, %arg1: memref<10240x32xf32, #tpu.memory_space<vmem>>, %arg2: memref<10240x1xf32, #tpu.memory_space<vmem>>, %arg3: memref<1x32xf32, #tpu.memory_space<vmem>>, %arg4: memref<1x32xf32, #tpu.memory_space<vmem>>, %arg5: memref<1x32xf32, #tpu.memory_space<vmem>>, %arg6: memref<10240x1xi32, #tpu.memory_space<vmem>>, %arg7: memref<32x16xf32, #tpu.memory_space<vmem>>, %arg8: memref<1x16xf32, #tpu.memory_space<vmem>>, %arg9: memref<16x1xf32, #tpu.memory_space<vmem>>, %arg10: memref<1x1xf32, #tpu.memory_space<vmem>>, %arg11: memref<16x1xf32, #tpu.memory_space<vmem>>) attributes {dimension_semantics = [], scalar_prefetch = 0 : i64, scratch_operands = 0 : i64, tpu.core_type = #tpu.core_type<tc>} {
    %get3A = arith.constant 0 : index
    %get3A_0 = arith.constant 0 : index
    %get3A_1 = vector.load %arg2[%get3A, %get3A_0] : memref<10240x1xf32, #tpu.memory_space<vmem>>, vector<10240x1xf32>
    %get3A_2 = arith.constant 0 : index
    %get3A_3 = arith.constant 0 : index
    %get3A_4 = arith.constant 0 : index
    %get3A_5 = vector.load %arg0[%get3A_2, %get3A_3, %get3A_4] : memref<2x10240x32xf32, #tpu.memory_space<vmem>>, vector<1x10240x32xf32>
    %get3A_6 = vector.shape_cast %get3A_5 : vector<1x10240x32xf32> to vector<10240x32xf32>
    %get3A_7 = arith.constant 1 : index
    %get3A_8 = arith.constant 0 : index
    %get3A_9 = arith.constant 0 : index
    %get3A_10 = vector.load %arg0[%get3A_7, %get3A_8, %get3A_9] : memref<2x10240x32xf32, #tpu.memory_space<vmem>>, vector<1x10240x32xf32>
    %get3A_11 = vector.shape_cast %get3A_10 : vector<1x10240x32xf32> to vector<10240x32xf32>
    %add3A = arith.addf %get3A_6, %get3A_11 : vector<10240x32xf32>
    %get3A_12 = arith.constant 0 : index
    %get3A_13 = arith.constant 0 : index
    %get3A_14 = vector.load %arg1[%get3A_12, %get3A_13] : memref<10240x32xf32, #tpu.memory_space<vmem>>, vector<10240x32xf32>
    %add3A_15 = arith.addf %add3A, %get3A_14 : vector<10240x32xf32>
    %mul3A = vector.broadcast %get3A_1 : vector<10240x1xf32> to vector<10240x32xf32>
    %mul3A_16 = arith.mulf %add3A_15, %mul3A : vector<10240x32xf32>
    %get3A_17 = arith.constant 0 : index
    %get3A_18 = arith.constant 0 : index
    %get3A_19 = vector.load %arg3[%get3A_17, %get3A_18] : memref<1x32xf32, #tpu.memory_space<vmem>>, vector<1x32xf32>
    %add3A_20 = vector.broadcast %get3A_19 : vector<1x32xf32> to vector<10240x32xf32>
    %add3A_21 = arith.addf %mul3A_16, %add3A_20 : vector<10240x32xf32>
    %iota3A = tpu.iota {dimensions = array<i32: 0>} : vector<10240x1xi32>
    %lt3A = arith.constant 10000 : i32
    %lt3A_22 = vector.broadcast %lt3A : i32 to vector<10240x1xi32>
    %lt3A_23 = arith.cmpi slt, %iota3A, %lt3A_22 : vector<10240x1xi32>
    %jit3A = arith.constant 0.000000e+00 : f32
    %broadcast_in_dim3A = vector.shape_cast %lt3A_23 : vector<10240x1xi1> to vector<10240x1xi1>
    %broadcast_in_dim3A_24 = vector.broadcast %broadcast_in_dim3A : vector<10240x1xi1> to vector<10240x32xi1>
    %broadcast_in_dim3A_25 = vector.broadcast %jit3A : f32 to vector<10240x32xf32>
    %select_n3A = arith.select %broadcast_in_dim3A_24, %add3A_21, %broadcast_in_dim3A_25 : vector<10240x32xi1>, vector<10240x32xf32>
    %reduce_sum3A = arith.constant dense<0.000000e+00> : vector<32xf32>
    %reduce_sum3A_26 = vector.multi_reduction <add>, %select_n3A, %reduce_sum3A [0] : vector<10240x32xf32> to vector<32xf32>
    %broadcast_in_dim3A_27 = vector.shape_cast %reduce_sum3A_26 : vector<32xf32> to vector<1x32xf32>
    %mul3A_28 = arith.constant 9.99999974E-5 : f32
    %mul3A_29 = vector.broadcast %mul3A_28 : f32 to vector<1x32xf32>
    %mul3A_30 = arith.mulf %broadcast_in_dim3A_27, %mul3A_29 : vector<1x32xf32>
    %sub3A = vector.broadcast %mul3A_30 : vector<1x32xf32> to vector<10240x32xf32>
    %sub3A_31 = arith.subf %add3A_21, %sub3A : vector<10240x32xf32>
    %mul3A_32 = arith.mulf %sub3A_31, %sub3A_31 : vector<10240x32xf32>
    %jit3A_33 = arith.constant 0.000000e+00 : f32
    %broadcast_in_dim3A_34 = vector.shape_cast %lt3A_23 : vector<10240x1xi1> to vector<10240x1xi1>
    %broadcast_in_dim3A_35 = vector.broadcast %broadcast_in_dim3A_34 : vector<10240x1xi1> to vector<10240x32xi1>
    %broadcast_in_dim3A_36 = vector.broadcast %jit3A_33 : f32 to vector<10240x32xf32>
    %select_n3A_37 = arith.select %broadcast_in_dim3A_35, %mul3A_32, %broadcast_in_dim3A_36 : vector<10240x32xi1>, vector<10240x32xf32>
    %reduce_sum3A_38 = arith.constant dense<0.000000e+00> : vector<32xf32>
    %reduce_sum3A_39 = vector.multi_reduction <add>, %select_n3A_37, %reduce_sum3A_38 [0] : vector<10240x32xf32> to vector<32xf32>
    %broadcast_in_dim3A_40 = vector.shape_cast %reduce_sum3A_39 : vector<32xf32> to vector<1x32xf32>
    %mul3A_41 = arith.constant 9.99999974E-5 : f32
    %mul3A_42 = vector.broadcast %mul3A_41 : f32 to vector<1x32xf32>
    %mul3A_43 = arith.mulf %broadcast_in_dim3A_40, %mul3A_42 : vector<1x32xf32>
    %get3A_44 = arith.constant 0 : index
    %get3A_45 = arith.constant 0 : index
    %get3A_46 = vector.load %arg4[%get3A_44, %get3A_45] : memref<1x32xf32, #tpu.memory_space<vmem>>, vector<1x32xf32>
    %mul3A_47 = vector.broadcast %get3A_46 : vector<1x32xf32> to vector<10240x32xf32>
    %mul3A_48 = arith.mulf %mul3A_47, %sub3A_31 : vector<10240x32xf32>
    %add3A_49 = arith.constant 9.99999974E-6 : f32
    %add3A_50 = vector.broadcast %add3A_49 : f32 to vector<1x32xf32>
    %add3A_51 = arith.addf %mul3A_43, %add3A_50 : vector<1x32xf32>
    %rsqrt3A = math.rsqrt %add3A_51 : vector<1x32xf32>
    %mul3A_52 = vector.broadcast %rsqrt3A : vector<1x32xf32> to vector<10240x32xf32>
    %mul3A_53 = arith.mulf %mul3A_48, %mul3A_52 : vector<10240x32xf32>
    %get3A_54 = arith.constant 0 : index
    %get3A_55 = arith.constant 0 : index
    %get3A_56 = vector.load %arg5[%get3A_54, %get3A_55] : memref<1x32xf32, #tpu.memory_space<vmem>>, vector<1x32xf32>
    %add3A_57 = vector.broadcast %get3A_56 : vector<1x32xf32> to vector<10240x32xf32>
    %add3A_58 = arith.addf %mul3A_53, %add3A_57 : vector<10240x32xf32>
    %max3A = arith.constant 0.000000e+00 : f32
    %max3A_59 = vector.broadcast %max3A : f32 to vector<10240x32xf32>
    %max3A_60 = arith.maximumf %add3A_58, %max3A_59 : vector<10240x32xf32>
    %get3A_61 = arith.constant 0 : index
    %get3A_62 = arith.constant 0 : index
    %get3A_63 = vector.load %arg6[%get3A_61, %get3A_62] : memref<10240x1xi32, #tpu.memory_space<vmem>>, vector<10240x1xi32>
    %eq3A = arith.constant 0 : i32
    %eq3A_64 = vector.broadcast %eq3A : i32 to vector<10240x1xi32>
    %eq3A_65 = arith.cmpi eq, %get3A_63, %eq3A_64 : vector<10240x1xi32>
    %jit3A_66 = arith.constant 0.000000e+00 : f32
    %broadcast_in_dim3A_67 = vector.shape_cast %eq3A_65 : vector<10240x1xi1> to vector<10240x1xi1>
    %broadcast_in_dim3A_68 = vector.broadcast %broadcast_in_dim3A_67 : vector<10240x1xi1> to vector<10240x32xi1>
    %broadcast_in_dim3A_69 = vector.broadcast %jit3A_66 : f32 to vector<10240x32xf32>
    %select_n3A_70 = arith.select %broadcast_in_dim3A_68, %max3A_60, %broadcast_in_dim3A_69 : vector<10240x32xi1>, vector<10240x32xf32>
    %reduce_sum3A_71 = arith.constant dense<0.000000e+00> : vector<32xf32>
    %reduce_sum3A_72 = vector.multi_reduction <add>, %select_n3A_70, %reduce_sum3A_71 [0] : vector<10240x32xf32> to vector<32xf32>
    %broadcast_in_dim3A_73 = vector.shape_cast %reduce_sum3A_72 : vector<32xf32> to vector<1x32xf32>
    %jit3A_74 = arith.constant 1.000000e+00 : f32
    %jit3A_75 = arith.constant 0.000000e+00 : f32
    %broadcast_in_dim3A_76 = vector.broadcast %jit3A_74 : f32 to vector<10240x1xf32>
    %broadcast_in_dim3A_77 = vector.broadcast %jit3A_75 : f32 to vector<10240x1xf32>
    %select_n3A_78 = arith.select %eq3A_65, %broadcast_in_dim3A_76, %broadcast_in_dim3A_77 : vector<10240x1xi1>, vector<10240x1xf32>
    %reduce_sum3A_79 = arith.constant dense<0.000000e+00> : vector<1xf32>
    %reduce_sum3A_80 = vector.multi_reduction <add>, %select_n3A_78, %reduce_sum3A_79 [0] : vector<10240x1xf32> to vector<1xf32>
    %broadcast_in_dim3A_81 = vector.shape_cast %reduce_sum3A_80 : vector<1xf32> to vector<1x1xf32>
    %eq3A_82 = arith.constant 1 : i32
    %eq3A_83 = vector.broadcast %eq3A_82 : i32 to vector<10240x1xi32>
    %eq3A_84 = arith.cmpi eq, %get3A_63, %eq3A_83 : vector<10240x1xi32>
    %jit3A_85 = arith.constant 0.000000e+00 : f32
    %broadcast_in_dim3A_86 = vector.shape_cast %eq3A_84 : vector<10240x1xi1> to vector<10240x1xi1>
    %broadcast_in_dim3A_87 = vector.broadcast %broadcast_in_dim3A_86 : vector<10240x1xi1> to vector<10240x32xi1>
    %broadcast_in_dim3A_88 = vector.broadcast %jit3A_85 : f32 to vector<10240x32xf32>
    %select_n3A_89 = arith.select %broadcast_in_dim3A_87, %max3A_60, %broadcast_in_dim3A_88 : vector<10240x32xi1>, vector<10240x32xf32>
    %reduce_sum3A_90 = arith.constant dense<0.000000e+00> : vector<32xf32>
    %reduce_sum3A_91 = vector.multi_reduction <add>, %select_n3A_89, %reduce_sum3A_90 [0] : vector<10240x32xf32> to vector<32xf32>
    %broadcast_in_dim3A_92 = vector.shape_cast %reduce_sum3A_91 : vector<32xf32> to vector<1x32xf32>
    %jit3A_93 = arith.constant 1.000000e+00 : f32
    %jit3A_94 = arith.constant 0.000000e+00 : f32
    %broadcast_in_dim3A_95 = vector.broadcast %jit3A_93 : f32 to vector<10240x1xf32>
    %broadcast_in_dim3A_96 = vector.broadcast %jit3A_94 : f32 to vector<10240x1xf32>
    %select_n3A_97 = arith.select %eq3A_84, %broadcast_in_dim3A_95, %broadcast_in_dim3A_96 : vector<10240x1xi1>, vector<10240x1xf32>
    %reduce_sum3A_98 = arith.constant dense<0.000000e+00> : vector<1xf32>
    %reduce_sum3A_99 = vector.multi_reduction <add>, %select_n3A_97, %reduce_sum3A_98 [0] : vector<10240x1xf32> to vector<1xf32>
    %broadcast_in_dim3A_100 = vector.shape_cast %reduce_sum3A_99 : vector<1xf32> to vector<1x1xf32>
    %eq3A_101 = arith.constant 2 : i32
    %eq3A_102 = vector.broadcast %eq3A_101 : i32 to vector<10240x1xi32>
    %eq3A_103 = arith.cmpi eq, %get3A_63, %eq3A_102 : vector<10240x1xi32>
    %jit3A_104 = arith.constant 0.000000e+00 : f32
    %broadcast_in_dim3A_105 = vector.shape_cast %eq3A_103 : vector<10240x1xi1> to vector<10240x1xi1>
    %broadcast_in_dim3A_106 = vector.broadcast %broadcast_in_dim3A_105 : vector<10240x1xi1> to vector<10240x32xi1>
    %broadcast_in_dim3A_107 = vector.broadcast %jit3A_104 : f32 to vector<10240x32xf32>
    %select_n3A_108 = arith.select %broadcast_in_dim3A_106, %max3A_60, %broadcast_in_dim3A_107 : vector<10240x32xi1>, vector<10240x32xf32>
    %reduce_sum3A_109 = arith.constant dense<0.000000e+00> : vector<32xf32>
    %reduce_sum3A_110 = vector.multi_reduction <add>, %select_n3A_108, %reduce_sum3A_109 [0] : vector<10240x32xf32> to vector<32xf32>
    %broadcast_in_dim3A_111 = vector.shape_cast %reduce_sum3A_110 : vector<32xf32> to vector<1x32xf32>
    %jit3A_112 = arith.constant 1.000000e+00 : f32
    %jit3A_113 = arith.constant 0.000000e+00 : f32
    %broadcast_in_dim3A_114 = vector.broadcast %jit3A_112 : f32 to vector<10240x1xf32>
    %broadcast_in_dim3A_115 = vector.broadcast %jit3A_113 : f32 to vector<10240x1xf32>
    %select_n3A_116 = arith.select %eq3A_103, %broadcast_in_dim3A_114, %broadcast_in_dim3A_115 : vector<10240x1xi1>, vector<10240x1xf32>
    %reduce_sum3A_117 = arith.constant dense<0.000000e+00> : vector<1xf32>
    %reduce_sum3A_118 = vector.multi_reduction <add>, %select_n3A_116, %reduce_sum3A_117 [0] : vector<10240x1xf32> to vector<1xf32>
    %broadcast_in_dim3A_119 = vector.shape_cast %reduce_sum3A_118 : vector<1xf32> to vector<1x1xf32>
    %eq3A_120 = arith.constant 3 : i32
    %eq3A_121 = vector.broadcast %eq3A_120 : i32 to vector<10240x1xi32>
    %eq3A_122 = arith.cmpi eq, %get3A_63, %eq3A_121 : vector<10240x1xi32>
    %jit3A_123 = arith.constant 0.000000e+00 : f32
    %broadcast_in_dim3A_124 = vector.shape_cast %eq3A_122 : vector<10240x1xi1> to vector<10240x1xi1>
    %broadcast_in_dim3A_125 = vector.broadcast %broadcast_in_dim3A_124 : vector<10240x1xi1> to vector<10240x32xi1>
    %broadcast_in_dim3A_126 = vector.broadcast %jit3A_123 : f32 to vector<10240x32xf32>
    %select_n3A_127 = arith.select %broadcast_in_dim3A_125, %max3A_60, %broadcast_in_dim3A_126 : vector<10240x32xi1>, vector<10240x32xf32>
    %reduce_sum3A_128 = arith.constant dense<0.000000e+00> : vector<32xf32>
    %reduce_sum3A_129 = vector.multi_reduction <add>, %select_n3A_127, %reduce_sum3A_128 [0] : vector<10240x32xf32> to vector<32xf32>
    %broadcast_in_dim3A_130 = vector.shape_cast %reduce_sum3A_129 : vector<32xf32> to vector<1x32xf32>
    %jit3A_131 = arith.constant 1.000000e+00 : f32
    %jit3A_132 = arith.constant 0.000000e+00 : f32
    %broadcast_in_dim3A_133 = vector.broadcast %jit3A_131 : f32 to vector<10240x1xf32>
    %broadcast_in_dim3A_134 = vector.broadcast %jit3A_132 : f32 to vector<10240x1xf32>
    %select_n3A_135 = arith.select %eq3A_122, %broadcast_in_dim3A_133, %broadcast_in_dim3A_134 : vector<10240x1xi1>, vector<10240x1xf32>
    %reduce_sum3A_136 = arith.constant dense<0.000000e+00> : vector<1xf32>
    %reduce_sum3A_137 = vector.multi_reduction <add>, %select_n3A_135, %reduce_sum3A_136 [0] : vector<10240x1xf32> to vector<1xf32>
    %broadcast_in_dim3A_138 = vector.shape_cast %reduce_sum3A_137 : vector<1xf32> to vector<1x1xf32>
    %eq3A_139 = arith.constant 4 : i32
    %eq3A_140 = vector.broadcast %eq3A_139 : i32 to vector<10240x1xi32>
    %eq3A_141 = arith.cmpi eq, %get3A_63, %eq3A_140 : vector<10240x1xi32>
    %jit3A_142 = arith.constant 0.000000e+00 : f32
    %broadcast_in_dim3A_143 = vector.shape_cast %eq3A_141 : vector<10240x1xi1> to vector<10240x1xi1>
    %broadcast_in_dim3A_144 = vector.broadcast %broadcast_in_dim3A_143 : vector<10240x1xi1> to vector<10240x32xi1>
    %broadcast_in_dim3A_145 = vector.broadcast %jit3A_142 : f32 to vector<10240x32xf32>
    %select_n3A_146 = arith.select %broadcast_in_dim3A_144, %max3A_60, %broadcast_in_dim3A_145 : vector<10240x32xi1>, vector<10240x32xf32>
    %reduce_sum3A_147 = arith.constant dense<0.000000e+00> : vector<32xf32>
    %reduce_sum3A_148 = vector.multi_reduction <add>, %select_n3A_146, %reduce_sum3A_147 [0] : vector<10240x32xf32> to vector<32xf32>
    %broadcast_in_dim3A_149 = vector.shape_cast %reduce_sum3A_148 : vector<32xf32> to vector<1x32xf32>
    %jit3A_150 = arith.constant 1.000000e+00 : f32
    %jit3A_151 = arith.constant 0.000000e+00 : f32
    %broadcast_in_dim3A_152 = vector.broadcast %jit3A_150 : f32 to vector<10240x1xf32>
    %broadcast_in_dim3A_153 = vector.broadcast %jit3A_151 : f32 to vector<10240x1xf32>
    %select_n3A_154 = arith.select %eq3A_141, %broadcast_in_dim3A_152, %broadcast_in_dim3A_153 : vector<10240x1xi1>, vector<10240x1xf32>
    %reduce_sum3A_155 = arith.constant dense<0.000000e+00> : vector<1xf32>
    %reduce_sum3A_156 = vector.multi_reduction <add>, %select_n3A_154, %reduce_sum3A_155 [0] : vector<10240x1xf32> to vector<1xf32>
    %broadcast_in_dim3A_157 = vector.shape_cast %reduce_sum3A_156 : vector<1xf32> to vector<1x1xf32>
    %eq3A_158 = arith.constant 5 : i32
    %eq3A_159 = vector.broadcast %eq3A_158 : i32 to vector<10240x1xi32>
    %eq3A_160 = arith.cmpi eq, %get3A_63, %eq3A_159 : vector<10240x1xi32>
    %jit3A_161 = arith.constant 0.000000e+00 : f32
    %broadcast_in_dim3A_162 = vector.shape_cast %eq3A_160 : vector<10240x1xi1> to vector<10240x1xi1>
    %broadcast_in_dim3A_163 = vector.broadcast %broadcast_in_dim3A_162 : vector<10240x1xi1> to vector<10240x32xi1>
    %broadcast_in_dim3A_164 = vector.broadcast %jit3A_161 : f32 to vector<10240x32xf32>
    %select_n3A_165 = arith.select %broadcast_in_dim3A_163, %max3A_60, %broadcast_in_dim3A_164 : vector<10240x32xi1>, vector<10240x32xf32>
    %reduce_sum3A_166 = arith.constant dense<0.000000e+00> : vector<32xf32>
    %reduce_sum3A_167 = vector.multi_reduction <add>, %select_n3A_165, %reduce_sum3A_166 [0] : vector<10240x32xf32> to vector<32xf32>
    %broadcast_in_dim3A_168 = vector.shape_cast %reduce_sum3A_167 : vector<32xf32> to vector<1x32xf32>
    %jit3A_169 = arith.constant 1.000000e+00 : f32
    %jit3A_170 = arith.constant 0.000000e+00 : f32
    %broadcast_in_dim3A_171 = vector.broadcast %jit3A_169 : f32 to vector<10240x1xf32>
    %broadcast_in_dim3A_172 = vector.broadcast %jit3A_170 : f32 to vector<10240x1xf32>
    %select_n3A_173 = arith.select %eq3A_160, %broadcast_in_dim3A_171, %broadcast_in_dim3A_172 : vector<10240x1xi1>, vector<10240x1xf32>
    %reduce_sum3A_174 = arith.constant dense<0.000000e+00> : vector<1xf32>
    %reduce_sum3A_175 = vector.multi_reduction <add>, %select_n3A_173, %reduce_sum3A_174 [0] : vector<10240x1xf32> to vector<1xf32>
    %broadcast_in_dim3A_176 = vector.shape_cast %reduce_sum3A_175 : vector<1xf32> to vector<1x1xf32>
    %eq3A_177 = arith.constant 6 : i32
    %eq3A_178 = vector.broadcast %eq3A_177 : i32 to vector<10240x1xi32>
    %eq3A_179 = arith.cmpi eq, %get3A_63, %eq3A_178 : vector<10240x1xi32>
    %jit3A_180 = arith.constant 0.000000e+00 : f32
    %broadcast_in_dim3A_181 = vector.shape_cast %eq3A_179 : vector<10240x1xi1> to vector<10240x1xi1>
    %broadcast_in_dim3A_182 = vector.broadcast %broadcast_in_dim3A_181 : vector<10240x1xi1> to vector<10240x32xi1>
    %broadcast_in_dim3A_183 = vector.broadcast %jit3A_180 : f32 to vector<10240x32xf32>
    %select_n3A_184 = arith.select %broadcast_in_dim3A_182, %max3A_60, %broadcast_in_dim3A_183 : vector<10240x32xi1>, vector<10240x32xf32>
    %reduce_sum3A_185 = arith.constant dense<0.000000e+00> : vector<32xf32>
    %reduce_sum3A_186 = vector.multi_reduction <add>, %select_n3A_184, %reduce_sum3A_185 [0] : vector<10240x32xf32> to vector<32xf32>
    %broadcast_in_dim3A_187 = vector.shape_cast %reduce_sum3A_186 : vector<32xf32> to vector<1x32xf32>
    %jit3A_188 = arith.constant 1.000000e+00 : f32
    %jit3A_189 = arith.constant 0.000000e+00 : f32
    %broadcast_in_dim3A_190 = vector.broadcast %jit3A_188 : f32 to vector<10240x1xf32>
    %broadcast_in_dim3A_191 = vector.broadcast %jit3A_189 : f32 to vector<10240x1xf32>
    %select_n3A_192 = arith.select %eq3A_179, %broadcast_in_dim3A_190, %broadcast_in_dim3A_191 : vector<10240x1xi1>, vector<10240x1xf32>
    %reduce_sum3A_193 = arith.constant dense<0.000000e+00> : vector<1xf32>
    %reduce_sum3A_194 = vector.multi_reduction <add>, %select_n3A_192, %reduce_sum3A_193 [0] : vector<10240x1xf32> to vector<1xf32>
    %broadcast_in_dim3A_195 = vector.shape_cast %reduce_sum3A_194 : vector<1xf32> to vector<1x1xf32>
    %eq3A_196 = arith.constant 7 : i32
    %eq3A_197 = vector.broadcast %eq3A_196 : i32 to vector<10240x1xi32>
    %eq3A_198 = arith.cmpi eq, %get3A_63, %eq3A_197 : vector<10240x1xi32>
    %jit3A_199 = arith.constant 0.000000e+00 : f32
    %broadcast_in_dim3A_200 = vector.shape_cast %eq3A_198 : vector<10240x1xi1> to vector<10240x1xi1>
    %broadcast_in_dim3A_201 = vector.broadcast %broadcast_in_dim3A_200 : vector<10240x1xi1> to vector<10240x32xi1>
    %broadcast_in_dim3A_202 = vector.broadcast %jit3A_199 : f32 to vector<10240x32xf32>
    %select_n3A_203 = arith.select %broadcast_in_dim3A_201, %max3A_60, %broadcast_in_dim3A_202 : vector<10240x32xi1>, vector<10240x32xf32>
    %reduce_sum3A_204 = arith.constant dense<0.000000e+00> : vector<32xf32>
    %reduce_sum3A_205 = vector.multi_reduction <add>, %select_n3A_203, %reduce_sum3A_204 [0] : vector<10240x32xf32> to vector<32xf32>
    %broadcast_in_dim3A_206 = vector.shape_cast %reduce_sum3A_205 : vector<32xf32> to vector<1x32xf32>
    %jit3A_207 = arith.constant 1.000000e+00 : f32
    %jit3A_208 = arith.constant 0.000000e+00 : f32
    %broadcast_in_dim3A_209 = vector.broadcast %jit3A_207 : f32 to vector<10240x1xf32>
    %broadcast_in_dim3A_210 = vector.broadcast %jit3A_208 : f32 to vector<10240x1xf32>
    %select_n3A_211 = arith.select %eq3A_198, %broadcast_in_dim3A_209, %broadcast_in_dim3A_210 : vector<10240x1xi1>, vector<10240x1xf32>
    %reduce_sum3A_212 = arith.constant dense<0.000000e+00> : vector<1xf32>
    %reduce_sum3A_213 = vector.multi_reduction <add>, %select_n3A_211, %reduce_sum3A_212 [0] : vector<10240x1xf32> to vector<1xf32>
    %broadcast_in_dim3A_214 = vector.shape_cast %reduce_sum3A_213 : vector<1xf32> to vector<1x1xf32>
    %eq3A_215 = arith.constant 8 : i32
    %eq3A_216 = vector.broadcast %eq3A_215 : i32 to vector<10240x1xi32>
    %eq3A_217 = arith.cmpi eq, %get3A_63, %eq3A_216 : vector<10240x1xi32>
    %jit3A_218 = arith.constant 0.000000e+00 : f32
    %broadcast_in_dim3A_219 = vector.shape_cast %eq3A_217 : vector<10240x1xi1> to vector<10240x1xi1>
    %broadcast_in_dim3A_220 = vector.broadcast %broadcast_in_dim3A_219 : vector<10240x1xi1> to vector<10240x32xi1>
    %broadcast_in_dim3A_221 = vector.broadcast %jit3A_218 : f32 to vector<10240x32xf32>
    %select_n3A_222 = arith.select %broadcast_in_dim3A_220, %max3A_60, %broadcast_in_dim3A_221 : vector<10240x32xi1>, vector<10240x32xf32>
    %reduce_sum3A_223 = arith.constant dense<0.000000e+00> : vector<32xf32>
    %reduce_sum3A_224 = vector.multi_reduction <add>, %select_n3A_222, %reduce_sum3A_223 [0] : vector<10240x32xf32> to vector<32xf32>
    %broadcast_in_dim3A_225 = vector.shape_cast %reduce_sum3A_224 : vector<32xf32> to vector<1x32xf32>
    %jit3A_226 = arith.constant 1.000000e+00 : f32
    %jit3A_227 = arith.constant 0.000000e+00 : f32
    %broadcast_in_dim3A_228 = vector.broadcast %jit3A_226 : f32 to vector<10240x1xf32>
    %broadcast_in_dim3A_229 = vector.broadcast %jit3A_227 : f32 to vector<10240x1xf32>
    %select_n3A_230 = arith.select %eq3A_217, %broadcast_in_dim3A_228, %broadcast_in_dim3A_229 : vector<10240x1xi1>, vector<10240x1xf32>
    %reduce_sum3A_231 = arith.constant dense<0.000000e+00> : vector<1xf32>
    %reduce_sum3A_232 = vector.multi_reduction <add>, %select_n3A_230, %reduce_sum3A_231 [0] : vector<10240x1xf32> to vector<1xf32>
    %broadcast_in_dim3A_233 = vector.shape_cast %reduce_sum3A_232 : vector<1xf32> to vector<1x1xf32>
    %eq3A_234 = arith.constant 9 : i32
    %eq3A_235 = vector.broadcast %eq3A_234 : i32 to vector<10240x1xi32>
    %eq3A_236 = arith.cmpi eq, %get3A_63, %eq3A_235 : vector<10240x1xi32>
    %jit3A_237 = arith.constant 0.000000e+00 : f32
    %broadcast_in_dim3A_238 = vector.shape_cast %eq3A_236 : vector<10240x1xi1> to vector<10240x1xi1>
    %broadcast_in_dim3A_239 = vector.broadcast %broadcast_in_dim3A_238 : vector<10240x1xi1> to vector<10240x32xi1>
    %broadcast_in_dim3A_240 = vector.broadcast %jit3A_237 : f32 to vector<10240x32xf32>
    %select_n3A_241 = arith.select %broadcast_in_dim3A_239, %max3A_60, %broadcast_in_dim3A_240 : vector<10240x32xi1>, vector<10240x32xf32>
    %reduce_sum3A_242 = arith.constant dense<0.000000e+00> : vector<32xf32>
    %reduce_sum3A_243 = vector.multi_reduction <add>, %select_n3A_241, %reduce_sum3A_242 [0] : vector<10240x32xf32> to vector<32xf32>
    %broadcast_in_dim3A_244 = vector.shape_cast %reduce_sum3A_243 : vector<32xf32> to vector<1x32xf32>
    %jit3A_245 = arith.constant 1.000000e+00 : f32
    %jit3A_246 = arith.constant 0.000000e+00 : f32
    %broadcast_in_dim3A_247 = vector.broadcast %jit3A_245 : f32 to vector<10240x1xf32>
    %broadcast_in_dim3A_248 = vector.broadcast %jit3A_246 : f32 to vector<10240x1xf32>
    %select_n3A_249 = arith.select %eq3A_236, %broadcast_in_dim3A_247, %broadcast_in_dim3A_248 : vector<10240x1xi1>, vector<10240x1xf32>
    %reduce_sum3A_250 = arith.constant dense<0.000000e+00> : vector<1xf32>
    %reduce_sum3A_251 = vector.multi_reduction <add>, %select_n3A_249, %reduce_sum3A_250 [0] : vector<10240x1xf32> to vector<1xf32>
    %broadcast_in_dim3A_252 = vector.shape_cast %reduce_sum3A_251 : vector<1xf32> to vector<1x1xf32>
    %eq3A_253 = arith.constant 10 : i32
    %eq3A_254 = vector.broadcast %eq3A_253 : i32 to vector<10240x1xi32>
    %eq3A_255 = arith.cmpi eq, %get3A_63, %eq3A_254 : vector<10240x1xi32>
    %jit3A_256 = arith.constant 0.000000e+00 : f32
    %broadcast_in_dim3A_257 = vector.shape_cast %eq3A_255 : vector<10240x1xi1> to vector<10240x1xi1>
    %broadcast_in_dim3A_258 = vector.broadcast %broadcast_in_dim3A_257 : vector<10240x1xi1> to vector<10240x32xi1>
    %broadcast_in_dim3A_259 = vector.broadcast %jit3A_256 : f32 to vector<10240x32xf32>
    %select_n3A_260 = arith.select %broadcast_in_dim3A_258, %max3A_60, %broadcast_in_dim3A_259 : vector<10240x32xi1>, vector<10240x32xf32>
    %reduce_sum3A_261 = arith.constant dense<0.000000e+00> : vector<32xf32>
    %reduce_sum3A_262 = vector.multi_reduction <add>, %select_n3A_260, %reduce_sum3A_261 [0] : vector<10240x32xf32> to vector<32xf32>
    %broadcast_in_dim3A_263 = vector.shape_cast %reduce_sum3A_262 : vector<32xf32> to vector<1x32xf32>
    %jit3A_264 = arith.constant 1.000000e+00 : f32
    %jit3A_265 = arith.constant 0.000000e+00 : f32
    %broadcast_in_dim3A_266 = vector.broadcast %jit3A_264 : f32 to vector<10240x1xf32>
    %broadcast_in_dim3A_267 = vector.broadcast %jit3A_265 : f32 to vector<10240x1xf32>
    %select_n3A_268 = arith.select %eq3A_255, %broadcast_in_dim3A_266, %broadcast_in_dim3A_267 : vector<10240x1xi1>, vector<10240x1xf32>
    %reduce_sum3A_269 = arith.constant dense<0.000000e+00> : vector<1xf32>
    %reduce_sum3A_270 = vector.multi_reduction <add>, %select_n3A_268, %reduce_sum3A_269 [0] : vector<10240x1xf32> to vector<1xf32>
    %broadcast_in_dim3A_271 = vector.shape_cast %reduce_sum3A_270 : vector<1xf32> to vector<1x1xf32>
    %eq3A_272 = arith.constant 11 : i32
    %eq3A_273 = vector.broadcast %eq3A_272 : i32 to vector<10240x1xi32>
    %eq3A_274 = arith.cmpi eq, %get3A_63, %eq3A_273 : vector<10240x1xi32>
    %jit3A_275 = arith.constant 0.000000e+00 : f32
    %broadcast_in_dim3A_276 = vector.shape_cast %eq3A_274 : vector<10240x1xi1> to vector<10240x1xi1>
    %broadcast_in_dim3A_277 = vector.broadcast %broadcast_in_dim3A_276 : vector<10240x1xi1> to vector<10240x32xi1>
    %broadcast_in_dim3A_278 = vector.broadcast %jit3A_275 : f32 to vector<10240x32xf32>
    %select_n3A_279 = arith.select %broadcast_in_dim3A_277, %max3A_60, %broadcast_in_dim3A_278 : vector<10240x32xi1>, vector<10240x32xf32>
    %reduce_sum3A_280 = arith.constant dense<0.000000e+00> : vector<32xf32>
    %reduce_sum3A_281 = vector.multi_reduction <add>, %select_n3A_279, %reduce_sum3A_280 [0] : vector<10240x32xf32> to vector<32xf32>
    %broadcast_in_dim3A_282 = vector.shape_cast %reduce_sum3A_281 : vector<32xf32> to vector<1x32xf32>
    %jit3A_283 = arith.constant 1.000000e+00 : f32
    %jit3A_284 = arith.constant 0.000000e+00 : f32
    %broadcast_in_dim3A_285 = vector.broadcast %jit3A_283 : f32 to vector<10240x1xf32>
    %broadcast_in_dim3A_286 = vector.broadcast %jit3A_284 : f32 to vector<10240x1xf32>
    %select_n3A_287 = arith.select %eq3A_274, %broadcast_in_dim3A_285, %broadcast_in_dim3A_286 : vector<10240x1xi1>, vector<10240x1xf32>
    %reduce_sum3A_288 = arith.constant dense<0.000000e+00> : vector<1xf32>
    %reduce_sum3A_289 = vector.multi_reduction <add>, %select_n3A_287, %reduce_sum3A_288 [0] : vector<10240x1xf32> to vector<1xf32>
    %broadcast_in_dim3A_290 = vector.shape_cast %reduce_sum3A_289 : vector<1xf32> to vector<1x1xf32>
    %eq3A_291 = arith.constant 12 : i32
    %eq3A_292 = vector.broadcast %eq3A_291 : i32 to vector<10240x1xi32>
    %eq3A_293 = arith.cmpi eq, %get3A_63, %eq3A_292 : vector<10240x1xi32>
    %jit3A_294 = arith.constant 0.000000e+00 : f32
    %broadcast_in_dim3A_295 = vector.shape_cast %eq3A_293 : vector<10240x1xi1> to vector<10240x1xi1>
    %broadcast_in_dim3A_296 = vector.broadcast %broadcast_in_dim3A_295 : vector<10240x1xi1> to vector<10240x32xi1>
    %broadcast_in_dim3A_297 = vector.broadcast %jit3A_294 : f32 to vector<10240x32xf32>
    %select_n3A_298 = arith.select %broadcast_in_dim3A_296, %max3A_60, %broadcast_in_dim3A_297 : vector<10240x32xi1>, vector<10240x32xf32>
    %reduce_sum3A_299 = arith.constant dense<0.000000e+00> : vector<32xf32>
    %reduce_sum3A_300 = vector.multi_reduction <add>, %select_n3A_298, %reduce_sum3A_299 [0] : vector<10240x32xf32> to vector<32xf32>
    %broadcast_in_dim3A_301 = vector.shape_cast %reduce_sum3A_300 : vector<32xf32> to vector<1x32xf32>
    %jit3A_302 = arith.constant 1.000000e+00 : f32
    %jit3A_303 = arith.constant 0.000000e+00 : f32
    %broadcast_in_dim3A_304 = vector.broadcast %jit3A_302 : f32 to vector<10240x1xf32>
    %broadcast_in_dim3A_305 = vector.broadcast %jit3A_303 : f32 to vector<10240x1xf32>
    %select_n3A_306 = arith.select %eq3A_293, %broadcast_in_dim3A_304, %broadcast_in_dim3A_305 : vector<10240x1xi1>, vector<10240x1xf32>
    %reduce_sum3A_307 = arith.constant dense<0.000000e+00> : vector<1xf32>
    %reduce_sum3A_308 = vector.multi_reduction <add>, %select_n3A_306, %reduce_sum3A_307 [0] : vector<10240x1xf32> to vector<1xf32>
    %broadcast_in_dim3A_309 = vector.shape_cast %reduce_sum3A_308 : vector<1xf32> to vector<1x1xf32>
    %eq3A_310 = arith.constant 13 : i32
    %eq3A_311 = vector.broadcast %eq3A_310 : i32 to vector<10240x1xi32>
    %eq3A_312 = arith.cmpi eq, %get3A_63, %eq3A_311 : vector<10240x1xi32>
    %jit3A_313 = arith.constant 0.000000e+00 : f32
    %broadcast_in_dim3A_314 = vector.shape_cast %eq3A_312 : vector<10240x1xi1> to vector<10240x1xi1>
    %broadcast_in_dim3A_315 = vector.broadcast %broadcast_in_dim3A_314 : vector<10240x1xi1> to vector<10240x32xi1>
    %broadcast_in_dim3A_316 = vector.broadcast %jit3A_313 : f32 to vector<10240x32xf32>
    %select_n3A_317 = arith.select %broadcast_in_dim3A_315, %max3A_60, %broadcast_in_dim3A_316 : vector<10240x32xi1>, vector<10240x32xf32>
    %reduce_sum3A_318 = arith.constant dense<0.000000e+00> : vector<32xf32>
    %reduce_sum3A_319 = vector.multi_reduction <add>, %select_n3A_317, %reduce_sum3A_318 [0] : vector<10240x32xf32> to vector<32xf32>
    %broadcast_in_dim3A_320 = vector.shape_cast %reduce_sum3A_319 : vector<32xf32> to vector<1x32xf32>
    %jit3A_321 = arith.constant 1.000000e+00 : f32
    %jit3A_322 = arith.constant 0.000000e+00 : f32
    %broadcast_in_dim3A_323 = vector.broadcast %jit3A_321 : f32 to vector<10240x1xf32>
    %broadcast_in_dim3A_324 = vector.broadcast %jit3A_322 : f32 to vector<10240x1xf32>
    %select_n3A_325 = arith.select %eq3A_312, %broadcast_in_dim3A_323, %broadcast_in_dim3A_324 : vector<10240x1xi1>, vector<10240x1xf32>
    %reduce_sum3A_326 = arith.constant dense<0.000000e+00> : vector<1xf32>
    %reduce_sum3A_327 = vector.multi_reduction <add>, %select_n3A_325, %reduce_sum3A_326 [0] : vector<10240x1xf32> to vector<1xf32>
    %broadcast_in_dim3A_328 = vector.shape_cast %reduce_sum3A_327 : vector<1xf32> to vector<1x1xf32>
    %eq3A_329 = arith.constant 14 : i32
    %eq3A_330 = vector.broadcast %eq3A_329 : i32 to vector<10240x1xi32>
    %eq3A_331 = arith.cmpi eq, %get3A_63, %eq3A_330 : vector<10240x1xi32>
    %jit3A_332 = arith.constant 0.000000e+00 : f32
    %broadcast_in_dim3A_333 = vector.shape_cast %eq3A_331 : vector<10240x1xi1> to vector<10240x1xi1>
    %broadcast_in_dim3A_334 = vector.broadcast %broadcast_in_dim3A_333 : vector<10240x1xi1> to vector<10240x32xi1>
    %broadcast_in_dim3A_335 = vector.broadcast %jit3A_332 : f32 to vector<10240x32xf32>
    %select_n3A_336 = arith.select %broadcast_in_dim3A_334, %max3A_60, %broadcast_in_dim3A_335 : vector<10240x32xi1>, vector<10240x32xf32>
    %reduce_sum3A_337 = arith.constant dense<0.000000e+00> : vector<32xf32>
    %reduce_sum3A_338 = vector.multi_reduction <add>, %select_n3A_336, %reduce_sum3A_337 [0] : vector<10240x32xf32> to vector<32xf32>
    %broadcast_in_dim3A_339 = vector.shape_cast %reduce_sum3A_338 : vector<32xf32> to vector<1x32xf32>
    %jit3A_340 = arith.constant 1.000000e+00 : f32
    %jit3A_341 = arith.constant 0.000000e+00 : f32
    %broadcast_in_dim3A_342 = vector.broadcast %jit3A_340 : f32 to vector<10240x1xf32>
    %broadcast_in_dim3A_343 = vector.broadcast %jit3A_341 : f32 to vector<10240x1xf32>
    %select_n3A_344 = arith.select %eq3A_331, %broadcast_in_dim3A_342, %broadcast_in_dim3A_343 : vector<10240x1xi1>, vector<10240x1xf32>
    %reduce_sum3A_345 = arith.constant dense<0.000000e+00> : vector<1xf32>
    %reduce_sum3A_346 = vector.multi_reduction <add>, %select_n3A_344, %reduce_sum3A_345 [0] : vector<10240x1xf32> to vector<1xf32>
    %broadcast_in_dim3A_347 = vector.shape_cast %reduce_sum3A_346 : vector<1xf32> to vector<1x1xf32>
    %eq3A_348 = arith.constant 15 : i32
    %eq3A_349 = vector.broadcast %eq3A_348 : i32 to vector<10240x1xi32>
    %eq3A_350 = arith.cmpi eq, %get3A_63, %eq3A_349 : vector<10240x1xi32>
    %jit3A_351 = arith.constant 0.000000e+00 : f32
    %broadcast_in_dim3A_352 = vector.shape_cast %eq3A_350 : vector<10240x1xi1> to vector<10240x1xi1>
    %broadcast_in_dim3A_353 = vector.broadcast %broadcast_in_dim3A_352 : vector<10240x1xi1> to vector<10240x32xi1>
    %broadcast_in_dim3A_354 = vector.broadcast %jit3A_351 : f32 to vector<10240x32xf32>
    %select_n3A_355 = arith.select %broadcast_in_dim3A_353, %max3A_60, %broadcast_in_dim3A_354 : vector<10240x32xi1>, vector<10240x32xf32>
    %reduce_sum3A_356 = arith.constant dense<0.000000e+00> : vector<32xf32>
    %reduce_sum3A_357 = vector.multi_reduction <add>, %select_n3A_355, %reduce_sum3A_356 [0] : vector<10240x32xf32> to vector<32xf32>
    %broadcast_in_dim3A_358 = vector.shape_cast %reduce_sum3A_357 : vector<32xf32> to vector<1x32xf32>
    %jit3A_359 = arith.constant 1.000000e+00 : f32
    %jit3A_360 = arith.constant 0.000000e+00 : f32
    %broadcast_in_dim3A_361 = vector.broadcast %jit3A_359 : f32 to vector<10240x1xf32>
    %broadcast_in_dim3A_362 = vector.broadcast %jit3A_360 : f32 to vector<10240x1xf32>
    %select_n3A_363 = arith.select %eq3A_350, %broadcast_in_dim3A_361, %broadcast_in_dim3A_362 : vector<10240x1xi1>, vector<10240x1xf32>
    %reduce_sum3A_364 = arith.constant dense<0.000000e+00> : vector<1xf32>
    %reduce_sum3A_365 = vector.multi_reduction <add>, %select_n3A_363, %reduce_sum3A_364 [0] : vector<10240x1xf32> to vector<1xf32>
    %broadcast_in_dim3A_366 = vector.shape_cast %reduce_sum3A_365 : vector<1xf32> to vector<1x1xf32>
    %concatenate3A = tpu.concatenate %broadcast_in_dim3A_73, %broadcast_in_dim3A_92, %broadcast_in_dim3A_111, %broadcast_in_dim3A_130, %broadcast_in_dim3A_149, %broadcast_in_dim3A_168, %broadcast_in_dim3A_187, %broadcast_in_dim3A_206, %broadcast_in_dim3A_225, %broadcast_in_dim3A_244, %broadcast_in_dim3A_263, %broadcast_in_dim3A_282, %broadcast_in_dim3A_301, %broadcast_in_dim3A_320, %broadcast_in_dim3A_339, %broadcast_in_dim3A_358 in 0 : vector<1x32xf32>, vector<1x32xf32>, vector<1x32xf32>, vector<1x32xf32>, vector<1x32xf32>, vector<1x32xf32>, vector<1x32xf32>, vector<1x32xf32>, vector<1x32xf32>, vector<1x32xf32>, vector<1x32xf32>, vector<1x32xf32>, vector<1x32xf32>, vector<1x32xf32>, vector<1x32xf32>, vector<1x32xf32> -> vector<16x32xf32>
    %concatenate3A_367 = tpu.concatenate %broadcast_in_dim3A_81, %broadcast_in_dim3A_100, %broadcast_in_dim3A_119, %broadcast_in_dim3A_138, %broadcast_in_dim3A_157, %broadcast_in_dim3A_176, %broadcast_in_dim3A_195, %broadcast_in_dim3A_214, %broadcast_in_dim3A_233, %broadcast_in_dim3A_252, %broadcast_in_dim3A_271, %broadcast_in_dim3A_290, %broadcast_in_dim3A_309, %broadcast_in_dim3A_328, %broadcast_in_dim3A_347, %broadcast_in_dim3A_366 in 0 : vector<1x1xf32>, vector<1x1xf32>, vector<1x1xf32>, vector<1x1xf32>, vector<1x1xf32>, vector<1x1xf32>, vector<1x1xf32>, vector<1x1xf32>, vector<1x1xf32>, vector<1x1xf32>, vector<1x1xf32>, vector<1x1xf32>, vector<1x1xf32>, vector<1x1xf32>, vector<1x1xf32>, vector<1x1xf32> -> vector<16x1xf32>
    %max3A_368 = arith.constant 1.000000e+00 : f32
    %max3A_369 = vector.broadcast %max3A_368 : f32 to vector<16x1xf32>
    %max3A_370 = arith.maximumf %concatenate3A_367, %max3A_369 : vector<16x1xf32>
    %div3A = vector.broadcast %max3A_370 : vector<16x1xf32> to vector<16x32xf32>
    %div3A_371 = arith.divf %concatenate3A, %div3A : vector<16x32xf32>
    %get3A_372 = arith.constant 0 : index
    %get3A_373 = arith.constant 0 : index
    %get3A_374 = vector.load %arg7[%get3A_372, %get3A_373] : memref<32x16xf32, #tpu.memory_space<vmem>>, vector<32x16xf32>
    %dot_general3A = arith.constant dense<0.000000e+00> : vector<16x16xf32>
    %dot_general3A_375 = tpu.matmul %div3A_371, %get3A_374, %dot_general3A {dimension_numbers = #tpu.dot_dimension_numbers<[1], [0], [0], [1], [0, 0, 1, 1], [], []>, transpose_lhs_hint = false} : vector<16x32xf32>, vector<32x16xf32>, vector<16x16xf32> -> vector<16x16xf32>
    %get3A_376 = arith.constant 0 : index
    %get3A_377 = arith.constant 0 : index
    %get3A_378 = vector.load %arg8[%get3A_376, %get3A_377] : memref<1x16xf32, #tpu.memory_space<vmem>>, vector<1x16xf32>
    %add3A_379 = vector.broadcast %get3A_378 : vector<1x16xf32> to vector<16x16xf32>
    %add3A_380 = arith.addf %dot_general3A_375, %add3A_379 : vector<16x16xf32>
    %max3A_381 = arith.constant 0.000000e+00 : f32
    %max3A_382 = vector.broadcast %max3A_381 : f32 to vector<16x16xf32>
    %max3A_383 = arith.maximumf %add3A_380, %max3A_382 : vector<16x16xf32>
    %get3A_384 = arith.constant 0 : index
    %get3A_385 = arith.constant 0 : index
    %get3A_386 = vector.load %arg9[%get3A_384, %get3A_385] : memref<16x1xf32, #tpu.memory_space<vmem>>, vector<16x1xf32>
    %dot_general3A_387 = arith.constant dense<0.000000e+00> : vector<16x1xf32>
    %dot_general3A_388 = tpu.matmul %max3A_383, %get3A_386, %dot_general3A_387 {dimension_numbers = #tpu.dot_dimension_numbers<[1], [0], [0], [1], [0, 0, 1, 1], [], []>, transpose_lhs_hint = false} : vector<16x16xf32>, vector<16x1xf32>, vector<16x1xf32> -> vector<16x1xf32>
    %get3A_389 = arith.constant 0 : index
    %get3A_390 = arith.constant 0 : index
    %get3A_391 = vector.load %arg10[%get3A_389, %get3A_390] : memref<1x1xf32, #tpu.memory_space<vmem>>, vector<1x1xf32>
    %add3A_392 = vector.broadcast %get3A_391 : vector<1x1xf32> to vector<16x1xf32>
    %add3A_393 = arith.addf %dot_general3A_388, %add3A_392 : vector<16x1xf32>
    %swap3A = arith.constant 0 : index
    %swap3A_394 = arith.constant 0 : index
    %swap3A_395 = vector.load %arg11[%swap3A, %swap3A_394] : memref<16x1xf32, #tpu.memory_space<vmem>>, vector<16x1xf32>
    tpu.vector_store %arg11[%swap3A, %swap3A_394], %add3A_393 {strides = array<i32>} : memref<16x1xf32, #tpu.memory_space<vmem>>, vector<16x1xf32>,
    return
  }
}

</mosaic_0001>

<sc_bundles>
// kernel: kernel.11.cloned.1.call-start
scs
__scs_entry_jumppad:
0x0: {  	(pc) =	sbr.rel $0x88, $3  }
0x1: {  	(tag) =	ssettag $0x0;
	lr =	simm.s32 $0x1  }
0x2: {  	[smem:$0x3F8E] =	sst lr;
	_ =	strace $0xD0000000  }
0x3: {  	_ = 	snop  }
0x4: {  	_ = 	snop  }
0x5: {  	_ = 	snop  }
0x6: {  	_ = 	snop  }
0x7: {  	_ = 	snop  }
__scs_overlays_trampoline_lowered:
0x8: {  	[smem:$0x3F9D] =	sst s0  }
0x9: {  	[smem:$0x3F9E] =	sst s1  }
0xa: {  	[smem:$0x3F9F] =	sst s2  }
0xb: {  	[smem:$0x3FA0] =	sst s3  }
0xc: {  	[smem:$0x3FA1] =	sst s4  }
0xd: {  	[smem:$0x3FA2] =	sst s5  }
0xe: {  	[smem:$0x3FA3] =	sst s6  }
0xf: {  	[smem:$0x3FA4] =	sst s7  }
0x10: {  	[smem:$0x3FA5] =	sst s8  }
0x11: {  	[smem:$0x3FA6] =	sst s9;
	s0 =	simm.s32 @!p0 $0x0  }
0x12: {  	s1 =	sld [smem:$0x3F8C];
	s0 =	simm.s32 @p0 $0x1  }
0x13: {  	[smem:$0x3FA7] =	sst s0;
	s0 =	simm.s32 @!p1 $0x0  }
0x14: {  	s2 =	sld [smem:$0x3F8B];
	s0 =	simm.s32 @p1 $0x1  }
0x15: {  	[smem:$0x3FA8] =	sst s0;
	s0 =	simm.s32 @!p2 $0x0  }
0x16: {  	s3 =	sld [smem:$0x3FDB];
	s0 =	simm.s32 @p2 $0x1  }
0x17: {  	s4 =	simm.s32 $0x1BF5;
	[smem:$0x3FAA] =	sst s0  }
0x18: {  	s0 =	sld [smem:$0x3F8D];
	_ =	swait.ge [sflag:s4], $0x0  }
0x19: {  	s7 =	sld [smem:$0x3F8E]  }
0x1a: {  	s8 =	sadd.s32 $0xFFFFE003, lr  }
0x1b: {  	s9 =	sadd.s32 $0xFFFFFEF7, lr;
	s5 =	simm.s32 $0xFFFFFFFF;
	p2 =	slt.u32 s8, $0xFFFFF086  }
0x1c: {  	p1 =	slt.u32 s9, $0xF7A;
	s5 =	simm.s32 @!p2 $0x0  }
0x1d: {  	s5 =	simm.s32 @p1 $0x1;
	p0 =	seq.s32 s7, s2  }
0x1e: {  	s7 =	smul.u32 @!p0 $0xF7A, s2;
	p2 =	seq.s32 @!p0 s5, $0x0  }
0x1f: {  	s9 =	smul.u32 $0xF7A, s1;
	s8 =	simm.s32 @!p0 $0x1BF5;
	p2 =	por !p2, p0  }
0x20: {  	[sflag:s8] =	ssyncset.s32 @!p0 $0xFFFFF086;
	s6 =	sadd.s32 @!p0 s3, s7;
	s7 =	simm.s32 @!p0 $0x108  }
0x21: {  	s3 =	sadd.s32 s3, s9;
	s6 =	sadd.s32 @!p0 $0x88, s6;
	s7 =	simm.s32 @p2 $0x1082  }
0x22: {  	[simem:s7], [sflag:s8] =	dma.local @!p0 [hbm:s6], $0xF7A  }
0x23: {  	s9 =	sor.u32 $0xD0000000, s2;
	s6 =	simm.s32 $0x108;
	_ =	swait.ge @!p0 [sflag:s8], $0x0  }
0x24: {  	s3 =	sadd.s32 $0x88, s3;
	s6 =	simm.s32 @!p1 $0x1082;
	[sflag:s4] =	ssyncset.s32 $0xFFFFF086  }
0x25: {  	[simem:s6], [sflag:s4] =	dma.local [hbm:s3], $0xF7A  }
0x26: {  	[smem:$0x3F8E] =	sst s1;
	(tag) =	ssettag s2;
	_ =	strace s9  }
0x27: {  	s1 =	sld [smem:$0x3F9E]  }
0x28: {  	s2 =	sld [smem:$0x3F9F]  }
0x29: {  	s4 =	sld [smem:$0x3FA1]  }
0x2a: {  	p0 =	seq.s32 s5, $0x0;
	s5 =	sld [smem:$0x3FA2]  }
0x2b: {  	s6 =	sld [smem:$0x3FA3]  }
0x2c: {  	s7 =	sld [smem:$0x3FA4]  }
0x2d: {  	s3 =	simm.s32 $0x108;
	s8 =	sld [smem:$0x3FA5]  }
0x2e: {  	s3 =	simm.s32 @!p0 $0x1082;
	s9 =	sld [smem:$0x3FA6]  }
0x2f: {  	lr =	sadd.s32 s0, s3;
	s0 =	sld [smem:$0x3F9D]  }
0x30: {  	s3 =	sld [smem:$0x3FA0]  }
0x31: {  	[smem:$0x3FA9] =	sst s10  }
0x32: {  	s10 =	sld [smem:$0x3FA7];
	_ =	sdelay $0x3  }
0x33: {  	p0 =	seq.s32 s10, $0x1;
	s10 =	sld [smem:$0x3FA9];
	_ =	sdelay $0x3  }
0x34: {  	[smem:$0x3FA9] =	sst s10  }
0x35: {  	s10 =	sld [smem:$0x3FA8];
	_ =	sdelay $0x3  }
0x36: {  	p1 =	seq.s32 s10, $0x1;
	s10 =	sld [smem:$0x3FA9];
	_ =	sdelay $0x3  }
0x37: {  	[smem:$0x3FA9] =	sst s10  }
0x38: {  	s10 =	sld [smem:$0x3FAA]  }
0x39: {  	_ = 	snop;
	(pc) =	sbr.ind lr, $3  }
0x3a: {  	_ = 	snop  }
0x3b: {  	_ = 	snop  }
0x3c: {  	p2 =	seq.s32 s10, $0x1;
	s10 =	sld [smem:$0x3FA9]  }
0x3d: {  	_ =	shalt  }
0x3e: {  	_ =	shalt  }
0x3f: {  	_ =	shalt  }
0x40: {  	_ =	shalt  }
0x41: {  	_ =	shalt  }
0x42: {  	_ =	shalt  }
0x43: {  	_ =	shalt  }
0x44: {  	_ =	shalt  }
0x45: {  	_ =	shalt  }
0x46: {  	_ =	shalt  }
0x47: {  	_ =	shalt  }
0x48: {  	_ =	shalt  }
0x49: {  	_ =	shalt  }
0x4a: {  	_ =	shalt  }
0x4b: {  	_ =	shalt  }
0x4c: {  	_ =	shalt  }
0x4d: {  	_ =	shalt  }
0x4e: {  	_ =	shalt  }
0x4f: {  	_ =	shalt  }
0x50: {  	_ =	shalt  }
0x51: {  	_ =	shalt  }
0x52: {  	_ =	shalt  }
0x53: {  	_ =	shalt  }
0x54: {  	_ =	shalt  }
0x55: {  	_ =	shalt  }
0x56: {  	_ =	shalt  }
0x57: {  	_ =	shalt  }
0x58: {  	_ =	shalt  }
0x59: {  	_ =	shalt  }
0x5a: {  	_ =	shalt  }
0x5b: {  	_ =	shalt  }
0x5c: {  	_ =	shalt  }
0x5d: {  	_ =	shalt  }
0x5e: {  	_ =	shalt  }
0x5f: {  	_ =	shalt  }
0x60: {  	_ =	shalt  }
0x61: {  	_ =	shalt  }
0x62: {  	_ =	shalt  }
0x63: {  	_ =	shalt  }
0x64: {  	_ =	shalt  }
0x65: {  	_ =	shalt  }
0x66: {  	_ =	shalt  }
0x67: {  	_ =	shalt  }
0x68: {  	_ =	shalt  }
0x69: {  	_ =	shalt  }
0x6a: {  	_ =	shalt  }
0x6b: {  	_ =	shalt  }
0x6c: {  	_ =	shalt  }
0x6d: {  	_ =	shalt  }
0x6e: {  	_ =	shalt  }
0x6f: {  	_ =	shalt  }
0x70: {  	_ =	shalt  }
0x71: {  	_ =	shalt  }
0x72: {  	_ =	shalt  }
0x73: {  	_ =	shalt  }
0x74: {  	_ =	shalt  }
0x75: {  	_ =	shalt  }
0x76: {  	_ =	shalt  }
0x77: {  	_ =	shalt  }
0x78: {  	_ =	shalt  }
0x79: {  	_ =	shalt  }
0x7a: {  	_ =	shalt  }
0x7b: {  	_ =	shalt  }
0x7c: {  	_ =	shalt  }
0x7d: {  	_ =	shalt  }
0x7e: {  	_ =	shalt  }
0x7f: {  	_ =	shalt  }
0x80: {  	_ =	shalt  }
0x81: {  	_ =	shalt  }
0x82: {  	_ =	shalt  }
0x83: {  	_ =	shalt  }
0x84: {  	_ =	shalt  }
0x85: {  	_ =	shalt  }
0x86: {  	_ =	shalt  }
0x87: {  	_ =	shalt  }
.Lfunc_end0:
.L_simem_size_0:
called_computation_lowered:
.L_overlay_start_0:
0x88: {  	s2 =	sld [smem:$0x3FD9]  }
0x89: {  	s3 =	sld [smem:$0x3FFE];
	_ =	sdelay $0x1  }
0x8a: {  	s1 =	srdreg.scid  }
0x8b: {  	s0 =	sand.u32 $0x1, s1  }
0x8c: {  	s16 =	sshll.u32 s0, $0xA;
	s2 =	sadd.s32 s3, s2  }
0x8d: {  	s2 =	sadd.s32 s2, s16  }
0x8e: {  	[smem:$0x3FB5] =	sst s2  }
0x8f: {  	_ = 	snop  }
0x90: {  	(tm) =	ssettm $0x1  }
0x91: {  	s17 =	sld [smem:$0x3FFB];
	_ =	sdelay $0x3  }
0x92: {  	_ =	strace s17  }
0x93: {  	s2 =	sld [smem:$0x3FFC];
	_ =	sdelay $0x3  }
0x94: {  	_ =	strace s2  }
0x95: {  	s2 =	sld [smem:$0x3FFD];
	_ =	sdelay $0x3  }
0x96: {  	_ =	strace s2  }
0x97: {  	_ =	strace $0x8FFFFFFF  }
0x98: {  	s18 =	sld [smem:$0x3FDB];
	_ =	sdelay $0x1  }
0x99: {  	s19 =	simm.s32 $_scs_section_size  }
0x9a: {  	s4 =	simm.s32 $_size__tile_overlayer_lowered;
	s5 =	simm.s32 $_tile_overlayer_lowered  }
0x9b: {  	s22 =	simm.s32 $0x1BFF;
	s21 =	sshll.u32 s5, $0x1;
	s2 =	sadd.s32 s19, s18  }
0x9c: {  	s6 =	simm.s32 $0x0;
	s20 =	sshll.u32 s4, $0x1;
	s4 =	sadd.s32 s21, s2  }
0x9d: {  	[timem:s6], [sflag:s22] =	dma.local [hbm:s4], s20  }
0x9e: {  	_ =	swait.ge [sflag:s22], s20  }
0x9f: {  	s3 =	ssub.s32 $0x0, s20;
	[sflag:s22] =	ssyncset.done $0x0  }
0xa0: {  	[sflag:s22] =	ssyncadd.s32 s3;
	_ =	sdelay $0x1  }
0xa1: {  	s23 =	simm.s32 $0x1B8B  }
0xa2: {  	_ =	swait.ge [sflag:s23], $0x1  }
0xa3: {  	[sflag:s23] =	ssyncset.done $0x0  }
0xa4: {  	s25 =	simm.s32 $0x1B8E;
	s24 =	sld [smem:$0x3FFE];
	[sflag:s23] =	ssyncadd.s32 $0xFFFFFFFF  }
0xa5: {  	s26 =	simm.s32 $execute0_lowered;
	[smem:$0x3FD2] =	sst s25  }
0xa6: {  	s4 =	sshll.u32 s26, $0x1;
	_ =	strace $0x80000046;
	[dreg:$0x1] =	wrdreg $0xFFFFFFFF  }
0xa7: {  	s28 =	simm.s32 $_size_execute0_lowered;
	s2 =	sadd.s32 s2, s4;
	[dreg:$0x0] =	wrdreg $0x0  }
0xa8: {  	s4 =	sshll.u32 s28, $0x1;
	[dreg:$0x2] =	wrdreg s2  }
0xa9: {  	[dreg:$0x3] =	wrdreg s4  }
0xaa: {  	[dreg:$0x4] =	wrdreg $0xC0  }
0xab: {  	_ =	task [dreg:s6], $0x5FFFF  }
0xac: {  	[dreg:$0x1] =	wrdreg $0xFFFFFFFF  }
0xad: {  	[dreg:$0x0] =	wrdreg $0x60  }
0xae: {  	[dreg:$0x2] =	wrdreg s24  }
0xaf: {  	[dreg:$0x3] =	wrdreg $0x2C000  }
0xb0: {  	[dreg:$0x4] =	wrdreg $0x9  }
0xb1: {  	_ =	task.clear_ibuf [dreg:s6], $0x5FFFF;
	_ =	strace $0x90000046  }
0xb2: {  	s29 =	simm.s32 $0x9;
	_ =	strace $0x80000048  }
0xb3: {  	_ =	swait.ge [sflag:s29], $0x1  }
0xb4: {  	[sflag:s29] =	ssyncadd.s32 $0xFFFFFFFF  }
0xb5: {  	_ =	strace $0x90000048  }
0xb6: {  	_ =	sfence  }
0xb7: {  	s30 =	sld [smem:$0x0];
	_ =	sdelay $0x2  }
0xb8: {  	s31 =	sshll.u32 s1, $0xD;
	s1 =	sshrl.u32 s1, $0x2  }
0xb9: {  	s3 =	sand.u32 $0x4000, s31;
	s1 =	sadd.s32 s1, s30  }
0xba: {  	s0 =	sor.u32 s3, s0;
	s1 =	sshll.u32 s1, $0x11  }
0xbb: {  	s0 =	sor.u32 s1, s0  }
0xbc: {  	s0 =	sadd.s32 $0x8F2B, s0  }
0xbd: {  	[sflag:s0] =	ssyncadd.remote.s32 $0x1  }
0xbe: {  	_ =	sfence.sel $0xFFFF  }
0xbf: {  	[dreg:$0x0] =	wrdreg $0xFFFFFFFF;
	(pc) =	sbr.abs _section_cstart, $3  }
0xc0: {  	[dreg:$0x1] =	wrdreg $0xFFFFFFFF  }
0xc1: {  	_ =	task.clear_ibuf [dreg:s6], $0x2FFFF;
	_ =	strace $0x9FFFFFFF  }
0xc2: {  	(tm) =	ssettm $0x7FFFFFFF  }
0xc3: {  	_ =	shalt  }
tec
execute0_lowered:
.L_overlay_start_1:
0x0: {  	(tag) =	ssettag $0x1  }
0x1: {  	s1 =	srdreg.scid;
	s7 =	rddreg [dreg:$0x0]  }
0x2: {  	s0 =	stileid.u32;
	s2 =	rddreg [dreg:$0x1];
	s3 =	simm.s32 $0x0  }
0x3: {  	s13 =	simm.s32 $0x3;
	s14 =	simm.s32 $0x1;
	s15 =	simm.s32 $0x80  }
0x4: {  	s17 =	simm.s32 $0x4;
	s18 =	simm.s32 $0x0;
	s6 =	sand.u32 $0x1, s1  }
0x5: {  	s30 =	sshll.u32 s0, $0x1;
	s8 =	smul.u32 $0x1400, s0;
	[smem:$0x7FF] =	sst s3  }
0x6: {  	s16 =	sshll.u32 s0, $0x6;
	s1 =	sor.u32 s6, s30;
	s5 =	smul.u32 $0x14000, s6  }
0x7: {  	s6 =	ssub.s32 $0x2, s6;
	s4 =	smul.u32 $0x500, s1;
	s1 =	rddreg [dreg:$0x2]  }
0x8: {  	_ =	strace $0x80000047;
	s31 =	sshrl.u32 s6, $0x1;
	s12 =	sadd.s32 s8, s2  }
0x9: {  	s10 =	sadd.s32 s8, s5;
	s5 =	sadd.s32 $0xD800, s7;
	s11 =	ssub.s32 s6, s31  }
0xa: {  	s6 =	sor.u32 $0x1C02, s16;
	s16 =	sor.u32 $0x1C04, s16;
	s10 =	sshrl.u32 s10, $0x3  }
0xb: {  	s9 =	sadd.s32 s4, s7;
	s4 =	sadd.s32 $0xDC00, s7;
	s10 =	sadd.s32 s10, s7  }
0xc: {  	s7 =	sadd.s32 $0x3800, s9;
	s9 =	smax.u32 s11, $0x1;
	s11 =	simm.s32 $0x2800  }
0xd: {  	s8 =	sadd.s32 $0xDE00, s10;
	s10 =	sshrl.u32 s12, $0x3;
	s12 =	simm.s32 $0x2  }
.LBB2_1:
0xe: {  	[spmem:s10], [sflag:s6] =	dma.local [hbm:s5], $0x280  }
0xf: {  	[tilespmem:s11], [sflag:$0x3] =	stream.linear.gather [hbm4b:s4+s3], $0x400, $0x38;
	[tilespmem:$0x4000] =	vst v63  }
0x10: {  	_ = 	snop  }
0x11: {  	[tilespmem:s3], [sflag:$0x1] =	stream.linear.gather [hbm4b:s7+s3], $0x2800, $0x38;
	[tilespmem:$0x4000] =	vst v63  }
0x12: {  	_ =	swait.ge [sflag:s12], $0x280  }
0x13: {  	[sflag:s12] =	ssyncset.done $0x0  }
0x14: {  	[sflag:s12] =	ssyncadd.s32 $0xFFFFFD80  }
0x15: {  	_ =	swait.ge [sflag:s13], $0x400  }
0x16: {  	[sflag:s13] =	ssyncset.done $0x0  }
0x17: {  	[sflag:s13] =	ssyncadd.s32 $0xFFFFFC00  }
0x18: {  	_ =	swait.ge [sflag:s14], $0x2800  }
0x19: {  	[sflag:s14] =	ssyncset.done $0x0  }
0x1a: {  	[sflag:s14] =	ssyncadd.s32 $0xFFFFD800  }
0x1b: {  	s19 =	simm.s32 $0x0;
	[bflag:$0x0] =	sbarrier.arrive $0xFFFF  }
.LBB2_2:
0x1c: {  	p0 =	sne.s32 s19, $0x9E00  }
.Ltmp0:
0x1d: {  	_ = 	snop;
	(pc) =	sbr.rel @p0 .LBB2_2-.Ltmp0, $3  }
0x1e: {  	_ =	sdelay $0x1  }
0x1f: {  	s20 =	sshra.s32 s19, $0x2;
	s19 =	sadd.s32 $0x200, s19  }
0x20: {  	[spmem:s2] =	stream.indirect.scatter.add.f32 [tilespmem:s11], [sflag:$0x1], $0x8, s20, s15, $0xb8;
	[tilespmem:$0x4000] =	vst v63  }
0x21: {  	_ =	swait.ge [sflag:s14], $0x400  }
0x22: {  	s19 =	simm.s32 $0x4F;
	[sflag:s14] =	ssyncset.done $0x0  }
.LBB2_4:
0x23: {  	p0 =	sne.s32 s19, $0x1;
	s19 =	sadd.s32 $0xFFFFFFFF, s19;
	[sflag:s14] =	ssyncadd.s32 $0xFFFFFC00  }
.Ltmp1:
0x24: {  	(pc) =	sbr.rel @p0 .LBB2_4-.Ltmp1, $3  }
0x25: {  	_ =	sdelay $0x1  }
0x26: {  	_ =	swait.ge [sflag:s14], $0x400  }
0x27: {  	[sflag:s14] =	ssyncset.done $0x0  }
0x28: {  	s18 =	sadd.s32 $0x1, s18  }
0x29: {  	[sflag:s14] =	ssyncadd.s32 $0xFFFFFC00;
	p0 =	sne.s32 s18, s9  }
.Ltmp2:
0x2a: {  	[bflag:$0x0] =	sbarrier.arrive $0xFFFF;
	(pc) =	sbr.rel @p0 .LBB2_1-.Ltmp2, $4  }
0x2b: {  	[hbm:s8], [sflag:s16] =	dma.local [spmem:s10], $0x280  }
0x2c: {  	_ =	swait.ge [sflag:s17], $0x280  }
0x2d: {  	[sflag:s17] =	ssyncset.done $0x0  }
0x2e: {  	[sflag:s17] =	ssyncadd.s32 $0xFFFFFD80  }
0x2f: {  	_ =	sfence.sel $0x180000  }
0x30: {  	[bflag:$0x0] =	sbarrier.arrive $0xFFFF  }
0x31: {  	p0 =	sne.s32 s0, $0x0;
	_ =	strace $0x90000047  }
0x32: {  	s0 =	sadd.s32 @!p0 $0x100000, s1;
	[bflag:$0x2] =	sbarrier.arrive $0xFFFF  }
0x33: {  	[sflag:s0] =	ssyncadd.tile.s32 @!p0 $0x1;
	_ =	shalt  }
.Lfunc_end2:
_tile_overlayer_lowered:
.L_overlay_start_2:
0x34: {  	(tag) =	ssettag $0x2  }
0x35: {  	s0 =	rddreg [dreg:$0x0];
	s2 =	stileid.u32  }
0x36: {  	s1 =	rddreg [dreg:$0x1];
	p0 =	sne.s32 s2, $0x0  }
0x37: {  	s3 =	rddreg [dreg:$0x2];
	[bflag:$0x3] =	sbarrier.arrive $0xFFFF;
	s2 =	simm.s32 @!p0 $0x1C04  }
0x38: {  	[timem:s3], [sflag:s2] =	dma.local @!p0 [hbm:s0], s1  }
0x39: {  	s0 =	simm.s32 @!p0 $0x4  }
0x3a: {  	_ =	swait.ge @!p0 [sflag:s0], s1  }
0x3b: {  	s1 =	ssub.s32 @!p0 $0x0, s1;
	[sflag:s0] =	ssyncset.done @!p0 $0x0  }
0x3c: {  	[sflag:s0] =	ssyncadd.s32 @!p0 s1  }
0x3d: {  	[bflag:$0x3] =	sbarrier.arrive $0xFFFF  }
0x3e: {  	_ =	shalt  }

// kernel: kernel.14.cloned.1.call-start
scs
__scs_entry_jumppad:
0x0: {  	(pc) =	sbr.rel $0x88, $3  }
0x1: {  	(tag) =	ssettag $0x0;
	lr =	simm.s32 $0x1  }
0x2: {  	[smem:$0x3F8E] =	sst lr;
	_ =	strace $0xD0000000  }
0x3: {  	_ = 	snop  }
0x4: {  	_ = 	snop  }
0x5: {  	_ = 	snop  }
0x6: {  	_ = 	snop  }
0x7: {  	_ = 	snop  }
__scs_overlays_trampoline_lowered:
0x8: {  	[smem:$0x3F9D] =	sst s0  }
0x9: {  	[smem:$0x3F9E] =	sst s1  }
0xa: {  	[smem:$0x3F9F] =	sst s2  }
0xb: {  	[smem:$0x3FA0] =	sst s3  }
0xc: {  	[smem:$0x3FA1] =	sst s4  }
0xd: {  	[smem:$0x3FA2] =	sst s5  }
0xe: {  	[smem:$0x3FA3] =	sst s6  }
0xf: {  	[smem:$0x3FA4] =	sst s7  }
0x10: {  	[smem:$0x3FA5] =	sst s8  }
0x11: {  	[smem:$0x3FA6] =	sst s9;
	s0 =	simm.s32 @!p0 $0x0  }
0x12: {  	s1 =	sld [smem:$0x3F8C];
	s0 =	simm.s32 @p0 $0x1  }
0x13: {  	[smem:$0x3FA7] =	sst s0;
	s0 =	simm.s32 @!p1 $0x0  }
0x14: {  	s2 =	sld [smem:$0x3F8B];
	s0 =	simm.s32 @p1 $0x1  }
0x15: {  	[smem:$0x3FA8] =	sst s0;
	s0 =	simm.s32 @!p2 $0x0  }
0x16: {  	s3 =	sld [smem:$0x3FDB];
	s0 =	simm.s32 @p2 $0x1  }
0x17: {  	s4 =	simm.s32 $0x1BF5;
	[smem:$0x3FAA] =	sst s0  }
0x18: {  	s0 =	sld [smem:$0x3F8D];
	_ =	swait.ge [sflag:s4], $0x0  }
0x19: {  	s7 =	sld [smem:$0x3F8E]  }
0x1a: {  	s8 =	sadd.s32 $0xFFFFE003, lr  }
0x1b: {  	s9 =	sadd.s32 $0xFFFFFEF7, lr;
	s5 =	simm.s32 $0xFFFFFFFF;
	p2 =	slt.u32 s8, $0xFFFFF086  }
0x1c: {  	p1 =	slt.u32 s9, $0xF7A;
	s5 =	simm.s32 @!p2 $0x0  }
0x1d: {  	s5 =	simm.s32 @p1 $0x1;
	p0 =	seq.s32 s7, s2  }
0x1e: {  	s7 =	smul.u32 @!p0 $0xF7A, s2;
	p2 =	seq.s32 @!p0 s5, $0x0  }
0x1f: {  	s9 =	smul.u32 $0xF7A, s1;
	s8 =	simm.s32 @!p0 $0x1BF5;
	p2 =	por !p2, p0  }
0x20: {  	[sflag:s8] =	ssyncset.s32 @!p0 $0xFFFFF086;
	s6 =	sadd.s32 @!p0 s3, s7;
	s7 =	simm.s32 @!p0 $0x108  }
0x21: {  	s3 =	sadd.s32 s3, s9;
	s6 =	sadd.s32 @!p0 $0x88, s6;
	s7 =	simm.s32 @p2 $0x1082  }
0x22: {  	[simem:s7], [sflag:s8] =	dma.local @!p0 [hbm:s6], $0xF7A  }
0x23: {  	s9 =	sor.u32 $0xD0000000, s2;
	s6 =	simm.s32 $0x108;
	_ =	swait.ge @!p0 [sflag:s8], $0x0  }
0x24: {  	s3 =	sadd.s32 $0x88, s3;
	s6 =	simm.s32 @!p1 $0x1082;
	[sflag:s4] =	ssyncset.s32 $0xFFFFF086  }
0x25: {  	[simem:s6], [sflag:s4] =	dma.local [hbm:s3], $0xF7A  }
0x26: {  	[smem:$0x3F8E] =	sst s1;
	(tag) =	ssettag s2;
	_ =	strace s9  }
0x27: {  	s1 =	sld [smem:$0x3F9E]  }
0x28: {  	s2 =	sld [smem:$0x3F9F]  }
0x29: {  	s4 =	sld [smem:$0x3FA1]  }
0x2a: {  	p0 =	seq.s32 s5, $0x0;
	s5 =	sld [smem:$0x3FA2]  }
0x2b: {  	s6 =	sld [smem:$0x3FA3]  }
0x2c: {  	s7 =	sld [smem:$0x3FA4]  }
0x2d: {  	s3 =	simm.s32 $0x108;
	s8 =	sld [smem:$0x3FA5]  }
0x2e: {  	s3 =	simm.s32 @!p0 $0x1082;
	s9 =	sld [smem:$0x3FA6]  }
0x2f: {  	lr =	sadd.s32 s0, s3;
	s0 =	sld [smem:$0x3F9D]  }
0x30: {  	s3 =	sld [smem:$0x3FA0]  }
0x31: {  	[smem:$0x3FA9] =	sst s10  }
0x32: {  	s10 =	sld [smem:$0x3FA7];
	_ =	sdelay $0x3  }
0x33: {  	p0 =	seq.s32 s10, $0x1;
	s10 =	sld [smem:$0x3FA9];
	_ =	sdelay $0x3  }
0x34: {  	[smem:$0x3FA9] =	sst s10  }
0x35: {  	s10 =	sld [smem:$0x3FA8];
	_ =	sdelay $0x3  }
0x36: {  	p1 =	seq.s32 s10, $0x1;
	s10 =	sld [smem:$0x3FA9];
	_ =	sdelay $0x3  }
0x37: {  	[smem:$0x3FA9] =	sst s10  }
0x38: {  	s10 =	sld [smem:$0x3FAA]  }
0x39: {  	_ = 	snop;
	(pc) =	sbr.ind lr, $3  }
0x3a: {  	_ = 	snop  }
0x3b: {  	_ = 	snop  }
0x3c: {  	p2 =	seq.s32 s10, $0x1;
	s10 =	sld [smem:$0x3FA9]  }
0x3d: {  	_ =	shalt  }
0x3e: {  	_ =	shalt  }
0x3f: {  	_ =	shalt  }
0x40: {  	_ =	shalt  }
0x41: {  	_ =	shalt  }
0x42: {  	_ =	shalt  }
0x43: {  	_ =	shalt  }
0x44: {  	_ =	shalt  }
0x45: {  	_ =	shalt  }
0x46: {  	_ =	shalt  }
0x47: {  	_ =	shalt  }
0x48: {  	_ =	shalt  }
0x49: {  	_ =	shalt  }
0x4a: {  	_ =	shalt  }
0x4b: {  	_ =	shalt  }
0x4c: {  	_ =	shalt  }
0x4d: {  	_ =	shalt  }
0x4e: {  	_ =	shalt  }
0x4f: {  	_ =	shalt  }
0x50: {  	_ =	shalt  }
0x51: {  	_ =	shalt  }
0x52: {  	_ =	shalt  }
0x53: {  	_ =	shalt  }
0x54: {  	_ =	shalt  }
0x55: {  	_ =	shalt  }
0x56: {  	_ =	shalt  }
0x57: {  	_ =	shalt  }
0x58: {  	_ =	shalt  }
0x59: {  	_ =	shalt  }
0x5a: {  	_ =	shalt  }
0x5b: {  	_ =	shalt  }
0x5c: {  	_ =	shalt  }
0x5d: {  	_ =	shalt  }
0x5e: {  	_ =	shalt  }
0x5f: {  	_ =	shalt  }
0x60: {  	_ =	shalt  }
0x61: {  	_ =	shalt  }
0x62: {  	_ =	shalt  }
0x63: {  	_ =	shalt  }
0x64: {  	_ =	shalt  }
0x65: {  	_ =	shalt  }
0x66: {  	_ =	shalt  }
0x67: {  	_ =	shalt  }
0x68: {  	_ =	shalt  }
0x69: {  	_ =	shalt  }
0x6a: {  	_ =	shalt  }
0x6b: {  	_ =	shalt  }
0x6c: {  	_ =	shalt  }
0x6d: {  	_ =	shalt  }
0x6e: {  	_ =	shalt  }
0x6f: {  	_ =	shalt  }
0x70: {  	_ =	shalt  }
0x71: {  	_ =	shalt  }
0x72: {  	_ =	shalt  }
0x73: {  	_ =	shalt  }
0x74: {  	_ =	shalt  }
0x75: {  	_ =	shalt  }
0x76: {  	_ =	shalt  }
0x77: {  	_ =	shalt  }
0x78: {  	_ =	shalt  }
0x79: {  	_ =	shalt  }
0x7a: {  	_ =	shalt  }
0x7b: {  	_ =	shalt  }
0x7c: {  	_ =	shalt  }
0x7d: {  	_ =	shalt  }
0x7e: {  	_ =	shalt  }
0x7f: {  	_ =	shalt  }
0x80: {  	_ =	shalt  }
0x81: {  	_ =	shalt  }
0x82: {  	_ =	shalt  }
0x83: {  	_ =	shalt  }
0x84: {  	_ =	shalt  }
0x85: {  	_ =	shalt  }
0x86: {  	_ =	shalt  }
0x87: {  	_ =	shalt  }
.Lfunc_end0:
.L_simem_size_0:
called_computation.1_lowered:
.L_overlay_start_0:
0x88: {  	s2 =	sld [smem:$0x3FD9]  }
0x89: {  	s3 =	sld [smem:$0x3FFE];
	_ =	sdelay $0x1  }
0x8a: {  	s1 =	srdreg.scid  }
0x8b: {  	s0 =	sand.u32 $0x1, s1  }
0x8c: {  	s16 =	sshll.u32 s0, $0xA;
	s2 =	sadd.s32 s3, s2  }
0x8d: {  	s2 =	sadd.s32 s2, s16  }
0x8e: {  	[smem:$0x3FB5] =	sst s2  }
0x8f: {  	_ = 	snop  }
0x90: {  	(tm) =	ssettm $0x1  }
0x91: {  	s17 =	sld [smem:$0x3FFB];
	_ =	sdelay $0x3  }
0x92: {  	_ =	strace s17  }
0x93: {  	s2 =	sld [smem:$0x3FFC];
	_ =	sdelay $0x3  }
0x94: {  	_ =	strace s2  }
0x95: {  	s2 =	sld [smem:$0x3FFD];
	_ =	sdelay $0x3  }
0x96: {  	_ =	strace s2  }
0x97: {  	_ =	strace $0x8FFFFFFF  }
0x98: {  	s18 =	sld [smem:$0x3FDB];
	_ =	sdelay $0x1  }
0x99: {  	s19 =	simm.s32 $_scs_section_size  }
0x9a: {  	s4 =	simm.s32 $_size__tile_overlayer_lowered;
	s5 =	simm.s32 $_tile_overlayer_lowered  }
0x9b: {  	s22 =	simm.s32 $0x1BFF;
	s21 =	sshll.u32 s5, $0x1;
	s2 =	sadd.s32 s19, s18  }
0x9c: {  	s6 =	simm.s32 $0x0;
	s20 =	sshll.u32 s4, $0x1;
	s4 =	sadd.s32 s21, s2  }
0x9d: {  	[timem:s6], [sflag:s22] =	dma.local [hbm:s4], s20  }
0x9e: {  	_ =	swait.ge [sflag:s22], s20  }
0x9f: {  	s3 =	ssub.s32 $0x0, s20;
	[sflag:s22] =	ssyncset.done $0x0  }
0xa0: {  	[sflag:s22] =	ssyncadd.s32 s3;
	_ =	sdelay $0x1  }
0xa1: {  	s23 =	simm.s32 $0x1B8B  }
0xa2: {  	_ =	swait.ge [sflag:s23], $0x1  }
0xa3: {  	[sflag:s23] =	ssyncset.done $0x0  }
0xa4: {  	s25 =	simm.s32 $0x1B8E;
	s24 =	sld [smem:$0x3FFE];
	[sflag:s23] =	ssyncadd.s32 $0xFFFFFFFF  }
0xa5: {  	s26 =	simm.s32 $execute0_lowered;
	[smem:$0x3FD2] =	sst s25  }
0xa6: {  	s4 =	sshll.u32 s26, $0x1;
	_ =	strace $0x80000049;
	[dreg:$0x1] =	wrdreg $0xFFFFFFFF  }
0xa7: {  	s28 =	simm.s32 $_size_execute0_lowered;
	s2 =	sadd.s32 s2, s4;
	[dreg:$0x0] =	wrdreg $0x0  }
0xa8: {  	s4 =	sshll.u32 s28, $0x1;
	[dreg:$0x2] =	wrdreg s2  }
0xa9: {  	[dreg:$0x3] =	wrdreg s4  }
0xaa: {  	[dreg:$0x4] =	wrdreg $0xC0  }
0xab: {  	_ =	task [dreg:s6], $0x5FFFF  }
0xac: {  	[dreg:$0x1] =	wrdreg $0xFFFFFFFF  }
0xad: {  	[dreg:$0x0] =	wrdreg $0x60  }
0xae: {  	[dreg:$0x2] =	wrdreg s24  }
0xaf: {  	[dreg:$0x3] =	wrdreg $0xE0000  }
0xb0: {  	[dreg:$0x4] =	wrdreg $0x90000  }
0xb1: {  	[dreg:$0x5] =	wrdreg $0x9  }
0xb2: {  	_ =	task.clear_ibuf [dreg:s6], $0x6FFFF;
	_ =	strace $0x90000049  }
0xb3: {  	s29 =	simm.s32 $0x9;
	_ =	strace $0x8000004B  }
0xb4: {  	_ =	swait.ge [sflag:s29], $0x1  }
0xb5: {  	[sflag:s29] =	ssyncadd.s32 $0xFFFFFFFF  }
0xb6: {  	_ =	strace $0x9000004B  }
0xb7: {  	_ =	sfence  }
0xb8: {  	s30 =	sld [smem:$0x0];
	_ =	sdelay $0x2  }
0xb9: {  	s31 =	sshll.u32 s1, $0xD;
	s1 =	sshrl.u32 s1, $0x2  }
0xba: {  	s3 =	sand.u32 $0x4000, s31;
	s1 =	sadd.s32 s1, s30  }
0xbb: {  	s0 =	sor.u32 s3, s0;
	s1 =	sshll.u32 s1, $0x11  }
0xbc: {  	s0 =	sor.u32 s1, s0  }
0xbd: {  	s0 =	sadd.s32 $0x8F2B, s0  }
0xbe: {  	[sflag:s0] =	ssyncadd.remote.s32 $0x1  }
0xbf: {  	_ =	sfence.sel $0xFFFF  }
0xc0: {  	[dreg:$0x0] =	wrdreg $0xFFFFFFFF;
	(pc) =	sbr.abs _section_cstart, $3  }
0xc1: {  	[dreg:$0x1] =	wrdreg $0xFFFFFFFF  }
0xc2: {  	_ =	task.clear_ibuf [dreg:s6], $0x2FFFF;
	_ =	strace $0x9FFFFFFF  }
0xc3: {  	(tm) =	ssettm $0x7FFFFFFF  }
tec
execute0_lowered:
.L_overlay_start_1:
0x0: {  	(tag) =	ssettag $0x1  }
0x1: {  	s0 =	srdreg.scid;
	s1 =	rddreg [dreg:$0x0]  }
0x2: {  	s10 =	stileid.u32;
	s2 =	rddreg [dreg:$0x1];
	s17 =	simm.s32 $0x1  }
0x3: {  	s18 =	simm.s32 $0x2;
	s19 =	simm.s32 $0x3;
	s20 =	simm.s32 $0x4  }
0x4: {  	s21 =	simm.s32 $0x80;
	s28 =	simm.s32 $0x8000;
	s29 =	simm.s32 $0x5  }
0x5: {  	s30 =	simm.s32 $0x6;
	s31 =	simm.s32 $0x7;
	s16 =	simm.s32 $0x9  }
0x6: {  	s0 =	sand.u32 $0x1, s0;
	s3 =	sshll.u32 s10, $0x1;
	s8 =	smul.u32 $0x5000, s10  }
0x7: {  	s22 =	sadd.s32 $0xD800, s1;
	s4 =	sor.u32 s0, s3;
	s6 =	smul.u32 $0x50000, s0  }
0x8: {  	s3 =	rddreg [dreg:$0x2];
	s0 =	ssub.s32 $0x2, s0;
	s5 =	smul.u32 $0x500, s4  }
0x9: {  	s4 =	simm.s32 $0x0;
	s7 =	sshrl.u32 s8, $0x3;
	s23 =	sshrl.u32 s0, $0x1  }
0xa: {  	s13 =	sadd.s32 s8, s2;
	s15 =	sadd.s32 s8, s3;
	[smem:$0x7FF] =	sst s4  }
0xb: {  	s6 =	sadd.s32 s8, s6;
	s9 =	sadd.s32 s7, s1;
	s0 =	ssub.s32 s0, s23  }
0xc: {  	s13 =	sshrl.u32 s13, $0x3;
	s15 =	sshrl.u32 s15, $0x3;
	s23 =	simm.s32 $0x6000  }
0xd: {  	_ =	strace $0x8000004A;
	s5 =	sadd.s32 s5, s1;
	s6 =	sshrl.u32 s6, $0x3  }
0xe: {  	[dreg:$0x4] =	wrdreg s22;
	s25 =	sadd.s32 $0x1CE00, s9;
	s12 =	smax.u32 s0, $0x1  }
0xf: {  	s22 =	simm.s32 $0x5000;
	s0 =	simm.s32 $0x8;
	s1 =	sadd.s32 s6, s1  }
0x10: {  	s6 =	sshll.u32 s10, $0x6;
	[dreg:$0x6] =	wrdreg s25;
	s26 =	sadd.s32 $0x12E00, s5  }
0x11: {  	s5 =	sadd.s32 $0x3800, s5;
	s25 =	simm.s32 $0x7000;
	[dreg:$0x7] =	wrdreg s26  }
0x12: {  	s24 =	sor.u32 $0x1C01, s6;
	[dreg:$0x8] =	wrdreg s5;
	s11 =	sadd.s32 $0x26E00, s1  }
0x13: {  	s14 =	sor.u32 $0x1C02, s6;
	[dreg:$0x5] =	wrdreg s24;
	s24 =	simm.s32 $0x0  }
.LBB2_1:
0x14: {  	s1 =	rddreg [dreg:$0x4]  }
0x15: {  	s5 =	rddreg [dreg:$0x5]  }
0x16: {  	[spmem:s13], [sflag:s5] =	dma.local [hbm:s1], $0xA00  }
0x17: {  	s1 =	rddreg [dreg:$0x6]  }
0x18: {  	[spmem:s15], [sflag:s14] =	dma.local [hbm:s1], $0xA00  }
0x19: {  	s1 =	rddreg [dreg:$0x7]  }
0x1a: {  	[tilespmem:s4], [sflag:$0x3] =	stream.linear.gather [hbm4b:s1+s4], $0x2800, $0x38;
	[tilespmem:$0x13000] =	vst v63  }
0x1b: {  	s8 =	simm.s32 $0x2800;
	s7 =	rddreg [dreg:$0x8]  }
0x1c: {  	[tilespmem:s8], [sflag:$0x4] =	stream.linear.gather [hbm4b:s7+s4], $0x2800, $0x38;
	[tilespmem:$0x13000] =	vst v63  }
0x1d: {  	_ =	swait.ge [sflag:s17], $0xA00  }
0x1e: {  	[sflag:s17] =	ssyncset.done $0x0  }
0x1f: {  	[sflag:s17] =	ssyncadd.s32 $0xFFFFF600  }
0x20: {  	_ =	swait.ge [sflag:s18], $0xA00  }
0x21: {  	[sflag:s18] =	ssyncset.done $0x0  }
0x22: {  	[sflag:s18] =	ssyncadd.s32 $0xFFFFF600  }
0x23: {  	_ =	swait.ge [sflag:s19], $0x2800  }
0x24: {  	[sflag:s19] =	ssyncset.done $0x0  }
0x25: {  	[sflag:s19] =	ssyncadd.s32 $0xFFFFD800  }
0x26: {  	_ =	swait.ge [sflag:s20], $0x2800  }
0x27: {  	[sflag:s20] =	ssyncset.done $0x0  }
0x28: {  	[sflag:s20] =	ssyncadd.s32 $0xFFFFD800  }
0x29: {  	[bflag:$0x0] =	sbarrier.arrive $0xFFFF  }
0x2a: {  	[tilespmem:s22], [sflag:$0x1] =	stream.indirect.gather [spmem:s3], $0x20, s4, s21, $0xb8;
	[tilespmem:$0x13000] =	vst v63  }
0x2b: {  	_ = 	snop  }
0x2c: {  	[tilespmem:s23], [sflag:$0x2] =	stream.indirect.gather [spmem:s3], $0x20, s21, s21, $0xb8;
	[tilespmem:$0x13000] =	vst v63  }
0x2d: {  	s9 =	simm.s32 $0x100  }
0x2e: {  	[tilespmem:s25], [sflag:$0x3] =	stream.indirect.gather [spmem:s3], $0x20, s9, s21, $0xb8;
	[tilespmem:$0x13000] =	vst v63  }
0x2f: {  	s10 =	simm.s32 $0x180  }
0x30: {  	[tilespmem:s28], [sflag:$0x4] =	stream.indirect.gather [spmem:s3], $0x20, s10, s21, $0xb8;
	[tilespmem:$0x13000] =	vst v63  }
0x31: {  	_ =	swait.ge [sflag:s17], $0x1000  }
0x32: {  	p0 =	por $0x1, $0x1;
	[sflag:s17] =	ssyncset.done $0x0  }
0x33: {  	s26 =	simm.s32 $0x2800;
	s5 =	simm.s32 @!p0 $0x8;
	[sflag:s17] =	ssyncadd.s32 $0xFFFFF000  }
0x34: {  	[spmem:s2] =	stream.indirect.scatter.add.f32 [tilespmem:s22], [sflag:$0x5], $0x20, s26, s21, $0xb8;
	[tilespmem:$0x13000] =	vst v63  }
0x35: {  	_ =	swait.ge @!p0 [sflag:s5], $0x1000  }
0x36: {  	s1 =	simm.s32 @!p0 $0x180;
	[sflag:s5] =	ssyncset.done @!p0 $0x0  }
0x37: {  	s26 =	simm.s32 @!p0 $0x80;
	[sflag:s5] =	ssyncadd.s32 @!p0 $0xFFFFF000;
	s5 =	simm.s32 @!p0 $0x8000  }
0x38: {  	[tilespmem:s5], [sflag:$0x4] =	stream.indirect.gather @!p0 [spmem:s3], $0x20, s1, s26, $0xb8;
	[tilespmem:$0x13000] =	vst v63  }
0x39: {  	_ =	swait.ge [sflag:s18], $0x1000  }
0x3a: {  	[sflag:s18] =	ssyncset.done $0x0  }
0x3b: {  	s7 =	simm.s32 $0x2880;
	[sflag:s18] =	ssyncadd.s32 $0xFFFFF000  }
0x3c: {  	[spmem:s2] =	stream.indirect.scatter.add.f32 [tilespmem:s23], [sflag:$0x6], $0x20, s7, s21, $0xb8;
	[tilespmem:$0x13000] =	vst v63  }
0x3d: {  	_ =	swait.ge [sflag:s29], $0x1000  }
0x3e: {  	[sflag:s29] =	ssyncset.done $0x0  }
0x3f: {  	s8 =	simm.s32 $0x200;
	[sflag:s29] =	ssyncadd.s32 $0xFFFFF000  }
0x40: {  	[tilespmem:s22], [sflag:$0x1] =	stream.indirect.gather [spmem:s3], $0x20, s8, s21, $0xb8;
	[tilespmem:$0x13000] =	vst v63  }
0x41: {  	_ =	swait.ge [sflag:s19], $0x1000  }
0x42: {  	[sflag:s19] =	ssyncset.done $0x0  }
0x43: {  	s9 =	simm.s32 $0x2900;
	[sflag:s19] =	ssyncadd.s32 $0xFFFFF000  }
0x44: {  	[spmem:s2] =	stream.indirect.scatter.add.f32 [tilespmem:s25], [sflag:$0x7], $0x20, s9, s21, $0xb8;
	[tilespmem:$0x13000] =	vst v63  }
0x45: {  	_ =	swait.ge [sflag:s30], $0x1000  }
0x46: {  	[sflag:s30] =	ssyncset.done $0x0  }
0x47: {  	s10 =	simm.s32 $0x280;
	[sflag:s30] =	ssyncadd.s32 $0xFFFFF000  }
0x48: {  	[tilespmem:s23], [sflag:$0x2] =	stream.indirect.gather [spmem:s3], $0x20, s10, s21, $0xb8;
	[tilespmem:$0x13000] =	vst v63  }
0x49: {  	_ =	swait.ge [sflag:s20], $0x1000  }
0x4a: {  	[sflag:s20] =	ssyncset.done $0x0  }
0x4b: {  	s26 =	simm.s32 $0x2980;
	[sflag:s20] =	ssyncadd.s32 $0xFFFFF000  }
0x4c: {  	[spmem:s2] =	stream.indirect.scatter.add.f32 [tilespmem:s28], [sflag:$0x8], $0x20, s26, s21, $0xb8;
	[tilespmem:$0x13000] =	vst v63  }
0x4d: {  	s1 =	simm.s32 $0x800;
	_ =	swait.ge [sflag:s31], $0x1000  }
0x4e: {  	s5 =	simm.s32 $0x300;
	s26 =	simm.s32 $0xFFFFFFFC;
	[sflag:s31] =	ssyncset.done $0x0  }
.LBB2_2:
0x4f: {  	[sflag:s31] =	ssyncadd.s32 $0xFFFFF000  }
0x50: {  	s26 =	sadd.s32 $0x4, s26;
	s7 =	smov.u32 s1;
	s1 =	sadd.s32 $0x800, s1  }
0x51: {  	[tilespmem:s25], [sflag:$0x3] =	stream.indirect.gather [spmem:s3], $0x20, s5, s21, $0xb8;
	[tilespmem:$0x13000] =	vst v63  }
0x52: {  	s5 =	sshra.s32 s7, $0x2;
	p0 =	sne.s32 s1, $0x9800;
	_ =	swait.ge [sflag:s17], $0x1000  }
0x53: {  	p1 =	sgt.u32 s26, $0x4B;
	s8 =	sadd.s32 $0x2800, s5;
	[sflag:s17] =	ssyncset.done $0x0  }
0x54: {  	s9 =	simm.s32 @!p1 $0x8;
	s7 =	sshra.s32 @!p1 s7, $0x2;
	[sflag:s17] =	ssyncadd.s32 $0xFFFFF000  }
0x55: {  	[spmem:s2] =	stream.indirect.scatter.add.f32 [tilespmem:s22], [sflag:$0x5], $0x20, s8, s21, $0xb8;
	[tilespmem:$0x13000] =	vst v63  }
0x56: {  	s7 =	sadd.s32 @!p1 $0x180, s7;
	_ =	swait.ge @!p1 [sflag:s9], $0x1000  }
0x57: {  	s10 =	simm.s32 @!p1 $0x8000;
	s8 =	simm.s32 @!p1 $0x80;
	[sflag:s9] =	ssyncset.done @!p1 $0x0  }
0x58: {  	[sflag:s9] =	ssyncadd.s32 @!p1 $0xFFFFF000  }
0x59: {  	[tilespmem:s10], [sflag:$0x4] =	stream.indirect.gather @!p1 [spmem:s3], $0x20, s7, s8, $0xb8;
	[tilespmem:$0x13000] =	vst v63  }
0x5a: {  	_ =	swait.ge [sflag:s18], $0x1000  }
0x5b: {  	s7 =	sadd.s32 $0x2880, s5;
	[sflag:s18] =	ssyncset.done $0x0  }
0x5c: {  	[sflag:s18] =	ssyncadd.s32 $0xFFFFF000  }
0x5d: {  	[spmem:s2] =	stream.indirect.scatter.add.f32 [tilespmem:s23], [sflag:$0x6], $0x20, s7, s21, $0xb8;
	[tilespmem:$0x13000] =	vst v63  }
0x5e: {  	_ =	swait.ge [sflag:s29], $0x1000  }
0x5f: {  	s7 =	sadd.s32 $0x200, s5;
	[sflag:s29] =	ssyncset.done $0x0  }
0x60: {  	[sflag:s29] =	ssyncadd.s32 $0xFFFFF000  }
0x61: {  	[tilespmem:s22], [sflag:$0x1] =	stream.indirect.gather [spmem:s3], $0x20, s7, s21, $0xb8;
	[tilespmem:$0x13000] =	vst v63  }
0x62: {  	_ =	swait.ge [sflag:s19], $0x1000  }
0x63: {  	s7 =	sadd.s32 $0x2900, s5;
	[sflag:s19] =	ssyncset.done $0x0  }
0x64: {  	[sflag:s19] =	ssyncadd.s32 $0xFFFFF000  }
0x65: {  	[spmem:s2] =	stream.indirect.scatter.add.f32 [tilespmem:s25], [sflag:$0x7], $0x20, s7, s21, $0xb8;
	[tilespmem:$0x13000] =	vst v63  }
0x66: {  	_ =	swait.ge [sflag:s30], $0x1000  }
0x67: {  	s7 =	sadd.s32 $0x280, s5;
	[sflag:s30] =	ssyncset.done $0x0  }
0x68: {  	[sflag:s30] =	ssyncadd.s32 $0xFFFFF000  }
0x69: {  	[tilespmem:s23], [sflag:$0x2] =	stream.indirect.gather [spmem:s3], $0x20, s7, s21, $0xb8;
	[tilespmem:$0x13000] =	vst v63  }
0x6a: {  	_ =	swait.ge [sflag:s20], $0x1000  }
.Ltmp0:
0x6b: {  	s7 =	sadd.s32 $0x2980, s5;
	[sflag:s20] =	ssyncset.done $0x0;
	(pc) =	sbr.rel @p0 .LBB2_2-.Ltmp0, $4  }
0x6c: {  	[sflag:s20] =	ssyncadd.s32 $0xFFFFF000  }
0x6d: {  	[spmem:s2] =	stream.indirect.scatter.add.f32 [tilespmem:s28], [sflag:$0x8], $0x20, s7, s21, $0xb8;
	[tilespmem:$0x13000] =	vst v63  }
0x6e: {  	_ =	swait.ge [sflag:s31], $0x1000  }
0x6f: {  	s5 =	sadd.s32 $0x300, s5;
	[sflag:s31] =	ssyncset.done $0x0  }
0x70: {  	[sflag:s31] =	ssyncadd.s32 $0xFFFFF000  }
0x71: {  	[tilespmem:s25], [sflag:$0x3] =	stream.indirect.gather [spmem:s3], $0x20, s5, s21, $0xb8;
	[tilespmem:$0x13000] =	vst v63  }
0x72: {  	_ =	swait.ge [sflag:s17], $0x1000  }
0x73: {  	[sflag:s17] =	ssyncset.done $0x0  }
0x74: {  	s1 =	simm.s32 $0x4E00;
	[sflag:s17] =	ssyncadd.s32 $0xFFFFF000  }
0x75: {  	[spmem:s2] =	stream.indirect.scatter.add.f32 [tilespmem:s22], [sflag:$0x5], $0x20, s1, s21, $0xb8;
	[tilespmem:$0x13000] =	vst v63  }
0x76: {  	_ =	swait.ge [sflag:s0], $0x1000  }
0x77: {  	[sflag:s0] =	ssyncset.done $0x0  }
0x78: {  	s7 =	simm.s32 $0x2780;
	[sflag:s0] =	ssyncadd.s32 $0xFFFFF000  }
0x79: {  	[tilespmem:s28], [sflag:$0x4] =	stream.indirect.gather [spmem:s3], $0x20, s7, s21, $0xb8;
	[tilespmem:$0x13000] =	vst v63  }
0x7a: {  	_ =	swait.ge [sflag:s18], $0x1000  }
0x7b: {  	[sflag:s18] =	ssyncset.done $0x0  }
0x7c: {  	s8 =	simm.s32 $0x4E80;
	[sflag:s18] =	ssyncadd.s32 $0xFFFFF000  }
0x7d: {  	[spmem:s2] =	stream.indirect.scatter.add.f32 [tilespmem:s23], [sflag:$0x6], $0x20, s8, s21, $0xb8;
	[tilespmem:$0x13000] =	vst v63  }
0x7e: {  	_ =	swait.ge [sflag:s19], $0x1000  }
0x7f: {  	[sflag:s19] =	ssyncset.done $0x0  }
0x80: {  	s9 =	simm.s32 $0x4F00;
	[sflag:s19] =	ssyncadd.s32 $0xFFFFF000  }
0x81: {  	[spmem:s2] =	stream.indirect.scatter.add.f32 [tilespmem:s25], [sflag:$0x7], $0x20, s9, s21, $0xb8;
	[tilespmem:$0x13000] =	vst v63  }
0x82: {  	_ =	swait.ge [sflag:s20], $0x1000  }
0x83: {  	[sflag:s20] =	ssyncset.done $0x0  }
0x84: {  	s10 =	simm.s32 $0x4F80;
	[sflag:s20] =	ssyncadd.s32 $0xFFFFF000  }
0x85: {  	[spmem:s2] =	stream.indirect.scatter.add.f32 [tilespmem:s28], [sflag:$0x8], $0x20, s10, s21, $0xb8;
	[tilespmem:$0x13000] =	vst v63  }
0x86: {  	_ =	swait.ge [sflag:s29], $0x1000  }
0x87: {  	[sflag:s29] =	ssyncset.done $0x0  }
0x88: {  	[sflag:s29] =	ssyncadd.s32 $0xFFFFF000  }
0x89: {  	_ =	swait.ge [sflag:s30], $0x1000  }
0x8a: {  	[sflag:s30] =	ssyncset.done $0x0  }
0x8b: {  	[sflag:s30] =	ssyncadd.s32 $0xFFFFF000  }
0x8c: {  	_ =	swait.ge [sflag:s31], $0x1000  }
0x8d: {  	[sflag:s31] =	ssyncset.done $0x0  }
0x8e: {  	[sflag:s31] =	ssyncadd.s32 $0xFFFFF000  }
0x8f: {  	_ =	swait.ge [sflag:s0], $0x1000  }
0x90: {  	s24 =	sadd.s32 $0x1, s24;
	[sflag:s0] =	ssyncset.done $0x0  }
0x91: {  	p0 =	sne.s32 s24, s12;
	[sflag:s0] =	ssyncadd.s32 $0xFFFFF000  }
.Ltmp1:
0x92: {  	s26 =	sor.u32 $0x1C09, s6;
	[bflag:$0x0] =	sbarrier.arrive $0xFFFF;
	(pc) =	sbr.rel @p0 .LBB2_1-.Ltmp1, $4  }
0x93: {  	[hbm:s11], [sflag:s26] =	dma.local [spmem:s13], $0xA00  }
0x94: {  	_ =	swait.ge [sflag:s16], $0xA00  }
0x95: {  	[sflag:s16] =	ssyncset.done $0x0  }
0x96: {  	[sflag:s16] =	ssyncadd.s32 $0xFFFFF600  }
0x97: {  	_ =	sfence.sel $0x180000  }
0x98: {  	[bflag:$0x0] =	sbarrier.arrive $0xFFFF  }
0x99: {  	_ =	strace $0x9000004A  }
0x9a: {  	s0 =	stileid.u32;
	[bflag:$0x2] =	sbarrier.arrive $0xFFFF  }
0x9b: {  	p0 =	sne.s32 s0, $0x0;
	s0 =	rddreg [dreg:$0x3]  }
0x9c: {  	s0 =	sadd.s32 @!p0 $0x100000, s0  }
0x9d: {  	[sflag:s0] =	ssyncadd.tile.s32 @!p0 $0x1;
	_ =	shalt  }
.Lfunc_end2:
_tile_overlayer_lowered:
.L_overlay_start_2:
0x9e: {  	(tag) =	ssettag $0x2  }
0x9f: {  	s0 =	rddreg [dreg:$0x0];
	s2 =	stileid.u32  }
0xa0: {  	s1 =	rddreg [dreg:$0x1];
	p0 =	sne.s32 s2, $0x0  }
0xa1: {  	s3 =	rddreg [dreg:$0x2];
	[bflag:$0x3] =	sbarrier.arrive $0xFFFF;
	s2 =	simm.s32 @!p0 $0x1C09  }
0xa2: {  	[timem:s3], [sflag:s2] =	dma.local @!p0 [hbm:s0], s1  }
0xa3: {  	s0 =	simm.s32 @!p0 $0x9  }
0xa4: {  	_ =	swait.ge @!p0 [sflag:s0], s1  }
0xa5: {  	s1 =	ssub.s32 @!p0 $0x0, s1;
	[sflag:s0] =	ssyncset.done @!p0 $0x0  }
0xa6: {  	[sflag:s0] =	ssyncadd.s32 @!p0 s1  }
0xa7: {  	[bflag:$0x3] =	sbarrier.arrive $0xFFFF  }
0xa8: {  	_ =	shalt  }

// kernel: kernel.17.cloned.1.call-start
scs
__scs_entry_jumppad:
0x0: {  	(pc) =	sbr.rel $0x88, $3  }
0x1: {  	(tag) =	ssettag $0x0;
	lr =	simm.s32 $0x1  }
0x2: {  	[smem:$0x3F8E] =	sst lr;
	_ =	strace $0xD0000000  }
0x3: {  	_ = 	snop  }
0x4: {  	_ = 	snop  }
0x5: {  	_ = 	snop  }
0x6: {  	_ = 	snop  }
0x7: {  	_ = 	snop  }
__scs_overlays_trampoline_lowered:
0x8: {  	[smem:$0x3F9D] =	sst s0  }
0x9: {  	[smem:$0x3F9E] =	sst s1  }
0xa: {  	[smem:$0x3F9F] =	sst s2  }
0xb: {  	[smem:$0x3FA0] =	sst s3  }
0xc: {  	[smem:$0x3FA1] =	sst s4  }
0xd: {  	[smem:$0x3FA2] =	sst s5  }
0xe: {  	[smem:$0x3FA3] =	sst s6  }
0xf: {  	[smem:$0x3FA4] =	sst s7  }
0x10: {  	[smem:$0x3FA5] =	sst s8  }
0x11: {  	[smem:$0x3FA6] =	sst s9;
	s0 =	simm.s32 @!p0 $0x0  }
0x12: {  	s1 =	sld [smem:$0x3F8C];
	s0 =	simm.s32 @p0 $0x1  }
0x13: {  	[smem:$0x3FA7] =	sst s0;
	s0 =	simm.s32 @!p1 $0x0  }
0x14: {  	s2 =	sld [smem:$0x3F8B];
	s0 =	simm.s32 @p1 $0x1  }
0x15: {  	[smem:$0x3FA8] =	sst s0;
	s0 =	simm.s32 @!p2 $0x0  }
0x16: {  	s3 =	sld [smem:$0x3FDB];
	s0 =	simm.s32 @p2 $0x1  }
0x17: {  	s4 =	simm.s32 $0x1BF5;
	[smem:$0x3FAA] =	sst s0  }
0x18: {  	s0 =	sld [smem:$0x3F8D];
	_ =	swait.ge [sflag:s4], $0x0  }
0x19: {  	s7 =	sld [smem:$0x3F8E]  }
0x1a: {  	s8 =	sadd.s32 $0xFFFFE003, lr  }
0x1b: {  	s9 =	sadd.s32 $0xFFFFFEF7, lr;
	s5 =	simm.s32 $0xFFFFFFFF;
	p2 =	slt.u32 s8, $0xFFFFF086  }
0x1c: {  	p1 =	slt.u32 s9, $0xF7A;
	s5 =	simm.s32 @!p2 $0x0  }
0x1d: {  	s5 =	simm.s32 @p1 $0x1;
	p0 =	seq.s32 s7, s2  }
0x1e: {  	s7 =	smul.u32 @!p0 $0xF7A, s2;
	p2 =	seq.s32 @!p0 s5, $0x0  }
0x1f: {  	s9 =	smul.u32 $0xF7A, s1;
	s8 =	simm.s32 @!p0 $0x1BF5;
	p2 =	por !p2, p0  }
0x20: {  	[sflag:s8] =	ssyncset.s32 @!p0 $0xFFFFF086;
	s6 =	sadd.s32 @!p0 s3, s7;
	s7 =	simm.s32 @!p0 $0x108  }
0x21: {  	s3 =	sadd.s32 s3, s9;
	s6 =	sadd.s32 @!p0 $0x88, s6;
	s7 =	simm.s32 @p2 $0x1082  }
0x22: {  	[simem:s7], [sflag:s8] =	dma.local @!p0 [hbm:s6], $0xF7A  }
0x23: {  	s9 =	sor.u32 $0xD0000000, s2;
	s6 =	simm.s32 $0x108;
	_ =	swait.ge @!p0 [sflag:s8], $0x0  }
0x24: {  	s3 =	sadd.s32 $0x88, s3;
	s6 =	simm.s32 @!p1 $0x1082;
	[sflag:s4] =	ssyncset.s32 $0xFFFFF086  }
0x25: {  	[simem:s6], [sflag:s4] =	dma.local [hbm:s3], $0xF7A  }
0x26: {  	[smem:$0x3F8E] =	sst s1;
	(tag) =	ssettag s2;
	_ =	strace s9  }
0x27: {  	s1 =	sld [smem:$0x3F9E]  }
0x28: {  	s2 =	sld [smem:$0x3F9F]  }
0x29: {  	s4 =	sld [smem:$0x3FA1]  }
0x2a: {  	p0 =	seq.s32 s5, $0x0;
	s5 =	sld [smem:$0x3FA2]  }
0x2b: {  	s6 =	sld [smem:$0x3FA3]  }
0x2c: {  	s7 =	sld [smem:$0x3FA4]  }
0x2d: {  	s3 =	simm.s32 $0x108;
	s8 =	sld [smem:$0x3FA5]  }
0x2e: {  	s3 =	simm.s32 @!p0 $0x1082;
	s9 =	sld [smem:$0x3FA6]  }
0x2f: {  	lr =	sadd.s32 s0, s3;
	s0 =	sld [smem:$0x3F9D]  }
0x30: {  	s3 =	sld [smem:$0x3FA0]  }
0x31: {  	[smem:$0x3FA9] =	sst s10  }
0x32: {  	s10 =	sld [smem:$0x3FA7];
	_ =	sdelay $0x3  }
0x33: {  	p0 =	seq.s32 s10, $0x1;
	s10 =	sld [smem:$0x3FA9];
	_ =	sdelay $0x3  }
0x34: {  	[smem:$0x3FA9] =	sst s10  }
0x35: {  	s10 =	sld [smem:$0x3FA8];
	_ =	sdelay $0x3  }
0x36: {  	p1 =	seq.s32 s10, $0x1;
	s10 =	sld [smem:$0x3FA9];
	_ =	sdelay $0x3  }
0x37: {  	[smem:$0x3FA9] =	sst s10  }
0x38: {  	s10 =	sld [smem:$0x3FAA]  }
0x39: {  	_ = 	snop;
	(pc) =	sbr.ind lr, $3  }
0x3a: {  	_ = 	snop  }
0x3b: {  	_ = 	snop  }
0x3c: {  	p2 =	seq.s32 s10, $0x1;
	s10 =	sld [smem:$0x3FA9]  }
0x3d: {  	_ =	shalt  }
0x3e: {  	_ =	shalt  }
0x3f: {  	_ =	shalt  }
0x40: {  	_ =	shalt  }
0x41: {  	_ =	shalt  }
0x42: {  	_ =	shalt  }
0x43: {  	_ =	shalt  }
0x44: {  	_ =	shalt  }
0x45: {  	_ =	shalt  }
0x46: {  	_ =	shalt  }
0x47: {  	_ =	shalt  }
0x48: {  	_ =	shalt  }
0x49: {  	_ =	shalt  }
0x4a: {  	_ =	shalt  }
0x4b: {  	_ =	shalt  }
0x4c: {  	_ =	shalt  }
0x4d: {  	_ =	shalt  }
0x4e: {  	_ =	shalt  }
0x4f: {  	_ =	shalt  }
0x50: {  	_ =	shalt  }
0x51: {  	_ =	shalt  }
0x52: {  	_ =	shalt  }
0x53: {  	_ =	shalt  }
0x54: {  	_ =	shalt  }
0x55: {  	_ =	shalt  }
0x56: {  	_ =	shalt  }
0x57: {  	_ =	shalt  }
0x58: {  	_ =	shalt  }
0x59: {  	_ =	shalt  }
0x5a: {  	_ =	shalt  }
0x5b: {  	_ =	shalt  }
0x5c: {  	_ =	shalt  }
0x5d: {  	_ =	shalt  }
0x5e: {  	_ =	shalt  }
0x5f: {  	_ =	shalt  }
0x60: {  	_ =	shalt  }
0x61: {  	_ =	shalt  }
0x62: {  	_ =	shalt  }
0x63: {  	_ =	shalt  }
0x64: {  	_ =	shalt  }
0x65: {  	_ =	shalt  }
0x66: {  	_ =	shalt  }
0x67: {  	_ =	shalt  }
0x68: {  	_ =	shalt  }
0x69: {  	_ =	shalt  }
0x6a: {  	_ =	shalt  }
0x6b: {  	_ =	shalt  }
0x6c: {  	_ =	shalt  }
0x6d: {  	_ =	shalt  }
0x6e: {  	_ =	shalt  }
0x6f: {  	_ =	shalt  }
0x70: {  	_ =	shalt  }
0x71: {  	_ =	shalt  }
0x72: {  	_ =	shalt  }
0x73: {  	_ =	shalt  }
0x74: {  	_ =	shalt  }
0x75: {  	_ =	shalt  }
0x76: {  	_ =	shalt  }
0x77: {  	_ =	shalt  }
0x78: {  	_ =	shalt  }
0x79: {  	_ =	shalt  }
0x7a: {  	_ =	shalt  }
0x7b: {  	_ =	shalt  }
0x7c: {  	_ =	shalt  }
0x7d: {  	_ =	shalt  }
0x7e: {  	_ =	shalt  }
0x7f: {  	_ =	shalt  }
0x80: {  	_ =	shalt  }
0x81: {  	_ =	shalt  }
0x82: {  	_ =	shalt  }
0x83: {  	_ =	shalt  }
0x84: {  	_ =	shalt  }
0x85: {  	_ =	shalt  }
0x86: {  	_ =	shalt  }
0x87: {  	_ =	shalt  }
.Lfunc_end0:
.L_simem_size_0:
called_computation.2_lowered:
.L_overlay_start_0:
0x88: {  	s2 =	sld [smem:$0x3FD9]  }
0x89: {  	s3 =	sld [smem:$0x3FFE];
	_ =	sdelay $0x1  }
0x8a: {  	s1 =	srdreg.scid  }
0x8b: {  	s0 =	sand.u32 $0x1, s1  }
0x8c: {  	s17 =	sshll.u32 s0, $0xA;
	s2 =	sadd.s32 s3, s2  }
0x8d: {  	s2 =	sadd.s32 s2, s17  }
0x8e: {  	[smem:$0x3FB5] =	sst s2  }
0x8f: {  	_ = 	snop  }
0x90: {  	(tm) =	ssettm $0x1  }
0x91: {  	s18 =	sld [smem:$0x3FFB];
	_ =	sdelay $0x3  }
0x92: {  	_ =	strace s18  }
0x93: {  	s2 =	sld [smem:$0x3FFC];
	_ =	sdelay $0x3  }
0x94: {  	_ =	strace s2  }
0x95: {  	s2 =	sld [smem:$0x3FFD];
	_ =	sdelay $0x3  }
0x96: {  	_ =	strace s2  }
0x97: {  	_ =	strace $0x8FFFFFFF  }
0x98: {  	s19 =	sld [smem:$0x3FDB];
	_ =	sdelay $0x1  }
0x99: {  	s20 =	simm.s32 $_scs_section_size  }
0x9a: {  	s4 =	simm.s32 $_size__tile_overlayer_lowered;
	s5 =	simm.s32 $_tile_overlayer_lowered  }
0x9b: {  	s6 =	simm.s32 $0x1BFF;
	s21 =	sshll.u32 s5, $0x1;
	s3 =	sadd.s32 s20, s19  }
0x9c: {  	s22 =	simm.s32 $0x0;
	s4 =	sshll.u32 s4, $0x1;
	s5 =	sadd.s32 s21, s3  }
0x9d: {  	[timem:s22], [sflag:s6] =	dma.local [hbm:s5], s4  }
0x9e: {  	_ =	swait.ge [sflag:s6], s4  }
0x9f: {  	s4 =	ssub.s32 $0x0, s4;
	[sflag:s6] =	ssyncset.done $0x0  }
0xa0: {  	[sflag:s6] =	ssyncadd.s32 s4;
	_ =	sdelay $0x1  }
0xa1: {  	s23 =	simm.s32 $0x1B8B  }
0xa2: {  	_ =	swait.ge [sflag:s23], $0x1  }
0xa3: {  	[sflag:s23] =	ssyncset.done $0x0  }
0xa4: {  	[sflag:s23] =	ssyncadd.s32 $0xFFFFFFFF  }
0xa5: {  	s4 =	sld [smem:$0x0]  }
0xa6: {  	s5 =	sand.u32 $0xFFFFFFFE, s1  }
0xa7: {  	p0 =	sne.s32 s1, s5  }
0xa8: {  	s5 =	sshll.u32 @p0 s5, $0xE  }
0xa9: {  	s5 =	sadd.s32 @p0 $0x11B8D, s5;
	s6 =	sshll.u32 @p0 s4, $0x11  }
0xaa: {  	s5 =	sor.u32 @p0 s6, s5  }
0xab: {  	[sflag:s5] =	ssyncadd.remote.s32 @p0 $0x1;
	_ =	sdelay $0x1  }
0xac: {  	s5 =	simm.s32 @p0 $0x1B8D  }
0xad: {  	_ =	swait.eq @p0 [sflag:s5], $0x1  }
0xae: {  	[sflag:s5] =	ssyncadd.s32 @p0 $0xFFFFFFFF  }
0xaf: {  	s6 =	sshll.u32 @!p0 s1, $0xE  }
0xb0: {  	s6 =	sor.u32 @!p0 $0x4000, s6;
	s5 =	simm.s32 @!p0 $0x1B8D  }
0xb1: {  	s4 =	sshll.u32 @!p0 s4, $0x11;
	s6 =	sadd.s32 @!p0 $0x11B8D, s6;
	_ =	swait.eq @!p0 [sflag:s5], $0x1  }
0xb2: {  	s4 =	sor.u32 @!p0 s4, s6;
	[sflag:s5] =	ssyncadd.s32 @!p0 $0xFFFFFFFF  }
0xb3: {  	s25 =	simm.s32 $0x1B8E;
	s24 =	sld [smem:$0x3FFE];
	[sflag:s4] =	ssyncadd.remote.s32 @!p0 $0x1  }
0xb4: {  	s26 =	simm.s32 $execute0_lowered;
	[smem:$0x3FD2] =	sst s25  }
0xb5: {  	s5 =	sshll.u32 s26, $0x1;
	_ =	strace $0x8000004F;
	[dreg:$0x1] =	wrdreg $0xFFFFFFFF  }
0xb6: {  	s28 =	simm.s32 $_size_execute0_lowered;
	s3 =	sadd.s32 s3, s5;
	[dreg:$0x0] =	wrdreg $0x0  }
0xb7: {  	s5 =	sshll.u32 s28, $0x1;
	[dreg:$0x2] =	wrdreg s3  }
0xb8: {  	[dreg:$0x3] =	wrdreg s5  }
0xb9: {  	[dreg:$0x4] =	wrdreg $0xC0  }
0xba: {  	_ =	task [dreg:s22], $0x5FFFF  }
0xbb: {  	[dreg:$0x1] =	wrdreg $0xFFFFFFFF  }
0xbc: {  	[dreg:$0x0] =	wrdreg $0x60  }
0xbd: {  	[dreg:$0x2] =	wrdreg s24  }
0xbe: {  	[dreg:$0x3] =	wrdreg $0xE0000  }
0xbf: {  	[dreg:$0x4] =	wrdreg $0x90000  }
0xc0: {  	[dreg:$0x5] =	wrdreg $0x9  }
0xc1: {  	_ =	task.clear_ibuf [dreg:s22], $0x6FFFF;
	_ =	strace $0x9000004F  }
0xc2: {  	s29 =	simm.s32 $0x9;
	_ =	strace $0x80000051  }
0xc3: {  	_ =	swait.ge [sflag:s29], $0x1  }
0xc4: {  	[sflag:s29] =	ssyncadd.s32 $0xFFFFFFFF  }
0xc5: {  	_ =	strace $0x90000051  }
0xc6: {  	_ =	sfence  }
0xc7: {  	s30 =	sld [smem:$0x0];
	_ =	sdelay $0x2  }
0xc8: {  	s31 =	sshll.u32 s1, $0xD;
	s1 =	sshrl.u32 s1, $0x2  }
0xc9: {  	s4 =	sand.u32 $0x4000, s31;
	s1 =	sadd.s32 s1, s30  }
0xca: {  	s0 =	sor.u32 s4, s0;
	s1 =	sshll.u32 s1, $0x11  }
0xcb: {  	s0 =	sor.u32 s1, s0  }
0xcc: {  	s0 =	sadd.s32 $0x8F2B, s0  }
0xcd: {  	[sflag:s0] =	ssyncadd.remote.s32 $0x1  }
0xce: {  	_ =	sfence.sel $0xFFFF  }
0xcf: {  	[dreg:$0x0] =	wrdreg $0xFFFFFFFF;
	(pc) =	sbr.abs _section_cstart, $3  }
0xd0: {  	[dreg:$0x1] =	wrdreg $0xFFFFFFFF  }
0xd1: {  	_ =	task.clear_ibuf [dreg:s22], $0x2FFFF;
	_ =	strace $0x9FFFFFFF  }
0xd2: {  	(tm) =	ssettm $0x7FFFFFFF  }
0xd3: {  	_ =	shalt  }
tec
execute0_lowered:
.L_overlay_start_1:
0x0: {  	(tag) =	ssettag $0x1  }
0x1: {  	s0 =	srdreg.scid;
	s1 =	rddreg [dreg:$0x0]  }
0x2: {  	s10 =	stileid.u32;
	s2 =	rddreg [dreg:$0x1];
	s17 =	simm.s32 $0x1  }
0x3: {  	s18 =	simm.s32 $0x2;
	s19 =	simm.s32 $0x3;
	s20 =	simm.s32 $0x4  }
0x4: {  	s21 =	simm.s32 $0x80;
	s28 =	simm.s32 $0x8000;
	s29 =	simm.s32 $0x5  }
0x5: {  	s30 =	simm.s32 $0x6;
	s31 =	simm.s32 $0x7;
	s16 =	simm.s32 $0x9  }
0x6: {  	s0 =	sand.u32 $0x1, s0;
	s3 =	sshll.u32 s10, $0x1;
	s8 =	smul.u32 $0x5000, s10  }
0x7: {  	s22 =	sadd.s32 $0xD800, s1;
	s4 =	sor.u32 s0, s3;
	s6 =	smul.u32 $0x50000, s0  }
0x8: {  	s3 =	rddreg [dreg:$0x2];
	s0 =	ssub.s32 $0x2, s0;
	s5 =	smul.u32 $0x500, s4  }
0x9: {  	s4 =	simm.s32 $0x0;
	s7 =	sshrl.u32 s8, $0x3;
	s23 =	sshrl.u32 s0, $0x1  }
0xa: {  	s13 =	sadd.s32 s8, s2;
	s15 =	sadd.s32 s8, s3;
	[smem:$0x7FF] =	sst s4  }
0xb: {  	s6 =	sadd.s32 s8, s6;
	s9 =	sadd.s32 s7, s1;
	s0 =	ssub.s32 s0, s23  }
0xc: {  	s13 =	sshrl.u32 s13, $0x3;
	s15 =	sshrl.u32 s15, $0x3;
	s23 =	simm.s32 $0x6000  }
0xd: {  	_ =	strace $0x80000050;
	s5 =	sadd.s32 s5, s1;
	s6 =	sshrl.u32 s6, $0x3  }
0xe: {  	[dreg:$0x4] =	wrdreg s22;
	s25 =	sadd.s32 $0x3AE00, s9;
	s12 =	smax.u32 s0, $0x1  }
0xf: {  	s22 =	simm.s32 $0x5000;
	s0 =	simm.s32 $0x8;
	s1 =	sadd.s32 s6, s1  }
0x10: {  	s6 =	sshll.u32 s10, $0x6;
	[dreg:$0x6] =	wrdreg s25;
	s26 =	sadd.s32 $0x12E00, s5  }
0x11: {  	s5 =	sadd.s32 $0x3800, s5;
	s25 =	simm.s32 $0x7000;
	[dreg:$0x7] =	wrdreg s26  }
0x12: {  	s24 =	sor.u32 $0x1C01, s6;
	[dreg:$0x8] =	wrdreg s5;
	s11 =	sadd.s32 $0x44E00, s1  }
0x13: {  	s14 =	sor.u32 $0x1C02, s6;
	[dreg:$0x5] =	wrdreg s24;
	s24 =	simm.s32 $0x0  }
.LBB2_1:
0x14: {  	s1 =	rddreg [dreg:$0x4]  }
0x15: {  	s5 =	rddreg [dreg:$0x5]  }
0x16: {  	[spmem:s13], [sflag:s5] =	dma.local [hbm:s1], $0xA00  }
0x17: {  	s1 =	rddreg [dreg:$0x6]  }
0x18: {  	[spmem:s15], [sflag:s14] =	dma.local [hbm:s1], $0xA00  }
0x19: {  	s1 =	rddreg [dreg:$0x7]  }
0x1a: {  	[tilespmem:s4], [sflag:$0x3] =	stream.linear.gather [hbm4b:s1+s4], $0x2800, $0x38;
	[tilespmem:$0x13000] =	vst v63  }
0x1b: {  	s8 =	simm.s32 $0x2800;
	s7 =	rddreg [dreg:$0x8]  }
0x1c: {  	[tilespmem:s8], [sflag:$0x4] =	stream.linear.gather [hbm4b:s7+s4], $0x2800, $0x38;
	[tilespmem:$0x13000] =	vst v63  }
0x1d: {  	_ =	swait.ge [sflag:s17], $0xA00  }
0x1e: {  	[sflag:s17] =	ssyncset.done $0x0  }
0x1f: {  	[sflag:s17] =	ssyncadd.s32 $0xFFFFF600  }
0x20: {  	_ =	swait.ge [sflag:s18], $0xA00  }
0x21: {  	[sflag:s18] =	ssyncset.done $0x0  }
0x22: {  	[sflag:s18] =	ssyncadd.s32 $0xFFFFF600  }
0x23: {  	_ =	swait.ge [sflag:s19], $0x2800  }
0x24: {  	[sflag:s19] =	ssyncset.done $0x0  }
0x25: {  	[sflag:s19] =	ssyncadd.s32 $0xFFFFD800  }
0x26: {  	_ =	swait.ge [sflag:s20], $0x2800  }
0x27: {  	[sflag:s20] =	ssyncset.done $0x0  }
0x28: {  	[sflag:s20] =	ssyncadd.s32 $0xFFFFD800  }
0x29: {  	[bflag:$0x0] =	sbarrier.arrive $0xFFFF  }
0x2a: {  	[tilespmem:s22], [sflag:$0x1] =	stream.indirect.gather [spmem:s3], $0x20, s4, s21, $0xb8;
	[tilespmem:$0x13000] =	vst v63  }
0x2b: {  	_ = 	snop  }
0x2c: {  	[tilespmem:s23], [sflag:$0x2] =	stream.indirect.gather [spmem:s3], $0x20, s21, s21, $0xb8;
	[tilespmem:$0x13000] =	vst v63  }
0x2d: {  	s9 =	simm.s32 $0x100  }
0x2e: {  	[tilespmem:s25], [sflag:$0x3] =	stream.indirect.gather [spmem:s3], $0x20, s9, s21, $0xb8;
	[tilespmem:$0x13000] =	vst v63  }
0x2f: {  	s10 =	simm.s32 $0x180  }
0x30: {  	[tilespmem:s28], [sflag:$0x4] =	stream.indirect.gather [spmem:s3], $0x20, s10, s21, $0xb8;
	[tilespmem:$0x13000] =	vst v63  }
0x31: {  	_ =	swait.ge [sflag:s17], $0x1000  }
0x32: {  	p0 =	por $0x1, $0x1;
	[sflag:s17] =	ssyncset.done $0x0  }
0x33: {  	s26 =	simm.s32 $0x2800;
	s5 =	simm.s32 @!p0 $0x8;
	[sflag:s17] =	ssyncadd.s32 $0xFFFFF000  }
0x34: {  	[spmem:s2] =	stream.indirect.scatter.add.f32 [tilespmem:s22], [sflag:$0x5], $0x20, s26, s21, $0xb8;
	[tilespmem:$0x13000] =	vst v63  }
0x35: {  	_ =	swait.ge @!p0 [sflag:s5], $0x1000  }
0x36: {  	s1 =	simm.s32 @!p0 $0x180;
	[sflag:s5] =	ssyncset.done @!p0 $0x0  }
0x37: {  	s26 =	simm.s32 @!p0 $0x80;
	[sflag:s5] =	ssyncadd.s32 @!p0 $0xFFFFF000;
	s5 =	simm.s32 @!p0 $0x8000  }
0x38: {  	[tilespmem:s5], [sflag:$0x4] =	stream.indirect.gather @!p0 [spmem:s3], $0x20, s1, s26, $0xb8;
	[tilespmem:$0x13000] =	vst v63  }
0x39: {  	_ =	swait.ge [sflag:s18], $0x1000  }
0x3a: {  	[sflag:s18] =	ssyncset.done $0x0  }
0x3b: {  	s7 =	simm.s32 $0x2880;
	[sflag:s18] =	ssyncadd.s32 $0xFFFFF000  }
0x3c: {  	[spmem:s2] =	stream.indirect.scatter.add.f32 [tilespmem:s23], [sflag:$0x6], $0x20, s7, s21, $0xb8;
	[tilespmem:$0x13000] =	vst v63  }
0x3d: {  	_ =	swait.ge [sflag:s29], $0x1000  }
0x3e: {  	[sflag:s29] =	ssyncset.done $0x0  }
0x3f: {  	s8 =	simm.s32 $0x200;
	[sflag:s29] =	ssyncadd.s32 $0xFFFFF000  }
0x40: {  	[tilespmem:s22], [sflag:$0x1] =	stream.indirect.gather [spmem:s3], $0x20, s8, s21, $0xb8;
	[tilespmem:$0x13000] =	vst v63  }
0x41: {  	_ =	swait.ge [sflag:s19], $0x1000  }
0x42: {  	[sflag:s19] =	ssyncset.done $0x0  }
0x43: {  	s9 =	simm.s32 $0x2900;
	[sflag:s19] =	ssyncadd.s32 $0xFFFFF000  }
0x44: {  	[spmem:s2] =	stream.indirect.scatter.add.f32 [tilespmem:s25], [sflag:$0x7], $0x20, s9, s21, $0xb8;
	[tilespmem:$0x13000] =	vst v63  }
0x45: {  	_ =	swait.ge [sflag:s30], $0x1000  }
0x46: {  	[sflag:s30] =	ssyncset.done $0x0  }
0x47: {  	s10 =	simm.s32 $0x280;
	[sflag:s30] =	ssyncadd.s32 $0xFFFFF000  }
0x48: {  	[tilespmem:s23], [sflag:$0x2] =	stream.indirect.gather [spmem:s3], $0x20, s10, s21, $0xb8;
	[tilespmem:$0x13000] =	vst v63  }
0x49: {  	_ =	swait.ge [sflag:s20], $0x1000  }
0x4a: {  	[sflag:s20] =	ssyncset.done $0x0  }
0x4b: {  	s26 =	simm.s32 $0x2980;
	[sflag:s20] =	ssyncadd.s32 $0xFFFFF000  }
0x4c: {  	[spmem:s2] =	stream.indirect.scatter.add.f32 [tilespmem:s28], [sflag:$0x8], $0x20, s26, s21, $0xb8;
	[tilespmem:$0x13000] =	vst v63  }
0x4d: {  	s1 =	simm.s32 $0x800;
	_ =	swait.ge [sflag:s31], $0x1000  }
0x4e: {  	s5 =	simm.s32 $0x300;
	s26 =	simm.s32 $0xFFFFFFFC;
	[sflag:s31] =	ssyncset.done $0x0  }
.LBB2_2:
0x4f: {  	[sflag:s31] =	ssyncadd.s32 $0xFFFFF000  }
0x50: {  	s26 =	sadd.s32 $0x4, s26;
	s7 =	smov.u32 s1;
	s1 =	sadd.s32 $0x800, s1  }
0x51: {  	[tilespmem:s25], [sflag:$0x3] =	stream.indirect.gather [spmem:s3], $0x20, s5, s21, $0xb8;
	[tilespmem:$0x13000] =	vst v63  }
0x52: {  	s5 =	sshra.s32 s7, $0x2;
	p0 =	sne.s32 s1, $0x9800;
	_ =	swait.ge [sflag:s17], $0x1000  }
0x53: {  	p1 =	sgt.u32 s26, $0x4B;
	s8 =	sadd.s32 $0x2800, s5;
	[sflag:s17] =	ssyncset.done $0x0  }
0x54: {  	s9 =	simm.s32 @!p1 $0x8;
	s7 =	sshra.s32 @!p1 s7, $0x2;
	[sflag:s17] =	ssyncadd.s32 $0xFFFFF000  }
0x55: {  	[spmem:s2] =	stream.indirect.scatter.add.f32 [tilespmem:s22], [sflag:$0x5], $0x20, s8, s21, $0xb8;
	[tilespmem:$0x13000] =	vst v63  }
0x56: {  	s7 =	sadd.s32 @!p1 $0x180, s7;
	_ =	swait.ge @!p1 [sflag:s9], $0x1000  }
0x57: {  	s10 =	simm.s32 @!p1 $0x8000;
	s8 =	simm.s32 @!p1 $0x80;
	[sflag:s9] =	ssyncset.done @!p1 $0x0  }
0x58: {  	[sflag:s9] =	ssyncadd.s32 @!p1 $0xFFFFF000  }
0x59: {  	[tilespmem:s10], [sflag:$0x4] =	stream.indirect.gather @!p1 [spmem:s3], $0x20, s7, s8, $0xb8;
	[tilespmem:$0x13000] =	vst v63  }
0x5a: {  	_ =	swait.ge [sflag:s18], $0x1000  }
0x5b: {  	s7 =	sadd.s32 $0x2880, s5;
	[sflag:s18] =	ssyncset.done $0x0  }
0x5c: {  	[sflag:s18] =	ssyncadd.s32 $0xFFFFF000  }
0x5d: {  	[spmem:s2] =	stream.indirect.scatter.add.f32 [tilespmem:s23], [sflag:$0x6], $0x20, s7, s21, $0xb8;
	[tilespmem:$0x13000] =	vst v63  }
0x5e: {  	_ =	swait.ge [sflag:s29], $0x1000  }
0x5f: {  	s7 =	sadd.s32 $0x200, s5;
	[sflag:s29] =	ssyncset.done $0x0  }
0x60: {  	[sflag:s29] =	ssyncadd.s32 $0xFFFFF000  }
0x61: {  	[tilespmem:s22], [sflag:$0x1] =	stream.indirect.gather [spmem:s3], $0x20, s7, s21, $0xb8;
	[tilespmem:$0x13000] =	vst v63  }
0x62: {  	_ =	swait.ge [sflag:s19], $0x1000  }
0x63: {  	s7 =	sadd.s32 $0x2900, s5;
	[sflag:s19] =	ssyncset.done $0x0  }
0x64: {  	[sflag:s19] =	ssyncadd.s32 $0xFFFFF000  }
0x65: {  	[spmem:s2] =	stream.indirect.scatter.add.f32 [tilespmem:s25], [sflag:$0x7], $0x20, s7, s21, $0xb8;
	[tilespmem:$0x13000] =	vst v63  }
0x66: {  	_ =	swait.ge [sflag:s30], $0x1000  }
0x67: {  	s7 =	sadd.s32 $0x280, s5;
	[sflag:s30] =	ssyncset.done $0x0  }
0x68: {  	[sflag:s30] =	ssyncadd.s32 $0xFFFFF000  }
0x69: {  	[tilespmem:s23], [sflag:$0x2] =	stream.indirect.gather [spmem:s3], $0x20, s7, s21, $0xb8;
	[tilespmem:$0x13000] =	vst v63  }
0x6a: {  	_ =	swait.ge [sflag:s20], $0x1000  }
.Ltmp0:
0x6b: {  	s7 =	sadd.s32 $0x2980, s5;
	[sflag:s20] =	ssyncset.done $0x0;
	(pc) =	sbr.rel @p0 .LBB2_2-.Ltmp0, $4  }
0x6c: {  	[sflag:s20] =	ssyncadd.s32 $0xFFFFF000  }
0x6d: {  	[spmem:s2] =	stream.indirect.scatter.add.f32 [tilespmem:s28], [sflag:$0x8], $0x20, s7, s21, $0xb8;
	[tilespmem:$0x13000] =	vst v63  }
0x6e: {  	_ =	swait.ge [sflag:s31], $0x1000  }
0x6f: {  	s5 =	sadd.s32 $0x300, s5;
	[sflag:s31] =	ssyncset.done $0x0  }
0x70: {  	[sflag:s31] =	ssyncadd.s32 $0xFFFFF000  }
0x71: {  	[tilespmem:s25], [sflag:$0x3] =	stream.indirect.gather [spmem:s3], $0x20, s5, s21, $0xb8;
	[tilespmem:$0x13000] =	vst v63  }
0x72: {  	_ =	swait.ge [sflag:s17], $0x1000  }
0x73: {  	[sflag:s17] =	ssyncset.done $0x0  }
0x74: {  	s1 =	simm.s32 $0x4E00;
	[sflag:s17] =	ssyncadd.s32 $0xFFFFF000  }
0x75: {  	[spmem:s2] =	stream.indirect.scatter.add.f32 [tilespmem:s22], [sflag:$0x5], $0x20, s1, s21, $0xb8;
	[tilespmem:$0x13000] =	vst v63  }
0x76: {  	_ =	swait.ge [sflag:s0], $0x1000  }
0x77: {  	[sflag:s0] =	ssyncset.done $0x0  }
0x78: {  	s7 =	simm.s32 $0x2780;
	[sflag:s0] =	ssyncadd.s32 $0xFFFFF000  }
0x79: {  	[tilespmem:s28], [sflag:$0x4] =	stream.indirect.gather [spmem:s3], $0x20, s7, s21, $0xb8;
	[tilespmem:$0x13000] =	vst v63  }
0x7a: {  	_ =	swait.ge [sflag:s18], $0x1000  }
0x7b: {  	[sflag:s18] =	ssyncset.done $0x0  }
0x7c: {  	s8 =	simm.s32 $0x4E80;
	[sflag:s18] =	ssyncadd.s32 $0xFFFFF000  }
0x7d: {  	[spmem:s2] =	stream.indirect.scatter.add.f32 [tilespmem:s23], [sflag:$0x6], $0x20, s8, s21, $0xb8;
	[tilespmem:$0x13000] =	vst v63  }
0x7e: {  	_ =	swait.ge [sflag:s19], $0x1000  }
0x7f: {  	[sflag:s19] =	ssyncset.done $0x0  }
0x80: {  	s9 =	simm.s32 $0x4F00;
	[sflag:s19] =	ssyncadd.s32 $0xFFFFF000  }
0x81: {  	[spmem:s2] =	stream.indirect.scatter.add.f32 [tilespmem:s25], [sflag:$0x7], $0x20, s9, s21, $0xb8;
	[tilespmem:$0x13000] =	vst v63  }
0x82: {  	_ =	swait.ge [sflag:s20], $0x1000  }
0x83: {  	[sflag:s20] =	ssyncset.done $0x0  }
0x84: {  	s10 =	simm.s32 $0x4F80;
	[sflag:s20] =	ssyncadd.s32 $0xFFFFF000  }
0x85: {  	[spmem:s2] =	stream.indirect.scatter.add.f32 [tilespmem:s28], [sflag:$0x8], $0x20, s10, s21, $0xb8;
	[tilespmem:$0x13000] =	vst v63  }
0x86: {  	_ =	swait.ge [sflag:s29], $0x1000  }
0x87: {  	[sflag:s29] =	ssyncset.done $0x0  }
0x88: {  	[sflag:s29] =	ssyncadd.s32 $0xFFFFF000  }
0x89: {  	_ =	swait.ge [sflag:s30], $0x1000  }
0x8a: {  	[sflag:s30] =	ssyncset.done $0x0  }
0x8b: {  	[sflag:s30] =	ssyncadd.s32 $0xFFFFF000  }
0x8c: {  	_ =	swait.ge [sflag:s31], $0x1000  }
0x8d: {  	[sflag:s31] =	ssyncset.done $0x0  }
0x8e: {  	[sflag:s31] =	ssyncadd.s32 $0xFFFFF000  }
0x8f: {  	_ =	swait.ge [sflag:s0], $0x1000  }
0x90: {  	s24 =	sadd.s32 $0x1, s24;
	[sflag:s0] =	ssyncset.done $0x0  }
0x91: {  	p0 =	sne.s32 s24, s12;
	[sflag:s0] =	ssyncadd.s32 $0xFFFFF000  }
.Ltmp1:
0x92: {  	s26 =	sor.u32 $0x1C09, s6;
	[bflag:$0x0] =	sbarrier.arrive $0xFFFF;
	(pc) =	sbr.rel @p0 .LBB2_1-.Ltmp1, $4  }
0x93: {  	[hbm:s11], [sflag:s26] =	dma.local [spmem:s13], $0xA00  }
0x94: {  	_ =	swait.ge [sflag:s16], $0xA00  }
0x95: {  	[sflag:s16] =	ssyncset.done $0x0  }
0x96: {  	[sflag:s16] =	ssyncadd.s32 $0xFFFFF600  }
0x97: {  	_ =	sfence.sel $0x180000  }
0x98: {  	[bflag:$0x0] =	sbarrier.arrive $0xFFFF  }
0x99: {  	_ =	strace $0x90000050  }
0x9a: {  	s0 =	stileid.u32;
	[bflag:$0x2] =	sbarrier.arrive $0xFFFF  }
0x9b: {  	p0 =	sne.s32 s0, $0x0;
	s0 =	rddreg [dreg:$0x3]  }
0x9c: {  	s0 =	sadd.s32 @!p0 $0x100000, s0  }
0x9d: {  	[sflag:s0] =	ssyncadd.tile.s32 @!p0 $0x1;
	_ =	shalt  }
.Lfunc_end2:
_tile_overlayer_lowered:
.L_overlay_start_2:
0x9e: {  	(tag) =	ssettag $0x2  }
0x9f: {  	s0 =	rddreg [dreg:$0x0];
	s2 =	stileid.u32  }
0xa0: {  	s1 =	rddreg [dreg:$0x1];
	p0 =	sne.s32 s2, $0x0  }
0xa1: {  	s3 =	rddreg [dreg:$0x2];
	[bflag:$0x3] =	sbarrier.arrive $0xFFFF;
	s2 =	simm.s32 @!p0 $0x1C09  }
0xa2: {  	[timem:s3], [sflag:s2] =	dma.local @!p0 [hbm:s0], s1  }
0xa3: {  	s0 =	simm.s32 @!p0 $0x9  }
0xa4: {  	_ =	swait.ge @!p0 [sflag:s0], s1  }
0xa5: {  	s1 =	ssub.s32 @!p0 $0x0, s1;
	[sflag:s0] =	ssyncset.done @!p0 $0x0  }
0xa6: {  	[sflag:s0] =	ssyncadd.s32 @!p0 s1  }
0xa7: {  	[bflag:$0x3] =	sbarrier.arrive $0xFFFF  }
0xa8: {  	_ =	shalt  }

// kernel: kernel.20.cloned.1.call-start
scs
__scs_entry_jumppad:
0x0: {  	(pc) =	sbr.rel $0x88, $3  }
0x1: {  	(tag) =	ssettag $0x0;
	lr =	simm.s32 $0x1  }
0x2: {  	[smem:$0x3F8E] =	sst lr;
	_ =	strace $0xD0000000  }
0x3: {  	_ = 	snop  }
0x4: {  	_ = 	snop  }
0x5: {  	_ = 	snop  }
0x6: {  	_ = 	snop  }
0x7: {  	_ = 	snop  }
__scs_overlays_trampoline_lowered:
0x8: {  	[smem:$0x3F9D] =	sst s0  }
0x9: {  	[smem:$0x3F9E] =	sst s1  }
0xa: {  	[smem:$0x3F9F] =	sst s2  }
0xb: {  	[smem:$0x3FA0] =	sst s3  }
0xc: {  	[smem:$0x3FA1] =	sst s4  }
0xd: {  	[smem:$0x3FA2] =	sst s5  }
0xe: {  	[smem:$0x3FA3] =	sst s6  }
0xf: {  	[smem:$0x3FA4] =	sst s7  }
0x10: {  	[smem:$0x3FA5] =	sst s8  }
0x11: {  	[smem:$0x3FA6] =	sst s9;
	s0 =	simm.s32 @!p0 $0x0  }
0x12: {  	s1 =	sld [smem:$0x3F8C];
	s0 =	simm.s32 @p0 $0x1  }
0x13: {  	[smem:$0x3FA7] =	sst s0;
	s0 =	simm.s32 @!p1 $0x0  }
0x14: {  	s2 =	sld [smem:$0x3F8B];
	s0 =	simm.s32 @p1 $0x1  }
0x15: {  	[smem:$0x3FA8] =	sst s0;
	s0 =	simm.s32 @!p2 $0x0  }
0x16: {  	s3 =	sld [smem:$0x3FDB];
	s0 =	simm.s32 @p2 $0x1  }
0x17: {  	s4 =	simm.s32 $0x1BF5;
	[smem:$0x3FAA] =	sst s0  }
0x18: {  	s0 =	sld [smem:$0x3F8D];
	_ =	swait.ge [sflag:s4], $0x0  }
0x19: {  	s7 =	sld [smem:$0x3F8E]  }
0x1a: {  	s8 =	sadd.s32 $0xFFFFE003, lr  }
0x1b: {  	s9 =	sadd.s32 $0xFFFFFEF7, lr;
	s5 =	simm.s32 $0xFFFFFFFF;
	p2 =	slt.u32 s8, $0xFFFFF086  }
0x1c: {  	p1 =	slt.u32 s9, $0xF7A;
	s5 =	simm.s32 @!p2 $0x0  }
0x1d: {  	s5 =	simm.s32 @p1 $0x1;
	p0 =	seq.s32 s7, s2  }
0x1e: {  	s7 =	smul.u32 @!p0 $0xF7A, s2;
	p2 =	seq.s32 @!p0 s5, $0x0  }
0x1f: {  	s9 =	smul.u32 $0xF7A, s1;
	s8 =	simm.s32 @!p0 $0x1BF5;
	p2 =	por !p2, p0  }
0x20: {  	[sflag:s8] =	ssyncset.s32 @!p0 $0xFFFFF086;
	s6 =	sadd.s32 @!p0 s3, s7;
	s7 =	simm.s32 @!p0 $0x108  }
0x21: {  	s3 =	sadd.s32 s3, s9;
	s6 =	sadd.s32 @!p0 $0x88, s6;
	s7 =	simm.s32 @p2 $0x1082  }
0x22: {  	[simem:s7], [sflag:s8] =	dma.local @!p0 [hbm:s6], $0xF7A  }
0x23: {  	s9 =	sor.u32 $0xD0000000, s2;
	s6 =	simm.s32 $0x108;
	_ =	swait.ge @!p0 [sflag:s8], $0x0  }
0x24: {  	s3 =	sadd.s32 $0x88, s3;
	s6 =	simm.s32 @!p1 $0x1082;
	[sflag:s4] =	ssyncset.s32 $0xFFFFF086  }
0x25: {  	[simem:s6], [sflag:s4] =	dma.local [hbm:s3], $0xF7A  }
0x26: {  	[smem:$0x3F8E] =	sst s1;
	(tag) =	ssettag s2;
	_ =	strace s9  }
0x27: {  	s1 =	sld [smem:$0x3F9E]  }
0x28: {  	s2 =	sld [smem:$0x3F9F]  }
0x29: {  	s4 =	sld [smem:$0x3FA1]  }
0x2a: {  	p0 =	seq.s32 s5, $0x0;
	s5 =	sld [smem:$0x3FA2]  }
0x2b: {  	s6 =	sld [smem:$0x3FA3]  }
0x2c: {  	s7 =	sld [smem:$0x3FA4]  }
0x2d: {  	s3 =	simm.s32 $0x108;
	s8 =	sld [smem:$0x3FA5]  }
0x2e: {  	s3 =	simm.s32 @!p0 $0x1082;
	s9 =	sld [smem:$0x3FA6]  }
0x2f: {  	lr =	sadd.s32 s0, s3;
	s0 =	sld [smem:$0x3F9D]  }
0x30: {  	s3 =	sld [smem:$0x3FA0]  }
0x31: {  	[smem:$0x3FA9] =	sst s10  }
0x32: {  	s10 =	sld [smem:$0x3FA7];
	_ =	sdelay $0x3  }
0x33: {  	p0 =	seq.s32 s10, $0x1;
	s10 =	sld [smem:$0x3FA9];
	_ =	sdelay $0x3  }
0x34: {  	[smem:$0x3FA9] =	sst s10  }
0x35: {  	s10 =	sld [smem:$0x3FA8];
	_ =	sdelay $0x3  }
0x36: {  	p1 =	seq.s32 s10, $0x1;
	s10 =	sld [smem:$0x3FA9];
	_ =	sdelay $0x3  }
0x37: {  	[smem:$0x3FA9] =	sst s10  }
0x38: {  	s10 =	sld [smem:$0x3FAA]  }
0x39: {  	_ = 	snop;
	(pc) =	sbr.ind lr, $3  }
0x3a: {  	_ = 	snop  }
0x3b: {  	_ = 	snop  }
0x3c: {  	p2 =	seq.s32 s10, $0x1;
	s10 =	sld [smem:$0x3FA9]  }
0x3d: {  	_ =	shalt  }
0x3e: {  	_ =	shalt  }
0x3f: {  	_ =	shalt  }
0x40: {  	_ =	shalt  }
0x41: {  	_ =	shalt  }
0x42: {  	_ =	shalt  }
0x43: {  	_ =	shalt  }
0x44: {  	_ =	shalt  }
0x45: {  	_ =	shalt  }
0x46: {  	_ =	shalt  }
0x47: {  	_ =	shalt  }
0x48: {  	_ =	shalt  }
0x49: {  	_ =	shalt  }
0x4a: {  	_ =	shalt  }
0x4b: {  	_ =	shalt  }
0x4c: {  	_ =	shalt  }
0x4d: {  	_ =	shalt  }
0x4e: {  	_ =	shalt  }
0x4f: {  	_ =	shalt  }
0x50: {  	_ =	shalt  }
0x51: {  	_ =	shalt  }
0x52: {  	_ =	shalt  }
0x53: {  	_ =	shalt  }
0x54: {  	_ =	shalt  }
0x55: {  	_ =	shalt  }
0x56: {  	_ =	shalt  }
0x57: {  	_ =	shalt  }
0x58: {  	_ =	shalt  }
0x59: {  	_ =	shalt  }
0x5a: {  	_ =	shalt  }
0x5b: {  	_ =	shalt  }
0x5c: {  	_ =	shalt  }
0x5d: {  	_ =	shalt  }
0x5e: {  	_ =	shalt  }
0x5f: {  	_ =	shalt  }
0x60: {  	_ =	shalt  }
0x61: {  	_ =	shalt  }
0x62: {  	_ =	shalt  }
0x63: {  	_ =	shalt  }
0x64: {  	_ =	shalt  }
0x65: {  	_ =	shalt  }
0x66: {  	_ =	shalt  }
0x67: {  	_ =	shalt  }
0x68: {  	_ =	shalt  }
0x69: {  	_ =	shalt  }
0x6a: {  	_ =	shalt  }
0x6b: {  	_ =	shalt  }
0x6c: {  	_ =	shalt  }
0x6d: {  	_ =	shalt  }
0x6e: {  	_ =	shalt  }
0x6f: {  	_ =	shalt  }
0x70: {  	_ =	shalt  }
0x71: {  	_ =	shalt  }
0x72: {  	_ =	shalt  }
0x73: {  	_ =	shalt  }
0x74: {  	_ =	shalt  }
0x75: {  	_ =	shalt  }
0x76: {  	_ =	shalt  }
0x77: {  	_ =	shalt  }
0x78: {  	_ =	shalt  }
0x79: {  	_ =	shalt  }
0x7a: {  	_ =	shalt  }
0x7b: {  	_ =	shalt  }
0x7c: {  	_ =	shalt  }
0x7d: {  	_ =	shalt  }
0x7e: {  	_ =	shalt  }
0x7f: {  	_ =	shalt  }
0x80: {  	_ =	shalt  }
0x81: {  	_ =	shalt  }
0x82: {  	_ =	shalt  }
0x83: {  	_ =	shalt  }
0x84: {  	_ =	shalt  }
0x85: {  	_ =	shalt  }
0x86: {  	_ =	shalt  }
0x87: {  	_ =	shalt  }
.Lfunc_end0:
.L_simem_size_0:
called_computation.3_lowered:
.L_overlay_start_0:
0x88: {  	s2 =	sld [smem:$0x3FD9]  }
0x89: {  	s3 =	sld [smem:$0x3FFE];
	_ =	sdelay $0x1  }
0x8a: {  	s1 =	srdreg.scid  }
0x8b: {  	s0 =	sand.u32 $0x1, s1  }
0x8c: {  	s16 =	sshll.u32 s0, $0xA;
	s2 =	sadd.s32 s3, s2  }
0x8d: {  	s2 =	sadd.s32 s2, s16  }
0x8e: {  	[smem:$0x3FB5] =	sst s2  }
0x8f: {  	_ = 	snop  }
0x90: {  	(tm) =	ssettm $0x1  }
0x91: {  	s17 =	sld [smem:$0x3FFB];
	_ =	sdelay $0x3  }
0x92: {  	_ =	strace s17  }
0x93: {  	s2 =	sld [smem:$0x3FFC];
	_ =	sdelay $0x3  }
0x94: {  	_ =	strace s2  }
0x95: {  	s2 =	sld [smem:$0x3FFD];
	_ =	sdelay $0x3  }
0x96: {  	_ =	strace s2  }
0x97: {  	_ =	strace $0x8FFFFFFF  }
0x98: {  	s18 =	sld [smem:$0x3FDB];
	_ =	sdelay $0x1  }
0x99: {  	s19 =	simm.s32 $_scs_section_size  }
0x9a: {  	s4 =	simm.s32 $_size__tile_overlayer_lowered;
	s5 =	simm.s32 $_tile_overlayer_lowered  }
0x9b: {  	s22 =	simm.s32 $0x1BFF;
	s21 =	sshll.u32 s5, $0x1;
	s2 =	sadd.s32 s19, s18  }
0x9c: {  	s6 =	simm.s32 $0x0;
	s20 =	sshll.u32 s4, $0x1;
	s4 =	sadd.s32 s21, s2  }
0x9d: {  	[timem:s6], [sflag:s22] =	dma.local [hbm:s4], s20  }
0x9e: {  	_ =	swait.ge [sflag:s22], s20  }
0x9f: {  	s3 =	ssub.s32 $0x0, s20;
	[sflag:s22] =	ssyncset.done $0x0  }
0xa0: {  	[sflag:s22] =	ssyncadd.s32 s3;
	_ =	sdelay $0x1  }
0xa1: {  	s23 =	simm.s32 $0x1B8B  }
0xa2: {  	_ =	swait.ge [sflag:s23], $0x1  }
0xa3: {  	[sflag:s23] =	ssyncset.done $0x0  }
0xa4: {  	s25 =	simm.s32 $0x1B8E;
	s24 =	sld [smem:$0x3FFE];
	[sflag:s23] =	ssyncadd.s32 $0xFFFFFFFF  }
0xa5: {  	s26 =	simm.s32 $execute0_lowered;
	[smem:$0x3FD2] =	sst s25  }
0xa6: {  	s4 =	sshll.u32 s26, $0x1;
	_ =	strace $0x8000004C;
	[dreg:$0x1] =	wrdreg $0xFFFFFFFF  }
0xa7: {  	s28 =	simm.s32 $_size_execute0_lowered;
	s2 =	sadd.s32 s2, s4;
	[dreg:$0x0] =	wrdreg $0x0  }
0xa8: {  	s4 =	sshll.u32 s28, $0x1;
	[dreg:$0x2] =	wrdreg s2  }
0xa9: {  	[dreg:$0x3] =	wrdreg s4  }
0xaa: {  	[dreg:$0x4] =	wrdreg $0xC0  }
0xab: {  	_ =	task [dreg:s6], $0x5FFFF  }
0xac: {  	[dreg:$0x1] =	wrdreg $0xFFFFFFFF  }
0xad: {  	[dreg:$0x0] =	wrdreg $0x60  }
0xae: {  	[dreg:$0x2] =	wrdreg s24  }
0xaf: {  	[dreg:$0x3] =	wrdreg $0xE0000  }
0xb0: {  	[dreg:$0x4] =	wrdreg $0x90000  }
0xb1: {  	[dreg:$0x5] =	wrdreg $0xA  }
0xb2: {  	_ =	task.clear_ibuf [dreg:s6], $0x6FFFF;
	_ =	strace $0x9000004C  }
0xb3: {  	s29 =	simm.s32 $0xA;
	_ =	strace $0x8000004E  }
0xb4: {  	_ =	swait.ge [sflag:s29], $0x1  }
0xb5: {  	[sflag:s29] =	ssyncadd.s32 $0xFFFFFFFF  }
0xb6: {  	_ =	strace $0x9000004E  }
0xb7: {  	_ =	sfence  }
0xb8: {  	s30 =	sld [smem:$0x0];
	_ =	sdelay $0x2  }
0xb9: {  	s31 =	sshll.u32 s1, $0xD;
	s1 =	sshrl.u32 s1, $0x2  }
0xba: {  	s3 =	sand.u32 $0x4000, s31;
	s1 =	sadd.s32 s1, s30  }
0xbb: {  	s0 =	sor.u32 s3, s0;
	s1 =	sshll.u32 s1, $0x11  }
0xbc: {  	s0 =	sor.u32 s1, s0  }
0xbd: {  	s0 =	sadd.s32 $0x8F2B, s0  }
0xbe: {  	[sflag:s0] =	ssyncadd.remote.s32 $0x1  }
0xbf: {  	_ =	sfence.sel $0xFFFF  }
0xc0: {  	[dreg:$0x0] =	wrdreg $0xFFFFFFFF;
	(pc) =	sbr.abs _section_cstart, $3  }
0xc1: {  	[dreg:$0x1] =	wrdreg $0xFFFFFFFF  }
0xc2: {  	_ =	task.clear_ibuf [dreg:s6], $0x2FFFF;
	_ =	strace $0x9FFFFFFF  }
0xc3: {  	(tm) =	ssettm $0x7FFFFFFF  }
tec
execute0_lowered:
.L_overlay_start_1:
0x0: {  	(tag) =	ssettag $0x1  }
0x1: {  	s0 =	srdreg.scid;
	s1 =	rddreg [dreg:$0x0]  }
0x2: {  	s10 =	stileid.u32;
	s2 =	rddreg [dreg:$0x1];
	s17 =	simm.s32 $0x1  }
0x3: {  	s18 =	simm.s32 $0x2;
	s19 =	simm.s32 $0x3;
	s20 =	simm.s32 $0x4  }
0x4: {  	s21 =	simm.s32 $0x80;
	s28 =	simm.s32 $0x8000;
	s29 =	simm.s32 $0x5  }
0x5: {  	s30 =	simm.s32 $0x6;
	s31 =	simm.s32 $0x7;
	s16 =	simm.s32 $0x9  }
0x6: {  	s0 =	sand.u32 $0x1, s0;
	s3 =	sshll.u32 s10, $0x1;
	s8 =	smul.u32 $0x5000, s10  }
0x7: {  	s22 =	sadd.s32 $0xD800, s1;
	s4 =	sor.u32 s0, s3;
	s6 =	smul.u32 $0x50000, s0  }
0x8: {  	s3 =	rddreg [dreg:$0x2];
	s0 =	ssub.s32 $0x2, s0;
	s5 =	smul.u32 $0x500, s4  }
0x9: {  	s4 =	simm.s32 $0x0;
	s7 =	sshrl.u32 s8, $0x3;
	s23 =	sshrl.u32 s0, $0x1  }
0xa: {  	s13 =	sadd.s32 s8, s2;
	s15 =	sadd.s32 s8, s3;
	[smem:$0x7FF] =	sst s4  }
0xb: {  	s6 =	sadd.s32 s8, s6;
	s9 =	sadd.s32 s7, s1;
	s0 =	ssub.s32 s0, s23  }
0xc: {  	s13 =	sshrl.u32 s13, $0x3;
	s15 =	sshrl.u32 s15, $0x3;
	s23 =	simm.s32 $0x6000  }
0xd: {  	_ =	strace $0x8000004D;
	s5 =	sadd.s32 s5, s1;
	s6 =	sshrl.u32 s6, $0x3  }
0xe: {  	[dreg:$0x4] =	wrdreg s22;
	s25 =	sadd.s32 $0x1CE00, s9;
	s12 =	smax.u32 s0, $0x1  }
0xf: {  	s22 =	simm.s32 $0x5000;
	s0 =	simm.s32 $0x8;
	s1 =	sadd.s32 s6, s1  }
0x10: {  	s6 =	sshll.u32 s10, $0x6;
	[dreg:$0x6] =	wrdreg s25;
	s26 =	sadd.s32 $0x12E00, s5  }
0x11: {  	s5 =	sadd.s32 $0x3800, s5;
	s25 =	simm.s32 $0x7000;
	[dreg:$0x7] =	wrdreg s26  }
0x12: {  	s24 =	sor.u32 $0x1C01, s6;
	[dreg:$0x8] =	wrdreg s5;
	s11 =	sadd.s32 $0x26E00, s1  }
0x13: {  	s14 =	sor.u32 $0x1C02, s6;
	[dreg:$0x5] =	wrdreg s24;
	s24 =	simm.s32 $0x0  }
.LBB2_1:
0x14: {  	s1 =	rddreg [dreg:$0x4]  }
0x15: {  	s5 =	rddreg [dreg:$0x5]  }
0x16: {  	[spmem:s13], [sflag:s5] =	dma.local [hbm:s1], $0xA00  }
0x17: {  	s1 =	rddreg [dreg:$0x6]  }
0x18: {  	[spmem:s15], [sflag:s14] =	dma.local [hbm:s1], $0xA00  }
0x19: {  	s1 =	rddreg [dreg:$0x7]  }
0x1a: {  	[tilespmem:s4], [sflag:$0x3] =	stream.linear.gather [hbm4b:s1+s4], $0x2800, $0x38;
	[tilespmem:$0x13000] =	vst v63  }
0x1b: {  	s8 =	simm.s32 $0x2800;
	s7 =	rddreg [dreg:$0x8]  }
0x1c: {  	[tilespmem:s8], [sflag:$0x4] =	stream.linear.gather [hbm4b:s7+s4], $0x2800, $0x38;
	[tilespmem:$0x13000] =	vst v63  }
0x1d: {  	_ =	swait.ge [sflag:s17], $0xA00  }
0x1e: {  	[sflag:s17] =	ssyncset.done $0x0  }
0x1f: {  	[sflag:s17] =	ssyncadd.s32 $0xFFFFF600  }
0x20: {  	_ =	swait.ge [sflag:s18], $0xA00  }
0x21: {  	[sflag:s18] =	ssyncset.done $0x0  }
0x22: {  	[sflag:s18] =	ssyncadd.s32 $0xFFFFF600  }
0x23: {  	_ =	swait.ge [sflag:s19], $0x2800  }
0x24: {  	[sflag:s19] =	ssyncset.done $0x0  }
0x25: {  	[sflag:s19] =	ssyncadd.s32 $0xFFFFD800  }
0x26: {  	_ =	swait.ge [sflag:s20], $0x2800  }
0x27: {  	[sflag:s20] =	ssyncset.done $0x0  }
0x28: {  	[sflag:s20] =	ssyncadd.s32 $0xFFFFD800  }
0x29: {  	[bflag:$0x0] =	sbarrier.arrive $0xFFFF  }
0x2a: {  	[tilespmem:s22], [sflag:$0x1] =	stream.indirect.gather [spmem:s3], $0x20, s4, s21, $0xb8;
	[tilespmem:$0x13000] =	vst v63  }
0x2b: {  	_ = 	snop  }
0x2c: {  	[tilespmem:s23], [sflag:$0x2] =	stream.indirect.gather [spmem:s3], $0x20, s21, s21, $0xb8;
	[tilespmem:$0x13000] =	vst v63  }
0x2d: {  	s9 =	simm.s32 $0x100  }
0x2e: {  	[tilespmem:s25], [sflag:$0x3] =	stream.indirect.gather [spmem:s3], $0x20, s9, s21, $0xb8;
	[tilespmem:$0x13000] =	vst v63  }
0x2f: {  	s10 =	simm.s32 $0x180  }
0x30: {  	[tilespmem:s28], [sflag:$0x4] =	stream.indirect.gather [spmem:s3], $0x20, s10, s21, $0xb8;
	[tilespmem:$0x13000] =	vst v63  }
0x31: {  	_ =	swait.ge [sflag:s17], $0x1000  }
0x32: {  	p0 =	por $0x1, $0x1;
	[sflag:s17] =	ssyncset.done $0x0  }
0x33: {  	s26 =	simm.s32 $0x2800;
	s5 =	simm.s32 @!p0 $0x8;
	[sflag:s17] =	ssyncadd.s32 $0xFFFFF000  }
0x34: {  	[spmem:s2] =	stream.indirect.scatter.add.f32 [tilespmem:s22], [sflag:$0x5], $0x20, s26, s21, $0xb8;
	[tilespmem:$0x13000] =	vst v63  }
0x35: {  	_ =	swait.ge @!p0 [sflag:s5], $0x1000  }
0x36: {  	s1 =	simm.s32 @!p0 $0x180;
	[sflag:s5] =	ssyncset.done @!p0 $0x0  }
0x37: {  	s26 =	simm.s32 @!p0 $0x80;
	[sflag:s5] =	ssyncadd.s32 @!p0 $0xFFFFF000;
	s5 =	simm.s32 @!p0 $0x8000  }
0x38: {  	[tilespmem:s5], [sflag:$0x4] =	stream.indirect.gather @!p0 [spmem:s3], $0x20, s1, s26, $0xb8;
	[tilespmem:$0x13000] =	vst v63  }
0x39: {  	_ =	swait.ge [sflag:s18], $0x1000  }
0x3a: {  	[sflag:s18] =	ssyncset.done $0x0  }
0x3b: {  	s7 =	simm.s32 $0x2880;
	[sflag:s18] =	ssyncadd.s32 $0xFFFFF000  }
0x3c: {  	[spmem:s2] =	stream.indirect.scatter.add.f32 [tilespmem:s23], [sflag:$0x6], $0x20, s7, s21, $0xb8;
	[tilespmem:$0x13000] =	vst v63  }
0x3d: {  	_ =	swait.ge [sflag:s29], $0x1000  }
0x3e: {  	[sflag:s29] =	ssyncset.done $0x0  }
0x3f: {  	s8 =	simm.s32 $0x200;
	[sflag:s29] =	ssyncadd.s32 $0xFFFFF000  }
0x40: {  	[tilespmem:s22], [sflag:$0x1] =	stream.indirect.gather [spmem:s3], $0x20, s8, s21, $0xb8;
	[tilespmem:$0x13000] =	vst v63  }
0x41: {  	_ =	swait.ge [sflag:s19], $0x1000  }
0x42: {  	[sflag:s19] =	ssyncset.done $0x0  }
0x43: {  	s9 =	simm.s32 $0x2900;
	[sflag:s19] =	ssyncadd.s32 $0xFFFFF000  }
0x44: {  	[spmem:s2] =	stream.indirect.scatter.add.f32 [tilespmem:s25], [sflag:$0x7], $0x20, s9, s21, $0xb8;
	[tilespmem:$0x13000] =	vst v63  }
0x45: {  	_ =	swait.ge [sflag:s30], $0x1000  }
0x46: {  	[sflag:s30] =	ssyncset.done $0x0  }
0x47: {  	s10 =	simm.s32 $0x280;
	[sflag:s30] =	ssyncadd.s32 $0xFFFFF000  }
0x48: {  	[tilespmem:s23], [sflag:$0x2] =	stream.indirect.gather [spmem:s3], $0x20, s10, s21, $0xb8;
	[tilespmem:$0x13000] =	vst v63  }
0x49: {  	_ =	swait.ge [sflag:s20], $0x1000  }
0x4a: {  	[sflag:s20] =	ssyncset.done $0x0  }
0x4b: {  	s26 =	simm.s32 $0x2980;
	[sflag:s20] =	ssyncadd.s32 $0xFFFFF000  }
0x4c: {  	[spmem:s2] =	stream.indirect.scatter.add.f32 [tilespmem:s28], [sflag:$0x8], $0x20, s26, s21, $0xb8;
	[tilespmem:$0x13000] =	vst v63  }
0x4d: {  	s1 =	simm.s32 $0x800;
	_ =	swait.ge [sflag:s31], $0x1000  }
0x4e: {  	s5 =	simm.s32 $0x300;
	s26 =	simm.s32 $0xFFFFFFFC;
	[sflag:s31] =	ssyncset.done $0x0  }
.LBB2_2:
0x4f: {  	[sflag:s31] =	ssyncadd.s32 $0xFFFFF000  }
0x50: {  	s26 =	sadd.s32 $0x4, s26;
	s7 =	smov.u32 s1;
	s1 =	sadd.s32 $0x800, s1  }
0x51: {  	[tilespmem:s25], [sflag:$0x3] =	stream.indirect.gather [spmem:s3], $0x20, s5, s21, $0xb8;
	[tilespmem:$0x13000] =	vst v63  }
0x52: {  	s5 =	sshra.s32 s7, $0x2;
	p0 =	sne.s32 s1, $0x9800;
	_ =	swait.ge [sflag:s17], $0x1000  }
0x53: {  	p1 =	sgt.u32 s26, $0x4B;
	s8 =	sadd.s32 $0x2800, s5;
	[sflag:s17] =	ssyncset.done $0x0  }
0x54: {  	s9 =	simm.s32 @!p1 $0x8;
	s7 =	sshra.s32 @!p1 s7, $0x2;
	[sflag:s17] =	ssyncadd.s32 $0xFFFFF000  }
0x55: {  	[spmem:s2] =	stream.indirect.scatter.add.f32 [tilespmem:s22], [sflag:$0x5], $0x20, s8, s21, $0xb8;
	[tilespmem:$0x13000] =	vst v63  }
0x56: {  	s7 =	sadd.s32 @!p1 $0x180, s7;
	_ =	swait.ge @!p1 [sflag:s9], $0x1000  }
0x57: {  	s10 =	simm.s32 @!p1 $0x8000;
	s8 =	simm.s32 @!p1 $0x80;
	[sflag:s9] =	ssyncset.done @!p1 $0x0  }
0x58: {  	[sflag:s9] =	ssyncadd.s32 @!p1 $0xFFFFF000  }
0x59: {  	[tilespmem:s10], [sflag:$0x4] =	stream.indirect.gather @!p1 [spmem:s3], $0x20, s7, s8, $0xb8;
	[tilespmem:$0x13000] =	vst v63  }
0x5a: {  	_ =	swait.ge [sflag:s18], $0x1000  }
0x5b: {  	s7 =	sadd.s32 $0x2880, s5;
	[sflag:s18] =	ssyncset.done $0x0  }
0x5c: {  	[sflag:s18] =	ssyncadd.s32 $0xFFFFF000  }
0x5d: {  	[spmem:s2] =	stream.indirect.scatter.add.f32 [tilespmem:s23], [sflag:$0x6], $0x20, s7, s21, $0xb8;
	[tilespmem:$0x13000] =	vst v63  }
0x5e: {  	_ =	swait.ge [sflag:s29], $0x1000  }
0x5f: {  	s7 =	sadd.s32 $0x200, s5;
	[sflag:s29] =	ssyncset.done $0x0  }
0x60: {  	[sflag:s29] =	ssyncadd.s32 $0xFFFFF000  }
0x61: {  	[tilespmem:s22], [sflag:$0x1] =	stream.indirect.gather [spmem:s3], $0x20, s7, s21, $0xb8;
	[tilespmem:$0x13000] =	vst v63  }
0x62: {  	_ =	swait.ge [sflag:s19], $0x1000  }
0x63: {  	s7 =	sadd.s32 $0x2900, s5;
	[sflag:s19] =	ssyncset.done $0x0  }
0x64: {  	[sflag:s19] =	ssyncadd.s32 $0xFFFFF000  }
0x65: {  	[spmem:s2] =	stream.indirect.scatter.add.f32 [tilespmem:s25], [sflag:$0x7], $0x20, s7, s21, $0xb8;
	[tilespmem:$0x13000] =	vst v63  }
0x66: {  	_ =	swait.ge [sflag:s30], $0x1000  }
0x67: {  	s7 =	sadd.s32 $0x280, s5;
	[sflag:s30] =	ssyncset.done $0x0  }
0x68: {  	[sflag:s30] =	ssyncadd.s32 $0xFFFFF000  }
0x69: {  	[tilespmem:s23], [sflag:$0x2] =	stream.indirect.gather [spmem:s3], $0x20, s7, s21, $0xb8;
	[tilespmem:$0x13000] =	vst v63  }
0x6a: {  	_ =	swait.ge [sflag:s20], $0x1000  }
.Ltmp0:
0x6b: {  	s7 =	sadd.s32 $0x2980, s5;
	[sflag:s20] =	ssyncset.done $0x0;
	(pc) =	sbr.rel @p0 .LBB2_2-.Ltmp0, $4  }
0x6c: {  	[sflag:s20] =	ssyncadd.s32 $0xFFFFF000  }
0x6d: {  	[spmem:s2] =	stream.indirect.scatter.add.f32 [tilespmem:s28], [sflag:$0x8], $0x20, s7, s21, $0xb8;
	[tilespmem:$0x13000] =	vst v63  }
0x6e: {  	_ =	swait.ge [sflag:s31], $0x1000  }
0x6f: {  	s5 =	sadd.s32 $0x300, s5;
	[sflag:s31] =	ssyncset.done $0x0  }
0x70: {  	[sflag:s31] =	ssyncadd.s32 $0xFFFFF000  }
0x71: {  	[tilespmem:s25], [sflag:$0x3] =	stream.indirect.gather [spmem:s3], $0x20, s5, s21, $0xb8;
	[tilespmem:$0x13000] =	vst v63  }
0x72: {  	_ =	swait.ge [sflag:s17], $0x1000  }
0x73: {  	[sflag:s17] =	ssyncset.done $0x0  }
0x74: {  	s1 =	simm.s32 $0x4E00;
	[sflag:s17] =	ssyncadd.s32 $0xFFFFF000  }
0x75: {  	[spmem:s2] =	stream.indirect.scatter.add.f32 [tilespmem:s22], [sflag:$0x5], $0x20, s1, s21, $0xb8;
	[tilespmem:$0x13000] =	vst v63  }
0x76: {  	_ =	swait.ge [sflag:s0], $0x1000  }
0x77: {  	[sflag:s0] =	ssyncset.done $0x0  }
0x78: {  	s7 =	simm.s32 $0x2780;
	[sflag:s0] =	ssyncadd.s32 $0xFFFFF000  }
0x79: {  	[tilespmem:s28], [sflag:$0x4] =	stream.indirect.gather [spmem:s3], $0x20, s7, s21, $0xb8;
	[tilespmem:$0x13000] =	vst v63  }
0x7a: {  	_ =	swait.ge [sflag:s18], $0x1000  }
0x7b: {  	[sflag:s18] =	ssyncset.done $0x0  }
0x7c: {  	s8 =	simm.s32 $0x4E80;
	[sflag:s18] =	ssyncadd.s32 $0xFFFFF000  }
0x7d: {  	[spmem:s2] =	stream.indirect.scatter.add.f32 [tilespmem:s23], [sflag:$0x6], $0x20, s8, s21, $0xb8;
	[tilespmem:$0x13000] =	vst v63  }
0x7e: {  	_ =	swait.ge [sflag:s19], $0x1000  }
0x7f: {  	[sflag:s19] =	ssyncset.done $0x0  }
0x80: {  	s9 =	simm.s32 $0x4F00;
	[sflag:s19] =	ssyncadd.s32 $0xFFFFF000  }
0x81: {  	[spmem:s2] =	stream.indirect.scatter.add.f32 [tilespmem:s25], [sflag:$0x7], $0x20, s9, s21, $0xb8;
	[tilespmem:$0x13000] =	vst v63  }
0x82: {  	_ =	swait.ge [sflag:s20], $0x1000  }
0x83: {  	[sflag:s20] =	ssyncset.done $0x0  }
0x84: {  	s10 =	simm.s32 $0x4F80;
	[sflag:s20] =	ssyncadd.s32 $0xFFFFF000  }
0x85: {  	[spmem:s2] =	stream.indirect.scatter.add.f32 [tilespmem:s28], [sflag:$0x8], $0x20, s10, s21, $0xb8;
	[tilespmem:$0x13000] =	vst v63  }
0x86: {  	_ =	swait.ge [sflag:s29], $0x1000  }
0x87: {  	[sflag:s29] =	ssyncset.done $0x0  }
0x88: {  	[sflag:s29] =	ssyncadd.s32 $0xFFFFF000  }
0x89: {  	_ =	swait.ge [sflag:s30], $0x1000  }
0x8a: {  	[sflag:s30] =	ssyncset.done $0x0  }
0x8b: {  	[sflag:s30] =	ssyncadd.s32 $0xFFFFF000  }
0x8c: {  	_ =	swait.ge [sflag:s31], $0x1000  }
0x8d: {  	[sflag:s31] =	ssyncset.done $0x0  }
0x8e: {  	[sflag:s31] =	ssyncadd.s32 $0xFFFFF000  }
0x8f: {  	_ =	swait.ge [sflag:s0], $0x1000  }
0x90: {  	s24 =	sadd.s32 $0x1, s24;
	[sflag:s0] =	ssyncset.done $0x0  }
0x91: {  	p0 =	sne.s32 s24, s12;
	[sflag:s0] =	ssyncadd.s32 $0xFFFFF000  }
.Ltmp1:
0x92: {  	s26 =	sor.u32 $0x1C09, s6;
	[bflag:$0x0] =	sbarrier.arrive $0xFFFF;
	(pc) =	sbr.rel @p0 .LBB2_1-.Ltmp1, $4  }
0x93: {  	[hbm:s11], [sflag:s26] =	dma.local [spmem:s13], $0xA00  }
0x94: {  	_ =	swait.ge [sflag:s16], $0xA00  }
0x95: {  	[sflag:s16] =	ssyncset.done $0x0  }
0x96: {  	[sflag:s16] =	ssyncadd.s32 $0xFFFFF600  }
0x97: {  	_ =	sfence.sel $0x180000  }
0x98: {  	[bflag:$0x0] =	sbarrier.arrive $0xFFFF  }
0x99: {  	_ =	strace $0x9000004D  }
0x9a: {  	s0 =	stileid.u32;
	[bflag:$0x2] =	sbarrier.arrive $0xFFFF  }
0x9b: {  	p0 =	sne.s32 s0, $0x0;
	s0 =	rddreg [dreg:$0x3]  }
0x9c: {  	s0 =	sadd.s32 @!p0 $0x100000, s0  }
0x9d: {  	[sflag:s0] =	ssyncadd.tile.s32 @!p0 $0x1;
	_ =	shalt  }
.Lfunc_end2:
_tile_overlayer_lowered:
.L_overlay_start_2:
0x9e: {  	(tag) =	ssettag $0x2  }
0x9f: {  	s0 =	rddreg [dreg:$0x0];
	s2 =	stileid.u32  }
0xa0: {  	s1 =	rddreg [dreg:$0x1];
	p0 =	sne.s32 s2, $0x0  }
0xa1: {  	s3 =	rddreg [dreg:$0x2];
	[bflag:$0x3] =	sbarrier.arrive $0xFFFF;
	s2 =	simm.s32 @!p0 $0x1C09  }
0xa2: {  	[timem:s3], [sflag:s2] =	dma.local @!p0 [hbm:s0], s1  }
0xa3: {  	s0 =	simm.s32 @!p0 $0x9  }
0xa4: {  	_ =	swait.ge @!p0 [sflag:s0], s1  }
0xa5: {  	s1 =	ssub.s32 @!p0 $0x0, s1;
	[sflag:s0] =	ssyncset.done @!p0 $0x0  }
0xa6: {  	[sflag:s0] =	ssyncadd.s32 @!p0 s1  }
0xa7: {  	[bflag:$0x3] =	sbarrier.arrive $0xFFFF  }
0xa8: {  	_ =	shalt  }

// kernel: kernel.23.cloned.1.call-start
scs
__scs_entry_jumppad:
0x0: {  	(pc) =	sbr.rel $0x88, $3  }
0x1: {  	(tag) =	ssettag $0x0;
	lr =	simm.s32 $0x1  }
0x2: {  	[smem:$0x3F8E] =	sst lr;
	_ =	strace $0xD0000000  }
0x3: {  	_ = 	snop  }
0x4: {  	_ = 	snop  }
0x5: {  	_ = 	snop  }
0x6: {  	_ = 	snop  }
0x7: {  	_ = 	snop  }
__scs_overlays_trampoline_lowered:
0x8: {  	[smem:$0x3F9D] =	sst s0  }
0x9: {  	[smem:$0x3F9E] =	sst s1  }
0xa: {  	[smem:$0x3F9F] =	sst s2  }
0xb: {  	[smem:$0x3FA0] =	sst s3  }
0xc: {  	[smem:$0x3FA1] =	sst s4  }
0xd: {  	[smem:$0x3FA2] =	sst s5  }
0xe: {  	[smem:$0x3FA3] =	sst s6  }
0xf: {  	[smem:$0x3FA4] =	sst s7  }
0x10: {  	[smem:$0x3FA5] =	sst s8  }
0x11: {  	[smem:$0x3FA6] =	sst s9;
	s0 =	simm.s32 @!p0 $0x0  }
0x12: {  	s1 =	sld [smem:$0x3F8C];
	s0 =	simm.s32 @p0 $0x1  }
0x13: {  	[smem:$0x3FA7] =	sst s0;
	s0 =	simm.s32 @!p1 $0x0  }
0x14: {  	s2 =	sld [smem:$0x3F8B];
	s0 =	simm.s32 @p1 $0x1  }
0x15: {  	[smem:$0x3FA8] =	sst s0;
	s0 =	simm.s32 @!p2 $0x0  }
0x16: {  	s3 =	sld [smem:$0x3FDB];
	s0 =	simm.s32 @p2 $0x1  }
0x17: {  	s4 =	simm.s32 $0x1BF5;
	[smem:$0x3FAA] =	sst s0  }
0x18: {  	s0 =	sld [smem:$0x3F8D];
	_ =	swait.ge [sflag:s4], $0x0  }
0x19: {  	s7 =	sld [smem:$0x3F8E]  }
0x1a: {  	s8 =	sadd.s32 $0xFFFFE003, lr  }
0x1b: {  	s9 =	sadd.s32 $0xFFFFFEF7, lr;
	s5 =	simm.s32 $0xFFFFFFFF;
	p2 =	slt.u32 s8, $0xFFFFF086  }
0x1c: {  	p1 =	slt.u32 s9, $0xF7A;
	s5 =	simm.s32 @!p2 $0x0  }
0x1d: {  	s5 =	simm.s32 @p1 $0x1;
	p0 =	seq.s32 s7, s2  }
0x1e: {  	s7 =	smul.u32 @!p0 $0xF7A, s2;
	p2 =	seq.s32 @!p0 s5, $0x0  }
0x1f: {  	s9 =	smul.u32 $0xF7A, s1;
	s8 =	simm.s32 @!p0 $0x1BF5;
	p2 =	por !p2, p0  }
0x20: {  	[sflag:s8] =	ssyncset.s32 @!p0 $0xFFFFF086;
	s6 =	sadd.s32 @!p0 s3, s7;
	s7 =	simm.s32 @!p0 $0x108  }
0x21: {  	s3 =	sadd.s32 s3, s9;
	s6 =	sadd.s32 @!p0 $0x88, s6;
	s7 =	simm.s32 @p2 $0x1082  }
0x22: {  	[simem:s7], [sflag:s8] =	dma.local @!p0 [hbm:s6], $0xF7A  }
0x23: {  	s9 =	sor.u32 $0xD0000000, s2;
	s6 =	simm.s32 $0x108;
	_ =	swait.ge @!p0 [sflag:s8], $0x0  }
0x24: {  	s3 =	sadd.s32 $0x88, s3;
	s6 =	simm.s32 @!p1 $0x1082;
	[sflag:s4] =	ssyncset.s32 $0xFFFFF086  }
0x25: {  	[simem:s6], [sflag:s4] =	dma.local [hbm:s3], $0xF7A  }
0x26: {  	[smem:$0x3F8E] =	sst s1;
	(tag) =	ssettag s2;
	_ =	strace s9  }
0x27: {  	s1 =	sld [smem:$0x3F9E]  }
0x28: {  	s2 =	sld [smem:$0x3F9F]  }
0x29: {  	s4 =	sld [smem:$0x3FA1]  }
0x2a: {  	p0 =	seq.s32 s5, $0x0;
	s5 =	sld [smem:$0x3FA2]  }
0x2b: {  	s6 =	sld [smem:$0x3FA3]  }
0x2c: {  	s7 =	sld [smem:$0x3FA4]  }
0x2d: {  	s3 =	simm.s32 $0x108;
	s8 =	sld [smem:$0x3FA5]  }
0x2e: {  	s3 =	simm.s32 @!p0 $0x1082;
	s9 =	sld [smem:$0x3FA6]  }
0x2f: {  	lr =	sadd.s32 s0, s3;
	s0 =	sld [smem:$0x3F9D]  }
0x30: {  	s3 =	sld [smem:$0x3FA0]  }
0x31: {  	[smem:$0x3FA9] =	sst s10  }
0x32: {  	s10 =	sld [smem:$0x3FA7];
	_ =	sdelay $0x3  }
0x33: {  	p0 =	seq.s32 s10, $0x1;
	s10 =	sld [smem:$0x3FA9];
	_ =	sdelay $0x3  }
0x34: {  	[smem:$0x3FA9] =	sst s10  }
0x35: {  	s10 =	sld [smem:$0x3FA8];
	_ =	sdelay $0x3  }
0x36: {  	p1 =	seq.s32 s10, $0x1;
	s10 =	sld [smem:$0x3FA9];
	_ =	sdelay $0x3  }
0x37: {  	[smem:$0x3FA9] =	sst s10  }
0x38: {  	s10 =	sld [smem:$0x3FAA]  }
0x39: {  	_ = 	snop;
	(pc) =	sbr.ind lr, $3  }
0x3a: {  	_ = 	snop  }
0x3b: {  	_ = 	snop  }
0x3c: {  	p2 =	seq.s32 s10, $0x1;
	s10 =	sld [smem:$0x3FA9]  }
0x3d: {  	_ =	shalt  }
0x3e: {  	_ =	shalt  }
0x3f: {  	_ =	shalt  }
0x40: {  	_ =	shalt  }
0x41: {  	_ =	shalt  }
0x42: {  	_ =	shalt  }
0x43: {  	_ =	shalt  }
0x44: {  	_ =	shalt  }
0x45: {  	_ =	shalt  }
0x46: {  	_ =	shalt  }
0x47: {  	_ =	shalt  }
0x48: {  	_ =	shalt  }
0x49: {  	_ =	shalt  }
0x4a: {  	_ =	shalt  }
0x4b: {  	_ =	shalt  }
0x4c: {  	_ =	shalt  }
0x4d: {  	_ =	shalt  }
0x4e: {  	_ =	shalt  }
0x4f: {  	_ =	shalt  }
0x50: {  	_ =	shalt  }
0x51: {  	_ =	shalt  }
0x52: {  	_ =	shalt  }
0x53: {  	_ =	shalt  }
0x54: {  	_ =	shalt  }
0x55: {  	_ =	shalt  }
0x56: {  	_ =	shalt  }
0x57: {  	_ =	shalt  }
0x58: {  	_ =	shalt  }
0x59: {  	_ =	shalt  }
0x5a: {  	_ =	shalt  }
0x5b: {  	_ =	shalt  }
0x5c: {  	_ =	shalt  }
0x5d: {  	_ =	shalt  }
0x5e: {  	_ =	shalt  }
0x5f: {  	_ =	shalt  }
0x60: {  	_ =	shalt  }
0x61: {  	_ =	shalt  }
0x62: {  	_ =	shalt  }
0x63: {  	_ =	shalt  }
0x64: {  	_ =	shalt  }
0x65: {  	_ =	shalt  }
0x66: {  	_ =	shalt  }
0x67: {  	_ =	shalt  }
0x68: {  	_ =	shalt  }
0x69: {  	_ =	shalt  }
0x6a: {  	_ =	shalt  }
0x6b: {  	_ =	shalt  }
0x6c: {  	_ =	shalt  }
0x6d: {  	_ =	shalt  }
0x6e: {  	_ =	shalt  }
0x6f: {  	_ =	shalt  }
0x70: {  	_ =	shalt  }
0x71: {  	_ =	shalt  }
0x72: {  	_ =	shalt  }
0x73: {  	_ =	shalt  }
0x74: {  	_ =	shalt  }
0x75: {  	_ =	shalt  }
0x76: {  	_ =	shalt  }
0x77: {  	_ =	shalt  }
0x78: {  	_ =	shalt  }
0x79: {  	_ =	shalt  }
0x7a: {  	_ =	shalt  }
0x7b: {  	_ =	shalt  }
0x7c: {  	_ =	shalt  }
0x7d: {  	_ =	shalt  }
0x7e: {  	_ =	shalt  }
0x7f: {  	_ =	shalt  }
0x80: {  	_ =	shalt  }
0x81: {  	_ =	shalt  }
0x82: {  	_ =	shalt  }
0x83: {  	_ =	shalt  }
0x84: {  	_ =	shalt  }
0x85: {  	_ =	shalt  }
0x86: {  	_ =	shalt  }
0x87: {  	_ =	shalt  }
.Lfunc_end0:
.L_simem_size_0:
called_computation.4_lowered:
.L_overlay_start_0:
0x88: {  	s2 =	sld [smem:$0x3FD9]  }
0x89: {  	s3 =	sld [smem:$0x3FFE];
	_ =	sdelay $0x1  }
0x8a: {  	s1 =	srdreg.scid  }
0x8b: {  	s0 =	sand.u32 $0x1, s1  }
0x8c: {  	s16 =	sshll.u32 s0, $0xA;
	s2 =	sadd.s32 s3, s2  }
0x8d: {  	s2 =	sadd.s32 s2, s16  }
0x8e: {  	[smem:$0x3FB5] =	sst s2  }
0x8f: {  	_ = 	snop  }
0x90: {  	(tm) =	ssettm $0x1  }
0x91: {  	s17 =	sld [smem:$0x3FFB];
	_ =	sdelay $0x3  }
0x92: {  	_ =	strace s17  }
0x93: {  	s2 =	sld [smem:$0x3FFC];
	_ =	sdelay $0x3  }
0x94: {  	_ =	strace s2  }
0x95: {  	s2 =	sld [smem:$0x3FFD];
	_ =	sdelay $0x3  }
0x96: {  	_ =	strace s2  }
0x97: {  	_ =	strace $0x8FFFFFFF  }
0x98: {  	s18 =	sld [smem:$0x3FDB];
	_ =	sdelay $0x1  }
0x99: {  	s19 =	simm.s32 $_scs_section_size  }
0x9a: {  	s4 =	simm.s32 $_size__tile_overlayer_lowered;
	s5 =	simm.s32 $_tile_overlayer_lowered  }
0x9b: {  	s22 =	simm.s32 $0x1BFF;
	s21 =	sshll.u32 s5, $0x1;
	s2 =	sadd.s32 s19, s18  }
0x9c: {  	s6 =	simm.s32 $0x0;
	s20 =	sshll.u32 s4, $0x1;
	s4 =	sadd.s32 s21, s2  }
0x9d: {  	[timem:s6], [sflag:s22] =	dma.local [hbm:s4], s20  }
0x9e: {  	_ =	swait.ge [sflag:s22], s20  }
0x9f: {  	s3 =	ssub.s32 $0x0, s20;
	[sflag:s22] =	ssyncset.done $0x0  }
0xa0: {  	[sflag:s22] =	ssyncadd.s32 s3;
	_ =	sdelay $0x1  }
0xa1: {  	s23 =	simm.s32 $0x1B8B  }
0xa2: {  	_ =	swait.ge [sflag:s23], $0x1  }
0xa3: {  	[sflag:s23] =	ssyncset.done $0x0  }
0xa4: {  	s25 =	simm.s32 $0x1B8E;
	s24 =	sld [smem:$0x3FFE];
	[sflag:s23] =	ssyncadd.s32 $0xFFFFFFFF  }
0xa5: {  	s26 =	simm.s32 $execute0_lowered;
	[smem:$0x3FD2] =	sst s25  }
0xa6: {  	s4 =	sshll.u32 s26, $0x1;
	_ =	strace $0x80000052;
	[dreg:$0x1] =	wrdreg $0xFFFFFFFF  }
0xa7: {  	s28 =	simm.s32 $_size_execute0_lowered;
	s2 =	sadd.s32 s2, s4;
	[dreg:$0x0] =	wrdreg $0x0  }
0xa8: {  	s4 =	sshll.u32 s28, $0x1;
	[dreg:$0x2] =	wrdreg s2  }
0xa9: {  	[dreg:$0x3] =	wrdreg s4  }
0xaa: {  	[dreg:$0x4] =	wrdreg $0xC0  }
0xab: {  	_ =	task [dreg:s6], $0x5FFFF  }
0xac: {  	[dreg:$0x1] =	wrdreg $0xFFFFFFFF  }
0xad: {  	[dreg:$0x0] =	wrdreg $0x60  }
0xae: {  	[dreg:$0x2] =	wrdreg s24  }
0xaf: {  	[dreg:$0x3] =	wrdreg $0xE0000  }
0xb0: {  	[dreg:$0x4] =	wrdreg $0x90000  }
0xb1: {  	[dreg:$0x5] =	wrdreg $0x9  }
0xb2: {  	_ =	task.clear_ibuf [dreg:s6], $0x6FFFF;
	_ =	strace $0x90000052  }
0xb3: {  	s29 =	simm.s32 $0x9;
	_ =	strace $0x80000054  }
0xb4: {  	_ =	swait.ge [sflag:s29], $0x1  }
0xb5: {  	[sflag:s29] =	ssyncadd.s32 $0xFFFFFFFF  }
0xb6: {  	_ =	strace $0x90000054  }
0xb7: {  	_ =	sfence  }
0xb8: {  	s30 =	sld [smem:$0x0];
	_ =	sdelay $0x2  }
0xb9: {  	s31 =	sshll.u32 s1, $0xD;
	s1 =	sshrl.u32 s1, $0x2  }
0xba: {  	s3 =	sand.u32 $0x4000, s31;
	s1 =	sadd.s32 s1, s30  }
0xbb: {  	s0 =	sor.u32 s3, s0;
	s1 =	sshll.u32 s1, $0x11  }
0xbc: {  	s0 =	sor.u32 s1, s0  }
0xbd: {  	s0 =	sadd.s32 $0x8F2B, s0  }
0xbe: {  	[sflag:s0] =	ssyncadd.remote.s32 $0x1  }
0xbf: {  	_ =	sfence.sel $0xFFFF  }
0xc0: {  	[dreg:$0x0] =	wrdreg $0xFFFFFFFF;
	(pc) =	sbr.abs _section_cstart, $3  }
0xc1: {  	[dreg:$0x1] =	wrdreg $0xFFFFFFFF  }
0xc2: {  	_ =	task.clear_ibuf [dreg:s6], $0x2FFFF;
	_ =	strace $0x9FFFFFFF  }
0xc3: {  	(tm) =	ssettm $0x7FFFFFFF  }
tec
execute0_lowered:
.L_overlay_start_1:
0x0: {  	(tag) =	ssettag $0x1  }
0x1: {  	s0 =	srdreg.scid;
	s1 =	rddreg [dreg:$0x0]  }
0x2: {  	s10 =	stileid.u32;
	s2 =	rddreg [dreg:$0x1];
	s17 =	simm.s32 $0x1  }
0x3: {  	s18 =	simm.s32 $0x2;
	s19 =	simm.s32 $0x3;
	s20 =	simm.s32 $0x4  }
0x4: {  	s21 =	simm.s32 $0x80;
	s28 =	simm.s32 $0x8000;
	s29 =	simm.s32 $0x5  }
0x5: {  	s30 =	simm.s32 $0x6;
	s31 =	simm.s32 $0x7;
	s16 =	simm.s32 $0x9  }
0x6: {  	s0 =	sand.u32 $0x1, s0;
	s3 =	sshll.u32 s10, $0x1;
	s8 =	smul.u32 $0x5000, s10  }
0x7: {  	s22 =	sadd.s32 $0xD800, s1;
	s4 =	sor.u32 s0, s3;
	s6 =	smul.u32 $0x50000, s0  }
0x8: {  	s3 =	rddreg [dreg:$0x2];
	s0 =	ssub.s32 $0x2, s0;
	s5 =	smul.u32 $0x500, s4  }
0x9: {  	s4 =	simm.s32 $0x0;
	s7 =	sshrl.u32 s8, $0x3;
	s23 =	sshrl.u32 s0, $0x1  }
0xa: {  	s13 =	sadd.s32 s8, s2;
	s15 =	sadd.s32 s8, s3;
	[smem:$0x7FF] =	sst s4  }
0xb: {  	s6 =	sadd.s32 s8, s6;
	s9 =	sadd.s32 s7, s1;
	s0 =	ssub.s32 s0, s23  }
0xc: {  	s13 =	sshrl.u32 s13, $0x3;
	s15 =	sshrl.u32 s15, $0x3;
	s23 =	simm.s32 $0x6000  }
0xd: {  	_ =	strace $0x80000053;
	s5 =	sadd.s32 s5, s1;
	s6 =	sshrl.u32 s6, $0x3  }
0xe: {  	[dreg:$0x4] =	wrdreg s22;
	s25 =	sadd.s32 $0x1CE00, s9;
	s12 =	smax.u32 s0, $0x1  }
0xf: {  	s22 =	simm.s32 $0x5000;
	s0 =	simm.s32 $0x8;
	s1 =	sadd.s32 s6, s1  }
0x10: {  	s6 =	sshll.u32 s10, $0x6;
	[dreg:$0x6] =	wrdreg s25;
	s26 =	sadd.s32 $0x12E00, s5  }
0x11: {  	s5 =	sadd.s32 $0x3800, s5;
	s25 =	simm.s32 $0x7000;
	[dreg:$0x7] =	wrdreg s26  }
0x12: {  	s24 =	sor.u32 $0x1C01, s6;
	[dreg:$0x8] =	wrdreg s5;
	s11 =	sadd.s32 $0x26E00, s1  }
0x13: {  	s14 =	sor.u32 $0x1C02, s6;
	[dreg:$0x5] =	wrdreg s24;
	s24 =	simm.s32 $0x0  }
.LBB2_1:
0x14: {  	s1 =	rddreg [dreg:$0x4]  }
0x15: {  	s5 =	rddreg [dreg:$0x5]  }
0x16: {  	[spmem:s13], [sflag:s5] =	dma.local [hbm:s1], $0xA00  }
0x17: {  	s1 =	rddreg [dreg:$0x6]  }
0x18: {  	[spmem:s15], [sflag:s14] =	dma.local [hbm:s1], $0xA00  }
0x19: {  	s1 =	rddreg [dreg:$0x7]  }
0x1a: {  	[tilespmem:s4], [sflag:$0x3] =	stream.linear.gather [hbm4b:s1+s4], $0x2800, $0x38;
	[tilespmem:$0x13000] =	vst v63  }
0x1b: {  	s8 =	simm.s32 $0x2800;
	s7 =	rddreg [dreg:$0x8]  }
0x1c: {  	[tilespmem:s8], [sflag:$0x4] =	stream.linear.gather [hbm4b:s7+s4], $0x2800, $0x38;
	[tilespmem:$0x13000] =	vst v63  }
0x1d: {  	_ =	swait.ge [sflag:s17], $0xA00  }
0x1e: {  	[sflag:s17] =	ssyncset.done $0x0  }
0x1f: {  	[sflag:s17] =	ssyncadd.s32 $0xFFFFF600  }
0x20: {  	_ =	swait.ge [sflag:s18], $0xA00  }
0x21: {  	[sflag:s18] =	ssyncset.done $0x0  }
0x22: {  	[sflag:s18] =	ssyncadd.s32 $0xFFFFF600  }
0x23: {  	_ =	swait.ge [sflag:s19], $0x2800  }
0x24: {  	[sflag:s19] =	ssyncset.done $0x0  }
0x25: {  	[sflag:s19] =	ssyncadd.s32 $0xFFFFD800  }
0x26: {  	_ =	swait.ge [sflag:s20], $0x2800  }
0x27: {  	[sflag:s20] =	ssyncset.done $0x0  }
0x28: {  	[sflag:s20] =	ssyncadd.s32 $0xFFFFD800  }
0x29: {  	[bflag:$0x0] =	sbarrier.arrive $0xFFFF  }
0x2a: {  	[tilespmem:s22], [sflag:$0x1] =	stream.indirect.gather [spmem:s3], $0x20, s4, s21, $0xb8;
	[tilespmem:$0x13000] =	vst v63  }
0x2b: {  	_ = 	snop  }
0x2c: {  	[tilespmem:s23], [sflag:$0x2] =	stream.indirect.gather [spmem:s3], $0x20, s21, s21, $0xb8;
	[tilespmem:$0x13000] =	vst v63  }
0x2d: {  	s9 =	simm.s32 $0x100  }
0x2e: {  	[tilespmem:s25], [sflag:$0x3] =	stream.indirect.gather [spmem:s3], $0x20, s9, s21, $0xb8;
	[tilespmem:$0x13000] =	vst v63  }
0x2f: {  	s10 =	simm.s32 $0x180  }
0x30: {  	[tilespmem:s28], [sflag:$0x4] =	stream.indirect.gather [spmem:s3], $0x20, s10, s21, $0xb8;
	[tilespmem:$0x13000] =	vst v63  }
0x31: {  	_ =	swait.ge [sflag:s17], $0x1000  }
0x32: {  	p0 =	por $0x1, $0x1;
	[sflag:s17] =	ssyncset.done $0x0  }
0x33: {  	s26 =	simm.s32 $0x2800;
	s5 =	simm.s32 @!p0 $0x8;
	[sflag:s17] =	ssyncadd.s32 $0xFFFFF000  }
0x34: {  	[spmem:s2] =	stream.indirect.scatter.add.f32 [tilespmem:s22], [sflag:$0x5], $0x20, s26, s21, $0xb8;
	[tilespmem:$0x13000] =	vst v63  }
0x35: {  	_ =	swait.ge @!p0 [sflag:s5], $0x1000  }
0x36: {  	s1 =	simm.s32 @!p0 $0x180;
	[sflag:s5] =	ssyncset.done @!p0 $0x0  }
0x37: {  	s26 =	simm.s32 @!p0 $0x80;
	[sflag:s5] =	ssyncadd.s32 @!p0 $0xFFFFF000;
	s5 =	simm.s32 @!p0 $0x8000  }
0x38: {  	[tilespmem:s5], [sflag:$0x4] =	stream.indirect.gather @!p0 [spmem:s3], $0x20, s1, s26, $0xb8;
	[tilespmem:$0x13000] =	vst v63  }
0x39: {  	_ =	swait.ge [sflag:s18], $0x1000  }
0x3a: {  	[sflag:s18] =	ssyncset.done $0x0  }
0x3b: {  	s7 =	simm.s32 $0x2880;
	[sflag:s18] =	ssyncadd.s32 $0xFFFFF000  }
0x3c: {  	[spmem:s2] =	stream.indirect.scatter.add.f32 [tilespmem:s23], [sflag:$0x6], $0x20, s7, s21, $0xb8;
	[tilespmem:$0x13000] =	vst v63  }
0x3d: {  	_ =	swait.ge [sflag:s29], $0x1000  }
0x3e: {  	[sflag:s29] =	ssyncset.done $0x0  }
0x3f: {  	s8 =	simm.s32 $0x200;
	[sflag:s29] =	ssyncadd.s32 $0xFFFFF000  }
0x40: {  	[tilespmem:s22], [sflag:$0x1] =	stream.indirect.gather [spmem:s3], $0x20, s8, s21, $0xb8;
	[tilespmem:$0x13000] =	vst v63  }
0x41: {  	_ =	swait.ge [sflag:s19], $0x1000  }
0x42: {  	[sflag:s19] =	ssyncset.done $0x0  }
0x43: {  	s9 =	simm.s32 $0x2900;
	[sflag:s19] =	ssyncadd.s32 $0xFFFFF000  }
0x44: {  	[spmem:s2] =	stream.indirect.scatter.add.f32 [tilespmem:s25], [sflag:$0x7], $0x20, s9, s21, $0xb8;
	[tilespmem:$0x13000] =	vst v63  }
0x45: {  	_ =	swait.ge [sflag:s30], $0x1000  }
0x46: {  	[sflag:s30] =	ssyncset.done $0x0  }
0x47: {  	s10 =	simm.s32 $0x280;
	[sflag:s30] =	ssyncadd.s32 $0xFFFFF000  }
0x48: {  	[tilespmem:s23], [sflag:$0x2] =	stream.indirect.gather [spmem:s3], $0x20, s10, s21, $0xb8;
	[tilespmem:$0x13000] =	vst v63  }
0x49: {  	_ =	swait.ge [sflag:s20], $0x1000  }
0x4a: {  	[sflag:s20] =	ssyncset.done $0x0  }
0x4b: {  	s26 =	simm.s32 $0x2980;
	[sflag:s20] =	ssyncadd.s32 $0xFFFFF000  }
0x4c: {  	[spmem:s2] =	stream.indirect.scatter.add.f32 [tilespmem:s28], [sflag:$0x8], $0x20, s26, s21, $0xb8;
	[tilespmem:$0x13000] =	vst v63  }
0x4d: {  	s1 =	simm.s32 $0x800;
	_ =	swait.ge [sflag:s31], $0x1000  }
0x4e: {  	s5 =	simm.s32 $0x300;
	s26 =	simm.s32 $0xFFFFFFFC;
	[sflag:s31] =	ssyncset.done $0x0  }
.LBB2_2:
0x4f: {  	[sflag:s31] =	ssyncadd.s32 $0xFFFFF000  }
0x50: {  	s26 =	sadd.s32 $0x4, s26;
	s7 =	smov.u32 s1;
	s1 =	sadd.s32 $0x800, s1  }
0x51: {  	[tilespmem:s25], [sflag:$0x3] =	stream.indirect.gather [spmem:s3], $0x20, s5, s21, $0xb8;
	[tilespmem:$0x13000] =	vst v63  }
0x52: {  	s5 =	sshra.s32 s7, $0x2;
	p0 =	sne.s32 s1, $0x9800;
	_ =	swait.ge [sflag:s17], $0x1000  }
0x53: {  	p1 =	sgt.u32 s26, $0x4B;
	s8 =	sadd.s32 $0x2800, s5;
	[sflag:s17] =	ssyncset.done $0x0  }
0x54: {  	s9 =	simm.s32 @!p1 $0x8;
	s7 =	sshra.s32 @!p1 s7, $0x2;
	[sflag:s17] =	ssyncadd.s32 $0xFFFFF000  }
0x55: {  	[spmem:s2] =	stream.indirect.scatter.add.f32 [tilespmem:s22], [sflag:$0x5], $0x20, s8, s21, $0xb8;
	[tilespmem:$0x13000] =	vst v63  }
0x56: {  	s7 =	sadd.s32 @!p1 $0x180, s7;
	_ =	swait.ge @!p1 [sflag:s9], $0x1000  }
0x57: {  	s10 =	simm.s32 @!p1 $0x8000;
	s8 =	simm.s32 @!p1 $0x80;
	[sflag:s9] =	ssyncset.done @!p1 $0x0  }
0x58: {  	[sflag:s9] =	ssyncadd.s32 @!p1 $0xFFFFF000  }
0x59: {  	[tilespmem:s10], [sflag:$0x4] =	stream.indirect.gather @!p1 [spmem:s3], $0x20, s7, s8, $0xb8;
	[tilespmem:$0x13000] =	vst v63  }
0x5a: {  	_ =	swait.ge [sflag:s18], $0x1000  }
0x5b: {  	s7 =	sadd.s32 $0x2880, s5;
	[sflag:s18] =	ssyncset.done $0x0  }
0x5c: {  	[sflag:s18] =	ssyncadd.s32 $0xFFFFF000  }
0x5d: {  	[spmem:s2] =	stream.indirect.scatter.add.f32 [tilespmem:s23], [sflag:$0x6], $0x20, s7, s21, $0xb8;
	[tilespmem:$0x13000] =	vst v63  }
0x5e: {  	_ =	swait.ge [sflag:s29], $0x1000  }
0x5f: {  	s7 =	sadd.s32 $0x200, s5;
	[sflag:s29] =	ssyncset.done $0x0  }
0x60: {  	[sflag:s29] =	ssyncadd.s32 $0xFFFFF000  }
0x61: {  	[tilespmem:s22], [sflag:$0x1] =	stream.indirect.gather [spmem:s3], $0x20, s7, s21, $0xb8;
	[tilespmem:$0x13000] =	vst v63  }
0x62: {  	_ =	swait.ge [sflag:s19], $0x1000  }
0x63: {  	s7 =	sadd.s32 $0x2900, s5;
	[sflag:s19] =	ssyncset.done $0x0  }
0x64: {  	[sflag:s19] =	ssyncadd.s32 $0xFFFFF000  }
0x65: {  	[spmem:s2] =	stream.indirect.scatter.add.f32 [tilespmem:s25], [sflag:$0x7], $0x20, s7, s21, $0xb8;
	[tilespmem:$0x13000] =	vst v63  }
0x66: {  	_ =	swait.ge [sflag:s30], $0x1000  }
0x67: {  	s7 =	sadd.s32 $0x280, s5;
	[sflag:s30] =	ssyncset.done $0x0  }
0x68: {  	[sflag:s30] =	ssyncadd.s32 $0xFFFFF000  }
0x69: {  	[tilespmem:s23], [sflag:$0x2] =	stream.indirect.gather [spmem:s3], $0x20, s7, s21, $0xb8;
	[tilespmem:$0x13000] =	vst v63  }
0x6a: {  	_ =	swait.ge [sflag:s20], $0x1000  }
.Ltmp0:
0x6b: {  	s7 =	sadd.s32 $0x2980, s5;
	[sflag:s20] =	ssyncset.done $0x0;
	(pc) =	sbr.rel @p0 .LBB2_2-.Ltmp0, $4  }
0x6c: {  	[sflag:s20] =	ssyncadd.s32 $0xFFFFF000  }
0x6d: {  	[spmem:s2] =	stream.indirect.scatter.add.f32 [tilespmem:s28], [sflag:$0x8], $0x20, s7, s21, $0xb8;
	[tilespmem:$0x13000] =	vst v63  }
0x6e: {  	_ =	swait.ge [sflag:s31], $0x1000  }
0x6f: {  	s5 =	sadd.s32 $0x300, s5;
	[sflag:s31] =	ssyncset.done $0x0  }
0x70: {  	[sflag:s31] =	ssyncadd.s32 $0xFFFFF000  }
0x71: {  	[tilespmem:s25], [sflag:$0x3] =	stream.indirect.gather [spmem:s3], $0x20, s5, s21, $0xb8;
	[tilespmem:$0x13000] =	vst v63  }
0x72: {  	_ =	swait.ge [sflag:s17], $0x1000  }
0x73: {  	[sflag:s17] =	ssyncset.done $0x0  }
0x74: {  	s1 =	simm.s32 $0x4E00;
	[sflag:s17] =	ssyncadd.s32 $0xFFFFF000  }
0x75: {  	[spmem:s2] =	stream.indirect.scatter.add.f32 [tilespmem:s22], [sflag:$0x5], $0x20, s1, s21, $0xb8;
	[tilespmem:$0x13000] =	vst v63  }
0x76: {  	_ =	swait.ge [sflag:s0], $0x1000  }
0x77: {  	[sflag:s0] =	ssyncset.done $0x0  }
0x78: {  	s7 =	simm.s32 $0x2780;
	[sflag:s0] =	ssyncadd.s32 $0xFFFFF000  }
0x79: {  	[tilespmem:s28], [sflag:$0x4] =	stream.indirect.gather [spmem:s3], $0x20, s7, s21, $0xb8;
	[tilespmem:$0x13000] =	vst v63  }
0x7a: {  	_ =	swait.ge [sflag:s18], $0x1000  }
0x7b: {  	[sflag:s18] =	ssyncset.done $0x0  }
0x7c: {  	s8 =	simm.s32 $0x4E80;
	[sflag:s18] =	ssyncadd.s32 $0xFFFFF000  }
0x7d: {  	[spmem:s2] =	stream.indirect.scatter.add.f32 [tilespmem:s23], [sflag:$0x6], $0x20, s8, s21, $0xb8;
	[tilespmem:$0x13000] =	vst v63  }
0x7e: {  	_ =	swait.ge [sflag:s19], $0x1000  }
0x7f: {  	[sflag:s19] =	ssyncset.done $0x0  }
0x80: {  	s9 =	simm.s32 $0x4F00;
	[sflag:s19] =	ssyncadd.s32 $0xFFFFF000  }
0x81: {  	[spmem:s2] =	stream.indirect.scatter.add.f32 [tilespmem:s25], [sflag:$0x7], $0x20, s9, s21, $0xb8;
	[tilespmem:$0x13000] =	vst v63  }
0x82: {  	_ =	swait.ge [sflag:s20], $0x1000  }
0x83: {  	[sflag:s20] =	ssyncset.done $0x0  }
0x84: {  	s10 =	simm.s32 $0x4F80;
	[sflag:s20] =	ssyncadd.s32 $0xFFFFF000  }
0x85: {  	[spmem:s2] =	stream.indirect.scatter.add.f32 [tilespmem:s28], [sflag:$0x8], $0x20, s10, s21, $0xb8;
	[tilespmem:$0x13000] =	vst v63  }
0x86: {  	_ =	swait.ge [sflag:s29], $0x1000  }
0x87: {  	[sflag:s29] =	ssyncset.done $0x0  }
0x88: {  	[sflag:s29] =	ssyncadd.s32 $0xFFFFF000  }
0x89: {  	_ =	swait.ge [sflag:s30], $0x1000  }
0x8a: {  	[sflag:s30] =	ssyncset.done $0x0  }
0x8b: {  	[sflag:s30] =	ssyncadd.s32 $0xFFFFF000  }
0x8c: {  	_ =	swait.ge [sflag:s31], $0x1000  }
0x8d: {  	[sflag:s31] =	ssyncset.done $0x0  }
0x8e: {  	[sflag:s31] =	ssyncadd.s32 $0xFFFFF000  }
0x8f: {  	_ =	swait.ge [sflag:s0], $0x1000  }
0x90: {  	s24 =	sadd.s32 $0x1, s24;
	[sflag:s0] =	ssyncset.done $0x0  }
0x91: {  	p0 =	sne.s32 s24, s12;
	[sflag:s0] =	ssyncadd.s32 $0xFFFFF000  }
.Ltmp1:
0x92: {  	s26 =	sor.u32 $0x1C09, s6;
	[bflag:$0x0] =	sbarrier.arrive $0xFFFF;
	(pc) =	sbr.rel @p0 .LBB2_1-.Ltmp1, $4  }
0x93: {  	[hbm:s11], [sflag:s26] =	dma.local [spmem:s13], $0xA00  }
0x94: {  	_ =	swait.ge [sflag:s16], $0xA00  }
0x95: {  	[sflag:s16] =	ssyncset.done $0x0  }
0x96: {  	[sflag:s16] =	ssyncadd.s32 $0xFFFFF600  }
0x97: {  	_ =	sfence.sel $0x180000  }
0x98: {  	[bflag:$0x0] =	sbarrier.arrive $0xFFFF  }
0x99: {  	_ =	strace $0x90000053  }
0x9a: {  	s0 =	stileid.u32;
	[bflag:$0x2] =	sbarrier.arrive $0xFFFF  }
0x9b: {  	p0 =	sne.s32 s0, $0x0;
	s0 =	rddreg [dreg:$0x3]  }
0x9c: {  	s0 =	sadd.s32 @!p0 $0x100000, s0  }
0x9d: {  	[sflag:s0] =	ssyncadd.tile.s32 @!p0 $0x1;
	_ =	shalt  }
.Lfunc_end2:
_tile_overlayer_lowered:
.L_overlay_start_2:
0x9e: {  	(tag) =	ssettag $0x2  }
0x9f: {  	s0 =	rddreg [dreg:$0x0];
	s2 =	stileid.u32  }
0xa0: {  	s1 =	rddreg [dreg:$0x1];
	p0 =	sne.s32 s2, $0x0  }
0xa1: {  	s3 =	rddreg [dreg:$0x2];
	[bflag:$0x3] =	sbarrier.arrive $0xFFFF;
	s2 =	simm.s32 @!p0 $0x1C09  }
0xa2: {  	[timem:s3], [sflag:s2] =	dma.local @!p0 [hbm:s0], s1  }
0xa3: {  	s0 =	simm.s32 @!p0 $0x9  }
0xa4: {  	_ =	swait.ge @!p0 [sflag:s0], s1  }
0xa5: {  	s1 =	ssub.s32 @!p0 $0x0, s1;
	[sflag:s0] =	ssyncset.done @!p0 $0x0  }
0xa6: {  	[sflag:s0] =	ssyncadd.s32 @!p0 s1  }
0xa7: {  	[bflag:$0x3] =	sbarrier.arrive $0xFFFF  }
0xa8: {  	_ =	shalt  }

</sc_bundles>
